<compile_context>
chip_gen: v7x
topology: tpu7x:2x2x1
jax: 0.10.2.dev20260603
libtpu: 0.0.44.dev20260713+nightly
codegen_flags: <defaults>
</compile_context>

<pallas_src>
import functools

import jax
import jax.numpy as jnp
from jax import lax
from jax.experimental import pallas as pl
from jax.experimental.pallas import tpu as pltpu
from jax.experimental.pallas import tpu_sc as plsc

N = 10000
E = 320000
D = 128
H = 4
DH = 32
G = 64
C = 10

K = 96
NW = 32
EPW = E // NW
NFULL = EPW // K
TAIL = EPW - NFULL * K
N_PAD = 10240
RPT = N_PAD // 16


def _tc_prep(x, W, Am):
    blk = 1000
    nb = N // blk

    def body(x_ref, w_ref, am_ref, h_ref, a_ref):
        hb = jnp.dot(x_ref[...], w_ref[...], preferred_element_type=jnp.float32)
        h_ref[...] = hb
        a_ref[...] = jnp.dot(hb, am_ref[...], preferred_element_type=jnp.float32)

    return pl.pallas_call(
        body,
        grid=(nb,),
        in_specs=[
            pl.BlockSpec((blk, D), lambda i: (i, 0)),
            pl.BlockSpec((D, D), lambda i: (0, 0)),
            pl.BlockSpec((D, 8), lambda i: (0, 0)),
        ],
        out_specs=[
            pl.BlockSpec((blk, D), lambda i: (i, 0)),
            pl.BlockSpec((blk, 8), lambda i: (i, 0)),
        ],
        out_shape=[
            jax.ShapeDtypeStruct((N, D), jnp.float32),
            jax.ShapeDtypeStruct((N, 8), jnp.float32),
        ],
    )(x, W, Am)


def _sc_edges(h, a8, src, dst):
    mesh = plsc.VectorSubcoreMesh(core_axis_name="c", subcore_axis_name="s")

    @functools.partial(
        pl.kernel,
        mesh=mesh,
        out_type=[
            jax.ShapeDtypeStruct((2, N_PAD, D), jnp.float32),
            jax.ShapeDtypeStruct((2, N_PAD, 16), jnp.float32),
        ],
        compiler_params=pltpu.CompilerParams(use_tc_tiling_on_sc=False,
                                             needs_layout_passes=False),
        scratch_types=[
            pltpu.VMEM((K,), jnp.int32),
            pltpu.VMEM((K,), jnp.int32),
            pltpu.VMEM((K,), jnp.int32),
            pltpu.VMEM((K,), jnp.int32),
            pltpu.VMEM((16,), jnp.int32),
            pltpu.VMEM((16,), jnp.int32),
            pltpu.VMEM((K, D), jnp.float32),
            pltpu.VMEM((K, D), jnp.float32),
            pltpu.VMEM((K, 8), jnp.float32),
            pltpu.VMEM((K, 8), jnp.float32),
            pltpu.VMEM((K, 8), jnp.float32),
            pltpu.VMEM((K, 8), jnp.float32),
            pltpu.VMEM((K, 16), jnp.float32),
            pltpu.VMEM((K, 16), jnp.float32),
            pltpu.VMEM_SHARED((N_PAD, D), jnp.float32),
            pltpu.VMEM_SHARED((N_PAD, 16), jnp.float32),
            pltpu.SemaphoreType.DMA,
            pltpu.SemaphoreType.DMA,
            pltpu.SemaphoreType.DMA,
            pltpu.SemaphoreType.DMA,
        ],
    )
    def k(h_hbm, a8_hbm, src_hbm, dst_hbm, msg_hbm, den_hbm,
          ixs0, ixs1, ixd0, ixd1, ixs_t, ixd_t, rows0, rows1,
          ra0, ra1, rb0, rb1, wrow0, wrow1,
          macc, dacc, gsem0, gsem1, ssem0, ssem1):
        ixs = (ixs0, ixs1)
        ixd = (ixd0, ixd1)
        rows = (rows0, rows1)
        ra = (ra0, ra1)
        rb = (rb0, rb1)
        wrow = (wrow0, wrow1)
        gsem = (gsem0, gsem1)
        ssem = (ssem0, ssem1)

        cid = lax.axis_index("c")
        sid = lax.axis_index("s")
        wid = cid * 16 + sid
        ebase = wid * EPW
        lane = lax.iota(jnp.int32, 16)
        zv = jnp.zeros((16,), jnp.float32)

        def zrow(r, _):
            for c8 in range(D // 16):
                rows0[r, pl.ds(c8 * 16, 16)] = zv
            wrow0[r, pl.ds(0, 16)] = zv
            wrow1[r, pl.ds(0, 16)] = zv
            return 0
        lax.fori_loop(0, K, zrow, 0)
        rbase = sid * RPT
        nzf = RPT // K
        for j in range(nzf):
            pltpu.sync_copy(rows0, macc.at[pl.ds(rbase + j * K, K)])
            pltpu.sync_copy(wrow0, dacc.at[pl.ds(rbase + j * K, K)])
        zr = RPT - nzf * K
        if zr:
            pltpu.sync_copy(rows0.at[pl.ds(0, zr)],
                            macc.at[pl.ds(rbase + nzf * K, zr)])
            pltpu.sync_copy(wrow0.at[pl.ds(0, zr)],
                            dacc.at[pl.ds(rbase + nzf * K, zr)])
        plsc.subcore_barrier()

        def idx_load(c, p):
            base = ebase + c * K
            pltpu.sync_copy(src_hbm.at[pl.ds(base, K)], ixs[p])
            pltpu.sync_copy(dst_hbm.at[pl.ds(base, K)], ixd[p])

        def gathers_start(p):
            pltpu.async_copy(h_hbm.at[ixs[p]], rows[p], gsem[p])
            pltpu.async_copy(a8_hbm.at[ixs[p]], ra[p], gsem[p])
            pltpu.async_copy(a8_hbm.at[ixd[p]], rb[p], gsem[p])

        def gathers_wait(p):
            pltpu.make_async_copy(h_hbm.at[ixs[p]], rows[p], gsem[p]).wait()
            pltpu.make_async_copy(a8_hbm.at[ixs[p]], ra[p], gsem[p]).wait()
            pltpu.make_async_copy(a8_hbm.at[ixd[p]], rb[p], gsem[p]).wait()

        def scat_start(p):
            pltpu.async_copy(rows[p], macc.at[ixd[p]], ssem[p], add=True)
            pltpu.async_copy(wrow[p], dacc.at[ixd[p]], ssem[p], add=True)

        def scat_wait(p):
            pltpu.make_async_copy(rows[p], macc.at[ixd[p]], ssem[p]).wait()
            pltpu.make_async_copy(wrow[p], dacc.at[ixd[p]], ssem[p]).wait()

        lane4 = lax.rem(lane, jnp.int32(H))

        def compute(p, nk):
            for g in range(nk // 16):
                rix = lane + (g * 16)
                for hd in range(H):
                    e = (plsc.load_gather(ra[p], [rix, jnp.full((16,), hd,
                                                                jnp.int32)]) +
                         plsc.load_gather(rb[p], [rix, jnp.full((16,), 4 + hd,
                                                                jnp.int32)]))
                    e = jnp.where(e >= 0.0, e, e * jnp.float32(0.2))
                    w = jnp.exp(e)
                    plsc.store_scatter(
                        wrow[p], [rix, jnp.full((16,), hd, jnp.int32)], w)
            def edge_body(e2, _):
                wb = plsc.load_gather(
                    wrow[p], [jnp.full((16,), e2, jnp.int32), lane4])
                for c8 in range(D // 16):
                    off = c8 * 16
                    rows[p][e2, pl.ds(off, 16)] = (
                        rows[p][e2, pl.ds(off, 16)] * wb)
                return 0
            lax.fori_loop(0, nk, edge_body, 0, unroll=4)

        idx_load(0, 0)
        gathers_start(0)

        def pipe_body(j, _):
            for u in range(2):
                c = 2 * j + u
                p, q = u, 1 - u

                @pl.when(c >= 1)
                def _():
                    scat_wait(q)

                @pl.when(c + 1 < NFULL)
                def _():
                    idx_load(c + 1, q)
                    gathers_start(q)

                gathers_wait(p)
                compute(p, K)
                scat_start(p)
            return 0
        lax.fori_loop(0, NFULL // 2, pipe_body, 0)
        scat_wait((NFULL - 1) % 2)

        if TAIL:
            tb = ebase + NFULL * K
            pltpu.sync_copy(src_hbm.at[pl.ds(tb, TAIL)], ixs_t)
            pltpu.sync_copy(dst_hbm.at[pl.ds(tb, TAIL)], ixd_t)
            pltpu.async_copy(a8_hbm.at[ixs_t], ra0.at[pl.ds(0, TAIL)],
                             gsem0).wait()
            pltpu.async_copy(a8_hbm.at[ixd_t], rb0.at[pl.ds(0, TAIL)],
                             gsem0).wait()
            pltpu.async_copy(h_hbm.at[ixs_t], rows0.at[pl.ds(0, TAIL)],
                             gsem0).wait()
            compute(0, TAIL)
            pltpu.sync_copy(rows0.at[pl.ds(0, TAIL)], macc.at[ixd_t],
                            add=True)
            pltpu.sync_copy(wrow0.at[pl.ds(0, TAIL)], dacc.at[ixd_t],
                            add=True)

        plsc.subcore_barrier()
        pltpu.sync_copy(macc.at[pl.ds(rbase, RPT)],
                        msg_hbm.at[cid, pl.ds(rbase, RPT)])
        pltpu.sync_copy(dacc.at[pl.ds(rbase, RPT)],
                        den_hbm.at[cid, pl.ds(rbase, RPT)])

    return k(h, a8, src, dst)


def _tc_post(msg2, den2, batch3, W2, b2):
    blk = 1000
    nb = N // blk

    def body(m0_ref, m1_ref, d0_ref, d1_ref, b_ref, w2_ref, b2_ref,
             out_ref, gsum, gcnt):
        i = pl.program_id(0)

        @pl.when(i == 0)
        def _():
            gsum[...] = jnp.zeros((G, D), jnp.float32)
            gcnt[...] = jnp.zeros((G, D), jnp.float32)

        msg = m0_ref[0] + m1_ref[0]
        dsum = d0_ref[0] + d1_ref[0]
        den = dsum[:, 0:H] + jnp.float32(1e-16)
        expand = (lax.rem(lax.broadcasted_iota(jnp.int32, (H, D), 1),
                          jnp.int32(H)) ==
                  lax.broadcasted_iota(jnp.int32, (H, D), 0)
                  ).astype(jnp.float32)
        denf = jnp.dot(1.0 / den, expand, preferred_element_type=jnp.float32)
        node = msg * denf
        node = jnp.where(node > 0.0, node,
                         jnp.exp(jnp.minimum(node, 0.0)) - 1.0)
        bids = b_ref[0]
        gid = lax.broadcasted_iota(jnp.int32, (G, blk), 0)
        oh = (bids == gid).astype(jnp.float32)
        gsum[...] += jnp.dot(oh, node, preferred_element_type=jnp.float32)
        gcnt[...] += jnp.dot(oh, jnp.ones((blk, D), jnp.float32),
                             preferred_element_type=jnp.float32)

        @pl.when(i == nb - 1)
        def _():
            gr = gsum[...] / jnp.maximum(gcnt[...], 1.0)
            out_ref[...] = (jnp.dot(gr, w2_ref[...],
                                    preferred_element_type=jnp.float32)
                            + b2_ref[...])

    return pl.pallas_call(
        body,
        grid=(nb,),
        in_specs=[
            pl.BlockSpec((1, blk, D), lambda i: (0, i, 0)),
            pl.BlockSpec((1, blk, D), lambda i: (1, i, 0)),
            pl.BlockSpec((1, blk, 16), lambda i: (0, i, 0)),
            pl.BlockSpec((1, blk, 16), lambda i: (1, i, 0)),
            pl.BlockSpec((1, 1, blk), lambda i: (i, 0, 0)),
            pl.BlockSpec((D, C), lambda i: (0, 0)),
            pl.BlockSpec((1, C), lambda i: (0, 0)),
        ],
        out_specs=pl.BlockSpec((G, C), lambda i: (0, 0)),
        out_shape=jax.ShapeDtypeStruct((G, C), jnp.float32),
        scratch_shapes=[
            pltpu.VMEM((G, D), jnp.float32),
            pltpu.VMEM((G, D), jnp.float32),
        ],
    )(msg2, msg2, den2, den2, batch3, W2, b2)


def kernel(x, edge_index, batch, W, a_src, a_dst, W2, b2):
    perm = jnp.asarray([(d % H) * DH + d // H for d in range(D)], jnp.int32)
    Am = jnp.zeros((D, 2 * H), jnp.float32)
    for hd in range(H):
        Am = Am.at[hd * DH:(hd + 1) * DH, hd].set(a_src[hd])
        Am = Am.at[hd * DH:(hd + 1) * DH, H + hd].set(a_dst[hd])
    W_p = W[:, perm]
    Am_p = Am[perm, :]
    W2_p = W2[perm, :]

    h, a8 = _tc_prep(x, W_p, Am_p)
    src = edge_index[0]
    dst = edge_index[1]

    msg, den = _sc_edges(h, a8, src, dst)

    batch3 = batch.reshape(N // 1000, 1, 1000)
    return _tc_post(msg, den, batch3, W2_p, b2.reshape(1, C))

# --- scband reference (transcript-rebuilt; emitter-appended) ---
"""Pipeline reference for scband-my-gnn-30605936951380 (READ-ONLY COPY).

The authoritative reference and input builder live on the scoring server;
editing this copy changes nothing except your own understanding.
"""

import jax, jax.numpy as jnp
import numpy as np

N = 10000
E = 320000
D = 128
H = 4
DH = 32
G = 64
C = 10


def setup_inputs(seed: int = 0) -> dict:
    key = jax.random.key(seed)
    ks = jax.random.split(key, 8)
    x = jax.random.normal(ks[0], (N, D), dtype=jnp.float32)
    edge_index = jax.random.randint(ks[1], (2, E), 0, N, dtype=jnp.int32)
    batch = jnp.sort(jax.random.randint(ks[2], (N,), 0, G, dtype=jnp.int32))
    # GAT layer parameters (in_channels=128 -> heads=4 * 32 = hidden 128)
    W = jax.random.normal(ks[3], (D, H * DH), dtype=jnp.float32) * (1.0 / np.sqrt(D))
    a_src = jax.random.normal(ks[4], (H, DH), dtype=jnp.float32) * (1.0 / np.sqrt(DH))
    a_dst = jax.random.normal(ks[5], (H, DH), dtype=jnp.float32) * (1.0 / np.sqrt(DH))
    # graph_pred_linear: hidden(128) -> num_classes(10)
    W2 = jax.random.normal(ks[6], (H * DH, C), dtype=jnp.float32) * (1.0 / np.sqrt(H * DH))
    b2 = jnp.zeros((C,), dtype=jnp.float32)
    return {"x": x, "edge_index": edge_index, "batch": batch, "W": W,
            "a_src": a_src, "a_dst": a_dst, "W2": W2, "b2": b2}


def reference(x, edge_index, batch, W, a_src, a_dst, W2, b2):
    src = edge_index[0]
    dst = edge_index[1]
    # GAT encoder: per-head linear transform
    h = (x @ W).reshape(N, H, DH)                      # [N, H, DH]
    alpha_s = jnp.sum(h * a_src[None, :, :], axis=-1)  # [N, H]
    alpha_d = jnp.sum(h * a_dst[None, :, :], axis=-1)  # [N, H]
    e = jax.nn.leaky_relu(alpha_s[src] + alpha_d[dst], negative_slope=0.2)  # [E, H]
    # segment softmax over incoming edges of each dst node
    m = jax.ops.segment_max(e, dst, num_segments=N)    # [N, H]
    m = jnp.where(jnp.isfinite(m), m, 0.0)
    ex = jnp.exp(e - m[dst])                           # [E, H]
    denom = jax.ops.segment_sum(ex, dst, num_segments=N) + 1e-16  # [N, H]
    alpha = ex / denom[dst]                            # [E, H]
    # message passing: gather source features, weight, scatter-add to dst
    msg = h[src] * alpha[:, :, None]                   # [E, H, DH]
    out = jax.ops.segment_sum(msg, dst, num_segments=N)  # [N, H, DH]
    node_representation = jax.nn.elu(out.reshape(N, H * DH))  # [N, 128]
    # global mean pool over graphs in the batch
    gsum = jax.ops.segment_sum(node_representation, batch, num_segments=G)  # [G, 128]
    cnt = jax.ops.segment_sum(jnp.ones((N, 1), dtype=jnp.float32), batch, num_segments=G)
    graph_representation = gsum / jnp.maximum(cnt, 1.0)
    # graph prediction head
    logits = graph_representation @ W2 + b2            # [G, C]
    return logits

if __name__ == "__main__":
    import jax
    _d = setup_inputs()
    print(jax.jit(kernel)(*tuple(_d.values())))

</pallas_src>

<mosaic_0001>
#map = affine_map<(d0, d1) -> (0, 0)>
#map1 = affine_map<(d0, d1) -> (0)>
#map2 = affine_map<(d0, d1) -> (0, 0, 0)>
module attributes {stable_mosaic.version = 14 : i64} {
  func.func @k(%arg0: i32, %arg1: i32, %arg2: memref<10000x128xf32, #tpu.memory_space<hbm>>, %arg3: memref<10000x8xf32, #tpu.memory_space<hbm>>, %arg4: memref<320000xi32, #tpu.memory_space<hbm>>, %arg5: memref<320000xi32, #tpu.memory_space<hbm>>, %arg6: memref<2x10240x128xf32, #tpu.memory_space<hbm>>, %arg7: memref<2x10240x16xf32, #tpu.memory_space<hbm>>, %arg8: memref<96xi32, #tpu.memory_space<vmem>>, %arg9: memref<96xi32, #tpu.memory_space<vmem>>, %arg10: memref<96xi32, #tpu.memory_space<vmem>>, %arg11: memref<96xi32, #tpu.memory_space<vmem>>, %arg12: memref<16xi32, #tpu.memory_space<vmem>>, %arg13: memref<16xi32, #tpu.memory_space<vmem>>, %arg14: memref<96x128xf32, #tpu.memory_space<vmem>>, %arg15: memref<96x128xf32, #tpu.memory_space<vmem>>, %arg16: memref<96x8xf32, #tpu.memory_space<vmem>>, %arg17: memref<96x8xf32, #tpu.memory_space<vmem>>, %arg18: memref<96x8xf32, #tpu.memory_space<vmem>>, %arg19: memref<96x8xf32, #tpu.memory_space<vmem>>, %arg20: memref<96x16xf32, #tpu.memory_space<vmem>>, %arg21: memref<96x16xf32, #tpu.memory_space<vmem>>, %arg22: memref<10240x128xf32, #tpu.memory_space<vmem_shared>>, %arg23: memref<10240x16xf32, #tpu.memory_space<vmem_shared>>, %arg24: memref<!tpu.dma_semaphore, #tpu.memory_space<semaphore_mem>>, %arg25: memref<!tpu.dma_semaphore, #tpu.memory_space<semaphore_mem>>, %arg26: memref<!tpu.dma_semaphore, #tpu.memory_space<semaphore_mem>>, %arg27: memref<!tpu.dma_semaphore, #tpu.memory_space<semaphore_mem>>) attributes {dimension_semantics = [#tpu.dimension_semantics<core_parallel>, #tpu.dimension_semantics<subcore_parallel>], iteration_bounds = array<i64: 2, 16>, scalar_prefetch = 0 : i64, scratch_operands = 20 : i64, tpu.core_type = #tpu.core_type<sc_vector_subcore>, window_params = [{transform_indices = #map}, {transform_indices = #map}, {transform_indices = #map1}, {transform_indices = #map1}, {transform_indices = #map2}, {transform_indices = #map2}]} {
    %mul3A = arith.constant 16 : i32
    %mul3A_0 = arith.muli %arg0, %mul3A : i32
    %add3A = arith.addi %mul3A_0, %arg1 : i32
    %mul3A_1 = arith.constant 10000 : i32
    %mul3A_2 = arith.muli %add3A, %mul3A_1 : i32
    %iota3A = tpu.iota {dimensions = array<i32: 0>} : vector<16xi32>
    %broadcast_in_dim3A = arith.constant 0.000000e+00 : f32
    %broadcast_in_dim3A_3 = vector.broadcast %broadcast_in_dim3A : f32 to vector<16xf32>
    %scan3A = arith.constant 0 : i32
    %scan3A_4 = arith.constant 0 : i32
    %scan3A_5 = arith.constant 96 : i32
    %scan3A_6 = arith.addi %scan3A_4, %scan3A_5 : i32
    %scan3A_7 = arith.constant 1 : i32
    %scan3A_8 = scf.for %scan3A_177 = %scan3A_4 to %scan3A_6 step %scan3A_7 iter_args(%scan3A_178 = %scan3A) -> (i32)  : i32 {
      %swap3A = arith.index_cast %scan3A_177 : i32 to index
      %swap3A_179 = arith.constant 0 : index
      %swap3A_180 = tpu.vector_load %arg14[%swap3A, %swap3A_179] {strides = array<i32>} : memref<96x128xf32, #tpu.memory_space<vmem>>, vector<16xf32>,
      tpu.vector_store %arg14[%swap3A, %swap3A_179], %broadcast_in_dim3A_3 {strides = array<i32>} : memref<96x128xf32, #tpu.memory_space<vmem>>, vector<16xf32>,
      %swap3A_181 = arith.index_cast %scan3A_177 : i32 to index
      %swap3A_182 = arith.constant 16 : index
      %swap3A_183 = tpu.vector_load %arg14[%swap3A_181, %swap3A_182] {strides = array<i32>} : memref<96x128xf32, #tpu.memory_space<vmem>>, vector<16xf32>,
      tpu.vector_store %arg14[%swap3A_181, %swap3A_182], %broadcast_in_dim3A_3 {strides = array<i32>} : memref<96x128xf32, #tpu.memory_space<vmem>>, vector<16xf32>,
      %swap3A_184 = arith.index_cast %scan3A_177 : i32 to index
      %swap3A_185 = arith.constant 32 : index
      %swap3A_186 = tpu.vector_load %arg14[%swap3A_184, %swap3A_185] {strides = array<i32>} : memref<96x128xf32, #tpu.memory_space<vmem>>, vector<16xf32>,
      tpu.vector_store %arg14[%swap3A_184, %swap3A_185], %broadcast_in_dim3A_3 {strides = array<i32>} : memref<96x128xf32, #tpu.memory_space<vmem>>, vector<16xf32>,
      %swap3A_187 = arith.index_cast %scan3A_177 : i32 to index
      %swap3A_188 = arith.constant 48 : index
      %swap3A_189 = tpu.vector_load %arg14[%swap3A_187, %swap3A_188] {strides = array<i32>} : memref<96x128xf32, #tpu.memory_space<vmem>>, vector<16xf32>,
      tpu.vector_store %arg14[%swap3A_187, %swap3A_188], %broadcast_in_dim3A_3 {strides = array<i32>} : memref<96x128xf32, #tpu.memory_space<vmem>>, vector<16xf32>,
      %swap3A_190 = arith.index_cast %scan3A_177 : i32 to index
      %swap3A_191 = arith.constant 64 : index
      %swap3A_192 = tpu.vector_load %arg14[%swap3A_190, %swap3A_191] {strides = array<i32>} : memref<96x128xf32, #tpu.memory_space<vmem>>, vector<16xf32>,
      tpu.vector_store %arg14[%swap3A_190, %swap3A_191], %broadcast_in_dim3A_3 {strides = array<i32>} : memref<96x128xf32, #tpu.memory_space<vmem>>, vector<16xf32>,
      %swap3A_193 = arith.index_cast %scan3A_177 : i32 to index
      %swap3A_194 = arith.constant 80 : index
      %swap3A_195 = tpu.vector_load %arg14[%swap3A_193, %swap3A_194] {strides = array<i32>} : memref<96x128xf32, #tpu.memory_space<vmem>>, vector<16xf32>,
      tpu.vector_store %arg14[%swap3A_193, %swap3A_194], %broadcast_in_dim3A_3 {strides = array<i32>} : memref<96x128xf32, #tpu.memory_space<vmem>>, vector<16xf32>,
      %swap3A_196 = arith.index_cast %scan3A_177 : i32 to index
      %swap3A_197 = arith.constant 96 : index
      %swap3A_198 = tpu.vector_load %arg14[%swap3A_196, %swap3A_197] {strides = array<i32>} : memref<96x128xf32, #tpu.memory_space<vmem>>, vector<16xf32>,
      tpu.vector_store %arg14[%swap3A_196, %swap3A_197], %broadcast_in_dim3A_3 {strides = array<i32>} : memref<96x128xf32, #tpu.memory_space<vmem>>, vector<16xf32>,
      %swap3A_199 = arith.index_cast %scan3A_177 : i32 to index
      %swap3A_200 = arith.constant 112 : index
      %swap3A_201 = tpu.vector_load %arg14[%swap3A_199, %swap3A_200] {strides = array<i32>} : memref<96x128xf32, #tpu.memory_space<vmem>>, vector<16xf32>,
      tpu.vector_store %arg14[%swap3A_199, %swap3A_200], %broadcast_in_dim3A_3 {strides = array<i32>} : memref<96x128xf32, #tpu.memory_space<vmem>>, vector<16xf32>,
      %swap3A_202 = arith.index_cast %scan3A_177 : i32 to index
      %swap3A_203 = arith.constant 0 : index
      %swap3A_204 = tpu.vector_load %arg20[%swap3A_202, %swap3A_203] {strides = array<i32>} : memref<96x16xf32, #tpu.memory_space<vmem>>, vector<16xf32>,
      tpu.vector_store %arg20[%swap3A_202, %swap3A_203], %broadcast_in_dim3A_3 {strides = array<i32>} : memref<96x16xf32, #tpu.memory_space<vmem>>, vector<16xf32>,
      %swap3A_205 = arith.index_cast %scan3A_177 : i32 to index
      %swap3A_206 = arith.constant 0 : index
      %swap3A_207 = tpu.vector_load %arg21[%swap3A_205, %swap3A_206] {strides = array<i32>} : memref<96x16xf32, #tpu.memory_space<vmem>>, vector<16xf32>,
      tpu.vector_store %arg21[%swap3A_205, %swap3A_206], %broadcast_in_dim3A_3 {strides = array<i32>} : memref<96x16xf32, #tpu.memory_space<vmem>>, vector<16xf32>,
      %scan3A_208 = arith.constant 0 : i32
      scf.yield %scan3A_208 : i32
    }
    %scan3A_9 = arith.constant 96 : i32
    %mul3A_10 = arith.constant 640 : i32
    %mul3A_11 = arith.muli %arg1, %mul3A_10 : i32
    %add3A_12 = arith.constant 0 : i32
    %add3A_13 = arith.addi %mul3A_11, %add3A_12 : i32
    "tpu.region"() ({
      %run_scoped3A = tpu.sem_alloc : memref<!tpu.dma_semaphore, #tpu.memory_space<semaphore_mem>>
      %dma_start3A_177 = arith.constant 0 : i32
      %dma_start3A_178 = tpu.memref_slice %arg22[%add3A_13, %dma_start3A_177] : memref<10240x128xf32, #tpu.memory_space<vmem_shared>> -> memref<96x128xf32, #tpu.memory_space<vmem_shared>>
      %dma_start3A_179 = arith.constant 0 : i32
      %dma_start3A_180 = tpu.memref_slice %arg22[%add3A_13, %dma_start3A_179] : memref<10240x128xf32, #tpu.memory_space<vmem_shared>> -> memref<96x128xf32, #tpu.memory_space<vmem_shared>>
      tpu.enqueue_dma source(%arg14 : memref<96x128xf32, #tpu.memory_space<vmem>>) target(%dma_start3A_180 : memref<96x128xf32, #tpu.memory_space<vmem_shared>>) target_semaphore(%run_scoped3A : memref<!tpu.dma_semaphore, #tpu.memory_space<semaphore_mem>>)
      %dma_wait3A_181 = arith.constant 0 : i32
      %dma_wait3A_182 = tpu.memref_slice %arg22[%add3A_13, %dma_wait3A_181] : memref<10240x128xf32, #tpu.memory_space<vmem_shared>> -> memref<96x128xf32, #tpu.memory_space<vmem_shared>>
      %dma_wait3A_183 = arith.constant 0 : i32
      %dma_wait3A_184 = tpu.memref_slice %arg22[%add3A_13, %dma_wait3A_183] : memref<10240x128xf32, #tpu.memory_space<vmem_shared>> -> memref<96x128xf32, #tpu.memory_space<vmem_shared>>
      tpu.wait_dma2 semaphore(%run_scoped3A : memref<!tpu.dma_semaphore, #tpu.memory_space<semaphore_mem>>) src(%arg14 : memref<96x128xf32, #tpu.memory_space<vmem>>) dst(%dma_wait3A_184 : memref<96x128xf32, #tpu.memory_space<vmem_shared>>)
      tpu.yield
    }) : () -> ()
    %add3A_14 = arith.constant 0 : i32
    %add3A_15 = arith.addi %mul3A_11, %add3A_14 : i32
    "tpu.region"() ({
      %run_scoped3A = tpu.sem_alloc : memref<!tpu.dma_semaphore, #tpu.memory_space<semaphore_mem>>
      %dma_start3A_177 = arith.constant 0 : i32
      %dma_start3A_178 = tpu.memref_slice %arg23[%add3A_15, %dma_start3A_177] : memref<10240x16xf32, #tpu.memory_space<vmem_shared>> -> memref<96x16xf32, #tpu.memory_space<vmem_shared>>
      %dma_start3A_179 = arith.constant 0 : i32
      %dma_start3A_180 = tpu.memref_slice %arg23[%add3A_15, %dma_start3A_179] : memref<10240x16xf32, #tpu.memory_space<vmem_shared>> -> memref<96x16xf32, #tpu.memory_space<vmem_shared>>
      tpu.enqueue_dma source(%arg20 : memref<96x16xf32, #tpu.memory_space<vmem>>) target(%dma_start3A_180 : memref<96x16xf32, #tpu.memory_space<vmem_shared>>) target_semaphore(%run_scoped3A : memref<!tpu.dma_semaphore, #tpu.memory_space<semaphore_mem>>)
      %dma_wait3A_181 = arith.constant 0 : i32
      %dma_wait3A_182 = tpu.memref_slice %arg23[%add3A_15, %dma_wait3A_181] : memref<10240x16xf32, #tpu.memory_space<vmem_shared>> -> memref<96x16xf32, #tpu.memory_space<vmem_shared>>
      %dma_wait3A_183 = arith.constant 0 : i32
      %dma_wait3A_184 = tpu.memref_slice %arg23[%add3A_15, %dma_wait3A_183] : memref<10240x16xf32, #tpu.memory_space<vmem_shared>> -> memref<96x16xf32, #tpu.memory_space<vmem_shared>>
      tpu.wait_dma2 semaphore(%run_scoped3A : memref<!tpu.dma_semaphore, #tpu.memory_space<semaphore_mem>>) src(%arg20 : memref<96x16xf32, #tpu.memory_space<vmem>>) dst(%dma_wait3A_184 : memref<96x16xf32, #tpu.memory_space<vmem_shared>>)
      tpu.yield
    }) : () -> ()
    %add3A_16 = arith.constant 96 : i32
    %add3A_17 = arith.addi %mul3A_11, %add3A_16 : i32
    "tpu.region"() ({
      %run_scoped3A = tpu.sem_alloc : memref<!tpu.dma_semaphore, #tpu.memory_space<semaphore_mem>>
      %dma_start3A_177 = arith.constant 0 : i32
      %dma_start3A_178 = tpu.memref_slice %arg22[%add3A_17, %dma_start3A_177] : memref<10240x128xf32, #tpu.memory_space<vmem_shared>> -> memref<96x128xf32, #tpu.memory_space<vmem_shared>>
      %dma_start3A_179 = arith.constant 0 : i32
      %dma_start3A_180 = tpu.memref_slice %arg22[%add3A_17, %dma_start3A_179] : memref<10240x128xf32, #tpu.memory_space<vmem_shared>> -> memref<96x128xf32, #tpu.memory_space<vmem_shared>>
      tpu.enqueue_dma source(%arg14 : memref<96x128xf32, #tpu.memory_space<vmem>>) target(%dma_start3A_180 : memref<96x128xf32, #tpu.memory_space<vmem_shared>>) target_semaphore(%run_scoped3A : memref<!tpu.dma_semaphore, #tpu.memory_space<semaphore_mem>>)
      %dma_wait3A_181 = arith.constant 0 : i32
      %dma_wait3A_182 = tpu.memref_slice %arg22[%add3A_17, %dma_wait3A_181] : memref<10240x128xf32, #tpu.memory_space<vmem_shared>> -> memref<96x128xf32, #tpu.memory_space<vmem_shared>>
      %dma_wait3A_183 = arith.constant 0 : i32
      %dma_wait3A_184 = tpu.memref_slice %arg22[%add3A_17, %dma_wait3A_183] : memref<10240x128xf32, #tpu.memory_space<vmem_shared>> -> memref<96x128xf32, #tpu.memory_space<vmem_shared>>
      tpu.wait_dma2 semaphore(%run_scoped3A : memref<!tpu.dma_semaphore, #tpu.memory_space<semaphore_mem>>) src(%arg14 : memref<96x128xf32, #tpu.memory_space<vmem>>) dst(%dma_wait3A_184 : memref<96x128xf32, #tpu.memory_space<vmem_shared>>)
      tpu.yield
    }) : () -> ()
    %add3A_18 = arith.constant 96 : i32
    %add3A_19 = arith.addi %mul3A_11, %add3A_18 : i32
    "tpu.region"() ({
      %run_scoped3A = tpu.sem_alloc : memref<!tpu.dma_semaphore, #tpu.memory_space<semaphore_mem>>
      %dma_start3A_177 = arith.constant 0 : i32
      %dma_start3A_178 = tpu.memref_slice %arg23[%add3A_19, %dma_start3A_177] : memref<10240x16xf32, #tpu.memory_space<vmem_shared>> -> memref<96x16xf32, #tpu.memory_space<vmem_shared>>
      %dma_start3A_179 = arith.constant 0 : i32
      %dma_start3A_180 = tpu.memref_slice %arg23[%add3A_19, %dma_start3A_179] : memref<10240x16xf32, #tpu.memory_space<vmem_shared>> -> memref<96x16xf32, #tpu.memory_space<vmem_shared>>
      tpu.enqueue_dma source(%arg20 : memref<96x16xf32, #tpu.memory_space<vmem>>) target(%dma_start3A_180 : memref<96x16xf32, #tpu.memory_space<vmem_shared>>) target_semaphore(%run_scoped3A : memref<!tpu.dma_semaphore, #tpu.memory_space<semaphore_mem>>)
      %dma_wait3A_181 = arith.constant 0 : i32
      %dma_wait3A_182 = tpu.memref_slice %arg23[%add3A_19, %dma_wait3A_181] : memref<10240x16xf32, #tpu.memory_space<vmem_shared>> -> memref<96x16xf32, #tpu.memory_space<vmem_shared>>
      %dma_wait3A_183 = arith.constant 0 : i32
      %dma_wait3A_184 = tpu.memref_slice %arg23[%add3A_19, %dma_wait3A_183] : memref<10240x16xf32, #tpu.memory_space<vmem_shared>> -> memref<96x16xf32, #tpu.memory_space<vmem_shared>>
      tpu.wait_dma2 semaphore(%run_scoped3A : memref<!tpu.dma_semaphore, #tpu.memory_space<semaphore_mem>>) src(%arg20 : memref<96x16xf32, #tpu.memory_space<vmem>>) dst(%dma_wait3A_184 : memref<96x16xf32, #tpu.memory_space<vmem_shared>>)
      tpu.yield
    }) : () -> ()
    %add3A_20 = arith.constant 192 : i32
    %add3A_21 = arith.addi %mul3A_11, %add3A_20 : i32
    "tpu.region"() ({
      %run_scoped3A = tpu.sem_alloc : memref<!tpu.dma_semaphore, #tpu.memory_space<semaphore_mem>>
      %dma_start3A_177 = arith.constant 0 : i32
      %dma_start3A_178 = tpu.memref_slice %arg22[%add3A_21, %dma_start3A_177] : memref<10240x128xf32, #tpu.memory_space<vmem_shared>> -> memref<96x128xf32, #tpu.memory_space<vmem_shared>>
      %dma_start3A_179 = arith.constant 0 : i32
      %dma_start3A_180 = tpu.memref_slice %arg22[%add3A_21, %dma_start3A_179] : memref<10240x128xf32, #tpu.memory_space<vmem_shared>> -> memref<96x128xf32, #tpu.memory_space<vmem_shared>>
      tpu.enqueue_dma source(%arg14 : memref<96x128xf32, #tpu.memory_space<vmem>>) target(%dma_start3A_180 : memref<96x128xf32, #tpu.memory_space<vmem_shared>>) target_semaphore(%run_scoped3A : memref<!tpu.dma_semaphore, #tpu.memory_space<semaphore_mem>>)
      %dma_wait3A_181 = arith.constant 0 : i32
      %dma_wait3A_182 = tpu.memref_slice %arg22[%add3A_21, %dma_wait3A_181] : memref<10240x128xf32, #tpu.memory_space<vmem_shared>> -> memref<96x128xf32, #tpu.memory_space<vmem_shared>>
      %dma_wait3A_183 = arith.constant 0 : i32
      %dma_wait3A_184 = tpu.memref_slice %arg22[%add3A_21, %dma_wait3A_183] : memref<10240x128xf32, #tpu.memory_space<vmem_shared>> -> memref<96x128xf32, #tpu.memory_space<vmem_shared>>
      tpu.wait_dma2 semaphore(%run_scoped3A : memref<!tpu.dma_semaphore, #tpu.memory_space<semaphore_mem>>) src(%arg14 : memref<96x128xf32, #tpu.memory_space<vmem>>) dst(%dma_wait3A_184 : memref<96x128xf32, #tpu.memory_space<vmem_shared>>)
      tpu.yield
    }) : () -> ()
    %add3A_22 = arith.constant 192 : i32
    %add3A_23 = arith.addi %mul3A_11, %add3A_22 : i32
    "tpu.region"() ({
      %run_scoped3A = tpu.sem_alloc : memref<!tpu.dma_semaphore, #tpu.memory_space<semaphore_mem>>
      %dma_start3A_177 = arith.constant 0 : i32
      %dma_start3A_178 = tpu.memref_slice %arg23[%add3A_23, %dma_start3A_177] : memref<10240x16xf32, #tpu.memory_space<vmem_shared>> -> memref<96x16xf32, #tpu.memory_space<vmem_shared>>
      %dma_start3A_179 = arith.constant 0 : i32
      %dma_start3A_180 = tpu.memref_slice %arg23[%add3A_23, %dma_start3A_179] : memref<10240x16xf32, #tpu.memory_space<vmem_shared>> -> memref<96x16xf32, #tpu.memory_space<vmem_shared>>
      tpu.enqueue_dma source(%arg20 : memref<96x16xf32, #tpu.memory_space<vmem>>) target(%dma_start3A_180 : memref<96x16xf32, #tpu.memory_space<vmem_shared>>) target_semaphore(%run_scoped3A : memref<!tpu.dma_semaphore, #tpu.memory_space<semaphore_mem>>)
      %dma_wait3A_181 = arith.constant 0 : i32
      %dma_wait3A_182 = tpu.memref_slice %arg23[%add3A_23, %dma_wait3A_181] : memref<10240x16xf32, #tpu.memory_space<vmem_shared>> -> memref<96x16xf32, #tpu.memory_space<vmem_shared>>
      %dma_wait3A_183 = arith.constant 0 : i32
      %dma_wait3A_184 = tpu.memref_slice %arg23[%add3A_23, %dma_wait3A_183] : memref<10240x16xf32, #tpu.memory_space<vmem_shared>> -> memref<96x16xf32, #tpu.memory_space<vmem_shared>>
      tpu.wait_dma2 semaphore(%run_scoped3A : memref<!tpu.dma_semaphore, #tpu.memory_space<semaphore_mem>>) src(%arg20 : memref<96x16xf32, #tpu.memory_space<vmem>>) dst(%dma_wait3A_184 : memref<96x16xf32, #tpu.memory_space<vmem_shared>>)
      tpu.yield
    }) : () -> ()
    %add3A_24 = arith.constant 288 : i32
    %add3A_25 = arith.addi %mul3A_11, %add3A_24 : i32
    "tpu.region"() ({
      %run_scoped3A = tpu.sem_alloc : memref<!tpu.dma_semaphore, #tpu.memory_space<semaphore_mem>>
      %dma_start3A_177 = arith.constant 0 : i32
      %dma_start3A_178 = tpu.memref_slice %arg22[%add3A_25, %dma_start3A_177] : memref<10240x128xf32, #tpu.memory_space<vmem_shared>> -> memref<96x128xf32, #tpu.memory_space<vmem_shared>>
      %dma_start3A_179 = arith.constant 0 : i32
      %dma_start3A_180 = tpu.memref_slice %arg22[%add3A_25, %dma_start3A_179] : memref<10240x128xf32, #tpu.memory_space<vmem_shared>> -> memref<96x128xf32, #tpu.memory_space<vmem_shared>>
      tpu.enqueue_dma source(%arg14 : memref<96x128xf32, #tpu.memory_space<vmem>>) target(%dma_start3A_180 : memref<96x128xf32, #tpu.memory_space<vmem_shared>>) target_semaphore(%run_scoped3A : memref<!tpu.dma_semaphore, #tpu.memory_space<semaphore_mem>>)
      %dma_wait3A_181 = arith.constant 0 : i32
      %dma_wait3A_182 = tpu.memref_slice %arg22[%add3A_25, %dma_wait3A_181] : memref<10240x128xf32, #tpu.memory_space<vmem_shared>> -> memref<96x128xf32, #tpu.memory_space<vmem_shared>>
      %dma_wait3A_183 = arith.constant 0 : i32
      %dma_wait3A_184 = tpu.memref_slice %arg22[%add3A_25, %dma_wait3A_183] : memref<10240x128xf32, #tpu.memory_space<vmem_shared>> -> memref<96x128xf32, #tpu.memory_space<vmem_shared>>
      tpu.wait_dma2 semaphore(%run_scoped3A : memref<!tpu.dma_semaphore, #tpu.memory_space<semaphore_mem>>) src(%arg14 : memref<96x128xf32, #tpu.memory_space<vmem>>) dst(%dma_wait3A_184 : memref<96x128xf32, #tpu.memory_space<vmem_shared>>)
      tpu.yield
    }) : () -> ()
    %add3A_26 = arith.constant 288 : i32
    %add3A_27 = arith.addi %mul3A_11, %add3A_26 : i32
    "tpu.region"() ({
      %run_scoped3A = tpu.sem_alloc : memref<!tpu.dma_semaphore, #tpu.memory_space<semaphore_mem>>
      %dma_start3A_177 = arith.constant 0 : i32
      %dma_start3A_178 = tpu.memref_slice %arg23[%add3A_27, %dma_start3A_177] : memref<10240x16xf32, #tpu.memory_space<vmem_shared>> -> memref<96x16xf32, #tpu.memory_space<vmem_shared>>
      %dma_start3A_179 = arith.constant 0 : i32
      %dma_start3A_180 = tpu.memref_slice %arg23[%add3A_27, %dma_start3A_179] : memref<10240x16xf32, #tpu.memory_space<vmem_shared>> -> memref<96x16xf32, #tpu.memory_space<vmem_shared>>
      tpu.enqueue_dma source(%arg20 : memref<96x16xf32, #tpu.memory_space<vmem>>) target(%dma_start3A_180 : memref<96x16xf32, #tpu.memory_space<vmem_shared>>) target_semaphore(%run_scoped3A : memref<!tpu.dma_semaphore, #tpu.memory_space<semaphore_mem>>)
      %dma_wait3A_181 = arith.constant 0 : i32
      %dma_wait3A_182 = tpu.memref_slice %arg23[%add3A_27, %dma_wait3A_181] : memref<10240x16xf32, #tpu.memory_space<vmem_shared>> -> memref<96x16xf32, #tpu.memory_space<vmem_shared>>
      %dma_wait3A_183 = arith.constant 0 : i32
      %dma_wait3A_184 = tpu.memref_slice %arg23[%add3A_27, %dma_wait3A_183] : memref<10240x16xf32, #tpu.memory_space<vmem_shared>> -> memref<96x16xf32, #tpu.memory_space<vmem_shared>>
      tpu.wait_dma2 semaphore(%run_scoped3A : memref<!tpu.dma_semaphore, #tpu.memory_space<semaphore_mem>>) src(%arg20 : memref<96x16xf32, #tpu.memory_space<vmem>>) dst(%dma_wait3A_184 : memref<96x16xf32, #tpu.memory_space<vmem_shared>>)
      tpu.yield
    }) : () -> ()
    %add3A_28 = arith.constant 384 : i32
    %add3A_29 = arith.addi %mul3A_11, %add3A_28 : i32
    "tpu.region"() ({
      %run_scoped3A = tpu.sem_alloc : memref<!tpu.dma_semaphore, #tpu.memory_space<semaphore_mem>>
      %dma_start3A_177 = arith.constant 0 : i32
      %dma_start3A_178 = tpu.memref_slice %arg22[%add3A_29, %dma_start3A_177] : memref<10240x128xf32, #tpu.memory_space<vmem_shared>> -> memref<96x128xf32, #tpu.memory_space<vmem_shared>>
      %dma_start3A_179 = arith.constant 0 : i32
      %dma_start3A_180 = tpu.memref_slice %arg22[%add3A_29, %dma_start3A_179] : memref<10240x128xf32, #tpu.memory_space<vmem_shared>> -> memref<96x128xf32, #tpu.memory_space<vmem_shared>>
      tpu.enqueue_dma source(%arg14 : memref<96x128xf32, #tpu.memory_space<vmem>>) target(%dma_start3A_180 : memref<96x128xf32, #tpu.memory_space<vmem_shared>>) target_semaphore(%run_scoped3A : memref<!tpu.dma_semaphore, #tpu.memory_space<semaphore_mem>>)
      %dma_wait3A_181 = arith.constant 0 : i32
      %dma_wait3A_182 = tpu.memref_slice %arg22[%add3A_29, %dma_wait3A_181] : memref<10240x128xf32, #tpu.memory_space<vmem_shared>> -> memref<96x128xf32, #tpu.memory_space<vmem_shared>>
      %dma_wait3A_183 = arith.constant 0 : i32
      %dma_wait3A_184 = tpu.memref_slice %arg22[%add3A_29, %dma_wait3A_183] : memref<10240x128xf32, #tpu.memory_space<vmem_shared>> -> memref<96x128xf32, #tpu.memory_space<vmem_shared>>
      tpu.wait_dma2 semaphore(%run_scoped3A : memref<!tpu.dma_semaphore, #tpu.memory_space<semaphore_mem>>) src(%arg14 : memref<96x128xf32, #tpu.memory_space<vmem>>) dst(%dma_wait3A_184 : memref<96x128xf32, #tpu.memory_space<vmem_shared>>)
      tpu.yield
    }) : () -> ()
    %add3A_30 = arith.constant 384 : i32
    %add3A_31 = arith.addi %mul3A_11, %add3A_30 : i32
    "tpu.region"() ({
      %run_scoped3A = tpu.sem_alloc : memref<!tpu.dma_semaphore, #tpu.memory_space<semaphore_mem>>
      %dma_start3A_177 = arith.constant 0 : i32
      %dma_start3A_178 = tpu.memref_slice %arg23[%add3A_31, %dma_start3A_177] : memref<10240x16xf32, #tpu.memory_space<vmem_shared>> -> memref<96x16xf32, #tpu.memory_space<vmem_shared>>
      %dma_start3A_179 = arith.constant 0 : i32
      %dma_start3A_180 = tpu.memref_slice %arg23[%add3A_31, %dma_start3A_179] : memref<10240x16xf32, #tpu.memory_space<vmem_shared>> -> memref<96x16xf32, #tpu.memory_space<vmem_shared>>
      tpu.enqueue_dma source(%arg20 : memref<96x16xf32, #tpu.memory_space<vmem>>) target(%dma_start3A_180 : memref<96x16xf32, #tpu.memory_space<vmem_shared>>) target_semaphore(%run_scoped3A : memref<!tpu.dma_semaphore, #tpu.memory_space<semaphore_mem>>)
      %dma_wait3A_181 = arith.constant 0 : i32
      %dma_wait3A_182 = tpu.memref_slice %arg23[%add3A_31, %dma_wait3A_181] : memref<10240x16xf32, #tpu.memory_space<vmem_shared>> -> memref<96x16xf32, #tpu.memory_space<vmem_shared>>
      %dma_wait3A_183 = arith.constant 0 : i32
      %dma_wait3A_184 = tpu.memref_slice %arg23[%add3A_31, %dma_wait3A_183] : memref<10240x16xf32, #tpu.memory_space<vmem_shared>> -> memref<96x16xf32, #tpu.memory_space<vmem_shared>>
      tpu.wait_dma2 semaphore(%run_scoped3A : memref<!tpu.dma_semaphore, #tpu.memory_space<semaphore_mem>>) src(%arg20 : memref<96x16xf32, #tpu.memory_space<vmem>>) dst(%dma_wait3A_184 : memref<96x16xf32, #tpu.memory_space<vmem_shared>>)
      tpu.yield
    }) : () -> ()
    %add3A_32 = arith.constant 480 : i32
    %add3A_33 = arith.addi %mul3A_11, %add3A_32 : i32
    "tpu.region"() ({
      %run_scoped3A = tpu.sem_alloc : memref<!tpu.dma_semaphore, #tpu.memory_space<semaphore_mem>>
      %dma_start3A_177 = arith.constant 0 : i32
      %dma_start3A_178 = tpu.memref_slice %arg22[%add3A_33, %dma_start3A_177] : memref<10240x128xf32, #tpu.memory_space<vmem_shared>> -> memref<96x128xf32, #tpu.memory_space<vmem_shared>>
      %dma_start3A_179 = arith.constant 0 : i32
      %dma_start3A_180 = tpu.memref_slice %arg22[%add3A_33, %dma_start3A_179] : memref<10240x128xf32, #tpu.memory_space<vmem_shared>> -> memref<96x128xf32, #tpu.memory_space<vmem_shared>>
      tpu.enqueue_dma source(%arg14 : memref<96x128xf32, #tpu.memory_space<vmem>>) target(%dma_start3A_180 : memref<96x128xf32, #tpu.memory_space<vmem_shared>>) target_semaphore(%run_scoped3A : memref<!tpu.dma_semaphore, #tpu.memory_space<semaphore_mem>>)
      %dma_wait3A_181 = arith.constant 0 : i32
      %dma_wait3A_182 = tpu.memref_slice %arg22[%add3A_33, %dma_wait3A_181] : memref<10240x128xf32, #tpu.memory_space<vmem_shared>> -> memref<96x128xf32, #tpu.memory_space<vmem_shared>>
      %dma_wait3A_183 = arith.constant 0 : i32
      %dma_wait3A_184 = tpu.memref_slice %arg22[%add3A_33, %dma_wait3A_183] : memref<10240x128xf32, #tpu.memory_space<vmem_shared>> -> memref<96x128xf32, #tpu.memory_space<vmem_shared>>
      tpu.wait_dma2 semaphore(%run_scoped3A : memref<!tpu.dma_semaphore, #tpu.memory_space<semaphore_mem>>) src(%arg14 : memref<96x128xf32, #tpu.memory_space<vmem>>) dst(%dma_wait3A_184 : memref<96x128xf32, #tpu.memory_space<vmem_shared>>)
      tpu.yield
    }) : () -> ()
    %add3A_34 = arith.constant 480 : i32
    %add3A_35 = arith.addi %mul3A_11, %add3A_34 : i32
    "tpu.region"() ({
      %run_scoped3A = tpu.sem_alloc : memref<!tpu.dma_semaphore, #tpu.memory_space<semaphore_mem>>
      %dma_start3A_177 = arith.constant 0 : i32
      %dma_start3A_178 = tpu.memref_slice %arg23[%add3A_35, %dma_start3A_177] : memref<10240x16xf32, #tpu.memory_space<vmem_shared>> -> memref<96x16xf32, #tpu.memory_space<vmem_shared>>
      %dma_start3A_179 = arith.constant 0 : i32
      %dma_start3A_180 = tpu.memref_slice %arg23[%add3A_35, %dma_start3A_179] : memref<10240x16xf32, #tpu.memory_space<vmem_shared>> -> memref<96x16xf32, #tpu.memory_space<vmem_shared>>
      tpu.enqueue_dma source(%arg20 : memref<96x16xf32, #tpu.memory_space<vmem>>) target(%dma_start3A_180 : memref<96x16xf32, #tpu.memory_space<vmem_shared>>) target_semaphore(%run_scoped3A : memref<!tpu.dma_semaphore, #tpu.memory_space<semaphore_mem>>)
      %dma_wait3A_181 = arith.constant 0 : i32
      %dma_wait3A_182 = tpu.memref_slice %arg23[%add3A_35, %dma_wait3A_181] : memref<10240x16xf32, #tpu.memory_space<vmem_shared>> -> memref<96x16xf32, #tpu.memory_space<vmem_shared>>
      %dma_wait3A_183 = arith.constant 0 : i32
      %dma_wait3A_184 = tpu.memref_slice %arg23[%add3A_35, %dma_wait3A_183] : memref<10240x16xf32, #tpu.memory_space<vmem_shared>> -> memref<96x16xf32, #tpu.memory_space<vmem_shared>>
      tpu.wait_dma2 semaphore(%run_scoped3A : memref<!tpu.dma_semaphore, #tpu.memory_space<semaphore_mem>>) src(%arg20 : memref<96x16xf32, #tpu.memory_space<vmem>>) dst(%dma_wait3A_184 : memref<96x16xf32, #tpu.memory_space<vmem_shared>>)
      tpu.yield
    }) : () -> ()
    %add3A_36 = arith.constant 576 : i32
    %add3A_37 = arith.addi %mul3A_11, %add3A_36 : i32
    "tpu.region"() ({
      %run_scoped3A = tpu.sem_alloc : memref<!tpu.dma_semaphore, #tpu.memory_space<semaphore_mem>>
      %dma_start3A_177 = arith.constant 0 : i32
      %dma_start3A_178 = arith.constant 0 : i32
      %dma_start3A_179 = tpu.memref_slice %arg14[%dma_start3A_177, %dma_start3A_178] : memref<96x128xf32, #tpu.memory_space<vmem>> -> memref<64x128xf32, #tpu.memory_space<vmem>>
      %dma_start3A_180 = arith.constant 0 : i32
      %dma_start3A_181 = tpu.memref_slice %arg22[%add3A_37, %dma_start3A_180] : memref<10240x128xf32, #tpu.memory_space<vmem_shared>> -> memref<64x128xf32, #tpu.memory_space<vmem_shared>>
      %dma_start3A_182 = arith.constant 0 : i32
      %dma_start3A_183 = tpu.memref_slice %arg22[%add3A_37, %dma_start3A_182] : memref<10240x128xf32, #tpu.memory_space<vmem_shared>> -> memref<64x128xf32, #tpu.memory_space<vmem_shared>>
      %dma_start3A_184 = arith.constant 0 : i32
      %dma_start3A_185 = arith.constant 0 : i32
      %dma_start3A_186 = tpu.memref_slice %arg14[%dma_start3A_184, %dma_start3A_185] : memref<96x128xf32, #tpu.memory_space<vmem>> -> memref<64x128xf32, #tpu.memory_space<vmem>>
      tpu.enqueue_dma source(%dma_start3A_186 : memref<64x128xf32, #tpu.memory_space<vmem>>) target(%dma_start3A_183 : memref<64x128xf32, #tpu.memory_space<vmem_shared>>) target_semaphore(%run_scoped3A : memref<!tpu.dma_semaphore, #tpu.memory_space<semaphore_mem>>)
      %dma_wait3A_187 = arith.constant 0 : i32
      %dma_wait3A_188 = arith.constant 0 : i32
      %dma_wait3A_189 = tpu.memref_slice %arg14[%dma_wait3A_187, %dma_wait3A_188] : memref<96x128xf32, #tpu.memory_space<vmem>> -> memref<64x128xf32, #tpu.memory_space<vmem>>
      %dma_wait3A_190 = arith.constant 0 : i32
      %dma_wait3A_191 = tpu.memref_slice %arg22[%add3A_37, %dma_wait3A_190] : memref<10240x128xf32, #tpu.memory_space<vmem_shared>> -> memref<64x128xf32, #tpu.memory_space<vmem_shared>>
      %dma_wait3A_192 = arith.constant 0 : i32
      %dma_wait3A_193 = tpu.memref_slice %arg22[%add3A_37, %dma_wait3A_192] : memref<10240x128xf32, #tpu.memory_space<vmem_shared>> -> memref<64x128xf32, #tpu.memory_space<vmem_shared>>
      %dma_wait3A_194 = arith.constant 0 : i32
      %dma_wait3A_195 = arith.constant 0 : i32
      %dma_wait3A_196 = tpu.memref_slice %arg14[%dma_wait3A_194, %dma_wait3A_195] : memref<96x128xf32, #tpu.memory_space<vmem>> -> memref<64x128xf32, #tpu.memory_space<vmem>>
      tpu.wait_dma2 semaphore(%run_scoped3A : memref<!tpu.dma_semaphore, #tpu.memory_space<semaphore_mem>>) src(%dma_wait3A_196 : memref<64x128xf32, #tpu.memory_space<vmem>>) dst(%dma_wait3A_193 : memref<64x128xf32, #tpu.memory_space<vmem_shared>>)
      tpu.yield
    }) : () -> ()
    %add3A_38 = arith.constant 576 : i32
    %add3A_39 = arith.addi %mul3A_11, %add3A_38 : i32
    "tpu.region"() ({
      %run_scoped3A = tpu.sem_alloc : memref<!tpu.dma_semaphore, #tpu.memory_space<semaphore_mem>>
      %dma_start3A_177 = arith.constant 0 : i32
      %dma_start3A_178 = arith.constant 0 : i32
      %dma_start3A_179 = tpu.memref_slice %arg20[%dma_start3A_177, %dma_start3A_178] : memref<96x16xf32, #tpu.memory_space<vmem>> -> memref<64x16xf32, #tpu.memory_space<vmem>>
      %dma_start3A_180 = arith.constant 0 : i32
      %dma_start3A_181 = tpu.memref_slice %arg23[%add3A_39, %dma_start3A_180] : memref<10240x16xf32, #tpu.memory_space<vmem_shared>> -> memref<64x16xf32, #tpu.memory_space<vmem_shared>>
      %dma_start3A_182 = arith.constant 0 : i32
      %dma_start3A_183 = tpu.memref_slice %arg23[%add3A_39, %dma_start3A_182] : memref<10240x16xf32, #tpu.memory_space<vmem_shared>> -> memref<64x16xf32, #tpu.memory_space<vmem_shared>>
      %dma_start3A_184 = arith.constant 0 : i32
      %dma_start3A_185 = arith.constant 0 : i32
      %dma_start3A_186 = tpu.memref_slice %arg20[%dma_start3A_184, %dma_start3A_185] : memref<96x16xf32, #tpu.memory_space<vmem>> -> memref<64x16xf32, #tpu.memory_space<vmem>>
      tpu.enqueue_dma source(%dma_start3A_186 : memref<64x16xf32, #tpu.memory_space<vmem>>) target(%dma_start3A_183 : memref<64x16xf32, #tpu.memory_space<vmem_shared>>) target_semaphore(%run_scoped3A : memref<!tpu.dma_semaphore, #tpu.memory_space<semaphore_mem>>)
      %dma_wait3A_187 = arith.constant 0 : i32
      %dma_wait3A_188 = arith.constant 0 : i32
      %dma_wait3A_189 = tpu.memref_slice %arg20[%dma_wait3A_187, %dma_wait3A_188] : memref<96x16xf32, #tpu.memory_space<vmem>> -> memref<64x16xf32, #tpu.memory_space<vmem>>
      %dma_wait3A_190 = arith.constant 0 : i32
      %dma_wait3A_191 = tpu.memref_slice %arg23[%add3A_39, %dma_wait3A_190] : memref<10240x16xf32, #tpu.memory_space<vmem_shared>> -> memref<64x16xf32, #tpu.memory_space<vmem_shared>>
      %dma_wait3A_192 = arith.constant 0 : i32
      %dma_wait3A_193 = tpu.memref_slice %arg23[%add3A_39, %dma_wait3A_192] : memref<10240x16xf32, #tpu.memory_space<vmem_shared>> -> memref<64x16xf32, #tpu.memory_space<vmem_shared>>
      %dma_wait3A_194 = arith.constant 0 : i32
      %dma_wait3A_195 = arith.constant 0 : i32
      %dma_wait3A_196 = tpu.memref_slice %arg20[%dma_wait3A_194, %dma_wait3A_195] : memref<96x16xf32, #tpu.memory_space<vmem>> -> memref<64x16xf32, #tpu.memory_space<vmem>>
      tpu.wait_dma2 semaphore(%run_scoped3A : memref<!tpu.dma_semaphore, #tpu.memory_space<semaphore_mem>>) src(%dma_wait3A_196 : memref<64x16xf32, #tpu.memory_space<vmem>>) dst(%dma_wait3A_193 : memref<64x16xf32, #tpu.memory_space<vmem_shared>>)
      tpu.yield
    }) : () -> ()
    %barrier3A = arith.constant 0 : index
    tpu.barrier barrier_id(%barrier3A)
    %rem3A = arith.constant 4 : i32
    %rem3A_40 = vector.broadcast %rem3A : i32 to vector<16xi32>
    %rem3A_41 = arith.remsi %iota3A, %rem3A_40 : vector<16xi32>
    %add3A_42 = arith.constant 0 : i32
    %add3A_43 = arith.addi %mul3A_2, %add3A_42 : i32
    "tpu.region"() ({
      %run_scoped3A = tpu.sem_alloc : memref<!tpu.dma_semaphore, #tpu.memory_space<semaphore_mem>>
      %dma_start3A_177 = tpu.memref_slice %arg4[%add3A_43] : memref<320000xi32, #tpu.memory_space<hbm>> -> memref<96xi32, #tpu.memory_space<hbm>>
      %dma_start3A_178 = tpu.memref_slice %arg4[%add3A_43] : memref<320000xi32, #tpu.memory_space<hbm>> -> memref<96xi32, #tpu.memory_space<hbm>>
      tpu.enqueue_dma source(%dma_start3A_178 : memref<96xi32, #tpu.memory_space<hbm>>) target(%arg8 : memref<96xi32, #tpu.memory_space<vmem>>) target_semaphore(%run_scoped3A : memref<!tpu.dma_semaphore, #tpu.memory_space<semaphore_mem>>)
      %dma_wait3A_179 = tpu.memref_slice %arg4[%add3A_43] : memref<320000xi32, #tpu.memory_space<hbm>> -> memref<96xi32, #tpu.memory_space<hbm>>
      %dma_wait3A_180 = tpu.memref_slice %arg4[%add3A_43] : memref<320000xi32, #tpu.memory_space<hbm>> -> memref<96xi32, #tpu.memory_space<hbm>>
      tpu.wait_dma2 semaphore(%run_scoped3A : memref<!tpu.dma_semaphore, #tpu.memory_space<semaphore_mem>>) src(%dma_wait3A_180 : memref<96xi32, #tpu.memory_space<hbm>>) dst(%arg8 : memref<96xi32, #tpu.memory_space<vmem>>)
      tpu.yield
    }) : () -> ()
    "tpu.region"() ({
      %run_scoped3A = tpu.sem_alloc : memref<!tpu.dma_semaphore, #tpu.memory_space<semaphore_mem>>
      %dma_start3A_177 = tpu.memref_slice %arg5[%add3A_43] : memref<320000xi32, #tpu.memory_space<hbm>> -> memref<96xi32, #tpu.memory_space<hbm>>
      %dma_start3A_178 = tpu.memref_slice %arg5[%add3A_43] : memref<320000xi32, #tpu.memory_space<hbm>> -> memref<96xi32, #tpu.memory_space<hbm>>
      tpu.enqueue_dma source(%dma_start3A_178 : memref<96xi32, #tpu.memory_space<hbm>>) target(%arg10 : memref<96xi32, #tpu.memory_space<vmem>>) target_semaphore(%run_scoped3A : memref<!tpu.dma_semaphore, #tpu.memory_space<semaphore_mem>>)
      %dma_wait3A_179 = tpu.memref_slice %arg5[%add3A_43] : memref<320000xi32, #tpu.memory_space<hbm>> -> memref<96xi32, #tpu.memory_space<hbm>>
      %dma_wait3A_180 = tpu.memref_slice %arg5[%add3A_43] : memref<320000xi32, #tpu.memory_space<hbm>> -> memref<96xi32, #tpu.memory_space<hbm>>
      tpu.wait_dma2 semaphore(%run_scoped3A : memref<!tpu.dma_semaphore, #tpu.memory_space<semaphore_mem>>) src(%dma_wait3A_180 : memref<96xi32, #tpu.memory_space<hbm>>) dst(%arg10 : memref<96xi32, #tpu.memory_space<vmem>>)
      tpu.yield
    }) : () -> ()
    %dma_start3A = arith.constant 0 : i32
    %dma_start3A_44 = arith.constant 0 : i32
    %dma_start3A_45 = tpu.memref_slice %arg2[%dma_start3A, %dma_start3A_44] : memref<10000x128xf32, #tpu.memory_space<hbm>> -> memref<10000x128xf32, #tpu.memory_space<hbm>>
    tpu.enqueue_indirect_dma source(%dma_start3A_45 : memref<10000x128xf32, #tpu.memory_space<hbm>>) target(%arg14 : memref<96x128xf32, #tpu.memory_space<vmem>>) offsets(%arg8 : memref<96xi32, #tpu.memory_space<vmem>>) semaphore(%arg24 : memref<!tpu.dma_semaphore, #tpu.memory_space<semaphore_mem>>)
    %dma_start3A_46 = arith.constant 0 : i32
    %dma_start3A_47 = arith.constant 0 : i32
    %dma_start3A_48 = tpu.memref_slice %arg3[%dma_start3A_46, %dma_start3A_47] : memref<10000x8xf32, #tpu.memory_space<hbm>> -> memref<10000x8xf32, #tpu.memory_space<hbm>>
    tpu.enqueue_indirect_dma source(%dma_start3A_48 : memref<10000x8xf32, #tpu.memory_space<hbm>>) target(%arg16 : memref<96x8xf32, #tpu.memory_space<vmem>>) offsets(%arg8 : memref<96xi32, #tpu.memory_space<vmem>>) semaphore(%arg24 : memref<!tpu.dma_semaphore, #tpu.memory_space<semaphore_mem>>)
    %dma_start3A_49 = arith.constant 0 : i32
    %dma_start3A_50 = arith.constant 0 : i32
    %dma_start3A_51 = tpu.memref_slice %arg3[%dma_start3A_49, %dma_start3A_50] : memref<10000x8xf32, #tpu.memory_space<hbm>> -> memref<10000x8xf32, #tpu.memory_space<hbm>>
    tpu.enqueue_indirect_dma source(%dma_start3A_51 : memref<10000x8xf32, #tpu.memory_space<hbm>>) target(%arg18 : memref<96x8xf32, #tpu.memory_space<vmem>>) offsets(%arg10 : memref<96xi32, #tpu.memory_space<vmem>>) semaphore(%arg24 : memref<!tpu.dma_semaphore, #tpu.memory_space<semaphore_mem>>)
    %scan3A_52 = arith.constant 0 : i32
    %scan3A_53 = arith.constant 0 : i32
    %scan3A_54 = arith.constant 52 : i32
    %scan3A_55 = arith.addi %scan3A_53, %scan3A_54 : i32
    %scan3A_56 = arith.constant 1 : i32
    %scan3A_57 = scf.for %scan3A_177 = %scan3A_53 to %scan3A_55 step %scan3A_56 iter_args(%scan3A_178 = %scan3A_52) -> (i32)  : i32 {
      %mul3A_179 = arith.constant 2 : i32
      %mul3A_180 = arith.muli %mul3A_179, %scan3A_177 : i32
      %add3A_181 = arith.constant 0 : i32
      %add3A_182 = arith.addi %mul3A_180, %add3A_181 : i32
      %ge3A_183 = arith.constant 1 : i32
      %ge3A_184 = arith.cmpi sge, %add3A_182, %ge3A_183 : i32
      %convert_element_type3A = arith.extui %ge3A_184 : i1 to i32
      %cond3A = arith.constant 0 : i32
      %cond3A_185 = arith.cmpi ne, %convert_element_type3A, %cond3A : i32
      scf.if %cond3A_185 {
        %dma_wait3A_1105 = arith.constant 0 : i32
        %dma_wait3A_1106 = arith.constant 0 : i32
        %dma_wait3A_1107 = tpu.memref_slice %arg22[%dma_wait3A_1105, %dma_wait3A_1106] : memref<10240x128xf32, #tpu.memory_space<vmem_shared>> -> memref<10240x128xf32, #tpu.memory_space<vmem_shared>>
        tpu.wait_indirect_dma semaphore(%arg27 : memref<!tpu.dma_semaphore, #tpu.memory_space<semaphore_mem>>) src(%arg15 : memref<96x128xf32, #tpu.memory_space<vmem>>) dst(%dma_wait3A_1107 : memref<10240x128xf32, #tpu.memory_space<vmem_shared>>)
        %dma_wait3A_1108 = arith.constant 0 : i32
        %dma_wait3A_1109 = arith.constant 0 : i32
        %dma_wait3A_1110 = tpu.memref_slice %arg23[%dma_wait3A_1108, %dma_wait3A_1109] : memref<10240x16xf32, #tpu.memory_space<vmem_shared>> -> memref<10240x16xf32, #tpu.memory_space<vmem_shared>>
        tpu.wait_indirect_dma semaphore(%arg27 : memref<!tpu.dma_semaphore, #tpu.memory_space<semaphore_mem>>) src(%arg21 : memref<96x16xf32, #tpu.memory_space<vmem>>) dst(%dma_wait3A_1110 : memref<10240x16xf32, #tpu.memory_space<vmem_shared>>)
      } else {
      }
      %add3A_186 = arith.constant 1 : i32
      %add3A_187 = arith.addi %add3A_182, %add3A_186 : i32
      %lt3A = arith.constant 104 : i32
      %lt3A_188 = arith.cmpi slt, %add3A_187, %lt3A : i32
      %convert_element_type3A_189 = arith.extui %lt3A_188 : i1 to i32
      %cond3A_190 = arith.constant 0 : i32
      %cond3A_191 = arith.cmpi ne, %convert_element_type3A_189, %cond3A_190 : i32
      scf.if %cond3A_191 {
        %add3A_1105 = arith.constant 1 : i32
        %add3A_1106 = arith.addi %add3A_182, %add3A_1105 : i32
        %mul3A_1107 = arith.constant 96 : i32
        %mul3A_1108 = arith.muli %add3A_1106, %mul3A_1107 : i32
        %add3A_1109 = arith.addi %mul3A_2, %mul3A_1108 : i32
        "tpu.region"() ({
          %run_scoped3A = tpu.sem_alloc : memref<!tpu.dma_semaphore, #tpu.memory_space<semaphore_mem>>
          %dma_start3A_1119 = tpu.memref_slice %arg4[%add3A_1109] : memref<320000xi32, #tpu.memory_space<hbm>> -> memref<96xi32, #tpu.memory_space<hbm>>
          %dma_start3A_1120 = tpu.memref_slice %arg4[%add3A_1109] : memref<320000xi32, #tpu.memory_space<hbm>> -> memref<96xi32, #tpu.memory_space<hbm>>
          tpu.enqueue_dma source(%dma_start3A_1120 : memref<96xi32, #tpu.memory_space<hbm>>) target(%arg9 : memref<96xi32, #tpu.memory_space<vmem>>) target_semaphore(%run_scoped3A : memref<!tpu.dma_semaphore, #tpu.memory_space<semaphore_mem>>)
          %dma_wait3A_1121 = tpu.memref_slice %arg4[%add3A_1109] : memref<320000xi32, #tpu.memory_space<hbm>> -> memref<96xi32, #tpu.memory_space<hbm>>
          %dma_wait3A_1122 = tpu.memref_slice %arg4[%add3A_1109] : memref<320000xi32, #tpu.memory_space<hbm>> -> memref<96xi32, #tpu.memory_space<hbm>>
          tpu.wait_dma2 semaphore(%run_scoped3A : memref<!tpu.dma_semaphore, #tpu.memory_space<semaphore_mem>>) src(%dma_wait3A_1122 : memref<96xi32, #tpu.memory_space<hbm>>) dst(%arg9 : memref<96xi32, #tpu.memory_space<vmem>>)
          tpu.yield
        }) : () -> ()
        "tpu.region"() ({
          %run_scoped3A = tpu.sem_alloc : memref<!tpu.dma_semaphore, #tpu.memory_space<semaphore_mem>>
          %dma_start3A_1119 = tpu.memref_slice %arg5[%add3A_1109] : memref<320000xi32, #tpu.memory_space<hbm>> -> memref<96xi32, #tpu.memory_space<hbm>>
          %dma_start3A_1120 = tpu.memref_slice %arg5[%add3A_1109] : memref<320000xi32, #tpu.memory_space<hbm>> -> memref<96xi32, #tpu.memory_space<hbm>>
          tpu.enqueue_dma source(%dma_start3A_1120 : memref<96xi32, #tpu.memory_space<hbm>>) target(%arg11 : memref<96xi32, #tpu.memory_space<vmem>>) target_semaphore(%run_scoped3A : memref<!tpu.dma_semaphore, #tpu.memory_space<semaphore_mem>>)
          %dma_wait3A_1121 = tpu.memref_slice %arg5[%add3A_1109] : memref<320000xi32, #tpu.memory_space<hbm>> -> memref<96xi32, #tpu.memory_space<hbm>>
          %dma_wait3A_1122 = tpu.memref_slice %arg5[%add3A_1109] : memref<320000xi32, #tpu.memory_space<hbm>> -> memref<96xi32, #tpu.memory_space<hbm>>
          tpu.wait_dma2 semaphore(%run_scoped3A : memref<!tpu.dma_semaphore, #tpu.memory_space<semaphore_mem>>) src(%dma_wait3A_1122 : memref<96xi32, #tpu.memory_space<hbm>>) dst(%arg11 : memref<96xi32, #tpu.memory_space<vmem>>)
          tpu.yield
        }) : () -> ()
        %dma_start3A_1110 = arith.constant 0 : i32
        %dma_start3A_1111 = arith.constant 0 : i32
        %dma_start3A_1112 = tpu.memref_slice %arg2[%dma_start3A_1110, %dma_start3A_1111] : memref<10000x128xf32, #tpu.memory_space<hbm>> -> memref<10000x128xf32, #tpu.memory_space<hbm>>
        tpu.enqueue_indirect_dma source(%dma_start3A_1112 : memref<10000x128xf32, #tpu.memory_space<hbm>>) target(%arg15 : memref<96x128xf32, #tpu.memory_space<vmem>>) offsets(%arg9 : memref<96xi32, #tpu.memory_space<vmem>>) semaphore(%arg25 : memref<!tpu.dma_semaphore, #tpu.memory_space<semaphore_mem>>)
        %dma_start3A_1113 = arith.constant 0 : i32
        %dma_start3A_1114 = arith.constant 0 : i32
        %dma_start3A_1115 = tpu.memref_slice %arg3[%dma_start3A_1113, %dma_start3A_1114] : memref<10000x8xf32, #tpu.memory_space<hbm>> -> memref<10000x8xf32, #tpu.memory_space<hbm>>
        tpu.enqueue_indirect_dma source(%dma_start3A_1115 : memref<10000x8xf32, #tpu.memory_space<hbm>>) target(%arg17 : memref<96x8xf32, #tpu.memory_space<vmem>>) offsets(%arg9 : memref<96xi32, #tpu.memory_space<vmem>>) semaphore(%arg25 : memref<!tpu.dma_semaphore, #tpu.memory_space<semaphore_mem>>)
        %dma_start3A_1116 = arith.constant 0 : i32
        %dma_start3A_1117 = arith.constant 0 : i32
        %dma_start3A_1118 = tpu.memref_slice %arg3[%dma_start3A_1116, %dma_start3A_1117] : memref<10000x8xf32, #tpu.memory_space<hbm>> -> memref<10000x8xf32, #tpu.memory_space<hbm>>
        tpu.enqueue_indirect_dma source(%dma_start3A_1118 : memref<10000x8xf32, #tpu.memory_space<hbm>>) target(%arg19 : memref<96x8xf32, #tpu.memory_space<vmem>>) offsets(%arg11 : memref<96xi32, #tpu.memory_space<vmem>>) semaphore(%arg25 : memref<!tpu.dma_semaphore, #tpu.memory_space<semaphore_mem>>)
      } else {
      }
      %dma_wait3A_192 = arith.constant 0 : i32
      %dma_wait3A_193 = arith.constant 0 : i32
      %dma_wait3A_194 = tpu.memref_slice %arg2[%dma_wait3A_192, %dma_wait3A_193] : memref<10000x128xf32, #tpu.memory_space<hbm>> -> memref<10000x128xf32, #tpu.memory_space<hbm>>
      tpu.wait_indirect_dma semaphore(%arg24 : memref<!tpu.dma_semaphore, #tpu.memory_space<semaphore_mem>>) src(%dma_wait3A_194 : memref<10000x128xf32, #tpu.memory_space<hbm>>) dst(%arg14 : memref<96x128xf32, #tpu.memory_space<vmem>>)
      %dma_wait3A_195 = arith.constant 0 : i32
      %dma_wait3A_196 = arith.constant 0 : i32
      %dma_wait3A_197 = tpu.memref_slice %arg3[%dma_wait3A_195, %dma_wait3A_196] : memref<10000x8xf32, #tpu.memory_space<hbm>> -> memref<10000x8xf32, #tpu.memory_space<hbm>>
      tpu.wait_indirect_dma semaphore(%arg24 : memref<!tpu.dma_semaphore, #tpu.memory_space<semaphore_mem>>) src(%dma_wait3A_197 : memref<10000x8xf32, #tpu.memory_space<hbm>>) dst(%arg16 : memref<96x8xf32, #tpu.memory_space<vmem>>)
      %dma_wait3A_198 = arith.constant 0 : i32
      %dma_wait3A_199 = arith.constant 0 : i32
      %dma_wait3A_200 = tpu.memref_slice %arg3[%dma_wait3A_198, %dma_wait3A_199] : memref<10000x8xf32, #tpu.memory_space<hbm>> -> memref<10000x8xf32, #tpu.memory_space<hbm>>
      tpu.wait_indirect_dma semaphore(%arg24 : memref<!tpu.dma_semaphore, #tpu.memory_space<semaphore_mem>>) src(%dma_wait3A_200 : memref<10000x8xf32, #tpu.memory_space<hbm>>) dst(%arg18 : memref<96x8xf32, #tpu.memory_space<vmem>>)
      %add3A_201 = arith.constant 0 : i32
      %add3A_202 = vector.broadcast %add3A_201 : i32 to vector<16xi32>
      %add3A_203 = arith.addi %iota3A, %add3A_202 : vector<16xi32>
      %broadcast_in_dim3A_204 = arith.constant 0 : i32
      %broadcast_in_dim3A_205 = vector.broadcast %broadcast_in_dim3A_204 : i32 to vector<16xi32>
      %gather3A_206 = tpu.vector_load_idx %arg16[%add3A_203, %broadcast_in_dim3A_205] : memref<96x8xf32, #tpu.memory_space<vmem>>[vector<16xi32>, vector<16xi32>], vector<16xf32>,
      %broadcast_in_dim3A_207 = arith.constant 4 : i32
      %broadcast_in_dim3A_208 = vector.broadcast %broadcast_in_dim3A_207 : i32 to vector<16xi32>
      %gather3A_209 = tpu.vector_load_idx %arg18[%add3A_203, %broadcast_in_dim3A_208] : memref<96x8xf32, #tpu.memory_space<vmem>>[vector<16xi32>, vector<16xi32>], vector<16xf32>,
      %add3A_210 = arith.addf %gather3A_206, %gather3A_209 : vector<16xf32>
      %ge3A_211 = arith.constant 0.000000e+00 : f32
      %ge3A_212 = vector.broadcast %ge3A_211 : f32 to vector<16xf32>
      %ge3A_213 = arith.cmpf oge, %add3A_210, %ge3A_212 : vector<16xf32>
      %mul3A_214 = arith.constant 2.000000e-01 : f32
      %mul3A_215 = vector.broadcast %mul3A_214 : f32 to vector<16xf32>
      %mul3A_216 = arith.mulf %add3A_210, %mul3A_215 : vector<16xf32>
      %select_n3A_217 = arith.select %ge3A_213, %add3A_210, %mul3A_216 : vector<16xi1>, vector<16xf32>
      %exp3A_218 = math.exp %select_n3A_217 : vector<16xf32>
      %broadcast_in_dim3A_219 = arith.constant 0 : i32
      %broadcast_in_dim3A_220 = vector.broadcast %broadcast_in_dim3A_219 : i32 to vector<16xi32>
      tpu.vector_store_idx %arg20[%add3A_203, %broadcast_in_dim3A_220], %exp3A_218 : memref<96x16xf32, #tpu.memory_space<vmem>>[vector<16xi32>, vector<16xi32>], vector<16xf32>,
      %broadcast_in_dim3A_221 = arith.constant 1 : i32
      %broadcast_in_dim3A_222 = vector.broadcast %broadcast_in_dim3A_221 : i32 to vector<16xi32>
      %gather3A_223 = tpu.vector_load_idx %arg16[%add3A_203, %broadcast_in_dim3A_222] : memref<96x8xf32, #tpu.memory_space<vmem>>[vector<16xi32>, vector<16xi32>], vector<16xf32>,
      %broadcast_in_dim3A_224 = arith.constant 5 : i32
      %broadcast_in_dim3A_225 = vector.broadcast %broadcast_in_dim3A_224 : i32 to vector<16xi32>
      %gather3A_226 = tpu.vector_load_idx %arg18[%add3A_203, %broadcast_in_dim3A_225] : memref<96x8xf32, #tpu.memory_space<vmem>>[vector<16xi32>, vector<16xi32>], vector<16xf32>,
      %add3A_227 = arith.addf %gather3A_223, %gather3A_226 : vector<16xf32>
      %ge3A_228 = arith.constant 0.000000e+00 : f32
      %ge3A_229 = vector.broadcast %ge3A_228 : f32 to vector<16xf32>
      %ge3A_230 = arith.cmpf oge, %add3A_227, %ge3A_229 : vector<16xf32>
      %mul3A_231 = arith.constant 2.000000e-01 : f32
      %mul3A_232 = vector.broadcast %mul3A_231 : f32 to vector<16xf32>
      %mul3A_233 = arith.mulf %add3A_227, %mul3A_232 : vector<16xf32>
      %select_n3A_234 = arith.select %ge3A_230, %add3A_227, %mul3A_233 : vector<16xi1>, vector<16xf32>
      %exp3A_235 = math.exp %select_n3A_234 : vector<16xf32>
      %broadcast_in_dim3A_236 = arith.constant 1 : i32
      %broadcast_in_dim3A_237 = vector.broadcast %broadcast_in_dim3A_236 : i32 to vector<16xi32>
      tpu.vector_store_idx %arg20[%add3A_203, %broadcast_in_dim3A_237], %exp3A_235 : memref<96x16xf32, #tpu.memory_space<vmem>>[vector<16xi32>, vector<16xi32>], vector<16xf32>,
      %broadcast_in_dim3A_238 = arith.constant 2 : i32
      %broadcast_in_dim3A_239 = vector.broadcast %broadcast_in_dim3A_238 : i32 to vector<16xi32>
      %gather3A_240 = tpu.vector_load_idx %arg16[%add3A_203, %broadcast_in_dim3A_239] : memref<96x8xf32, #tpu.memory_space<vmem>>[vector<16xi32>, vector<16xi32>], vector<16xf32>,
      %broadcast_in_dim3A_241 = arith.constant 6 : i32
      %broadcast_in_dim3A_242 = vector.broadcast %broadcast_in_dim3A_241 : i32 to vector<16xi32>
      %gather3A_243 = tpu.vector_load_idx %arg18[%add3A_203, %broadcast_in_dim3A_242] : memref<96x8xf32, #tpu.memory_space<vmem>>[vector<16xi32>, vector<16xi32>], vector<16xf32>,
      %add3A_244 = arith.addf %gather3A_240, %gather3A_243 : vector<16xf32>
      %ge3A_245 = arith.constant 0.000000e+00 : f32
      %ge3A_246 = vector.broadcast %ge3A_245 : f32 to vector<16xf32>
      %ge3A_247 = arith.cmpf oge, %add3A_244, %ge3A_246 : vector<16xf32>
      %mul3A_248 = arith.constant 2.000000e-01 : f32
      %mul3A_249 = vector.broadcast %mul3A_248 : f32 to vector<16xf32>
      %mul3A_250 = arith.mulf %add3A_244, %mul3A_249 : vector<16xf32>
      %select_n3A_251 = arith.select %ge3A_247, %add3A_244, %mul3A_250 : vector<16xi1>, vector<16xf32>
      %exp3A_252 = math.exp %select_n3A_251 : vector<16xf32>
      %broadcast_in_dim3A_253 = arith.constant 2 : i32
      %broadcast_in_dim3A_254 = vector.broadcast %broadcast_in_dim3A_253 : i32 to vector<16xi32>
      tpu.vector_store_idx %arg20[%add3A_203, %broadcast_in_dim3A_254], %exp3A_252 : memref<96x16xf32, #tpu.memory_space<vmem>>[vector<16xi32>, vector<16xi32>], vector<16xf32>,
      %broadcast_in_dim3A_255 = arith.constant 3 : i32
      %broadcast_in_dim3A_256 = vector.broadcast %broadcast_in_dim3A_255 : i32 to vector<16xi32>
      %gather3A_257 = tpu.vector_load_idx %arg16[%add3A_203, %broadcast_in_dim3A_256] : memref<96x8xf32, #tpu.memory_space<vmem>>[vector<16xi32>, vector<16xi32>], vector<16xf32>,
      %broadcast_in_dim3A_258 = arith.constant 7 : i32
      %broadcast_in_dim3A_259 = vector.broadcast %broadcast_in_dim3A_258 : i32 to vector<16xi32>
      %gather3A_260 = tpu.vector_load_idx %arg18[%add3A_203, %broadcast_in_dim3A_259] : memref<96x8xf32, #tpu.memory_space<vmem>>[vector<16xi32>, vector<16xi32>], vector<16xf32>,
      %add3A_261 = arith.addf %gather3A_257, %gather3A_260 : vector<16xf32>
      %ge3A_262 = arith.constant 0.000000e+00 : f32
      %ge3A_263 = vector.broadcast %ge3A_262 : f32 to vector<16xf32>
      %ge3A_264 = arith.cmpf oge, %add3A_261, %ge3A_263 : vector<16xf32>
      %mul3A_265 = arith.constant 2.000000e-01 : f32
      %mul3A_266 = vector.broadcast %mul3A_265 : f32 to vector<16xf32>
      %mul3A_267 = arith.mulf %add3A_261, %mul3A_266 : vector<16xf32>
      %select_n3A_268 = arith.select %ge3A_264, %add3A_261, %mul3A_267 : vector<16xi1>, vector<16xf32>
      %exp3A_269 = math.exp %select_n3A_268 : vector<16xf32>
      %broadcast_in_dim3A_270 = arith.constant 3 : i32
      %broadcast_in_dim3A_271 = vector.broadcast %broadcast_in_dim3A_270 : i32 to vector<16xi32>
      tpu.vector_store_idx %arg20[%add3A_203, %broadcast_in_dim3A_271], %exp3A_269 : memref<96x16xf32, #tpu.memory_space<vmem>>[vector<16xi32>, vector<16xi32>], vector<16xf32>,
      %add3A_272 = arith.constant 16 : i32
      %add3A_273 = vector.broadcast %add3A_272 : i32 to vector<16xi32>
      %add3A_274 = arith.addi %iota3A, %add3A_273 : vector<16xi32>
      %broadcast_in_dim3A_275 = arith.constant 0 : i32
      %broadcast_in_dim3A_276 = vector.broadcast %broadcast_in_dim3A_275 : i32 to vector<16xi32>
      %gather3A_277 = tpu.vector_load_idx %arg16[%add3A_274, %broadcast_in_dim3A_276] : memref<96x8xf32, #tpu.memory_space<vmem>>[vector<16xi32>, vector<16xi32>], vector<16xf32>,
      %broadcast_in_dim3A_278 = arith.constant 4 : i32
      %broadcast_in_dim3A_279 = vector.broadcast %broadcast_in_dim3A_278 : i32 to vector<16xi32>
      %gather3A_280 = tpu.vector_load_idx %arg18[%add3A_274, %broadcast_in_dim3A_279] : memref<96x8xf32, #tpu.memory_space<vmem>>[vector<16xi32>, vector<16xi32>], vector<16xf32>,
      %add3A_281 = arith.addf %gather3A_277, %gather3A_280 : vector<16xf32>
      %ge3A_282 = arith.constant 0.000000e+00 : f32
      %ge3A_283 = vector.broadcast %ge3A_282 : f32 to vector<16xf32>
      %ge3A_284 = arith.cmpf oge, %add3A_281, %ge3A_283 : vector<16xf32>
      %mul3A_285 = arith.constant 2.000000e-01 : f32
      %mul3A_286 = vector.broadcast %mul3A_285 : f32 to vector<16xf32>
      %mul3A_287 = arith.mulf %add3A_281, %mul3A_286 : vector<16xf32>
      %select_n3A_288 = arith.select %ge3A_284, %add3A_281, %mul3A_287 : vector<16xi1>, vector<16xf32>
      %exp3A_289 = math.exp %select_n3A_288 : vector<16xf32>
      %broadcast_in_dim3A_290 = arith.constant 0 : i32
      %broadcast_in_dim3A_291 = vector.broadcast %broadcast_in_dim3A_290 : i32 to vector<16xi32>
      tpu.vector_store_idx %arg20[%add3A_274, %broadcast_in_dim3A_291], %exp3A_289 : memref<96x16xf32, #tpu.memory_space<vmem>>[vector<16xi32>, vector<16xi32>], vector<16xf32>,
      %broadcast_in_dim3A_292 = arith.constant 1 : i32
      %broadcast_in_dim3A_293 = vector.broadcast %broadcast_in_dim3A_292 : i32 to vector<16xi32>
      %gather3A_294 = tpu.vector_load_idx %arg16[%add3A_274, %broadcast_in_dim3A_293] : memref<96x8xf32, #tpu.memory_space<vmem>>[vector<16xi32>, vector<16xi32>], vector<16xf32>,
      %broadcast_in_dim3A_295 = arith.constant 5 : i32
      %broadcast_in_dim3A_296 = vector.broadcast %broadcast_in_dim3A_295 : i32 to vector<16xi32>
      %gather3A_297 = tpu.vector_load_idx %arg18[%add3A_274, %broadcast_in_dim3A_296] : memref<96x8xf32, #tpu.memory_space<vmem>>[vector<16xi32>, vector<16xi32>], vector<16xf32>,
      %add3A_298 = arith.addf %gather3A_294, %gather3A_297 : vector<16xf32>
      %ge3A_299 = arith.constant 0.000000e+00 : f32
      %ge3A_300 = vector.broadcast %ge3A_299 : f32 to vector<16xf32>
      %ge3A_301 = arith.cmpf oge, %add3A_298, %ge3A_300 : vector<16xf32>
      %mul3A_302 = arith.constant 2.000000e-01 : f32
      %mul3A_303 = vector.broadcast %mul3A_302 : f32 to vector<16xf32>
      %mul3A_304 = arith.mulf %add3A_298, %mul3A_303 : vector<16xf32>
      %select_n3A_305 = arith.select %ge3A_301, %add3A_298, %mul3A_304 : vector<16xi1>, vector<16xf32>
      %exp3A_306 = math.exp %select_n3A_305 : vector<16xf32>
      %broadcast_in_dim3A_307 = arith.constant 1 : i32
      %broadcast_in_dim3A_308 = vector.broadcast %broadcast_in_dim3A_307 : i32 to vector<16xi32>
      tpu.vector_store_idx %arg20[%add3A_274, %broadcast_in_dim3A_308], %exp3A_306 : memref<96x16xf32, #tpu.memory_space<vmem>>[vector<16xi32>, vector<16xi32>], vector<16xf32>,
      %broadcast_in_dim3A_309 = arith.constant 2 : i32
      %broadcast_in_dim3A_310 = vector.broadcast %broadcast_in_dim3A_309 : i32 to vector<16xi32>
      %gather3A_311 = tpu.vector_load_idx %arg16[%add3A_274, %broadcast_in_dim3A_310] : memref<96x8xf32, #tpu.memory_space<vmem>>[vector<16xi32>, vector<16xi32>], vector<16xf32>,
      %broadcast_in_dim3A_312 = arith.constant 6 : i32
      %broadcast_in_dim3A_313 = vector.broadcast %broadcast_in_dim3A_312 : i32 to vector<16xi32>
      %gather3A_314 = tpu.vector_load_idx %arg18[%add3A_274, %broadcast_in_dim3A_313] : memref<96x8xf32, #tpu.memory_space<vmem>>[vector<16xi32>, vector<16xi32>], vector<16xf32>,
      %add3A_315 = arith.addf %gather3A_311, %gather3A_314 : vector<16xf32>
      %ge3A_316 = arith.constant 0.000000e+00 : f32
      %ge3A_317 = vector.broadcast %ge3A_316 : f32 to vector<16xf32>
      %ge3A_318 = arith.cmpf oge, %add3A_315, %ge3A_317 : vector<16xf32>
      %mul3A_319 = arith.constant 2.000000e-01 : f32
      %mul3A_320 = vector.broadcast %mul3A_319 : f32 to vector<16xf32>
      %mul3A_321 = arith.mulf %add3A_315, %mul3A_320 : vector<16xf32>
      %select_n3A_322 = arith.select %ge3A_318, %add3A_315, %mul3A_321 : vector<16xi1>, vector<16xf32>
      %exp3A_323 = math.exp %select_n3A_322 : vector<16xf32>
      %broadcast_in_dim3A_324 = arith.constant 2 : i32
      %broadcast_in_dim3A_325 = vector.broadcast %broadcast_in_dim3A_324 : i32 to vector<16xi32>
      tpu.vector_store_idx %arg20[%add3A_274, %broadcast_in_dim3A_325], %exp3A_323 : memref<96x16xf32, #tpu.memory_space<vmem>>[vector<16xi32>, vector<16xi32>], vector<16xf32>,
      %broadcast_in_dim3A_326 = arith.constant 3 : i32
      %broadcast_in_dim3A_327 = vector.broadcast %broadcast_in_dim3A_326 : i32 to vector<16xi32>
      %gather3A_328 = tpu.vector_load_idx %arg16[%add3A_274, %broadcast_in_dim3A_327] : memref<96x8xf32, #tpu.memory_space<vmem>>[vector<16xi32>, vector<16xi32>], vector<16xf32>,
      %broadcast_in_dim3A_329 = arith.constant 7 : i32
      %broadcast_in_dim3A_330 = vector.broadcast %broadcast_in_dim3A_329 : i32 to vector<16xi32>
      %gather3A_331 = tpu.vector_load_idx %arg18[%add3A_274, %broadcast_in_dim3A_330] : memref<96x8xf32, #tpu.memory_space<vmem>>[vector<16xi32>, vector<16xi32>], vector<16xf32>,
      %add3A_332 = arith.addf %gather3A_328, %gather3A_331 : vector<16xf32>
      %ge3A_333 = arith.constant 0.000000e+00 : f32
      %ge3A_334 = vector.broadcast %ge3A_333 : f32 to vector<16xf32>
      %ge3A_335 = arith.cmpf oge, %add3A_332, %ge3A_334 : vector<16xf32>
      %mul3A_336 = arith.constant 2.000000e-01 : f32
      %mul3A_337 = vector.broadcast %mul3A_336 : f32 to vector<16xf32>
      %mul3A_338 = arith.mulf %add3A_332, %mul3A_337 : vector<16xf32>
      %select_n3A_339 = arith.select %ge3A_335, %add3A_332, %mul3A_338 : vector<16xi1>, vector<16xf32>
      %exp3A_340 = math.exp %select_n3A_339 : vector<16xf32>
      %broadcast_in_dim3A_341 = arith.constant 3 : i32
      %broadcast_in_dim3A_342 = vector.broadcast %broadcast_in_dim3A_341 : i32 to vector<16xi32>
      tpu.vector_store_idx %arg20[%add3A_274, %broadcast_in_dim3A_342], %exp3A_340 : memref<96x16xf32, #tpu.memory_space<vmem>>[vector<16xi32>, vector<16xi32>], vector<16xf32>,
      %add3A_343 = arith.constant 32 : i32
      %add3A_344 = vector.broadcast %add3A_343 : i32 to vector<16xi32>
      %add3A_345 = arith.addi %iota3A, %add3A_344 : vector<16xi32>
      %broadcast_in_dim3A_346 = arith.constant 0 : i32
      %broadcast_in_dim3A_347 = vector.broadcast %broadcast_in_dim3A_346 : i32 to vector<16xi32>
      %gather3A_348 = tpu.vector_load_idx %arg16[%add3A_345, %broadcast_in_dim3A_347] : memref<96x8xf32, #tpu.memory_space<vmem>>[vector<16xi32>, vector<16xi32>], vector<16xf32>,
      %broadcast_in_dim3A_349 = arith.constant 4 : i32
      %broadcast_in_dim3A_350 = vector.broadcast %broadcast_in_dim3A_349 : i32 to vector<16xi32>
      %gather3A_351 = tpu.vector_load_idx %arg18[%add3A_345, %broadcast_in_dim3A_350] : memref<96x8xf32, #tpu.memory_space<vmem>>[vector<16xi32>, vector<16xi32>], vector<16xf32>,
      %add3A_352 = arith.addf %gather3A_348, %gather3A_351 : vector<16xf32>
      %ge3A_353 = arith.constant 0.000000e+00 : f32
      %ge3A_354 = vector.broadcast %ge3A_353 : f32 to vector<16xf32>
      %ge3A_355 = arith.cmpf oge, %add3A_352, %ge3A_354 : vector<16xf32>
      %mul3A_356 = arith.constant 2.000000e-01 : f32
      %mul3A_357 = vector.broadcast %mul3A_356 : f32 to vector<16xf32>
      %mul3A_358 = arith.mulf %add3A_352, %mul3A_357 : vector<16xf32>
      %select_n3A_359 = arith.select %ge3A_355, %add3A_352, %mul3A_358 : vector<16xi1>, vector<16xf32>
      %exp3A_360 = math.exp %select_n3A_359 : vector<16xf32>
      %broadcast_in_dim3A_361 = arith.constant 0 : i32
      %broadcast_in_dim3A_362 = vector.broadcast %broadcast_in_dim3A_361 : i32 to vector<16xi32>
      tpu.vector_store_idx %arg20[%add3A_345, %broadcast_in_dim3A_362], %exp3A_360 : memref<96x16xf32, #tpu.memory_space<vmem>>[vector<16xi32>, vector<16xi32>], vector<16xf32>,
      %broadcast_in_dim3A_363 = arith.constant 1 : i32
      %broadcast_in_dim3A_364 = vector.broadcast %broadcast_in_dim3A_363 : i32 to vector<16xi32>
      %gather3A_365 = tpu.vector_load_idx %arg16[%add3A_345, %broadcast_in_dim3A_364] : memref<96x8xf32, #tpu.memory_space<vmem>>[vector<16xi32>, vector<16xi32>], vector<16xf32>,
      %broadcast_in_dim3A_366 = arith.constant 5 : i32
      %broadcast_in_dim3A_367 = vector.broadcast %broadcast_in_dim3A_366 : i32 to vector<16xi32>
      %gather3A_368 = tpu.vector_load_idx %arg18[%add3A_345, %broadcast_in_dim3A_367] : memref<96x8xf32, #tpu.memory_space<vmem>>[vector<16xi32>, vector<16xi32>], vector<16xf32>,
      %add3A_369 = arith.addf %gather3A_365, %gather3A_368 : vector<16xf32>
      %ge3A_370 = arith.constant 0.000000e+00 : f32
      %ge3A_371 = vector.broadcast %ge3A_370 : f32 to vector<16xf32>
      %ge3A_372 = arith.cmpf oge, %add3A_369, %ge3A_371 : vector<16xf32>
      %mul3A_373 = arith.constant 2.000000e-01 : f32
      %mul3A_374 = vector.broadcast %mul3A_373 : f32 to vector<16xf32>
      %mul3A_375 = arith.mulf %add3A_369, %mul3A_374 : vector<16xf32>
      %select_n3A_376 = arith.select %ge3A_372, %add3A_369, %mul3A_375 : vector<16xi1>, vector<16xf32>
      %exp3A_377 = math.exp %select_n3A_376 : vector<16xf32>
      %broadcast_in_dim3A_378 = arith.constant 1 : i32
      %broadcast_in_dim3A_379 = vector.broadcast %broadcast_in_dim3A_378 : i32 to vector<16xi32>
      tpu.vector_store_idx %arg20[%add3A_345, %broadcast_in_dim3A_379], %exp3A_377 : memref<96x16xf32, #tpu.memory_space<vmem>>[vector<16xi32>, vector<16xi32>], vector<16xf32>,
      %broadcast_in_dim3A_380 = arith.constant 2 : i32
      %broadcast_in_dim3A_381 = vector.broadcast %broadcast_in_dim3A_380 : i32 to vector<16xi32>
      %gather3A_382 = tpu.vector_load_idx %arg16[%add3A_345, %broadcast_in_dim3A_381] : memref<96x8xf32, #tpu.memory_space<vmem>>[vector<16xi32>, vector<16xi32>], vector<16xf32>,
      %broadcast_in_dim3A_383 = arith.constant 6 : i32
      %broadcast_in_dim3A_384 = vector.broadcast %broadcast_in_dim3A_383 : i32 to vector<16xi32>
      %gather3A_385 = tpu.vector_load_idx %arg18[%add3A_345, %broadcast_in_dim3A_384] : memref<96x8xf32, #tpu.memory_space<vmem>>[vector<16xi32>, vector<16xi32>], vector<16xf32>,
      %add3A_386 = arith.addf %gather3A_382, %gather3A_385 : vector<16xf32>
      %ge3A_387 = arith.constant 0.000000e+00 : f32
      %ge3A_388 = vector.broadcast %ge3A_387 : f32 to vector<16xf32>
      %ge3A_389 = arith.cmpf oge, %add3A_386, %ge3A_388 : vector<16xf32>
      %mul3A_390 = arith.constant 2.000000e-01 : f32
      %mul3A_391 = vector.broadcast %mul3A_390 : f32 to vector<16xf32>
      %mul3A_392 = arith.mulf %add3A_386, %mul3A_391 : vector<16xf32>
      %select_n3A_393 = arith.select %ge3A_389, %add3A_386, %mul3A_392 : vector<16xi1>, vector<16xf32>
      %exp3A_394 = math.exp %select_n3A_393 : vector<16xf32>
      %broadcast_in_dim3A_395 = arith.constant 2 : i32
      %broadcast_in_dim3A_396 = vector.broadcast %broadcast_in_dim3A_395 : i32 to vector<16xi32>
      tpu.vector_store_idx %arg20[%add3A_345, %broadcast_in_dim3A_396], %exp3A_394 : memref<96x16xf32, #tpu.memory_space<vmem>>[vector<16xi32>, vector<16xi32>], vector<16xf32>,
      %broadcast_in_dim3A_397 = arith.constant 3 : i32
      %broadcast_in_dim3A_398 = vector.broadcast %broadcast_in_dim3A_397 : i32 to vector<16xi32>
      %gather3A_399 = tpu.vector_load_idx %arg16[%add3A_345, %broadcast_in_dim3A_398] : memref<96x8xf32, #tpu.memory_space<vmem>>[vector<16xi32>, vector<16xi32>], vector<16xf32>,
      %broadcast_in_dim3A_400 = arith.constant 7 : i32
      %broadcast_in_dim3A_401 = vector.broadcast %broadcast_in_dim3A_400 : i32 to vector<16xi32>
      %gather3A_402 = tpu.vector_load_idx %arg18[%add3A_345, %broadcast_in_dim3A_401] : memref<96x8xf32, #tpu.memory_space<vmem>>[vector<16xi32>, vector<16xi32>], vector<16xf32>,
      %add3A_403 = arith.addf %gather3A_399, %gather3A_402 : vector<16xf32>
      %ge3A_404 = arith.constant 0.000000e+00 : f32
      %ge3A_405 = vector.broadcast %ge3A_404 : f32 to vector<16xf32>
      %ge3A_406 = arith.cmpf oge, %add3A_403, %ge3A_405 : vector<16xf32>
      %mul3A_407 = arith.constant 2.000000e-01 : f32
      %mul3A_408 = vector.broadcast %mul3A_407 : f32 to vector<16xf32>
      %mul3A_409 = arith.mulf %add3A_403, %mul3A_408 : vector<16xf32>
      %select_n3A_410 = arith.select %ge3A_406, %add3A_403, %mul3A_409 : vector<16xi1>, vector<16xf32>
      %exp3A_411 = math.exp %select_n3A_410 : vector<16xf32>
      %broadcast_in_dim3A_412 = arith.constant 3 : i32
      %broadcast_in_dim3A_413 = vector.broadcast %broadcast_in_dim3A_412 : i32 to vector<16xi32>
      tpu.vector_store_idx %arg20[%add3A_345, %broadcast_in_dim3A_413], %exp3A_411 : memref<96x16xf32, #tpu.memory_space<vmem>>[vector<16xi32>, vector<16xi32>], vector<16xf32>,
      %add3A_414 = arith.constant 48 : i32
      %add3A_415 = vector.broadcast %add3A_414 : i32 to vector<16xi32>
      %add3A_416 = arith.addi %iota3A, %add3A_415 : vector<16xi32>
      %broadcast_in_dim3A_417 = arith.constant 0 : i32
      %broadcast_in_dim3A_418 = vector.broadcast %broadcast_in_dim3A_417 : i32 to vector<16xi32>
      %gather3A_419 = tpu.vector_load_idx %arg16[%add3A_416, %broadcast_in_dim3A_418] : memref<96x8xf32, #tpu.memory_space<vmem>>[vector<16xi32>, vector<16xi32>], vector<16xf32>,
      %broadcast_in_dim3A_420 = arith.constant 4 : i32
      %broadcast_in_dim3A_421 = vector.broadcast %broadcast_in_dim3A_420 : i32 to vector<16xi32>
      %gather3A_422 = tpu.vector_load_idx %arg18[%add3A_416, %broadcast_in_dim3A_421] : memref<96x8xf32, #tpu.memory_space<vmem>>[vector<16xi32>, vector<16xi32>], vector<16xf32>,
      %add3A_423 = arith.addf %gather3A_419, %gather3A_422 : vector<16xf32>
      %ge3A_424 = arith.constant 0.000000e+00 : f32
      %ge3A_425 = vector.broadcast %ge3A_424 : f32 to vector<16xf32>
      %ge3A_426 = arith.cmpf oge, %add3A_423, %ge3A_425 : vector<16xf32>
      %mul3A_427 = arith.constant 2.000000e-01 : f32
      %mul3A_428 = vector.broadcast %mul3A_427 : f32 to vector<16xf32>
      %mul3A_429 = arith.mulf %add3A_423, %mul3A_428 : vector<16xf32>
      %select_n3A_430 = arith.select %ge3A_426, %add3A_423, %mul3A_429 : vector<16xi1>, vector<16xf32>
      %exp3A_431 = math.exp %select_n3A_430 : vector<16xf32>
      %broadcast_in_dim3A_432 = arith.constant 0 : i32
      %broadcast_in_dim3A_433 = vector.broadcast %broadcast_in_dim3A_432 : i32 to vector<16xi32>
      tpu.vector_store_idx %arg20[%add3A_416, %broadcast_in_dim3A_433], %exp3A_431 : memref<96x16xf32, #tpu.memory_space<vmem>>[vector<16xi32>, vector<16xi32>], vector<16xf32>,
      %broadcast_in_dim3A_434 = arith.constant 1 : i32
      %broadcast_in_dim3A_435 = vector.broadcast %broadcast_in_dim3A_434 : i32 to vector<16xi32>
      %gather3A_436 = tpu.vector_load_idx %arg16[%add3A_416, %broadcast_in_dim3A_435] : memref<96x8xf32, #tpu.memory_space<vmem>>[vector<16xi32>, vector<16xi32>], vector<16xf32>,
      %broadcast_in_dim3A_437 = arith.constant 5 : i32
      %broadcast_in_dim3A_438 = vector.broadcast %broadcast_in_dim3A_437 : i32 to vector<16xi32>
      %gather3A_439 = tpu.vector_load_idx %arg18[%add3A_416, %broadcast_in_dim3A_438] : memref<96x8xf32, #tpu.memory_space<vmem>>[vector<16xi32>, vector<16xi32>], vector<16xf32>,
      %add3A_440 = arith.addf %gather3A_436, %gather3A_439 : vector<16xf32>
      %ge3A_441 = arith.constant 0.000000e+00 : f32
      %ge3A_442 = vector.broadcast %ge3A_441 : f32 to vector<16xf32>
      %ge3A_443 = arith.cmpf oge, %add3A_440, %ge3A_442 : vector<16xf32>
      %mul3A_444 = arith.constant 2.000000e-01 : f32
      %mul3A_445 = vector.broadcast %mul3A_444 : f32 to vector<16xf32>
      %mul3A_446 = arith.mulf %add3A_440, %mul3A_445 : vector<16xf32>
      %select_n3A_447 = arith.select %ge3A_443, %add3A_440, %mul3A_446 : vector<16xi1>, vector<16xf32>
      %exp3A_448 = math.exp %select_n3A_447 : vector<16xf32>
      %broadcast_in_dim3A_449 = arith.constant 1 : i32
      %broadcast_in_dim3A_450 = vector.broadcast %broadcast_in_dim3A_449 : i32 to vector<16xi32>
      tpu.vector_store_idx %arg20[%add3A_416, %broadcast_in_dim3A_450], %exp3A_448 : memref<96x16xf32, #tpu.memory_space<vmem>>[vector<16xi32>, vector<16xi32>], vector<16xf32>,
      %broadcast_in_dim3A_451 = arith.constant 2 : i32
      %broadcast_in_dim3A_452 = vector.broadcast %broadcast_in_dim3A_451 : i32 to vector<16xi32>
      %gather3A_453 = tpu.vector_load_idx %arg16[%add3A_416, %broadcast_in_dim3A_452] : memref<96x8xf32, #tpu.memory_space<vmem>>[vector<16xi32>, vector<16xi32>], vector<16xf32>,
      %broadcast_in_dim3A_454 = arith.constant 6 : i32
      %broadcast_in_dim3A_455 = vector.broadcast %broadcast_in_dim3A_454 : i32 to vector<16xi32>
      %gather3A_456 = tpu.vector_load_idx %arg18[%add3A_416, %broadcast_in_dim3A_455] : memref<96x8xf32, #tpu.memory_space<vmem>>[vector<16xi32>, vector<16xi32>], vector<16xf32>,
      %add3A_457 = arith.addf %gather3A_453, %gather3A_456 : vector<16xf32>
      %ge3A_458 = arith.constant 0.000000e+00 : f32
      %ge3A_459 = vector.broadcast %ge3A_458 : f32 to vector<16xf32>
      %ge3A_460 = arith.cmpf oge, %add3A_457, %ge3A_459 : vector<16xf32>
      %mul3A_461 = arith.constant 2.000000e-01 : f32
      %mul3A_462 = vector.broadcast %mul3A_461 : f32 to vector<16xf32>
      %mul3A_463 = arith.mulf %add3A_457, %mul3A_462 : vector<16xf32>
      %select_n3A_464 = arith.select %ge3A_460, %add3A_457, %mul3A_463 : vector<16xi1>, vector<16xf32>
      %exp3A_465 = math.exp %select_n3A_464 : vector<16xf32>
      %broadcast_in_dim3A_466 = arith.constant 2 : i32
      %broadcast_in_dim3A_467 = vector.broadcast %broadcast_in_dim3A_466 : i32 to vector<16xi32>
      tpu.vector_store_idx %arg20[%add3A_416, %broadcast_in_dim3A_467], %exp3A_465 : memref<96x16xf32, #tpu.memory_space<vmem>>[vector<16xi32>, vector<16xi32>], vector<16xf32>,
      %broadcast_in_dim3A_468 = arith.constant 3 : i32
      %broadcast_in_dim3A_469 = vector.broadcast %broadcast_in_dim3A_468 : i32 to vector<16xi32>
      %gather3A_470 = tpu.vector_load_idx %arg16[%add3A_416, %broadcast_in_dim3A_469] : memref<96x8xf32, #tpu.memory_space<vmem>>[vector<16xi32>, vector<16xi32>], vector<16xf32>,
      %broadcast_in_dim3A_471 = arith.constant 7 : i32
      %broadcast_in_dim3A_472 = vector.broadcast %broadcast_in_dim3A_471 : i32 to vector<16xi32>
      %gather3A_473 = tpu.vector_load_idx %arg18[%add3A_416, %broadcast_in_dim3A_472] : memref<96x8xf32, #tpu.memory_space<vmem>>[vector<16xi32>, vector<16xi32>], vector<16xf32>,
      %add3A_474 = arith.addf %gather3A_470, %gather3A_473 : vector<16xf32>
      %ge3A_475 = arith.constant 0.000000e+00 : f32
      %ge3A_476 = vector.broadcast %ge3A_475 : f32 to vector<16xf32>
      %ge3A_477 = arith.cmpf oge, %add3A_474, %ge3A_476 : vector<16xf32>
      %mul3A_478 = arith.constant 2.000000e-01 : f32
      %mul3A_479 = vector.broadcast %mul3A_478 : f32 to vector<16xf32>
      %mul3A_480 = arith.mulf %add3A_474, %mul3A_479 : vector<16xf32>
      %select_n3A_481 = arith.select %ge3A_477, %add3A_474, %mul3A_480 : vector<16xi1>, vector<16xf32>
      %exp3A_482 = math.exp %select_n3A_481 : vector<16xf32>
      %broadcast_in_dim3A_483 = arith.constant 3 : i32
      %broadcast_in_dim3A_484 = vector.broadcast %broadcast_in_dim3A_483 : i32 to vector<16xi32>
      tpu.vector_store_idx %arg20[%add3A_416, %broadcast_in_dim3A_484], %exp3A_482 : memref<96x16xf32, #tpu.memory_space<vmem>>[vector<16xi32>, vector<16xi32>], vector<16xf32>,
      %add3A_485 = arith.constant 64 : i32
      %add3A_486 = vector.broadcast %add3A_485 : i32 to vector<16xi32>
      %add3A_487 = arith.addi %iota3A, %add3A_486 : vector<16xi32>
      %broadcast_in_dim3A_488 = arith.constant 0 : i32
      %broadcast_in_dim3A_489 = vector.broadcast %broadcast_in_dim3A_488 : i32 to vector<16xi32>
      %gather3A_490 = tpu.vector_load_idx %arg16[%add3A_487, %broadcast_in_dim3A_489] : memref<96x8xf32, #tpu.memory_space<vmem>>[vector<16xi32>, vector<16xi32>], vector<16xf32>,
      %broadcast_in_dim3A_491 = arith.constant 4 : i32
      %broadcast_in_dim3A_492 = vector.broadcast %broadcast_in_dim3A_491 : i32 to vector<16xi32>
      %gather3A_493 = tpu.vector_load_idx %arg18[%add3A_487, %broadcast_in_dim3A_492] : memref<96x8xf32, #tpu.memory_space<vmem>>[vector<16xi32>, vector<16xi32>], vector<16xf32>,
      %add3A_494 = arith.addf %gather3A_490, %gather3A_493 : vector<16xf32>
      %ge3A_495 = arith.constant 0.000000e+00 : f32
      %ge3A_496 = vector.broadcast %ge3A_495 : f32 to vector<16xf32>
      %ge3A_497 = arith.cmpf oge, %add3A_494, %ge3A_496 : vector<16xf32>
      %mul3A_498 = arith.constant 2.000000e-01 : f32
      %mul3A_499 = vector.broadcast %mul3A_498 : f32 to vector<16xf32>
      %mul3A_500 = arith.mulf %add3A_494, %mul3A_499 : vector<16xf32>
      %select_n3A_501 = arith.select %ge3A_497, %add3A_494, %mul3A_500 : vector<16xi1>, vector<16xf32>
      %exp3A_502 = math.exp %select_n3A_501 : vector<16xf32>
      %broadcast_in_dim3A_503 = arith.constant 0 : i32
      %broadcast_in_dim3A_504 = vector.broadcast %broadcast_in_dim3A_503 : i32 to vector<16xi32>
      tpu.vector_store_idx %arg20[%add3A_487, %broadcast_in_dim3A_504], %exp3A_502 : memref<96x16xf32, #tpu.memory_space<vmem>>[vector<16xi32>, vector<16xi32>], vector<16xf32>,
      %broadcast_in_dim3A_505 = arith.constant 1 : i32
      %broadcast_in_dim3A_506 = vector.broadcast %broadcast_in_dim3A_505 : i32 to vector<16xi32>
      %gather3A_507 = tpu.vector_load_idx %arg16[%add3A_487, %broadcast_in_dim3A_506] : memref<96x8xf32, #tpu.memory_space<vmem>>[vector<16xi32>, vector<16xi32>], vector<16xf32>,
      %broadcast_in_dim3A_508 = arith.constant 5 : i32
      %broadcast_in_dim3A_509 = vector.broadcast %broadcast_in_dim3A_508 : i32 to vector<16xi32>
      %gather3A_510 = tpu.vector_load_idx %arg18[%add3A_487, %broadcast_in_dim3A_509] : memref<96x8xf32, #tpu.memory_space<vmem>>[vector<16xi32>, vector<16xi32>], vector<16xf32>,
      %add3A_511 = arith.addf %gather3A_507, %gather3A_510 : vector<16xf32>
      %ge3A_512 = arith.constant 0.000000e+00 : f32
      %ge3A_513 = vector.broadcast %ge3A_512 : f32 to vector<16xf32>
      %ge3A_514 = arith.cmpf oge, %add3A_511, %ge3A_513 : vector<16xf32>
      %mul3A_515 = arith.constant 2.000000e-01 : f32
      %mul3A_516 = vector.broadcast %mul3A_515 : f32 to vector<16xf32>
      %mul3A_517 = arith.mulf %add3A_511, %mul3A_516 : vector<16xf32>
      %select_n3A_518 = arith.select %ge3A_514, %add3A_511, %mul3A_517 : vector<16xi1>, vector<16xf32>
      %exp3A_519 = math.exp %select_n3A_518 : vector<16xf32>
      %broadcast_in_dim3A_520 = arith.constant 1 : i32
      %broadcast_in_dim3A_521 = vector.broadcast %broadcast_in_dim3A_520 : i32 to vector<16xi32>
      tpu.vector_store_idx %arg20[%add3A_487, %broadcast_in_dim3A_521], %exp3A_519 : memref<96x16xf32, #tpu.memory_space<vmem>>[vector<16xi32>, vector<16xi32>], vector<16xf32>,
      %broadcast_in_dim3A_522 = arith.constant 2 : i32
      %broadcast_in_dim3A_523 = vector.broadcast %broadcast_in_dim3A_522 : i32 to vector<16xi32>
      %gather3A_524 = tpu.vector_load_idx %arg16[%add3A_487, %broadcast_in_dim3A_523] : memref<96x8xf32, #tpu.memory_space<vmem>>[vector<16xi32>, vector<16xi32>], vector<16xf32>,
      %broadcast_in_dim3A_525 = arith.constant 6 : i32
      %broadcast_in_dim3A_526 = vector.broadcast %broadcast_in_dim3A_525 : i32 to vector<16xi32>
      %gather3A_527 = tpu.vector_load_idx %arg18[%add3A_487, %broadcast_in_dim3A_526] : memref<96x8xf32, #tpu.memory_space<vmem>>[vector<16xi32>, vector<16xi32>], vector<16xf32>,
      %add3A_528 = arith.addf %gather3A_524, %gather3A_527 : vector<16xf32>
      %ge3A_529 = arith.constant 0.000000e+00 : f32
      %ge3A_530 = vector.broadcast %ge3A_529 : f32 to vector<16xf32>
      %ge3A_531 = arith.cmpf oge, %add3A_528, %ge3A_530 : vector<16xf32>
      %mul3A_532 = arith.constant 2.000000e-01 : f32
      %mul3A_533 = vector.broadcast %mul3A_532 : f32 to vector<16xf32>
      %mul3A_534 = arith.mulf %add3A_528, %mul3A_533 : vector<16xf32>
      %select_n3A_535 = arith.select %ge3A_531, %add3A_528, %mul3A_534 : vector<16xi1>, vector<16xf32>
      %exp3A_536 = math.exp %select_n3A_535 : vector<16xf32>
      %broadcast_in_dim3A_537 = arith.constant 2 : i32
      %broadcast_in_dim3A_538 = vector.broadcast %broadcast_in_dim3A_537 : i32 to vector<16xi32>
      tpu.vector_store_idx %arg20[%add3A_487, %broadcast_in_dim3A_538], %exp3A_536 : memref<96x16xf32, #tpu.memory_space<vmem>>[vector<16xi32>, vector<16xi32>], vector<16xf32>,
      %broadcast_in_dim3A_539 = arith.constant 3 : i32
      %broadcast_in_dim3A_540 = vector.broadcast %broadcast_in_dim3A_539 : i32 to vector<16xi32>
      %gather3A_541 = tpu.vector_load_idx %arg16[%add3A_487, %broadcast_in_dim3A_540] : memref<96x8xf32, #tpu.memory_space<vmem>>[vector<16xi32>, vector<16xi32>], vector<16xf32>,
      %broadcast_in_dim3A_542 = arith.constant 7 : i32
      %broadcast_in_dim3A_543 = vector.broadcast %broadcast_in_dim3A_542 : i32 to vector<16xi32>
      %gather3A_544 = tpu.vector_load_idx %arg18[%add3A_487, %broadcast_in_dim3A_543] : memref<96x8xf32, #tpu.memory_space<vmem>>[vector<16xi32>, vector<16xi32>], vector<16xf32>,
      %add3A_545 = arith.addf %gather3A_541, %gather3A_544 : vector<16xf32>
      %ge3A_546 = arith.constant 0.000000e+00 : f32
      %ge3A_547 = vector.broadcast %ge3A_546 : f32 to vector<16xf32>
      %ge3A_548 = arith.cmpf oge, %add3A_545, %ge3A_547 : vector<16xf32>
      %mul3A_549 = arith.constant 2.000000e-01 : f32
      %mul3A_550 = vector.broadcast %mul3A_549 : f32 to vector<16xf32>
      %mul3A_551 = arith.mulf %add3A_545, %mul3A_550 : vector<16xf32>
      %select_n3A_552 = arith.select %ge3A_548, %add3A_545, %mul3A_551 : vector<16xi1>, vector<16xf32>
      %exp3A_553 = math.exp %select_n3A_552 : vector<16xf32>
      %broadcast_in_dim3A_554 = arith.constant 3 : i32
      %broadcast_in_dim3A_555 = vector.broadcast %broadcast_in_dim3A_554 : i32 to vector<16xi32>
      tpu.vector_store_idx %arg20[%add3A_487, %broadcast_in_dim3A_555], %exp3A_553 : memref<96x16xf32, #tpu.memory_space<vmem>>[vector<16xi32>, vector<16xi32>], vector<16xf32>,
      %add3A_556 = arith.constant 80 : i32
      %add3A_557 = vector.broadcast %add3A_556 : i32 to vector<16xi32>
      %add3A_558 = arith.addi %iota3A, %add3A_557 : vector<16xi32>
      %broadcast_in_dim3A_559 = arith.constant 0 : i32
      %broadcast_in_dim3A_560 = vector.broadcast %broadcast_in_dim3A_559 : i32 to vector<16xi32>
      %gather3A_561 = tpu.vector_load_idx %arg16[%add3A_558, %broadcast_in_dim3A_560] : memref<96x8xf32, #tpu.memory_space<vmem>>[vector<16xi32>, vector<16xi32>], vector<16xf32>,
      %broadcast_in_dim3A_562 = arith.constant 4 : i32
      %broadcast_in_dim3A_563 = vector.broadcast %broadcast_in_dim3A_562 : i32 to vector<16xi32>
      %gather3A_564 = tpu.vector_load_idx %arg18[%add3A_558, %broadcast_in_dim3A_563] : memref<96x8xf32, #tpu.memory_space<vmem>>[vector<16xi32>, vector<16xi32>], vector<16xf32>,
      %add3A_565 = arith.addf %gather3A_561, %gather3A_564 : vector<16xf32>
      %ge3A_566 = arith.constant 0.000000e+00 : f32
      %ge3A_567 = vector.broadcast %ge3A_566 : f32 to vector<16xf32>
      %ge3A_568 = arith.cmpf oge, %add3A_565, %ge3A_567 : vector<16xf32>
      %mul3A_569 = arith.constant 2.000000e-01 : f32
      %mul3A_570 = vector.broadcast %mul3A_569 : f32 to vector<16xf32>
      %mul3A_571 = arith.mulf %add3A_565, %mul3A_570 : vector<16xf32>
      %select_n3A_572 = arith.select %ge3A_568, %add3A_565, %mul3A_571 : vector<16xi1>, vector<16xf32>
      %exp3A_573 = math.exp %select_n3A_572 : vector<16xf32>
      %broadcast_in_dim3A_574 = arith.constant 0 : i32
      %broadcast_in_dim3A_575 = vector.broadcast %broadcast_in_dim3A_574 : i32 to vector<16xi32>
      tpu.vector_store_idx %arg20[%add3A_558, %broadcast_in_dim3A_575], %exp3A_573 : memref<96x16xf32, #tpu.memory_space<vmem>>[vector<16xi32>, vector<16xi32>], vector<16xf32>,
      %broadcast_in_dim3A_576 = arith.constant 1 : i32
      %broadcast_in_dim3A_577 = vector.broadcast %broadcast_in_dim3A_576 : i32 to vector<16xi32>
      %gather3A_578 = tpu.vector_load_idx %arg16[%add3A_558, %broadcast_in_dim3A_577] : memref<96x8xf32, #tpu.memory_space<vmem>>[vector<16xi32>, vector<16xi32>], vector<16xf32>,
      %broadcast_in_dim3A_579 = arith.constant 5 : i32
      %broadcast_in_dim3A_580 = vector.broadcast %broadcast_in_dim3A_579 : i32 to vector<16xi32>
      %gather3A_581 = tpu.vector_load_idx %arg18[%add3A_558, %broadcast_in_dim3A_580] : memref<96x8xf32, #tpu.memory_space<vmem>>[vector<16xi32>, vector<16xi32>], vector<16xf32>,
      %add3A_582 = arith.addf %gather3A_578, %gather3A_581 : vector<16xf32>
      %ge3A_583 = arith.constant 0.000000e+00 : f32
      %ge3A_584 = vector.broadcast %ge3A_583 : f32 to vector<16xf32>
      %ge3A_585 = arith.cmpf oge, %add3A_582, %ge3A_584 : vector<16xf32>
      %mul3A_586 = arith.constant 2.000000e-01 : f32
      %mul3A_587 = vector.broadcast %mul3A_586 : f32 to vector<16xf32>
      %mul3A_588 = arith.mulf %add3A_582, %mul3A_587 : vector<16xf32>
      %select_n3A_589 = arith.select %ge3A_585, %add3A_582, %mul3A_588 : vector<16xi1>, vector<16xf32>
      %exp3A_590 = math.exp %select_n3A_589 : vector<16xf32>
      %broadcast_in_dim3A_591 = arith.constant 1 : i32
      %broadcast_in_dim3A_592 = vector.broadcast %broadcast_in_dim3A_591 : i32 to vector<16xi32>
      tpu.vector_store_idx %arg20[%add3A_558, %broadcast_in_dim3A_592], %exp3A_590 : memref<96x16xf32, #tpu.memory_space<vmem>>[vector<16xi32>, vector<16xi32>], vector<16xf32>,
      %broadcast_in_dim3A_593 = arith.constant 2 : i32
      %broadcast_in_dim3A_594 = vector.broadcast %broadcast_in_dim3A_593 : i32 to vector<16xi32>
      %gather3A_595 = tpu.vector_load_idx %arg16[%add3A_558, %broadcast_in_dim3A_594] : memref<96x8xf32, #tpu.memory_space<vmem>>[vector<16xi32>, vector<16xi32>], vector<16xf32>,
      %broadcast_in_dim3A_596 = arith.constant 6 : i32
      %broadcast_in_dim3A_597 = vector.broadcast %broadcast_in_dim3A_596 : i32 to vector<16xi32>
      %gather3A_598 = tpu.vector_load_idx %arg18[%add3A_558, %broadcast_in_dim3A_597] : memref<96x8xf32, #tpu.memory_space<vmem>>[vector<16xi32>, vector<16xi32>], vector<16xf32>,
      %add3A_599 = arith.addf %gather3A_595, %gather3A_598 : vector<16xf32>
      %ge3A_600 = arith.constant 0.000000e+00 : f32
      %ge3A_601 = vector.broadcast %ge3A_600 : f32 to vector<16xf32>
      %ge3A_602 = arith.cmpf oge, %add3A_599, %ge3A_601 : vector<16xf32>
      %mul3A_603 = arith.constant 2.000000e-01 : f32
      %mul3A_604 = vector.broadcast %mul3A_603 : f32 to vector<16xf32>
      %mul3A_605 = arith.mulf %add3A_599, %mul3A_604 : vector<16xf32>
      %select_n3A_606 = arith.select %ge3A_602, %add3A_599, %mul3A_605 : vector<16xi1>, vector<16xf32>
      %exp3A_607 = math.exp %select_n3A_606 : vector<16xf32>
      %broadcast_in_dim3A_608 = arith.constant 2 : i32
      %broadcast_in_dim3A_609 = vector.broadcast %broadcast_in_dim3A_608 : i32 to vector<16xi32>
      tpu.vector_store_idx %arg20[%add3A_558, %broadcast_in_dim3A_609], %exp3A_607 : memref<96x16xf32, #tpu.memory_space<vmem>>[vector<16xi32>, vector<16xi32>], vector<16xf32>,
      %broadcast_in_dim3A_610 = arith.constant 3 : i32
      %broadcast_in_dim3A_611 = vector.broadcast %broadcast_in_dim3A_610 : i32 to vector<16xi32>
      %gather3A_612 = tpu.vector_load_idx %arg16[%add3A_558, %broadcast_in_dim3A_611] : memref<96x8xf32, #tpu.memory_space<vmem>>[vector<16xi32>, vector<16xi32>], vector<16xf32>,
      %broadcast_in_dim3A_613 = arith.constant 7 : i32
      %broadcast_in_dim3A_614 = vector.broadcast %broadcast_in_dim3A_613 : i32 to vector<16xi32>
      %gather3A_615 = tpu.vector_load_idx %arg18[%add3A_558, %broadcast_in_dim3A_614] : memref<96x8xf32, #tpu.memory_space<vmem>>[vector<16xi32>, vector<16xi32>], vector<16xf32>,
      %add3A_616 = arith.addf %gather3A_612, %gather3A_615 : vector<16xf32>
      %ge3A_617 = arith.constant 0.000000e+00 : f32
      %ge3A_618 = vector.broadcast %ge3A_617 : f32 to vector<16xf32>
      %ge3A_619 = arith.cmpf oge, %add3A_616, %ge3A_618 : vector<16xf32>
      %mul3A_620 = arith.constant 2.000000e-01 : f32
      %mul3A_621 = vector.broadcast %mul3A_620 : f32 to vector<16xf32>
      %mul3A_622 = arith.mulf %add3A_616, %mul3A_621 : vector<16xf32>
      %select_n3A_623 = arith.select %ge3A_619, %add3A_616, %mul3A_622 : vector<16xi1>, vector<16xf32>
      %exp3A_624 = math.exp %select_n3A_623 : vector<16xf32>
      %broadcast_in_dim3A_625 = arith.constant 3 : i32
      %broadcast_in_dim3A_626 = vector.broadcast %broadcast_in_dim3A_625 : i32 to vector<16xi32>
      tpu.vector_store_idx %arg20[%add3A_558, %broadcast_in_dim3A_626], %exp3A_624 : memref<96x16xf32, #tpu.memory_space<vmem>>[vector<16xi32>, vector<16xi32>], vector<16xf32>,
      %scan3A_627 = arith.constant 0 : i32
      %scan3A_628 = arith.constant 0 : i32
      %scan3A_629 = arith.constant 96 : i32
      %scan3A_630 = arith.addi %scan3A_628, %scan3A_629 : i32
      %scan3A_631 = arith.constant 4 : i32
      %scan3A_632 = scf.for %scan3A_1105 = %scan3A_628 to %scan3A_630 step %scan3A_631 iter_args(%scan3A_1106 = %scan3A_627) -> (i32)  : i32 {
        %broadcast_in_dim3A_1107 = vector.broadcast %scan3A_1105 : i32 to vector<16xi32>
        %gather3A_1108 = tpu.vector_load_idx %arg20[%broadcast_in_dim3A_1107, %rem3A_41] : memref<96x16xf32, #tpu.memory_space<vmem>>[vector<16xi32>, vector<16xi32>], vector<16xf32>,
        %get3A = arith.index_cast %scan3A_1105 : i32 to index
        %get3A_1109 = arith.constant 0 : index
        %get3A_1110 = tpu.vector_load %arg14[%get3A, %get3A_1109] {strides = array<i32>} : memref<96x128xf32, #tpu.memory_space<vmem>>, vector<16xf32>,
        %mul3A_1111 = arith.mulf %get3A_1110, %gather3A_1108 : vector<16xf32>
        %swap3A = arith.index_cast %scan3A_1105 : i32 to index
        %swap3A_1112 = arith.constant 0 : index
        %swap3A_1113 = tpu.vector_load %arg14[%swap3A, %swap3A_1112] {strides = array<i32>} : memref<96x128xf32, #tpu.memory_space<vmem>>, vector<16xf32>,
        tpu.vector_store %arg14[%swap3A, %swap3A_1112], %mul3A_1111 {strides = array<i32>} : memref<96x128xf32, #tpu.memory_space<vmem>>, vector<16xf32>,
        %get3A_1114 = arith.index_cast %scan3A_1105 : i32 to index
        %get3A_1115 = arith.constant 16 : index
        %get3A_1116 = tpu.vector_load %arg14[%get3A_1114, %get3A_1115] {strides = array<i32>} : memref<96x128xf32, #tpu.memory_space<vmem>>, vector<16xf32>,
        %mul3A_1117 = arith.mulf %get3A_1116, %gather3A_1108 : vector<16xf32>
        %swap3A_1118 = arith.index_cast %scan3A_1105 : i32 to index
        %swap3A_1119 = arith.constant 16 : index
        %swap3A_1120 = tpu.vector_load %arg14[%swap3A_1118, %swap3A_1119] {strides = array<i32>} : memref<96x128xf32, #tpu.memory_space<vmem>>, vector<16xf32>,
        tpu.vector_store %arg14[%swap3A_1118, %swap3A_1119], %mul3A_1117 {strides = array<i32>} : memref<96x128xf32, #tpu.memory_space<vmem>>, vector<16xf32>,
        %get3A_1121 = arith.index_cast %scan3A_1105 : i32 to index
        %get3A_1122 = arith.constant 32 : index
        %get3A_1123 = tpu.vector_load %arg14[%get3A_1121, %get3A_1122] {strides = array<i32>} : memref<96x128xf32, #tpu.memory_space<vmem>>, vector<16xf32>,
        %mul3A_1124 = arith.mulf %get3A_1123, %gather3A_1108 : vector<16xf32>
        %swap3A_1125 = arith.index_cast %scan3A_1105 : i32 to index
        %swap3A_1126 = arith.constant 32 : index
        %swap3A_1127 = tpu.vector_load %arg14[%swap3A_1125, %swap3A_1126] {strides = array<i32>} : memref<96x128xf32, #tpu.memory_space<vmem>>, vector<16xf32>,
        tpu.vector_store %arg14[%swap3A_1125, %swap3A_1126], %mul3A_1124 {strides = array<i32>} : memref<96x128xf32, #tpu.memory_space<vmem>>, vector<16xf32>,
        %get3A_1128 = arith.index_cast %scan3A_1105 : i32 to index
        %get3A_1129 = arith.constant 48 : index
        %get3A_1130 = tpu.vector_load %arg14[%get3A_1128, %get3A_1129] {strides = array<i32>} : memref<96x128xf32, #tpu.memory_space<vmem>>, vector<16xf32>,
        %mul3A_1131 = arith.mulf %get3A_1130, %gather3A_1108 : vector<16xf32>
        %swap3A_1132 = arith.index_cast %scan3A_1105 : i32 to index
        %swap3A_1133 = arith.constant 48 : index
        %swap3A_1134 = tpu.vector_load %arg14[%swap3A_1132, %swap3A_1133] {strides = array<i32>} : memref<96x128xf32, #tpu.memory_space<vmem>>, vector<16xf32>,
        tpu.vector_store %arg14[%swap3A_1132, %swap3A_1133], %mul3A_1131 {strides = array<i32>} : memref<96x128xf32, #tpu.memory_space<vmem>>, vector<16xf32>,
        %get3A_1135 = arith.index_cast %scan3A_1105 : i32 to index
        %get3A_1136 = arith.constant 64 : index
        %get3A_1137 = tpu.vector_load %arg14[%get3A_1135, %get3A_1136] {strides = array<i32>} : memref<96x128xf32, #tpu.memory_space<vmem>>, vector<16xf32>,
        %mul3A_1138 = arith.mulf %get3A_1137, %gather3A_1108 : vector<16xf32>
        %swap3A_1139 = arith.index_cast %scan3A_1105 : i32 to index
        %swap3A_1140 = arith.constant 64 : index
        %swap3A_1141 = tpu.vector_load %arg14[%swap3A_1139, %swap3A_1140] {strides = array<i32>} : memref<96x128xf32, #tpu.memory_space<vmem>>, vector<16xf32>,
        tpu.vector_store %arg14[%swap3A_1139, %swap3A_1140], %mul3A_1138 {strides = array<i32>} : memref<96x128xf32, #tpu.memory_space<vmem>>, vector<16xf32>,
        %get3A_1142 = arith.index_cast %scan3A_1105 : i32 to index
        %get3A_1143 = arith.constant 80 : index
        %get3A_1144 = tpu.vector_load %arg14[%get3A_1142, %get3A_1143] {strides = array<i32>} : memref<96x128xf32, #tpu.memory_space<vmem>>, vector<16xf32>,
        %mul3A_1145 = arith.mulf %get3A_1144, %gather3A_1108 : vector<16xf32>
        %swap3A_1146 = arith.index_cast %scan3A_1105 : i32 to index
        %swap3A_1147 = arith.constant 80 : index
        %swap3A_1148 = tpu.vector_load %arg14[%swap3A_1146, %swap3A_1147] {strides = array<i32>} : memref<96x128xf32, #tpu.memory_space<vmem>>, vector<16xf32>,
        tpu.vector_store %arg14[%swap3A_1146, %swap3A_1147], %mul3A_1145 {strides = array<i32>} : memref<96x128xf32, #tpu.memory_space<vmem>>, vector<16xf32>,
        %get3A_1149 = arith.index_cast %scan3A_1105 : i32 to index
        %get3A_1150 = arith.constant 96 : index
        %get3A_1151 = tpu.vector_load %arg14[%get3A_1149, %get3A_1150] {strides = array<i32>} : memref<96x128xf32, #tpu.memory_space<vmem>>, vector<16xf32>,
        %mul3A_1152 = arith.mulf %get3A_1151, %gather3A_1108 : vector<16xf32>
        %swap3A_1153 = arith.index_cast %scan3A_1105 : i32 to index
        %swap3A_1154 = arith.constant 96 : index
        %swap3A_1155 = tpu.vector_load %arg14[%swap3A_1153, %swap3A_1154] {strides = array<i32>} : memref<96x128xf32, #tpu.memory_space<vmem>>, vector<16xf32>,
        tpu.vector_store %arg14[%swap3A_1153, %swap3A_1154], %mul3A_1152 {strides = array<i32>} : memref<96x128xf32, #tpu.memory_space<vmem>>, vector<16xf32>,
        %get3A_1156 = arith.index_cast %scan3A_1105 : i32 to index
        %get3A_1157 = arith.constant 112 : index
        %get3A_1158 = tpu.vector_load %arg14[%get3A_1156, %get3A_1157] {strides = array<i32>} : memref<96x128xf32, #tpu.memory_space<vmem>>, vector<16xf32>,
        %mul3A_1159 = arith.mulf %get3A_1158, %gather3A_1108 : vector<16xf32>
        %swap3A_1160 = arith.index_cast %scan3A_1105 : i32 to index
        %swap3A_1161 = arith.constant 112 : index
        %swap3A_1162 = tpu.vector_load %arg14[%swap3A_1160, %swap3A_1161] {strides = array<i32>} : memref<96x128xf32, #tpu.memory_space<vmem>>, vector<16xf32>,
        tpu.vector_store %arg14[%swap3A_1160, %swap3A_1161], %mul3A_1159 {strides = array<i32>} : memref<96x128xf32, #tpu.memory_space<vmem>>, vector<16xf32>,
        %scan3A_1163 = arith.constant 0 : i32
        %scan3A_1164 = arith.constant 1 : i32
        %scan3A_1165 = arith.addi %scan3A_1105, %scan3A_1164 : i32
        %broadcast_in_dim3A_1166 = vector.broadcast %scan3A_1165 : i32 to vector<16xi32>
        %gather3A_1167 = tpu.vector_load_idx %arg20[%broadcast_in_dim3A_1166, %rem3A_41] : memref<96x16xf32, #tpu.memory_space<vmem>>[vector<16xi32>, vector<16xi32>], vector<16xf32>,
        %get3A_1168 = arith.index_cast %scan3A_1165 : i32 to index
        %get3A_1169 = arith.constant 0 : index
        %get3A_1170 = tpu.vector_load %arg14[%get3A_1168, %get3A_1169] {strides = array<i32>} : memref<96x128xf32, #tpu.memory_space<vmem>>, vector<16xf32>,
        %mul3A_1171 = arith.mulf %get3A_1170, %gather3A_1167 : vector<16xf32>
        %swap3A_1172 = arith.index_cast %scan3A_1165 : i32 to index
        %swap3A_1173 = arith.constant 0 : index
        %swap3A_1174 = tpu.vector_load %arg14[%swap3A_1172, %swap3A_1173] {strides = array<i32>} : memref<96x128xf32, #tpu.memory_space<vmem>>, vector<16xf32>,
        tpu.vector_store %arg14[%swap3A_1172, %swap3A_1173], %mul3A_1171 {strides = array<i32>} : memref<96x128xf32, #tpu.memory_space<vmem>>, vector<16xf32>,
        %get3A_1175 = arith.index_cast %scan3A_1165 : i32 to index
        %get3A_1176 = arith.constant 16 : index
        %get3A_1177 = tpu.vector_load %arg14[%get3A_1175, %get3A_1176] {strides = array<i32>} : memref<96x128xf32, #tpu.memory_space<vmem>>, vector<16xf32>,
        %mul3A_1178 = arith.mulf %get3A_1177, %gather3A_1167 : vector<16xf32>
        %swap3A_1179 = arith.index_cast %scan3A_1165 : i32 to index
        %swap3A_1180 = arith.constant 16 : index
        %swap3A_1181 = tpu.vector_load %arg14[%swap3A_1179, %swap3A_1180] {strides = array<i32>} : memref<96x128xf32, #tpu.memory_space<vmem>>, vector<16xf32>,
        tpu.vector_store %arg14[%swap3A_1179, %swap3A_1180], %mul3A_1178 {strides = array<i32>} : memref<96x128xf32, #tpu.memory_space<vmem>>, vector<16xf32>,
        %get3A_1182 = arith.index_cast %scan3A_1165 : i32 to index
        %get3A_1183 = arith.constant 32 : index
        %get3A_1184 = tpu.vector_load %arg14[%get3A_1182, %get3A_1183] {strides = array<i32>} : memref<96x128xf32, #tpu.memory_space<vmem>>, vector<16xf32>,
        %mul3A_1185 = arith.mulf %get3A_1184, %gather3A_1167 : vector<16xf32>
        %swap3A_1186 = arith.index_cast %scan3A_1165 : i32 to index
        %swap3A_1187 = arith.constant 32 : index
        %swap3A_1188 = tpu.vector_load %arg14[%swap3A_1186, %swap3A_1187] {strides = array<i32>} : memref<96x128xf32, #tpu.memory_space<vmem>>, vector<16xf32>,
        tpu.vector_store %arg14[%swap3A_1186, %swap3A_1187], %mul3A_1185 {strides = array<i32>} : memref<96x128xf32, #tpu.memory_space<vmem>>, vector<16xf32>,
        %get3A_1189 = arith.index_cast %scan3A_1165 : i32 to index
        %get3A_1190 = arith.constant 48 : index
        %get3A_1191 = tpu.vector_load %arg14[%get3A_1189, %get3A_1190] {strides = array<i32>} : memref<96x128xf32, #tpu.memory_space<vmem>>, vector<16xf32>,
        %mul3A_1192 = arith.mulf %get3A_1191, %gather3A_1167 : vector<16xf32>
        %swap3A_1193 = arith.index_cast %scan3A_1165 : i32 to index
        %swap3A_1194 = arith.constant 48 : index
        %swap3A_1195 = tpu.vector_load %arg14[%swap3A_1193, %swap3A_1194] {strides = array<i32>} : memref<96x128xf32, #tpu.memory_space<vmem>>, vector<16xf32>,
        tpu.vector_store %arg14[%swap3A_1193, %swap3A_1194], %mul3A_1192 {strides = array<i32>} : memref<96x128xf32, #tpu.memory_space<vmem>>, vector<16xf32>,
        %get3A_1196 = arith.index_cast %scan3A_1165 : i32 to index
        %get3A_1197 = arith.constant 64 : index
        %get3A_1198 = tpu.vector_load %arg14[%get3A_1196, %get3A_1197] {strides = array<i32>} : memref<96x128xf32, #tpu.memory_space<vmem>>, vector<16xf32>,
        %mul3A_1199 = arith.mulf %get3A_1198, %gather3A_1167 : vector<16xf32>
        %swap3A_1200 = arith.index_cast %scan3A_1165 : i32 to index
        %swap3A_1201 = arith.constant 64 : index
        %swap3A_1202 = tpu.vector_load %arg14[%swap3A_1200, %swap3A_1201] {strides = array<i32>} : memref<96x128xf32, #tpu.memory_space<vmem>>, vector<16xf32>,
        tpu.vector_store %arg14[%swap3A_1200, %swap3A_1201], %mul3A_1199 {strides = array<i32>} : memref<96x128xf32, #tpu.memory_space<vmem>>, vector<16xf32>,
        %get3A_1203 = arith.index_cast %scan3A_1165 : i32 to index
        %get3A_1204 = arith.constant 80 : index
        %get3A_1205 = tpu.vector_load %arg14[%get3A_1203, %get3A_1204] {strides = array<i32>} : memref<96x128xf32, #tpu.memory_space<vmem>>, vector<16xf32>,
        %mul3A_1206 = arith.mulf %get3A_1205, %gather3A_1167 : vector<16xf32>
        %swap3A_1207 = arith.index_cast %scan3A_1165 : i32 to index
        %swap3A_1208 = arith.constant 80 : index
        %swap3A_1209 = tpu.vector_load %arg14[%swap3A_1207, %swap3A_1208] {strides = array<i32>} : memref<96x128xf32, #tpu.memory_space<vmem>>, vector<16xf32>,
        tpu.vector_store %arg14[%swap3A_1207, %swap3A_1208], %mul3A_1206 {strides = array<i32>} : memref<96x128xf32, #tpu.memory_space<vmem>>, vector<16xf32>,
        %get3A_1210 = arith.index_cast %scan3A_1165 : i32 to index
        %get3A_1211 = arith.constant 96 : index
        %get3A_1212 = tpu.vector_load %arg14[%get3A_1210, %get3A_1211] {strides = array<i32>} : memref<96x128xf32, #tpu.memory_space<vmem>>, vector<16xf32>,
        %mul3A_1213 = arith.mulf %get3A_1212, %gather3A_1167 : vector<16xf32>
        %swap3A_1214 = arith.index_cast %scan3A_1165 : i32 to index
        %swap3A_1215 = arith.constant 96 : index
        %swap3A_1216 = tpu.vector_load %arg14[%swap3A_1214, %swap3A_1215] {strides = array<i32>} : memref<96x128xf32, #tpu.memory_space<vmem>>, vector<16xf32>,
        tpu.vector_store %arg14[%swap3A_1214, %swap3A_1215], %mul3A_1213 {strides = array<i32>} : memref<96x128xf32, #tpu.memory_space<vmem>>, vector<16xf32>,
        %get3A_1217 = arith.index_cast %scan3A_1165 : i32 to index
        %get3A_1218 = arith.constant 112 : index
        %get3A_1219 = tpu.vector_load %arg14[%get3A_1217, %get3A_1218] {strides = array<i32>} : memref<96x128xf32, #tpu.memory_space<vmem>>, vector<16xf32>,
        %mul3A_1220 = arith.mulf %get3A_1219, %gather3A_1167 : vector<16xf32>
        %swap3A_1221 = arith.index_cast %scan3A_1165 : i32 to index
        %swap3A_1222 = arith.constant 112 : index
        %swap3A_1223 = tpu.vector_load %arg14[%swap3A_1221, %swap3A_1222] {strides = array<i32>} : memref<96x128xf32, #tpu.memory_space<vmem>>, vector<16xf32>,
        tpu.vector_store %arg14[%swap3A_1221, %swap3A_1222], %mul3A_1220 {strides = array<i32>} : memref<96x128xf32, #tpu.memory_space<vmem>>, vector<16xf32>,
        %scan3A_1224 = arith.constant 0 : i32
        %scan3A_1225 = arith.constant 2 : i32
        %scan3A_1226 = arith.addi %scan3A_1105, %scan3A_1225 : i32
        %broadcast_in_dim3A_1227 = vector.broadcast %scan3A_1226 : i32 to vector<16xi32>
        %gather3A_1228 = tpu.vector_load_idx %arg20[%broadcast_in_dim3A_1227, %rem3A_41] : memref<96x16xf32, #tpu.memory_space<vmem>>[vector<16xi32>, vector<16xi32>], vector<16xf32>,
        %get3A_1229 = arith.index_cast %scan3A_1226 : i32 to index
        %get3A_1230 = arith.constant 0 : index
        %get3A_1231 = tpu.vector_load %arg14[%get3A_1229, %get3A_1230] {strides = array<i32>} : memref<96x128xf32, #tpu.memory_space<vmem>>, vector<16xf32>,
        %mul3A_1232 = arith.mulf %get3A_1231, %gather3A_1228 : vector<16xf32>
        %swap3A_1233 = arith.index_cast %scan3A_1226 : i32 to index
        %swap3A_1234 = arith.constant 0 : index
        %swap3A_1235 = tpu.vector_load %arg14[%swap3A_1233, %swap3A_1234] {strides = array<i32>} : memref<96x128xf32, #tpu.memory_space<vmem>>, vector<16xf32>,
        tpu.vector_store %arg14[%swap3A_1233, %swap3A_1234], %mul3A_1232 {strides = array<i32>} : memref<96x128xf32, #tpu.memory_space<vmem>>, vector<16xf32>,
        %get3A_1236 = arith.index_cast %scan3A_1226 : i32 to index
        %get3A_1237 = arith.constant 16 : index
        %get3A_1238 = tpu.vector_load %arg14[%get3A_1236, %get3A_1237] {strides = array<i32>} : memref<96x128xf32, #tpu.memory_space<vmem>>, vector<16xf32>,
        %mul3A_1239 = arith.mulf %get3A_1238, %gather3A_1228 : vector<16xf32>
        %swap3A_1240 = arith.index_cast %scan3A_1226 : i32 to index
        %swap3A_1241 = arith.constant 16 : index
        %swap3A_1242 = tpu.vector_load %arg14[%swap3A_1240, %swap3A_1241] {strides = array<i32>} : memref<96x128xf32, #tpu.memory_space<vmem>>, vector<16xf32>,
        tpu.vector_store %arg14[%swap3A_1240, %swap3A_1241], %mul3A_1239 {strides = array<i32>} : memref<96x128xf32, #tpu.memory_space<vmem>>, vector<16xf32>,
        %get3A_1243 = arith.index_cast %scan3A_1226 : i32 to index
        %get3A_1244 = arith.constant 32 : index
        %get3A_1245 = tpu.vector_load %arg14[%get3A_1243, %get3A_1244] {strides = array<i32>} : memref<96x128xf32, #tpu.memory_space<vmem>>, vector<16xf32>,
        %mul3A_1246 = arith.mulf %get3A_1245, %gather3A_1228 : vector<16xf32>
        %swap3A_1247 = arith.index_cast %scan3A_1226 : i32 to index
        %swap3A_1248 = arith.constant 32 : index
        %swap3A_1249 = tpu.vector_load %arg14[%swap3A_1247, %swap3A_1248] {strides = array<i32>} : memref<96x128xf32, #tpu.memory_space<vmem>>, vector<16xf32>,
        tpu.vector_store %arg14[%swap3A_1247, %swap3A_1248], %mul3A_1246 {strides = array<i32>} : memref<96x128xf32, #tpu.memory_space<vmem>>, vector<16xf32>,
        %get3A_1250 = arith.index_cast %scan3A_1226 : i32 to index
        %get3A_1251 = arith.constant 48 : index
        %get3A_1252 = tpu.vector_load %arg14[%get3A_1250, %get3A_1251] {strides = array<i32>} : memref<96x128xf32, #tpu.memory_space<vmem>>, vector<16xf32>,
        %mul3A_1253 = arith.mulf %get3A_1252, %gather3A_1228 : vector<16xf32>
        %swap3A_1254 = arith.index_cast %scan3A_1226 : i32 to index
        %swap3A_1255 = arith.constant 48 : index
        %swap3A_1256 = tpu.vector_load %arg14[%swap3A_1254, %swap3A_1255] {strides = array<i32>} : memref<96x128xf32, #tpu.memory_space<vmem>>, vector<16xf32>,
        tpu.vector_store %arg14[%swap3A_1254, %swap3A_1255], %mul3A_1253 {strides = array<i32>} : memref<96x128xf32, #tpu.memory_space<vmem>>, vector<16xf32>,
        %get3A_1257 = arith.index_cast %scan3A_1226 : i32 to index
        %get3A_1258 = arith.constant 64 : index
        %get3A_1259 = tpu.vector_load %arg14[%get3A_1257, %get3A_1258] {strides = array<i32>} : memref<96x128xf32, #tpu.memory_space<vmem>>, vector<16xf32>,
        %mul3A_1260 = arith.mulf %get3A_1259, %gather3A_1228 : vector<16xf32>
        %swap3A_1261 = arith.index_cast %scan3A_1226 : i32 to index
        %swap3A_1262 = arith.constant 64 : index
        %swap3A_1263 = tpu.vector_load %arg14[%swap3A_1261, %swap3A_1262] {strides = array<i32>} : memref<96x128xf32, #tpu.memory_space<vmem>>, vector<16xf32>,
        tpu.vector_store %arg14[%swap3A_1261, %swap3A_1262], %mul3A_1260 {strides = array<i32>} : memref<96x128xf32, #tpu.memory_space<vmem>>, vector<16xf32>,
        %get3A_1264 = arith.index_cast %scan3A_1226 : i32 to index
        %get3A_1265 = arith.constant 80 : index
        %get3A_1266 = tpu.vector_load %arg14[%get3A_1264, %get3A_1265] {strides = array<i32>} : memref<96x128xf32, #tpu.memory_space<vmem>>, vector<16xf32>,
        %mul3A_1267 = arith.mulf %get3A_1266, %gather3A_1228 : vector<16xf32>
        %swap3A_1268 = arith.index_cast %scan3A_1226 : i32 to index
        %swap3A_1269 = arith.constant 80 : index
        %swap3A_1270 = tpu.vector_load %arg14[%swap3A_1268, %swap3A_1269] {strides = array<i32>} : memref<96x128xf32, #tpu.memory_space<vmem>>, vector<16xf32>,
        tpu.vector_store %arg14[%swap3A_1268, %swap3A_1269], %mul3A_1267 {strides = array<i32>} : memref<96x128xf32, #tpu.memory_space<vmem>>, vector<16xf32>,
        %get3A_1271 = arith.index_cast %scan3A_1226 : i32 to index
        %get3A_1272 = arith.constant 96 : index
        %get3A_1273 = tpu.vector_load %arg14[%get3A_1271, %get3A_1272] {strides = array<i32>} : memref<96x128xf32, #tpu.memory_space<vmem>>, vector<16xf32>,
        %mul3A_1274 = arith.mulf %get3A_1273, %gather3A_1228 : vector<16xf32>
        %swap3A_1275 = arith.index_cast %scan3A_1226 : i32 to index
        %swap3A_1276 = arith.constant 96 : index
        %swap3A_1277 = tpu.vector_load %arg14[%swap3A_1275, %swap3A_1276] {strides = array<i32>} : memref<96x128xf32, #tpu.memory_space<vmem>>, vector<16xf32>,
        tpu.vector_store %arg14[%swap3A_1275, %swap3A_1276], %mul3A_1274 {strides = array<i32>} : memref<96x128xf32, #tpu.memory_space<vmem>>, vector<16xf32>,
        %get3A_1278 = arith.index_cast %scan3A_1226 : i32 to index
        %get3A_1279 = arith.constant 112 : index
        %get3A_1280 = tpu.vector_load %arg14[%get3A_1278, %get3A_1279] {strides = array<i32>} : memref<96x128xf32, #tpu.memory_space<vmem>>, vector<16xf32>,
        %mul3A_1281 = arith.mulf %get3A_1280, %gather3A_1228 : vector<16xf32>
        %swap3A_1282 = arith.index_cast %scan3A_1226 : i32 to index
        %swap3A_1283 = arith.constant 112 : index
        %swap3A_1284 = tpu.vector_load %arg14[%swap3A_1282, %swap3A_1283] {strides = array<i32>} : memref<96x128xf32, #tpu.memory_space<vmem>>, vector<16xf32>,
        tpu.vector_store %arg14[%swap3A_1282, %swap3A_1283], %mul3A_1281 {strides = array<i32>} : memref<96x128xf32, #tpu.memory_space<vmem>>, vector<16xf32>,
        %scan3A_1285 = arith.constant 0 : i32
        %scan3A_1286 = arith.constant 3 : i32
        %scan3A_1287 = arith.addi %scan3A_1105, %scan3A_1286 : i32
        %broadcast_in_dim3A_1288 = vector.broadcast %scan3A_1287 : i32 to vector<16xi32>
        %gather3A_1289 = tpu.vector_load_idx %arg20[%broadcast_in_dim3A_1288, %rem3A_41] : memref<96x16xf32, #tpu.memory_space<vmem>>[vector<16xi32>, vector<16xi32>], vector<16xf32>,
        %get3A_1290 = arith.index_cast %scan3A_1287 : i32 to index
        %get3A_1291 = arith.constant 0 : index
        %get3A_1292 = tpu.vector_load %arg14[%get3A_1290, %get3A_1291] {strides = array<i32>} : memref<96x128xf32, #tpu.memory_space<vmem>>, vector<16xf32>,
        %mul3A_1293 = arith.mulf %get3A_1292, %gather3A_1289 : vector<16xf32>
        %swap3A_1294 = arith.index_cast %scan3A_1287 : i32 to index
        %swap3A_1295 = arith.constant 0 : index
        %swap3A_1296 = tpu.vector_load %arg14[%swap3A_1294, %swap3A_1295] {strides = array<i32>} : memref<96x128xf32, #tpu.memory_space<vmem>>, vector<16xf32>,
        tpu.vector_store %arg14[%swap3A_1294, %swap3A_1295], %mul3A_1293 {strides = array<i32>} : memref<96x128xf32, #tpu.memory_space<vmem>>, vector<16xf32>,
        %get3A_1297 = arith.index_cast %scan3A_1287 : i32 to index
        %get3A_1298 = arith.constant 16 : index
        %get3A_1299 = tpu.vector_load %arg14[%get3A_1297, %get3A_1298] {strides = array<i32>} : memref<96x128xf32, #tpu.memory_space<vmem>>, vector<16xf32>,
        %mul3A_1300 = arith.mulf %get3A_1299, %gather3A_1289 : vector<16xf32>
        %swap3A_1301 = arith.index_cast %scan3A_1287 : i32 to index
        %swap3A_1302 = arith.constant 16 : index
        %swap3A_1303 = tpu.vector_load %arg14[%swap3A_1301, %swap3A_1302] {strides = array<i32>} : memref<96x128xf32, #tpu.memory_space<vmem>>, vector<16xf32>,
        tpu.vector_store %arg14[%swap3A_1301, %swap3A_1302], %mul3A_1300 {strides = array<i32>} : memref<96x128xf32, #tpu.memory_space<vmem>>, vector<16xf32>,
        %get3A_1304 = arith.index_cast %scan3A_1287 : i32 to index
        %get3A_1305 = arith.constant 32 : index
        %get3A_1306 = tpu.vector_load %arg14[%get3A_1304, %get3A_1305] {strides = array<i32>} : memref<96x128xf32, #tpu.memory_space<vmem>>, vector<16xf32>,
        %mul3A_1307 = arith.mulf %get3A_1306, %gather3A_1289 : vector<16xf32>
        %swap3A_1308 = arith.index_cast %scan3A_1287 : i32 to index
        %swap3A_1309 = arith.constant 32 : index
        %swap3A_1310 = tpu.vector_load %arg14[%swap3A_1308, %swap3A_1309] {strides = array<i32>} : memref<96x128xf32, #tpu.memory_space<vmem>>, vector<16xf32>,
        tpu.vector_store %arg14[%swap3A_1308, %swap3A_1309], %mul3A_1307 {strides = array<i32>} : memref<96x128xf32, #tpu.memory_space<vmem>>, vector<16xf32>,
        %get3A_1311 = arith.index_cast %scan3A_1287 : i32 to index
        %get3A_1312 = arith.constant 48 : index
        %get3A_1313 = tpu.vector_load %arg14[%get3A_1311, %get3A_1312] {strides = array<i32>} : memref<96x128xf32, #tpu.memory_space<vmem>>, vector<16xf32>,
        %mul3A_1314 = arith.mulf %get3A_1313, %gather3A_1289 : vector<16xf32>
        %swap3A_1315 = arith.index_cast %scan3A_1287 : i32 to index
        %swap3A_1316 = arith.constant 48 : index
        %swap3A_1317 = tpu.vector_load %arg14[%swap3A_1315, %swap3A_1316] {strides = array<i32>} : memref<96x128xf32, #tpu.memory_space<vmem>>, vector<16xf32>,
        tpu.vector_store %arg14[%swap3A_1315, %swap3A_1316], %mul3A_1314 {strides = array<i32>} : memref<96x128xf32, #tpu.memory_space<vmem>>, vector<16xf32>,
        %get3A_1318 = arith.index_cast %scan3A_1287 : i32 to index
        %get3A_1319 = arith.constant 64 : index
        %get3A_1320 = tpu.vector_load %arg14[%get3A_1318, %get3A_1319] {strides = array<i32>} : memref<96x128xf32, #tpu.memory_space<vmem>>, vector<16xf32>,
        %mul3A_1321 = arith.mulf %get3A_1320, %gather3A_1289 : vector<16xf32>
        %swap3A_1322 = arith.index_cast %scan3A_1287 : i32 to index
        %swap3A_1323 = arith.constant 64 : index
        %swap3A_1324 = tpu.vector_load %arg14[%swap3A_1322, %swap3A_1323] {strides = array<i32>} : memref<96x128xf32, #tpu.memory_space<vmem>>, vector<16xf32>,
        tpu.vector_store %arg14[%swap3A_1322, %swap3A_1323], %mul3A_1321 {strides = array<i32>} : memref<96x128xf32, #tpu.memory_space<vmem>>, vector<16xf32>,
        %get3A_1325 = arith.index_cast %scan3A_1287 : i32 to index
        %get3A_1326 = arith.constant 80 : index
        %get3A_1327 = tpu.vector_load %arg14[%get3A_1325, %get3A_1326] {strides = array<i32>} : memref<96x128xf32, #tpu.memory_space<vmem>>, vector<16xf32>,
        %mul3A_1328 = arith.mulf %get3A_1327, %gather3A_1289 : vector<16xf32>
        %swap3A_1329 = arith.index_cast %scan3A_1287 : i32 to index
        %swap3A_1330 = arith.constant 80 : index
        %swap3A_1331 = tpu.vector_load %arg14[%swap3A_1329, %swap3A_1330] {strides = array<i32>} : memref<96x128xf32, #tpu.memory_space<vmem>>, vector<16xf32>,
        tpu.vector_store %arg14[%swap3A_1329, %swap3A_1330], %mul3A_1328 {strides = array<i32>} : memref<96x128xf32, #tpu.memory_space<vmem>>, vector<16xf32>,
        %get3A_1332 = arith.index_cast %scan3A_1287 : i32 to index
        %get3A_1333 = arith.constant 96 : index
        %get3A_1334 = tpu.vector_load %arg14[%get3A_1332, %get3A_1333] {strides = array<i32>} : memref<96x128xf32, #tpu.memory_space<vmem>>, vector<16xf32>,
        %mul3A_1335 = arith.mulf %get3A_1334, %gather3A_1289 : vector<16xf32>
        %swap3A_1336 = arith.index_cast %scan3A_1287 : i32 to index
        %swap3A_1337 = arith.constant 96 : index
        %swap3A_1338 = tpu.vector_load %arg14[%swap3A_1336, %swap3A_1337] {strides = array<i32>} : memref<96x128xf32, #tpu.memory_space<vmem>>, vector<16xf32>,
        tpu.vector_store %arg14[%swap3A_1336, %swap3A_1337], %mul3A_1335 {strides = array<i32>} : memref<96x128xf32, #tpu.memory_space<vmem>>, vector<16xf32>,
        %get3A_1339 = arith.index_cast %scan3A_1287 : i32 to index
        %get3A_1340 = arith.constant 112 : index
        %get3A_1341 = tpu.vector_load %arg14[%get3A_1339, %get3A_1340] {strides = array<i32>} : memref<96x128xf32, #tpu.memory_space<vmem>>, vector<16xf32>,
        %mul3A_1342 = arith.mulf %get3A_1341, %gather3A_1289 : vector<16xf32>
        %swap3A_1343 = arith.index_cast %scan3A_1287 : i32 to index
        %swap3A_1344 = arith.constant 112 : index
        %swap3A_1345 = tpu.vector_load %arg14[%swap3A_1343, %swap3A_1344] {strides = array<i32>} : memref<96x128xf32, #tpu.memory_space<vmem>>, vector<16xf32>,
        tpu.vector_store %arg14[%swap3A_1343, %swap3A_1344], %mul3A_1342 {strides = array<i32>} : memref<96x128xf32, #tpu.memory_space<vmem>>, vector<16xf32>,
        %scan3A_1346 = arith.constant 0 : i32
        scf.yield %scan3A_1346 : i32
      }
      %scan3A_633 = arith.constant 96 : i32
      %dma_start3A_634 = arith.constant 0 : i32
      %dma_start3A_635 = arith.constant 0 : i32
      %dma_start3A_636 = tpu.memref_slice %arg22[%dma_start3A_634, %dma_start3A_635] : memref<10240x128xf32, #tpu.memory_space<vmem_shared>> -> memref<10240x128xf32, #tpu.memory_space<vmem_shared>>
      tpu.enqueue_indirect_dma source(%arg14 : memref<96x128xf32, #tpu.memory_space<vmem>>) target(%dma_start3A_636 : memref<10240x128xf32, #tpu.memory_space<vmem_shared>>) offsets(%arg10 : memref<96xi32, #tpu.memory_space<vmem>>) semaphore(%arg26 : memref<!tpu.dma_semaphore, #tpu.memory_space<semaphore_mem>>) {add = true}
      %dma_start3A_637 = arith.constant 0 : i32
      %dma_start3A_638 = arith.constant 0 : i32
      %dma_start3A_639 = tpu.memref_slice %arg23[%dma_start3A_637, %dma_start3A_638] : memref<10240x16xf32, #tpu.memory_space<vmem_shared>> -> memref<10240x16xf32, #tpu.memory_space<vmem_shared>>
      tpu.enqueue_indirect_dma source(%arg20 : memref<96x16xf32, #tpu.memory_space<vmem>>) target(%dma_start3A_639 : memref<10240x16xf32, #tpu.memory_space<vmem_shared>>) offsets(%arg10 : memref<96xi32, #tpu.memory_space<vmem>>) semaphore(%arg26 : memref<!tpu.dma_semaphore, #tpu.memory_space<semaphore_mem>>) {add = true}
      %mul3A_640 = arith.constant 2 : i32
      %mul3A_641 = arith.muli %mul3A_640, %scan3A_177 : i32
      %add3A_642 = arith.constant 1 : i32
      %add3A_643 = arith.addi %mul3A_641, %add3A_642 : i32
      %ge3A_644 = arith.constant 1 : i32
      %ge3A_645 = arith.cmpi sge, %add3A_643, %ge3A_644 : i32
      %convert_element_type3A_646 = arith.extui %ge3A_645 : i1 to i32
      %cond3A_647 = arith.constant 0 : i32
      %cond3A_648 = arith.cmpi ne, %convert_element_type3A_646, %cond3A_647 : i32
      scf.if %cond3A_648 {
        %dma_wait3A_1105 = arith.constant 0 : i32
        %dma_wait3A_1106 = arith.constant 0 : i32
        %dma_wait3A_1107 = tpu.memref_slice %arg22[%dma_wait3A_1105, %dma_wait3A_1106] : memref<10240x128xf32, #tpu.memory_space<vmem_shared>> -> memref<10240x128xf32, #tpu.memory_space<vmem_shared>>
        tpu.wait_indirect_dma semaphore(%arg26 : memref<!tpu.dma_semaphore, #tpu.memory_space<semaphore_mem>>) src(%arg14 : memref<96x128xf32, #tpu.memory_space<vmem>>) dst(%dma_wait3A_1107 : memref<10240x128xf32, #tpu.memory_space<vmem_shared>>)
        %dma_wait3A_1108 = arith.constant 0 : i32
        %dma_wait3A_1109 = arith.constant 0 : i32
        %dma_wait3A_1110 = tpu.memref_slice %arg23[%dma_wait3A_1108, %dma_wait3A_1109] : memref<10240x16xf32, #tpu.memory_space<vmem_shared>> -> memref<10240x16xf32, #tpu.memory_space<vmem_shared>>
        tpu.wait_indirect_dma semaphore(%arg26 : memref<!tpu.dma_semaphore, #tpu.memory_space<semaphore_mem>>) src(%arg20 : memref<96x16xf32, #tpu.memory_space<vmem>>) dst(%dma_wait3A_1110 : memref<10240x16xf32, #tpu.memory_space<vmem_shared>>)
      } else {
      }
      %add3A_649 = arith.constant 1 : i32
      %add3A_650 = arith.addi %add3A_643, %add3A_649 : i32
      %lt3A_651 = arith.constant 104 : i32
      %lt3A_652 = arith.cmpi slt, %add3A_650, %lt3A_651 : i32
      %convert_element_type3A_653 = arith.extui %lt3A_652 : i1 to i32
      %cond3A_654 = arith.constant 0 : i32
      %cond3A_655 = arith.cmpi ne, %convert_element_type3A_653, %cond3A_654 : i32
      scf.if %cond3A_655 {
        %add3A_1105 = arith.constant 1 : i32
        %add3A_1106 = arith.addi %add3A_643, %add3A_1105 : i32
        %mul3A_1107 = arith.constant 96 : i32
        %mul3A_1108 = arith.muli %add3A_1106, %mul3A_1107 : i32
        %add3A_1109 = arith.addi %mul3A_2, %mul3A_1108 : i32
        "tpu.region"() ({
          %run_scoped3A = tpu.sem_alloc : memref<!tpu.dma_semaphore, #tpu.memory_space<semaphore_mem>>
          %dma_start3A_1119 = tpu.memref_slice %arg4[%add3A_1109] : memref<320000xi32, #tpu.memory_space<hbm>> -> memref<96xi32, #tpu.memory_space<hbm>>
          %dma_start3A_1120 = tpu.memref_slice %arg4[%add3A_1109] : memref<320000xi32, #tpu.memory_space<hbm>> -> memref<96xi32, #tpu.memory_space<hbm>>
          tpu.enqueue_dma source(%dma_start3A_1120 : memref<96xi32, #tpu.memory_space<hbm>>) target(%arg8 : memref<96xi32, #tpu.memory_space<vmem>>) target_semaphore(%run_scoped3A : memref<!tpu.dma_semaphore, #tpu.memory_space<semaphore_mem>>)
          %dma_wait3A_1121 = tpu.memref_slice %arg4[%add3A_1109] : memref<320000xi32, #tpu.memory_space<hbm>> -> memref<96xi32, #tpu.memory_space<hbm>>
          %dma_wait3A_1122 = tpu.memref_slice %arg4[%add3A_1109] : memref<320000xi32, #tpu.memory_space<hbm>> -> memref<96xi32, #tpu.memory_space<hbm>>
          tpu.wait_dma2 semaphore(%run_scoped3A : memref<!tpu.dma_semaphore, #tpu.memory_space<semaphore_mem>>) src(%dma_wait3A_1122 : memref<96xi32, #tpu.memory_space<hbm>>) dst(%arg8 : memref<96xi32, #tpu.memory_space<vmem>>)
          tpu.yield
        }) : () -> ()
        "tpu.region"() ({
          %run_scoped3A = tpu.sem_alloc : memref<!tpu.dma_semaphore, #tpu.memory_space<semaphore_mem>>
          %dma_start3A_1119 = tpu.memref_slice %arg5[%add3A_1109] : memref<320000xi32, #tpu.memory_space<hbm>> -> memref<96xi32, #tpu.memory_space<hbm>>
          %dma_start3A_1120 = tpu.memref_slice %arg5[%add3A_1109] : memref<320000xi32, #tpu.memory_space<hbm>> -> memref<96xi32, #tpu.memory_space<hbm>>
          tpu.enqueue_dma source(%dma_start3A_1120 : memref<96xi32, #tpu.memory_space<hbm>>) target(%arg10 : memref<96xi32, #tpu.memory_space<vmem>>) target_semaphore(%run_scoped3A : memref<!tpu.dma_semaphore, #tpu.memory_space<semaphore_mem>>)
          %dma_wait3A_1121 = tpu.memref_slice %arg5[%add3A_1109] : memref<320000xi32, #tpu.memory_space<hbm>> -> memref<96xi32, #tpu.memory_space<hbm>>
          %dma_wait3A_1122 = tpu.memref_slice %arg5[%add3A_1109] : memref<320000xi32, #tpu.memory_space<hbm>> -> memref<96xi32, #tpu.memory_space<hbm>>
          tpu.wait_dma2 semaphore(%run_scoped3A : memref<!tpu.dma_semaphore, #tpu.memory_space<semaphore_mem>>) src(%dma_wait3A_1122 : memref<96xi32, #tpu.memory_space<hbm>>) dst(%arg10 : memref<96xi32, #tpu.memory_space<vmem>>)
          tpu.yield
        }) : () -> ()
        %dma_start3A_1110 = arith.constant 0 : i32
        %dma_start3A_1111 = arith.constant 0 : i32
        %dma_start3A_1112 = tpu.memref_slice %arg2[%dma_start3A_1110, %dma_start3A_1111] : memref<10000x128xf32, #tpu.memory_space<hbm>> -> memref<10000x128xf32, #tpu.memory_space<hbm>>
        tpu.enqueue_indirect_dma source(%dma_start3A_1112 : memref<10000x128xf32, #tpu.memory_space<hbm>>) target(%arg14 : memref<96x128xf32, #tpu.memory_space<vmem>>) offsets(%arg8 : memref<96xi32, #tpu.memory_space<vmem>>) semaphore(%arg24 : memref<!tpu.dma_semaphore, #tpu.memory_space<semaphore_mem>>)
        %dma_start3A_1113 = arith.constant 0 : i32
        %dma_start3A_1114 = arith.constant 0 : i32
        %dma_start3A_1115 = tpu.memref_slice %arg3[%dma_start3A_1113, %dma_start3A_1114] : memref<10000x8xf32, #tpu.memory_space<hbm>> -> memref<10000x8xf32, #tpu.memory_space<hbm>>
        tpu.enqueue_indirect_dma source(%dma_start3A_1115 : memref<10000x8xf32, #tpu.memory_space<hbm>>) target(%arg16 : memref<96x8xf32, #tpu.memory_space<vmem>>) offsets(%arg8 : memref<96xi32, #tpu.memory_space<vmem>>) semaphore(%arg24 : memref<!tpu.dma_semaphore, #tpu.memory_space<semaphore_mem>>)
        %dma_start3A_1116 = arith.constant 0 : i32
        %dma_start3A_1117 = arith.constant 0 : i32
        %dma_start3A_1118 = tpu.memref_slice %arg3[%dma_start3A_1116, %dma_start3A_1117] : memref<10000x8xf32, #tpu.memory_space<hbm>> -> memref<10000x8xf32, #tpu.memory_space<hbm>>
        tpu.enqueue_indirect_dma source(%dma_start3A_1118 : memref<10000x8xf32, #tpu.memory_space<hbm>>) target(%arg18 : memref<96x8xf32, #tpu.memory_space<vmem>>) offsets(%arg10 : memref<96xi32, #tpu.memory_space<vmem>>) semaphore(%arg24 : memref<!tpu.dma_semaphore, #tpu.memory_space<semaphore_mem>>)
      } else {
      }
      %dma_wait3A_656 = arith.constant 0 : i32
      %dma_wait3A_657 = arith.constant 0 : i32
      %dma_wait3A_658 = tpu.memref_slice %arg2[%dma_wait3A_656, %dma_wait3A_657] : memref<10000x128xf32, #tpu.memory_space<hbm>> -> memref<10000x128xf32, #tpu.memory_space<hbm>>
      tpu.wait_indirect_dma semaphore(%arg25 : memref<!tpu.dma_semaphore, #tpu.memory_space<semaphore_mem>>) src(%dma_wait3A_658 : memref<10000x128xf32, #tpu.memory_space<hbm>>) dst(%arg15 : memref<96x128xf32, #tpu.memory_space<vmem>>)
      %dma_wait3A_659 = arith.constant 0 : i32
      %dma_wait3A_660 = arith.constant 0 : i32
      %dma_wait3A_661 = tpu.memref_slice %arg3[%dma_wait3A_659, %dma_wait3A_660] : memref<10000x8xf32, #tpu.memory_space<hbm>> -> memref<10000x8xf32, #tpu.memory_space<hbm>>
      tpu.wait_indirect_dma semaphore(%arg25 : memref<!tpu.dma_semaphore, #tpu.memory_space<semaphore_mem>>) src(%dma_wait3A_661 : memref<10000x8xf32, #tpu.memory_space<hbm>>) dst(%arg17 : memref<96x8xf32, #tpu.memory_space<vmem>>)
      %dma_wait3A_662 = arith.constant 0 : i32
      %dma_wait3A_663 = arith.constant 0 : i32
      %dma_wait3A_664 = tpu.memref_slice %arg3[%dma_wait3A_662, %dma_wait3A_663] : memref<10000x8xf32, #tpu.memory_space<hbm>> -> memref<10000x8xf32, #tpu.memory_space<hbm>>
      tpu.wait_indirect_dma semaphore(%arg25 : memref<!tpu.dma_semaphore, #tpu.memory_space<semaphore_mem>>) src(%dma_wait3A_664 : memref<10000x8xf32, #tpu.memory_space<hbm>>) dst(%arg19 : memref<96x8xf32, #tpu.memory_space<vmem>>)
      %add3A_665 = arith.constant 0 : i32
      %add3A_666 = vector.broadcast %add3A_665 : i32 to vector<16xi32>
      %add3A_667 = arith.addi %iota3A, %add3A_666 : vector<16xi32>
      %broadcast_in_dim3A_668 = arith.constant 0 : i32
      %broadcast_in_dim3A_669 = vector.broadcast %broadcast_in_dim3A_668 : i32 to vector<16xi32>
      %gather3A_670 = tpu.vector_load_idx %arg17[%add3A_667, %broadcast_in_dim3A_669] : memref<96x8xf32, #tpu.memory_space<vmem>>[vector<16xi32>, vector<16xi32>], vector<16xf32>,
      %broadcast_in_dim3A_671 = arith.constant 4 : i32
      %broadcast_in_dim3A_672 = vector.broadcast %broadcast_in_dim3A_671 : i32 to vector<16xi32>
      %gather3A_673 = tpu.vector_load_idx %arg19[%add3A_667, %broadcast_in_dim3A_672] : memref<96x8xf32, #tpu.memory_space<vmem>>[vector<16xi32>, vector<16xi32>], vector<16xf32>,
      %add3A_674 = arith.addf %gather3A_670, %gather3A_673 : vector<16xf32>
      %ge3A_675 = arith.constant 0.000000e+00 : f32
      %ge3A_676 = vector.broadcast %ge3A_675 : f32 to vector<16xf32>
      %ge3A_677 = arith.cmpf oge, %add3A_674, %ge3A_676 : vector<16xf32>
      %mul3A_678 = arith.constant 2.000000e-01 : f32
      %mul3A_679 = vector.broadcast %mul3A_678 : f32 to vector<16xf32>
      %mul3A_680 = arith.mulf %add3A_674, %mul3A_679 : vector<16xf32>
      %select_n3A_681 = arith.select %ge3A_677, %add3A_674, %mul3A_680 : vector<16xi1>, vector<16xf32>
      %exp3A_682 = math.exp %select_n3A_681 : vector<16xf32>
      %broadcast_in_dim3A_683 = arith.constant 0 : i32
      %broadcast_in_dim3A_684 = vector.broadcast %broadcast_in_dim3A_683 : i32 to vector<16xi32>
      tpu.vector_store_idx %arg21[%add3A_667, %broadcast_in_dim3A_684], %exp3A_682 : memref<96x16xf32, #tpu.memory_space<vmem>>[vector<16xi32>, vector<16xi32>], vector<16xf32>,
      %broadcast_in_dim3A_685 = arith.constant 1 : i32
      %broadcast_in_dim3A_686 = vector.broadcast %broadcast_in_dim3A_685 : i32 to vector<16xi32>
      %gather3A_687 = tpu.vector_load_idx %arg17[%add3A_667, %broadcast_in_dim3A_686] : memref<96x8xf32, #tpu.memory_space<vmem>>[vector<16xi32>, vector<16xi32>], vector<16xf32>,
      %broadcast_in_dim3A_688 = arith.constant 5 : i32
      %broadcast_in_dim3A_689 = vector.broadcast %broadcast_in_dim3A_688 : i32 to vector<16xi32>
      %gather3A_690 = tpu.vector_load_idx %arg19[%add3A_667, %broadcast_in_dim3A_689] : memref<96x8xf32, #tpu.memory_space<vmem>>[vector<16xi32>, vector<16xi32>], vector<16xf32>,
      %add3A_691 = arith.addf %gather3A_687, %gather3A_690 : vector<16xf32>
      %ge3A_692 = arith.constant 0.000000e+00 : f32
      %ge3A_693 = vector.broadcast %ge3A_692 : f32 to vector<16xf32>
      %ge3A_694 = arith.cmpf oge, %add3A_691, %ge3A_693 : vector<16xf32>
      %mul3A_695 = arith.constant 2.000000e-01 : f32
      %mul3A_696 = vector.broadcast %mul3A_695 : f32 to vector<16xf32>
      %mul3A_697 = arith.mulf %add3A_691, %mul3A_696 : vector<16xf32>
      %select_n3A_698 = arith.select %ge3A_694, %add3A_691, %mul3A_697 : vector<16xi1>, vector<16xf32>
      %exp3A_699 = math.exp %select_n3A_698 : vector<16xf32>
      %broadcast_in_dim3A_700 = arith.constant 1 : i32
      %broadcast_in_dim3A_701 = vector.broadcast %broadcast_in_dim3A_700 : i32 to vector<16xi32>
      tpu.vector_store_idx %arg21[%add3A_667, %broadcast_in_dim3A_701], %exp3A_699 : memref<96x16xf32, #tpu.memory_space<vmem>>[vector<16xi32>, vector<16xi32>], vector<16xf32>,
      %broadcast_in_dim3A_702 = arith.constant 2 : i32
      %broadcast_in_dim3A_703 = vector.broadcast %broadcast_in_dim3A_702 : i32 to vector<16xi32>
      %gather3A_704 = tpu.vector_load_idx %arg17[%add3A_667, %broadcast_in_dim3A_703] : memref<96x8xf32, #tpu.memory_space<vmem>>[vector<16xi32>, vector<16xi32>], vector<16xf32>,
      %broadcast_in_dim3A_705 = arith.constant 6 : i32
      %broadcast_in_dim3A_706 = vector.broadcast %broadcast_in_dim3A_705 : i32 to vector<16xi32>
      %gather3A_707 = tpu.vector_load_idx %arg19[%add3A_667, %broadcast_in_dim3A_706] : memref<96x8xf32, #tpu.memory_space<vmem>>[vector<16xi32>, vector<16xi32>], vector<16xf32>,
      %add3A_708 = arith.addf %gather3A_704, %gather3A_707 : vector<16xf32>
      %ge3A_709 = arith.constant 0.000000e+00 : f32
      %ge3A_710 = vector.broadcast %ge3A_709 : f32 to vector<16xf32>
      %ge3A_711 = arith.cmpf oge, %add3A_708, %ge3A_710 : vector<16xf32>
      %mul3A_712 = arith.constant 2.000000e-01 : f32
      %mul3A_713 = vector.broadcast %mul3A_712 : f32 to vector<16xf32>
      %mul3A_714 = arith.mulf %add3A_708, %mul3A_713 : vector<16xf32>
      %select_n3A_715 = arith.select %ge3A_711, %add3A_708, %mul3A_714 : vector<16xi1>, vector<16xf32>
      %exp3A_716 = math.exp %select_n3A_715 : vector<16xf32>
      %broadcast_in_dim3A_717 = arith.constant 2 : i32
      %broadcast_in_dim3A_718 = vector.broadcast %broadcast_in_dim3A_717 : i32 to vector<16xi32>
      tpu.vector_store_idx %arg21[%add3A_667, %broadcast_in_dim3A_718], %exp3A_716 : memref<96x16xf32, #tpu.memory_space<vmem>>[vector<16xi32>, vector<16xi32>], vector<16xf32>,
      %broadcast_in_dim3A_719 = arith.constant 3 : i32
      %broadcast_in_dim3A_720 = vector.broadcast %broadcast_in_dim3A_719 : i32 to vector<16xi32>
      %gather3A_721 = tpu.vector_load_idx %arg17[%add3A_667, %broadcast_in_dim3A_720] : memref<96x8xf32, #tpu.memory_space<vmem>>[vector<16xi32>, vector<16xi32>], vector<16xf32>,
      %broadcast_in_dim3A_722 = arith.constant 7 : i32
      %broadcast_in_dim3A_723 = vector.broadcast %broadcast_in_dim3A_722 : i32 to vector<16xi32>
      %gather3A_724 = tpu.vector_load_idx %arg19[%add3A_667, %broadcast_in_dim3A_723] : memref<96x8xf32, #tpu.memory_space<vmem>>[vector<16xi32>, vector<16xi32>], vector<16xf32>,
      %add3A_725 = arith.addf %gather3A_721, %gather3A_724 : vector<16xf32>
      %ge3A_726 = arith.constant 0.000000e+00 : f32
      %ge3A_727 = vector.broadcast %ge3A_726 : f32 to vector<16xf32>
      %ge3A_728 = arith.cmpf oge, %add3A_725, %ge3A_727 : vector<16xf32>
      %mul3A_729 = arith.constant 2.000000e-01 : f32
      %mul3A_730 = vector.broadcast %mul3A_729 : f32 to vector<16xf32>
      %mul3A_731 = arith.mulf %add3A_725, %mul3A_730 : vector<16xf32>
      %select_n3A_732 = arith.select %ge3A_728, %add3A_725, %mul3A_731 : vector<16xi1>, vector<16xf32>
      %exp3A_733 = math.exp %select_n3A_732 : vector<16xf32>
      %broadcast_in_dim3A_734 = arith.constant 3 : i32
      %broadcast_in_dim3A_735 = vector.broadcast %broadcast_in_dim3A_734 : i32 to vector<16xi32>
      tpu.vector_store_idx %arg21[%add3A_667, %broadcast_in_dim3A_735], %exp3A_733 : memref<96x16xf32, #tpu.memory_space<vmem>>[vector<16xi32>, vector<16xi32>], vector<16xf32>,
      %add3A_736 = arith.constant 16 : i32
      %add3A_737 = vector.broadcast %add3A_736 : i32 to vector<16xi32>
      %add3A_738 = arith.addi %iota3A, %add3A_737 : vector<16xi32>
      %broadcast_in_dim3A_739 = arith.constant 0 : i32
      %broadcast_in_dim3A_740 = vector.broadcast %broadcast_in_dim3A_739 : i32 to vector<16xi32>
      %gather3A_741 = tpu.vector_load_idx %arg17[%add3A_738, %broadcast_in_dim3A_740] : memref<96x8xf32, #tpu.memory_space<vmem>>[vector<16xi32>, vector<16xi32>], vector<16xf32>,
      %broadcast_in_dim3A_742 = arith.constant 4 : i32
      %broadcast_in_dim3A_743 = vector.broadcast %broadcast_in_dim3A_742 : i32 to vector<16xi32>
      %gather3A_744 = tpu.vector_load_idx %arg19[%add3A_738, %broadcast_in_dim3A_743] : memref<96x8xf32, #tpu.memory_space<vmem>>[vector<16xi32>, vector<16xi32>], vector<16xf32>,
      %add3A_745 = arith.addf %gather3A_741, %gather3A_744 : vector<16xf32>
      %ge3A_746 = arith.constant 0.000000e+00 : f32
      %ge3A_747 = vector.broadcast %ge3A_746 : f32 to vector<16xf32>
      %ge3A_748 = arith.cmpf oge, %add3A_745, %ge3A_747 : vector<16xf32>
      %mul3A_749 = arith.constant 2.000000e-01 : f32
      %mul3A_750 = vector.broadcast %mul3A_749 : f32 to vector<16xf32>
      %mul3A_751 = arith.mulf %add3A_745, %mul3A_750 : vector<16xf32>
      %select_n3A_752 = arith.select %ge3A_748, %add3A_745, %mul3A_751 : vector<16xi1>, vector<16xf32>
      %exp3A_753 = math.exp %select_n3A_752 : vector<16xf32>
      %broadcast_in_dim3A_754 = arith.constant 0 : i32
      %broadcast_in_dim3A_755 = vector.broadcast %broadcast_in_dim3A_754 : i32 to vector<16xi32>
      tpu.vector_store_idx %arg21[%add3A_738, %broadcast_in_dim3A_755], %exp3A_753 : memref<96x16xf32, #tpu.memory_space<vmem>>[vector<16xi32>, vector<16xi32>], vector<16xf32>,
      %broadcast_in_dim3A_756 = arith.constant 1 : i32
      %broadcast_in_dim3A_757 = vector.broadcast %broadcast_in_dim3A_756 : i32 to vector<16xi32>
      %gather3A_758 = tpu.vector_load_idx %arg17[%add3A_738, %broadcast_in_dim3A_757] : memref<96x8xf32, #tpu.memory_space<vmem>>[vector<16xi32>, vector<16xi32>], vector<16xf32>,
      %broadcast_in_dim3A_759 = arith.constant 5 : i32
      %broadcast_in_dim3A_760 = vector.broadcast %broadcast_in_dim3A_759 : i32 to vector<16xi32>
      %gather3A_761 = tpu.vector_load_idx %arg19[%add3A_738, %broadcast_in_dim3A_760] : memref<96x8xf32, #tpu.memory_space<vmem>>[vector<16xi32>, vector<16xi32>], vector<16xf32>,
      %add3A_762 = arith.addf %gather3A_758, %gather3A_761 : vector<16xf32>
      %ge3A_763 = arith.constant 0.000000e+00 : f32
      %ge3A_764 = vector.broadcast %ge3A_763 : f32 to vector<16xf32>
      %ge3A_765 = arith.cmpf oge, %add3A_762, %ge3A_764 : vector<16xf32>
      %mul3A_766 = arith.constant 2.000000e-01 : f32
      %mul3A_767 = vector.broadcast %mul3A_766 : f32 to vector<16xf32>
      %mul3A_768 = arith.mulf %add3A_762, %mul3A_767 : vector<16xf32>
      %select_n3A_769 = arith.select %ge3A_765, %add3A_762, %mul3A_768 : vector<16xi1>, vector<16xf32>
      %exp3A_770 = math.exp %select_n3A_769 : vector<16xf32>
      %broadcast_in_dim3A_771 = arith.constant 1 : i32
      %broadcast_in_dim3A_772 = vector.broadcast %broadcast_in_dim3A_771 : i32 to vector<16xi32>
      tpu.vector_store_idx %arg21[%add3A_738, %broadcast_in_dim3A_772], %exp3A_770 : memref<96x16xf32, #tpu.memory_space<vmem>>[vector<16xi32>, vector<16xi32>], vector<16xf32>,
      %broadcast_in_dim3A_773 = arith.constant 2 : i32
      %broadcast_in_dim3A_774 = vector.broadcast %broadcast_in_dim3A_773 : i32 to vector<16xi32>
      %gather3A_775 = tpu.vector_load_idx %arg17[%add3A_738, %broadcast_in_dim3A_774] : memref<96x8xf32, #tpu.memory_space<vmem>>[vector<16xi32>, vector<16xi32>], vector<16xf32>,
      %broadcast_in_dim3A_776 = arith.constant 6 : i32
      %broadcast_in_dim3A_777 = vector.broadcast %broadcast_in_dim3A_776 : i32 to vector<16xi32>
      %gather3A_778 = tpu.vector_load_idx %arg19[%add3A_738, %broadcast_in_dim3A_777] : memref<96x8xf32, #tpu.memory_space<vmem>>[vector<16xi32>, vector<16xi32>], vector<16xf32>,
      %add3A_779 = arith.addf %gather3A_775, %gather3A_778 : vector<16xf32>
      %ge3A_780 = arith.constant 0.000000e+00 : f32
      %ge3A_781 = vector.broadcast %ge3A_780 : f32 to vector<16xf32>
      %ge3A_782 = arith.cmpf oge, %add3A_779, %ge3A_781 : vector<16xf32>
      %mul3A_783 = arith.constant 2.000000e-01 : f32
      %mul3A_784 = vector.broadcast %mul3A_783 : f32 to vector<16xf32>
      %mul3A_785 = arith.mulf %add3A_779, %mul3A_784 : vector<16xf32>
      %select_n3A_786 = arith.select %ge3A_782, %add3A_779, %mul3A_785 : vector<16xi1>, vector<16xf32>
      %exp3A_787 = math.exp %select_n3A_786 : vector<16xf32>
      %broadcast_in_dim3A_788 = arith.constant 2 : i32
      %broadcast_in_dim3A_789 = vector.broadcast %broadcast_in_dim3A_788 : i32 to vector<16xi32>
      tpu.vector_store_idx %arg21[%add3A_738, %broadcast_in_dim3A_789], %exp3A_787 : memref<96x16xf32, #tpu.memory_space<vmem>>[vector<16xi32>, vector<16xi32>], vector<16xf32>,
      %broadcast_in_dim3A_790 = arith.constant 3 : i32
      %broadcast_in_dim3A_791 = vector.broadcast %broadcast_in_dim3A_790 : i32 to vector<16xi32>
      %gather3A_792 = tpu.vector_load_idx %arg17[%add3A_738, %broadcast_in_dim3A_791] : memref<96x8xf32, #tpu.memory_space<vmem>>[vector<16xi32>, vector<16xi32>], vector<16xf32>,
      %broadcast_in_dim3A_793 = arith.constant 7 : i32
      %broadcast_in_dim3A_794 = vector.broadcast %broadcast_in_dim3A_793 : i32 to vector<16xi32>
      %gather3A_795 = tpu.vector_load_idx %arg19[%add3A_738, %broadcast_in_dim3A_794] : memref<96x8xf32, #tpu.memory_space<vmem>>[vector<16xi32>, vector<16xi32>], vector<16xf32>,
      %add3A_796 = arith.addf %gather3A_792, %gather3A_795 : vector<16xf32>
      %ge3A_797 = arith.constant 0.000000e+00 : f32
      %ge3A_798 = vector.broadcast %ge3A_797 : f32 to vector<16xf32>
      %ge3A_799 = arith.cmpf oge, %add3A_796, %ge3A_798 : vector<16xf32>
      %mul3A_800 = arith.constant 2.000000e-01 : f32
      %mul3A_801 = vector.broadcast %mul3A_800 : f32 to vector<16xf32>
      %mul3A_802 = arith.mulf %add3A_796, %mul3A_801 : vector<16xf32>
      %select_n3A_803 = arith.select %ge3A_799, %add3A_796, %mul3A_802 : vector<16xi1>, vector<16xf32>
      %exp3A_804 = math.exp %select_n3A_803 : vector<16xf32>
      %broadcast_in_dim3A_805 = arith.constant 3 : i32
      %broadcast_in_dim3A_806 = vector.broadcast %broadcast_in_dim3A_805 : i32 to vector<16xi32>
      tpu.vector_store_idx %arg21[%add3A_738, %broadcast_in_dim3A_806], %exp3A_804 : memref<96x16xf32, #tpu.memory_space<vmem>>[vector<16xi32>, vector<16xi32>], vector<16xf32>,
      %add3A_807 = arith.constant 32 : i32
      %add3A_808 = vector.broadcast %add3A_807 : i32 to vector<16xi32>
      %add3A_809 = arith.addi %iota3A, %add3A_808 : vector<16xi32>
      %broadcast_in_dim3A_810 = arith.constant 0 : i32
      %broadcast_in_dim3A_811 = vector.broadcast %broadcast_in_dim3A_810 : i32 to vector<16xi32>
      %gather3A_812 = tpu.vector_load_idx %arg17[%add3A_809, %broadcast_in_dim3A_811] : memref<96x8xf32, #tpu.memory_space<vmem>>[vector<16xi32>, vector<16xi32>], vector<16xf32>,
      %broadcast_in_dim3A_813 = arith.constant 4 : i32
      %broadcast_in_dim3A_814 = vector.broadcast %broadcast_in_dim3A_813 : i32 to vector<16xi32>
      %gather3A_815 = tpu.vector_load_idx %arg19[%add3A_809, %broadcast_in_dim3A_814] : memref<96x8xf32, #tpu.memory_space<vmem>>[vector<16xi32>, vector<16xi32>], vector<16xf32>,
      %add3A_816 = arith.addf %gather3A_812, %gather3A_815 : vector<16xf32>
      %ge3A_817 = arith.constant 0.000000e+00 : f32
      %ge3A_818 = vector.broadcast %ge3A_817 : f32 to vector<16xf32>
      %ge3A_819 = arith.cmpf oge, %add3A_816, %ge3A_818 : vector<16xf32>
      %mul3A_820 = arith.constant 2.000000e-01 : f32
      %mul3A_821 = vector.broadcast %mul3A_820 : f32 to vector<16xf32>
      %mul3A_822 = arith.mulf %add3A_816, %mul3A_821 : vector<16xf32>
      %select_n3A_823 = arith.select %ge3A_819, %add3A_816, %mul3A_822 : vector<16xi1>, vector<16xf32>
      %exp3A_824 = math.exp %select_n3A_823 : vector<16xf32>
      %broadcast_in_dim3A_825 = arith.constant 0 : i32
      %broadcast_in_dim3A_826 = vector.broadcast %broadcast_in_dim3A_825 : i32 to vector<16xi32>
      tpu.vector_store_idx %arg21[%add3A_809, %broadcast_in_dim3A_826], %exp3A_824 : memref<96x16xf32, #tpu.memory_space<vmem>>[vector<16xi32>, vector<16xi32>], vector<16xf32>,
      %broadcast_in_dim3A_827 = arith.constant 1 : i32
      %broadcast_in_dim3A_828 = vector.broadcast %broadcast_in_dim3A_827 : i32 to vector<16xi32>
      %gather3A_829 = tpu.vector_load_idx %arg17[%add3A_809, %broadcast_in_dim3A_828] : memref<96x8xf32, #tpu.memory_space<vmem>>[vector<16xi32>, vector<16xi32>], vector<16xf32>,
      %broadcast_in_dim3A_830 = arith.constant 5 : i32
      %broadcast_in_dim3A_831 = vector.broadcast %broadcast_in_dim3A_830 : i32 to vector<16xi32>
      %gather3A_832 = tpu.vector_load_idx %arg19[%add3A_809, %broadcast_in_dim3A_831] : memref<96x8xf32, #tpu.memory_space<vmem>>[vector<16xi32>, vector<16xi32>], vector<16xf32>,
      %add3A_833 = arith.addf %gather3A_829, %gather3A_832 : vector<16xf32>
      %ge3A_834 = arith.constant 0.000000e+00 : f32
      %ge3A_835 = vector.broadcast %ge3A_834 : f32 to vector<16xf32>
      %ge3A_836 = arith.cmpf oge, %add3A_833, %ge3A_835 : vector<16xf32>
      %mul3A_837 = arith.constant 2.000000e-01 : f32
      %mul3A_838 = vector.broadcast %mul3A_837 : f32 to vector<16xf32>
      %mul3A_839 = arith.mulf %add3A_833, %mul3A_838 : vector<16xf32>
      %select_n3A_840 = arith.select %ge3A_836, %add3A_833, %mul3A_839 : vector<16xi1>, vector<16xf32>
      %exp3A_841 = math.exp %select_n3A_840 : vector<16xf32>
      %broadcast_in_dim3A_842 = arith.constant 1 : i32
      %broadcast_in_dim3A_843 = vector.broadcast %broadcast_in_dim3A_842 : i32 to vector<16xi32>
      tpu.vector_store_idx %arg21[%add3A_809, %broadcast_in_dim3A_843], %exp3A_841 : memref<96x16xf32, #tpu.memory_space<vmem>>[vector<16xi32>, vector<16xi32>], vector<16xf32>,
      %broadcast_in_dim3A_844 = arith.constant 2 : i32
      %broadcast_in_dim3A_845 = vector.broadcast %broadcast_in_dim3A_844 : i32 to vector<16xi32>
      %gather3A_846 = tpu.vector_load_idx %arg17[%add3A_809, %broadcast_in_dim3A_845] : memref<96x8xf32, #tpu.memory_space<vmem>>[vector<16xi32>, vector<16xi32>], vector<16xf32>,
      %broadcast_in_dim3A_847 = arith.constant 6 : i32
      %broadcast_in_dim3A_848 = vector.broadcast %broadcast_in_dim3A_847 : i32 to vector<16xi32>
      %gather3A_849 = tpu.vector_load_idx %arg19[%add3A_809, %broadcast_in_dim3A_848] : memref<96x8xf32, #tpu.memory_space<vmem>>[vector<16xi32>, vector<16xi32>], vector<16xf32>,
      %add3A_850 = arith.addf %gather3A_846, %gather3A_849 : vector<16xf32>
      %ge3A_851 = arith.constant 0.000000e+00 : f32
      %ge3A_852 = vector.broadcast %ge3A_851 : f32 to vector<16xf32>
      %ge3A_853 = arith.cmpf oge, %add3A_850, %ge3A_852 : vector<16xf32>
      %mul3A_854 = arith.constant 2.000000e-01 : f32
      %mul3A_855 = vector.broadcast %mul3A_854 : f32 to vector<16xf32>
      %mul3A_856 = arith.mulf %add3A_850, %mul3A_855 : vector<16xf32>
      %select_n3A_857 = arith.select %ge3A_853, %add3A_850, %mul3A_856 : vector<16xi1>, vector<16xf32>
      %exp3A_858 = math.exp %select_n3A_857 : vector<16xf32>
      %broadcast_in_dim3A_859 = arith.constant 2 : i32
      %broadcast_in_dim3A_860 = vector.broadcast %broadcast_in_dim3A_859 : i32 to vector<16xi32>
      tpu.vector_store_idx %arg21[%add3A_809, %broadcast_in_dim3A_860], %exp3A_858 : memref<96x16xf32, #tpu.memory_space<vmem>>[vector<16xi32>, vector<16xi32>], vector<16xf32>,
      %broadcast_in_dim3A_861 = arith.constant 3 : i32
      %broadcast_in_dim3A_862 = vector.broadcast %broadcast_in_dim3A_861 : i32 to vector<16xi32>
      %gather3A_863 = tpu.vector_load_idx %arg17[%add3A_809, %broadcast_in_dim3A_862] : memref<96x8xf32, #tpu.memory_space<vmem>>[vector<16xi32>, vector<16xi32>], vector<16xf32>,
      %broadcast_in_dim3A_864 = arith.constant 7 : i32
      %broadcast_in_dim3A_865 = vector.broadcast %broadcast_in_dim3A_864 : i32 to vector<16xi32>
      %gather3A_866 = tpu.vector_load_idx %arg19[%add3A_809, %broadcast_in_dim3A_865] : memref<96x8xf32, #tpu.memory_space<vmem>>[vector<16xi32>, vector<16xi32>], vector<16xf32>,
      %add3A_867 = arith.addf %gather3A_863, %gather3A_866 : vector<16xf32>
      %ge3A_868 = arith.constant 0.000000e+00 : f32
      %ge3A_869 = vector.broadcast %ge3A_868 : f32 to vector<16xf32>
      %ge3A_870 = arith.cmpf oge, %add3A_867, %ge3A_869 : vector<16xf32>
      %mul3A_871 = arith.constant 2.000000e-01 : f32
      %mul3A_872 = vector.broadcast %mul3A_871 : f32 to vector<16xf32>
      %mul3A_873 = arith.mulf %add3A_867, %mul3A_872 : vector<16xf32>
      %select_n3A_874 = arith.select %ge3A_870, %add3A_867, %mul3A_873 : vector<16xi1>, vector<16xf32>
      %exp3A_875 = math.exp %select_n3A_874 : vector<16xf32>
      %broadcast_in_dim3A_876 = arith.constant 3 : i32
      %broadcast_in_dim3A_877 = vector.broadcast %broadcast_in_dim3A_876 : i32 to vector<16xi32>
      tpu.vector_store_idx %arg21[%add3A_809, %broadcast_in_dim3A_877], %exp3A_875 : memref<96x16xf32, #tpu.memory_space<vmem>>[vector<16xi32>, vector<16xi32>], vector<16xf32>,
      %add3A_878 = arith.constant 48 : i32
      %add3A_879 = vector.broadcast %add3A_878 : i32 to vector<16xi32>
      %add3A_880 = arith.addi %iota3A, %add3A_879 : vector<16xi32>
      %broadcast_in_dim3A_881 = arith.constant 0 : i32
      %broadcast_in_dim3A_882 = vector.broadcast %broadcast_in_dim3A_881 : i32 to vector<16xi32>
      %gather3A_883 = tpu.vector_load_idx %arg17[%add3A_880, %broadcast_in_dim3A_882] : memref<96x8xf32, #tpu.memory_space<vmem>>[vector<16xi32>, vector<16xi32>], vector<16xf32>,
      %broadcast_in_dim3A_884 = arith.constant 4 : i32
      %broadcast_in_dim3A_885 = vector.broadcast %broadcast_in_dim3A_884 : i32 to vector<16xi32>
      %gather3A_886 = tpu.vector_load_idx %arg19[%add3A_880, %broadcast_in_dim3A_885] : memref<96x8xf32, #tpu.memory_space<vmem>>[vector<16xi32>, vector<16xi32>], vector<16xf32>,
      %add3A_887 = arith.addf %gather3A_883, %gather3A_886 : vector<16xf32>
      %ge3A_888 = arith.constant 0.000000e+00 : f32
      %ge3A_889 = vector.broadcast %ge3A_888 : f32 to vector<16xf32>
      %ge3A_890 = arith.cmpf oge, %add3A_887, %ge3A_889 : vector<16xf32>
      %mul3A_891 = arith.constant 2.000000e-01 : f32
      %mul3A_892 = vector.broadcast %mul3A_891 : f32 to vector<16xf32>
      %mul3A_893 = arith.mulf %add3A_887, %mul3A_892 : vector<16xf32>
      %select_n3A_894 = arith.select %ge3A_890, %add3A_887, %mul3A_893 : vector<16xi1>, vector<16xf32>
      %exp3A_895 = math.exp %select_n3A_894 : vector<16xf32>
      %broadcast_in_dim3A_896 = arith.constant 0 : i32
      %broadcast_in_dim3A_897 = vector.broadcast %broadcast_in_dim3A_896 : i32 to vector<16xi32>
      tpu.vector_store_idx %arg21[%add3A_880, %broadcast_in_dim3A_897], %exp3A_895 : memref<96x16xf32, #tpu.memory_space<vmem>>[vector<16xi32>, vector<16xi32>], vector<16xf32>,
      %broadcast_in_dim3A_898 = arith.constant 1 : i32
      %broadcast_in_dim3A_899 = vector.broadcast %broadcast_in_dim3A_898 : i32 to vector<16xi32>
      %gather3A_900 = tpu.vector_load_idx %arg17[%add3A_880, %broadcast_in_dim3A_899] : memref<96x8xf32, #tpu.memory_space<vmem>>[vector<16xi32>, vector<16xi32>], vector<16xf32>,
      %broadcast_in_dim3A_901 = arith.constant 5 : i32
      %broadcast_in_dim3A_902 = vector.broadcast %broadcast_in_dim3A_901 : i32 to vector<16xi32>
      %gather3A_903 = tpu.vector_load_idx %arg19[%add3A_880, %broadcast_in_dim3A_902] : memref<96x8xf32, #tpu.memory_space<vmem>>[vector<16xi32>, vector<16xi32>], vector<16xf32>,
      %add3A_904 = arith.addf %gather3A_900, %gather3A_903 : vector<16xf32>
      %ge3A_905 = arith.constant 0.000000e+00 : f32
      %ge3A_906 = vector.broadcast %ge3A_905 : f32 to vector<16xf32>
      %ge3A_907 = arith.cmpf oge, %add3A_904, %ge3A_906 : vector<16xf32>
      %mul3A_908 = arith.constant 2.000000e-01 : f32
      %mul3A_909 = vector.broadcast %mul3A_908 : f32 to vector<16xf32>
      %mul3A_910 = arith.mulf %add3A_904, %mul3A_909 : vector<16xf32>
      %select_n3A_911 = arith.select %ge3A_907, %add3A_904, %mul3A_910 : vector<16xi1>, vector<16xf32>
      %exp3A_912 = math.exp %select_n3A_911 : vector<16xf32>
      %broadcast_in_dim3A_913 = arith.constant 1 : i32
      %broadcast_in_dim3A_914 = vector.broadcast %broadcast_in_dim3A_913 : i32 to vector<16xi32>
      tpu.vector_store_idx %arg21[%add3A_880, %broadcast_in_dim3A_914], %exp3A_912 : memref<96x16xf32, #tpu.memory_space<vmem>>[vector<16xi32>, vector<16xi32>], vector<16xf32>,
      %broadcast_in_dim3A_915 = arith.constant 2 : i32
      %broadcast_in_dim3A_916 = vector.broadcast %broadcast_in_dim3A_915 : i32 to vector<16xi32>
      %gather3A_917 = tpu.vector_load_idx %arg17[%add3A_880, %broadcast_in_dim3A_916] : memref<96x8xf32, #tpu.memory_space<vmem>>[vector<16xi32>, vector<16xi32>], vector<16xf32>,
      %broadcast_in_dim3A_918 = arith.constant 6 : i32
      %broadcast_in_dim3A_919 = vector.broadcast %broadcast_in_dim3A_918 : i32 to vector<16xi32>
      %gather3A_920 = tpu.vector_load_idx %arg19[%add3A_880, %broadcast_in_dim3A_919] : memref<96x8xf32, #tpu.memory_space<vmem>>[vector<16xi32>, vector<16xi32>], vector<16xf32>,
      %add3A_921 = arith.addf %gather3A_917, %gather3A_920 : vector<16xf32>
      %ge3A_922 = arith.constant 0.000000e+00 : f32
      %ge3A_923 = vector.broadcast %ge3A_922 : f32 to vector<16xf32>
      %ge3A_924 = arith.cmpf oge, %add3A_921, %ge3A_923 : vector<16xf32>
      %mul3A_925 = arith.constant 2.000000e-01 : f32
      %mul3A_926 = vector.broadcast %mul3A_925 : f32 to vector<16xf32>
      %mul3A_927 = arith.mulf %add3A_921, %mul3A_926 : vector<16xf32>
      %select_n3A_928 = arith.select %ge3A_924, %add3A_921, %mul3A_927 : vector<16xi1>, vector<16xf32>
      %exp3A_929 = math.exp %select_n3A_928 : vector<16xf32>
      %broadcast_in_dim3A_930 = arith.constant 2 : i32
      %broadcast_in_dim3A_931 = vector.broadcast %broadcast_in_dim3A_930 : i32 to vector<16xi32>
      tpu.vector_store_idx %arg21[%add3A_880, %broadcast_in_dim3A_931], %exp3A_929 : memref<96x16xf32, #tpu.memory_space<vmem>>[vector<16xi32>, vector<16xi32>], vector<16xf32>,
      %broadcast_in_dim3A_932 = arith.constant 3 : i32
      %broadcast_in_dim3A_933 = vector.broadcast %broadcast_in_dim3A_932 : i32 to vector<16xi32>
      %gather3A_934 = tpu.vector_load_idx %arg17[%add3A_880, %broadcast_in_dim3A_933] : memref<96x8xf32, #tpu.memory_space<vmem>>[vector<16xi32>, vector<16xi32>], vector<16xf32>,
      %broadcast_in_dim3A_935 = arith.constant 7 : i32
      %broadcast_in_dim3A_936 = vector.broadcast %broadcast_in_dim3A_935 : i32 to vector<16xi32>
      %gather3A_937 = tpu.vector_load_idx %arg19[%add3A_880, %broadcast_in_dim3A_936] : memref<96x8xf32, #tpu.memory_space<vmem>>[vector<16xi32>, vector<16xi32>], vector<16xf32>,
      %add3A_938 = arith.addf %gather3A_934, %gather3A_937 : vector<16xf32>
      %ge3A_939 = arith.constant 0.000000e+00 : f32
      %ge3A_940 = vector.broadcast %ge3A_939 : f32 to vector<16xf32>
      %ge3A_941 = arith.cmpf oge, %add3A_938, %ge3A_940 : vector<16xf32>
      %mul3A_942 = arith.constant 2.000000e-01 : f32
      %mul3A_943 = vector.broadcast %mul3A_942 : f32 to vector<16xf32>
      %mul3A_944 = arith.mulf %add3A_938, %mul3A_943 : vector<16xf32>
      %select_n3A_945 = arith.select %ge3A_941, %add3A_938, %mul3A_944 : vector<16xi1>, vector<16xf32>
      %exp3A_946 = math.exp %select_n3A_945 : vector<16xf32>
      %broadcast_in_dim3A_947 = arith.constant 3 : i32
      %broadcast_in_dim3A_948 = vector.broadcast %broadcast_in_dim3A_947 : i32 to vector<16xi32>
      tpu.vector_store_idx %arg21[%add3A_880, %broadcast_in_dim3A_948], %exp3A_946 : memref<96x16xf32, #tpu.memory_space<vmem>>[vector<16xi32>, vector<16xi32>], vector<16xf32>,
      %add3A_949 = arith.constant 64 : i32
      %add3A_950 = vector.broadcast %add3A_949 : i32 to vector<16xi32>
      %add3A_951 = arith.addi %iota3A, %add3A_950 : vector<16xi32>
      %broadcast_in_dim3A_952 = arith.constant 0 : i32
      %broadcast_in_dim3A_953 = vector.broadcast %broadcast_in_dim3A_952 : i32 to vector<16xi32>
      %gather3A_954 = tpu.vector_load_idx %arg17[%add3A_951, %broadcast_in_dim3A_953] : memref<96x8xf32, #tpu.memory_space<vmem>>[vector<16xi32>, vector<16xi32>], vector<16xf32>,
      %broadcast_in_dim3A_955 = arith.constant 4 : i32
      %broadcast_in_dim3A_956 = vector.broadcast %broadcast_in_dim3A_955 : i32 to vector<16xi32>
      %gather3A_957 = tpu.vector_load_idx %arg19[%add3A_951, %broadcast_in_dim3A_956] : memref<96x8xf32, #tpu.memory_space<vmem>>[vector<16xi32>, vector<16xi32>], vector<16xf32>,
      %add3A_958 = arith.addf %gather3A_954, %gather3A_957 : vector<16xf32>
      %ge3A_959 = arith.constant 0.000000e+00 : f32
      %ge3A_960 = vector.broadcast %ge3A_959 : f32 to vector<16xf32>
      %ge3A_961 = arith.cmpf oge, %add3A_958, %ge3A_960 : vector<16xf32>
      %mul3A_962 = arith.constant 2.000000e-01 : f32
      %mul3A_963 = vector.broadcast %mul3A_962 : f32 to vector<16xf32>
      %mul3A_964 = arith.mulf %add3A_958, %mul3A_963 : vector<16xf32>
      %select_n3A_965 = arith.select %ge3A_961, %add3A_958, %mul3A_964 : vector<16xi1>, vector<16xf32>
      %exp3A_966 = math.exp %select_n3A_965 : vector<16xf32>
      %broadcast_in_dim3A_967 = arith.constant 0 : i32
      %broadcast_in_dim3A_968 = vector.broadcast %broadcast_in_dim3A_967 : i32 to vector<16xi32>
      tpu.vector_store_idx %arg21[%add3A_951, %broadcast_in_dim3A_968], %exp3A_966 : memref<96x16xf32, #tpu.memory_space<vmem>>[vector<16xi32>, vector<16xi32>], vector<16xf32>,
      %broadcast_in_dim3A_969 = arith.constant 1 : i32
      %broadcast_in_dim3A_970 = vector.broadcast %broadcast_in_dim3A_969 : i32 to vector<16xi32>
      %gather3A_971 = tpu.vector_load_idx %arg17[%add3A_951, %broadcast_in_dim3A_970] : memref<96x8xf32, #tpu.memory_space<vmem>>[vector<16xi32>, vector<16xi32>], vector<16xf32>,
      %broadcast_in_dim3A_972 = arith.constant 5 : i32
      %broadcast_in_dim3A_973 = vector.broadcast %broadcast_in_dim3A_972 : i32 to vector<16xi32>
      %gather3A_974 = tpu.vector_load_idx %arg19[%add3A_951, %broadcast_in_dim3A_973] : memref<96x8xf32, #tpu.memory_space<vmem>>[vector<16xi32>, vector<16xi32>], vector<16xf32>,
      %add3A_975 = arith.addf %gather3A_971, %gather3A_974 : vector<16xf32>
      %ge3A_976 = arith.constant 0.000000e+00 : f32
      %ge3A_977 = vector.broadcast %ge3A_976 : f32 to vector<16xf32>
      %ge3A_978 = arith.cmpf oge, %add3A_975, %ge3A_977 : vector<16xf32>
      %mul3A_979 = arith.constant 2.000000e-01 : f32
      %mul3A_980 = vector.broadcast %mul3A_979 : f32 to vector<16xf32>
      %mul3A_981 = arith.mulf %add3A_975, %mul3A_980 : vector<16xf32>
      %select_n3A_982 = arith.select %ge3A_978, %add3A_975, %mul3A_981 : vector<16xi1>, vector<16xf32>
      %exp3A_983 = math.exp %select_n3A_982 : vector<16xf32>
      %broadcast_in_dim3A_984 = arith.constant 1 : i32
      %broadcast_in_dim3A_985 = vector.broadcast %broadcast_in_dim3A_984 : i32 to vector<16xi32>
      tpu.vector_store_idx %arg21[%add3A_951, %broadcast_in_dim3A_985], %exp3A_983 : memref<96x16xf32, #tpu.memory_space<vmem>>[vector<16xi32>, vector<16xi32>], vector<16xf32>,
      %broadcast_in_dim3A_986 = arith.constant 2 : i32
      %broadcast_in_dim3A_987 = vector.broadcast %broadcast_in_dim3A_986 : i32 to vector<16xi32>
      %gather3A_988 = tpu.vector_load_idx %arg17[%add3A_951, %broadcast_in_dim3A_987] : memref<96x8xf32, #tpu.memory_space<vmem>>[vector<16xi32>, vector<16xi32>], vector<16xf32>,
      %broadcast_in_dim3A_989 = arith.constant 6 : i32
      %broadcast_in_dim3A_990 = vector.broadcast %broadcast_in_dim3A_989 : i32 to vector<16xi32>
      %gather3A_991 = tpu.vector_load_idx %arg19[%add3A_951, %broadcast_in_dim3A_990] : memref<96x8xf32, #tpu.memory_space<vmem>>[vector<16xi32>, vector<16xi32>], vector<16xf32>,
      %add3A_992 = arith.addf %gather3A_988, %gather3A_991 : vector<16xf32>
      %ge3A_993 = arith.constant 0.000000e+00 : f32
      %ge3A_994 = vector.broadcast %ge3A_993 : f32 to vector<16xf32>
      %ge3A_995 = arith.cmpf oge, %add3A_992, %ge3A_994 : vector<16xf32>
      %mul3A_996 = arith.constant 2.000000e-01 : f32
      %mul3A_997 = vector.broadcast %mul3A_996 : f32 to vector<16xf32>
      %mul3A_998 = arith.mulf %add3A_992, %mul3A_997 : vector<16xf32>
      %select_n3A_999 = arith.select %ge3A_995, %add3A_992, %mul3A_998 : vector<16xi1>, vector<16xf32>
      %exp3A_1000 = math.exp %select_n3A_999 : vector<16xf32>
      %broadcast_in_dim3A_1001 = arith.constant 2 : i32
      %broadcast_in_dim3A_1002 = vector.broadcast %broadcast_in_dim3A_1001 : i32 to vector<16xi32>
      tpu.vector_store_idx %arg21[%add3A_951, %broadcast_in_dim3A_1002], %exp3A_1000 : memref<96x16xf32, #tpu.memory_space<vmem>>[vector<16xi32>, vector<16xi32>], vector<16xf32>,
      %broadcast_in_dim3A_1003 = arith.constant 3 : i32
      %broadcast_in_dim3A_1004 = vector.broadcast %broadcast_in_dim3A_1003 : i32 to vector<16xi32>
      %gather3A_1005 = tpu.vector_load_idx %arg17[%add3A_951, %broadcast_in_dim3A_1004] : memref<96x8xf32, #tpu.memory_space<vmem>>[vector<16xi32>, vector<16xi32>], vector<16xf32>,
      %broadcast_in_dim3A_1006 = arith.constant 7 : i32
      %broadcast_in_dim3A_1007 = vector.broadcast %broadcast_in_dim3A_1006 : i32 to vector<16xi32>
      %gather3A_1008 = tpu.vector_load_idx %arg19[%add3A_951, %broadcast_in_dim3A_1007] : memref<96x8xf32, #tpu.memory_space<vmem>>[vector<16xi32>, vector<16xi32>], vector<16xf32>,
      %add3A_1009 = arith.addf %gather3A_1005, %gather3A_1008 : vector<16xf32>
      %ge3A_1010 = arith.constant 0.000000e+00 : f32
      %ge3A_1011 = vector.broadcast %ge3A_1010 : f32 to vector<16xf32>
      %ge3A_1012 = arith.cmpf oge, %add3A_1009, %ge3A_1011 : vector<16xf32>
      %mul3A_1013 = arith.constant 2.000000e-01 : f32
      %mul3A_1014 = vector.broadcast %mul3A_1013 : f32 to vector<16xf32>
      %mul3A_1015 = arith.mulf %add3A_1009, %mul3A_1014 : vector<16xf32>
      %select_n3A_1016 = arith.select %ge3A_1012, %add3A_1009, %mul3A_1015 : vector<16xi1>, vector<16xf32>
      %exp3A_1017 = math.exp %select_n3A_1016 : vector<16xf32>
      %broadcast_in_dim3A_1018 = arith.constant 3 : i32
      %broadcast_in_dim3A_1019 = vector.broadcast %broadcast_in_dim3A_1018 : i32 to vector<16xi32>
      tpu.vector_store_idx %arg21[%add3A_951, %broadcast_in_dim3A_1019], %exp3A_1017 : memref<96x16xf32, #tpu.memory_space<vmem>>[vector<16xi32>, vector<16xi32>], vector<16xf32>,
      %add3A_1020 = arith.constant 80 : i32
      %add3A_1021 = vector.broadcast %add3A_1020 : i32 to vector<16xi32>
      %add3A_1022 = arith.addi %iota3A, %add3A_1021 : vector<16xi32>
      %broadcast_in_dim3A_1023 = arith.constant 0 : i32
      %broadcast_in_dim3A_1024 = vector.broadcast %broadcast_in_dim3A_1023 : i32 to vector<16xi32>
      %gather3A_1025 = tpu.vector_load_idx %arg17[%add3A_1022, %broadcast_in_dim3A_1024] : memref<96x8xf32, #tpu.memory_space<vmem>>[vector<16xi32>, vector<16xi32>], vector<16xf32>,
      %broadcast_in_dim3A_1026 = arith.constant 4 : i32
      %broadcast_in_dim3A_1027 = vector.broadcast %broadcast_in_dim3A_1026 : i32 to vector<16xi32>
      %gather3A_1028 = tpu.vector_load_idx %arg19[%add3A_1022, %broadcast_in_dim3A_1027] : memref<96x8xf32, #tpu.memory_space<vmem>>[vector<16xi32>, vector<16xi32>], vector<16xf32>,
      %add3A_1029 = arith.addf %gather3A_1025, %gather3A_1028 : vector<16xf32>
      %ge3A_1030 = arith.constant 0.000000e+00 : f32
      %ge3A_1031 = vector.broadcast %ge3A_1030 : f32 to vector<16xf32>
      %ge3A_1032 = arith.cmpf oge, %add3A_1029, %ge3A_1031 : vector<16xf32>
      %mul3A_1033 = arith.constant 2.000000e-01 : f32
      %mul3A_1034 = vector.broadcast %mul3A_1033 : f32 to vector<16xf32>
      %mul3A_1035 = arith.mulf %add3A_1029, %mul3A_1034 : vector<16xf32>
      %select_n3A_1036 = arith.select %ge3A_1032, %add3A_1029, %mul3A_1035 : vector<16xi1>, vector<16xf32>
      %exp3A_1037 = math.exp %select_n3A_1036 : vector<16xf32>
      %broadcast_in_dim3A_1038 = arith.constant 0 : i32
      %broadcast_in_dim3A_1039 = vector.broadcast %broadcast_in_dim3A_1038 : i32 to vector<16xi32>
      tpu.vector_store_idx %arg21[%add3A_1022, %broadcast_in_dim3A_1039], %exp3A_1037 : memref<96x16xf32, #tpu.memory_space<vmem>>[vector<16xi32>, vector<16xi32>], vector<16xf32>,
      %broadcast_in_dim3A_1040 = arith.constant 1 : i32
      %broadcast_in_dim3A_1041 = vector.broadcast %broadcast_in_dim3A_1040 : i32 to vector<16xi32>
      %gather3A_1042 = tpu.vector_load_idx %arg17[%add3A_1022, %broadcast_in_dim3A_1041] : memref<96x8xf32, #tpu.memory_space<vmem>>[vector<16xi32>, vector<16xi32>], vector<16xf32>,
      %broadcast_in_dim3A_1043 = arith.constant 5 : i32
      %broadcast_in_dim3A_1044 = vector.broadcast %broadcast_in_dim3A_1043 : i32 to vector<16xi32>
      %gather3A_1045 = tpu.vector_load_idx %arg19[%add3A_1022, %broadcast_in_dim3A_1044] : memref<96x8xf32, #tpu.memory_space<vmem>>[vector<16xi32>, vector<16xi32>], vector<16xf32>,
      %add3A_1046 = arith.addf %gather3A_1042, %gather3A_1045 : vector<16xf32>
      %ge3A_1047 = arith.constant 0.000000e+00 : f32
      %ge3A_1048 = vector.broadcast %ge3A_1047 : f32 to vector<16xf32>
      %ge3A_1049 = arith.cmpf oge, %add3A_1046, %ge3A_1048 : vector<16xf32>
      %mul3A_1050 = arith.constant 2.000000e-01 : f32
      %mul3A_1051 = vector.broadcast %mul3A_1050 : f32 to vector<16xf32>
      %mul3A_1052 = arith.mulf %add3A_1046, %mul3A_1051 : vector<16xf32>
      %select_n3A_1053 = arith.select %ge3A_1049, %add3A_1046, %mul3A_1052 : vector<16xi1>, vector<16xf32>
      %exp3A_1054 = math.exp %select_n3A_1053 : vector<16xf32>
      %broadcast_in_dim3A_1055 = arith.constant 1 : i32
      %broadcast_in_dim3A_1056 = vector.broadcast %broadcast_in_dim3A_1055 : i32 to vector<16xi32>
      tpu.vector_store_idx %arg21[%add3A_1022, %broadcast_in_dim3A_1056], %exp3A_1054 : memref<96x16xf32, #tpu.memory_space<vmem>>[vector<16xi32>, vector<16xi32>], vector<16xf32>,
      %broadcast_in_dim3A_1057 = arith.constant 2 : i32
      %broadcast_in_dim3A_1058 = vector.broadcast %broadcast_in_dim3A_1057 : i32 to vector<16xi32>
      %gather3A_1059 = tpu.vector_load_idx %arg17[%add3A_1022, %broadcast_in_dim3A_1058] : memref<96x8xf32, #tpu.memory_space<vmem>>[vector<16xi32>, vector<16xi32>], vector<16xf32>,
      %broadcast_in_dim3A_1060 = arith.constant 6 : i32
      %broadcast_in_dim3A_1061 = vector.broadcast %broadcast_in_dim3A_1060 : i32 to vector<16xi32>
      %gather3A_1062 = tpu.vector_load_idx %arg19[%add3A_1022, %broadcast_in_dim3A_1061] : memref<96x8xf32, #tpu.memory_space<vmem>>[vector<16xi32>, vector<16xi32>], vector<16xf32>,
      %add3A_1063 = arith.addf %gather3A_1059, %gather3A_1062 : vector<16xf32>
      %ge3A_1064 = arith.constant 0.000000e+00 : f32
      %ge3A_1065 = vector.broadcast %ge3A_1064 : f32 to vector<16xf32>
      %ge3A_1066 = arith.cmpf oge, %add3A_1063, %ge3A_1065 : vector<16xf32>
      %mul3A_1067 = arith.constant 2.000000e-01 : f32
      %mul3A_1068 = vector.broadcast %mul3A_1067 : f32 to vector<16xf32>
      %mul3A_1069 = arith.mulf %add3A_1063, %mul3A_1068 : vector<16xf32>
      %select_n3A_1070 = arith.select %ge3A_1066, %add3A_1063, %mul3A_1069 : vector<16xi1>, vector<16xf32>
      %exp3A_1071 = math.exp %select_n3A_1070 : vector<16xf32>
      %broadcast_in_dim3A_1072 = arith.constant 2 : i32
      %broadcast_in_dim3A_1073 = vector.broadcast %broadcast_in_dim3A_1072 : i32 to vector<16xi32>
      tpu.vector_store_idx %arg21[%add3A_1022, %broadcast_in_dim3A_1073], %exp3A_1071 : memref<96x16xf32, #tpu.memory_space<vmem>>[vector<16xi32>, vector<16xi32>], vector<16xf32>,
      %broadcast_in_dim3A_1074 = arith.constant 3 : i32
      %broadcast_in_dim3A_1075 = vector.broadcast %broadcast_in_dim3A_1074 : i32 to vector<16xi32>
      %gather3A_1076 = tpu.vector_load_idx %arg17[%add3A_1022, %broadcast_in_dim3A_1075] : memref<96x8xf32, #tpu.memory_space<vmem>>[vector<16xi32>, vector<16xi32>], vector<16xf32>,
      %broadcast_in_dim3A_1077 = arith.constant 7 : i32
      %broadcast_in_dim3A_1078 = vector.broadcast %broadcast_in_dim3A_1077 : i32 to vector<16xi32>
      %gather3A_1079 = tpu.vector_load_idx %arg19[%add3A_1022, %broadcast_in_dim3A_1078] : memref<96x8xf32, #tpu.memory_space<vmem>>[vector<16xi32>, vector<16xi32>], vector<16xf32>,
      %add3A_1080 = arith.addf %gather3A_1076, %gather3A_1079 : vector<16xf32>
      %ge3A_1081 = arith.constant 0.000000e+00 : f32
      %ge3A_1082 = vector.broadcast %ge3A_1081 : f32 to vector<16xf32>
      %ge3A_1083 = arith.cmpf oge, %add3A_1080, %ge3A_1082 : vector<16xf32>
      %mul3A_1084 = arith.constant 2.000000e-01 : f32
      %mul3A_1085 = vector.broadcast %mul3A_1084 : f32 to vector<16xf32>
      %mul3A_1086 = arith.mulf %add3A_1080, %mul3A_1085 : vector<16xf32>
      %select_n3A_1087 = arith.select %ge3A_1083, %add3A_1080, %mul3A_1086 : vector<16xi1>, vector<16xf32>
      %exp3A_1088 = math.exp %select_n3A_1087 : vector<16xf32>
      %broadcast_in_dim3A_1089 = arith.constant 3 : i32
      %broadcast_in_dim3A_1090 = vector.broadcast %broadcast_in_dim3A_1089 : i32 to vector<16xi32>
      tpu.vector_store_idx %arg21[%add3A_1022, %broadcast_in_dim3A_1090], %exp3A_1088 : memref<96x16xf32, #tpu.memory_space<vmem>>[vector<16xi32>, vector<16xi32>], vector<16xf32>,
      %scan3A_1091 = arith.constant 0 : i32
      %scan3A_1092 = arith.constant 0 : i32
      %scan3A_1093 = arith.constant 96 : i32
      %scan3A_1094 = arith.addi %scan3A_1092, %scan3A_1093 : i32
      %scan3A_1095 = arith.constant 4 : i32
      %scan3A_1096 = scf.for %scan3A_1105 = %scan3A_1092 to %scan3A_1094 step %scan3A_1095 iter_args(%scan3A_1106 = %scan3A_1091) -> (i32)  : i32 {
        %broadcast_in_dim3A_1107 = vector.broadcast %scan3A_1105 : i32 to vector<16xi32>
        %gather3A_1108 = tpu.vector_load_idx %arg21[%broadcast_in_dim3A_1107, %rem3A_41] : memref<96x16xf32, #tpu.memory_space<vmem>>[vector<16xi32>, vector<16xi32>], vector<16xf32>,
        %get3A = arith.index_cast %scan3A_1105 : i32 to index
        %get3A_1109 = arith.constant 0 : index
        %get3A_1110 = tpu.vector_load %arg15[%get3A, %get3A_1109] {strides = array<i32>} : memref<96x128xf32, #tpu.memory_space<vmem>>, vector<16xf32>,
        %mul3A_1111 = arith.mulf %get3A_1110, %gather3A_1108 : vector<16xf32>
        %swap3A = arith.index_cast %scan3A_1105 : i32 to index
        %swap3A_1112 = arith.constant 0 : index
        %swap3A_1113 = tpu.vector_load %arg15[%swap3A, %swap3A_1112] {strides = array<i32>} : memref<96x128xf32, #tpu.memory_space<vmem>>, vector<16xf32>,
        tpu.vector_store %arg15[%swap3A, %swap3A_1112], %mul3A_1111 {strides = array<i32>} : memref<96x128xf32, #tpu.memory_space<vmem>>, vector<16xf32>,
        %get3A_1114 = arith.index_cast %scan3A_1105 : i32 to index
        %get3A_1115 = arith.constant 16 : index
        %get3A_1116 = tpu.vector_load %arg15[%get3A_1114, %get3A_1115] {strides = array<i32>} : memref<96x128xf32, #tpu.memory_space<vmem>>, vector<16xf32>,
        %mul3A_1117 = arith.mulf %get3A_1116, %gather3A_1108 : vector<16xf32>
        %swap3A_1118 = arith.index_cast %scan3A_1105 : i32 to index
        %swap3A_1119 = arith.constant 16 : index
        %swap3A_1120 = tpu.vector_load %arg15[%swap3A_1118, %swap3A_1119] {strides = array<i32>} : memref<96x128xf32, #tpu.memory_space<vmem>>, vector<16xf32>,
        tpu.vector_store %arg15[%swap3A_1118, %swap3A_1119], %mul3A_1117 {strides = array<i32>} : memref<96x128xf32, #tpu.memory_space<vmem>>, vector<16xf32>,
        %get3A_1121 = arith.index_cast %scan3A_1105 : i32 to index
        %get3A_1122 = arith.constant 32 : index
        %get3A_1123 = tpu.vector_load %arg15[%get3A_1121, %get3A_1122] {strides = array<i32>} : memref<96x128xf32, #tpu.memory_space<vmem>>, vector<16xf32>,
        %mul3A_1124 = arith.mulf %get3A_1123, %gather3A_1108 : vector<16xf32>
        %swap3A_1125 = arith.index_cast %scan3A_1105 : i32 to index
        %swap3A_1126 = arith.constant 32 : index
        %swap3A_1127 = tpu.vector_load %arg15[%swap3A_1125, %swap3A_1126] {strides = array<i32>} : memref<96x128xf32, #tpu.memory_space<vmem>>, vector<16xf32>,
        tpu.vector_store %arg15[%swap3A_1125, %swap3A_1126], %mul3A_1124 {strides = array<i32>} : memref<96x128xf32, #tpu.memory_space<vmem>>, vector<16xf32>,
        %get3A_1128 = arith.index_cast %scan3A_1105 : i32 to index
        %get3A_1129 = arith.constant 48 : index
        %get3A_1130 = tpu.vector_load %arg15[%get3A_1128, %get3A_1129] {strides = array<i32>} : memref<96x128xf32, #tpu.memory_space<vmem>>, vector<16xf32>,
        %mul3A_1131 = arith.mulf %get3A_1130, %gather3A_1108 : vector<16xf32>
        %swap3A_1132 = arith.index_cast %scan3A_1105 : i32 to index
        %swap3A_1133 = arith.constant 48 : index
        %swap3A_1134 = tpu.vector_load %arg15[%swap3A_1132, %swap3A_1133] {strides = array<i32>} : memref<96x128xf32, #tpu.memory_space<vmem>>, vector<16xf32>,
        tpu.vector_store %arg15[%swap3A_1132, %swap3A_1133], %mul3A_1131 {strides = array<i32>} : memref<96x128xf32, #tpu.memory_space<vmem>>, vector<16xf32>,
        %get3A_1135 = arith.index_cast %scan3A_1105 : i32 to index
        %get3A_1136 = arith.constant 64 : index
        %get3A_1137 = tpu.vector_load %arg15[%get3A_1135, %get3A_1136] {strides = array<i32>} : memref<96x128xf32, #tpu.memory_space<vmem>>, vector<16xf32>,
        %mul3A_1138 = arith.mulf %get3A_1137, %gather3A_1108 : vector<16xf32>
        %swap3A_1139 = arith.index_cast %scan3A_1105 : i32 to index
        %swap3A_1140 = arith.constant 64 : index
        %swap3A_1141 = tpu.vector_load %arg15[%swap3A_1139, %swap3A_1140] {strides = array<i32>} : memref<96x128xf32, #tpu.memory_space<vmem>>, vector<16xf32>,
        tpu.vector_store %arg15[%swap3A_1139, %swap3A_1140], %mul3A_1138 {strides = array<i32>} : memref<96x128xf32, #tpu.memory_space<vmem>>, vector<16xf32>,
        %get3A_1142 = arith.index_cast %scan3A_1105 : i32 to index
        %get3A_1143 = arith.constant 80 : index
        %get3A_1144 = tpu.vector_load %arg15[%get3A_1142, %get3A_1143] {strides = array<i32>} : memref<96x128xf32, #tpu.memory_space<vmem>>, vector<16xf32>,
        %mul3A_1145 = arith.mulf %get3A_1144, %gather3A_1108 : vector<16xf32>
        %swap3A_1146 = arith.index_cast %scan3A_1105 : i32 to index
        %swap3A_1147 = arith.constant 80 : index
        %swap3A_1148 = tpu.vector_load %arg15[%swap3A_1146, %swap3A_1147] {strides = array<i32>} : memref<96x128xf32, #tpu.memory_space<vmem>>, vector<16xf32>,
        tpu.vector_store %arg15[%swap3A_1146, %swap3A_1147], %mul3A_1145 {strides = array<i32>} : memref<96x128xf32, #tpu.memory_space<vmem>>, vector<16xf32>,
        %get3A_1149 = arith.index_cast %scan3A_1105 : i32 to index
        %get3A_1150 = arith.constant 96 : index
        %get3A_1151 = tpu.vector_load %arg15[%get3A_1149, %get3A_1150] {strides = array<i32>} : memref<96x128xf32, #tpu.memory_space<vmem>>, vector<16xf32>,
        %mul3A_1152 = arith.mulf %get3A_1151, %gather3A_1108 : vector<16xf32>
        %swap3A_1153 = arith.index_cast %scan3A_1105 : i32 to index
        %swap3A_1154 = arith.constant 96 : index
        %swap3A_1155 = tpu.vector_load %arg15[%swap3A_1153, %swap3A_1154] {strides = array<i32>} : memref<96x128xf32, #tpu.memory_space<vmem>>, vector<16xf32>,
        tpu.vector_store %arg15[%swap3A_1153, %swap3A_1154], %mul3A_1152 {strides = array<i32>} : memref<96x128xf32, #tpu.memory_space<vmem>>, vector<16xf32>,
        %get3A_1156 = arith.index_cast %scan3A_1105 : i32 to index
        %get3A_1157 = arith.constant 112 : index
        %get3A_1158 = tpu.vector_load %arg15[%get3A_1156, %get3A_1157] {strides = array<i32>} : memref<96x128xf32, #tpu.memory_space<vmem>>, vector<16xf32>,
        %mul3A_1159 = arith.mulf %get3A_1158, %gather3A_1108 : vector<16xf32>
        %swap3A_1160 = arith.index_cast %scan3A_1105 : i32 to index
        %swap3A_1161 = arith.constant 112 : index
        %swap3A_1162 = tpu.vector_load %arg15[%swap3A_1160, %swap3A_1161] {strides = array<i32>} : memref<96x128xf32, #tpu.memory_space<vmem>>, vector<16xf32>,
        tpu.vector_store %arg15[%swap3A_1160, %swap3A_1161], %mul3A_1159 {strides = array<i32>} : memref<96x128xf32, #tpu.memory_space<vmem>>, vector<16xf32>,
        %scan3A_1163 = arith.constant 0 : i32
        %scan3A_1164 = arith.constant 1 : i32
        %scan3A_1165 = arith.addi %scan3A_1105, %scan3A_1164 : i32
        %broadcast_in_dim3A_1166 = vector.broadcast %scan3A_1165 : i32 to vector<16xi32>
        %gather3A_1167 = tpu.vector_load_idx %arg21[%broadcast_in_dim3A_1166, %rem3A_41] : memref<96x16xf32, #tpu.memory_space<vmem>>[vector<16xi32>, vector<16xi32>], vector<16xf32>,
        %get3A_1168 = arith.index_cast %scan3A_1165 : i32 to index
        %get3A_1169 = arith.constant 0 : index
        %get3A_1170 = tpu.vector_load %arg15[%get3A_1168, %get3A_1169] {strides = array<i32>} : memref<96x128xf32, #tpu.memory_space<vmem>>, vector<16xf32>,
        %mul3A_1171 = arith.mulf %get3A_1170, %gather3A_1167 : vector<16xf32>
        %swap3A_1172 = arith.index_cast %scan3A_1165 : i32 to index
        %swap3A_1173 = arith.constant 0 : index
        %swap3A_1174 = tpu.vector_load %arg15[%swap3A_1172, %swap3A_1173] {strides = array<i32>} : memref<96x128xf32, #tpu.memory_space<vmem>>, vector<16xf32>,
        tpu.vector_store %arg15[%swap3A_1172, %swap3A_1173], %mul3A_1171 {strides = array<i32>} : memref<96x128xf32, #tpu.memory_space<vmem>>, vector<16xf32>,
        %get3A_1175 = arith.index_cast %scan3A_1165 : i32 to index
        %get3A_1176 = arith.constant 16 : index
        %get3A_1177 = tpu.vector_load %arg15[%get3A_1175, %get3A_1176] {strides = array<i32>} : memref<96x128xf32, #tpu.memory_space<vmem>>, vector<16xf32>,
        %mul3A_1178 = arith.mulf %get3A_1177, %gather3A_1167 : vector<16xf32>
        %swap3A_1179 = arith.index_cast %scan3A_1165 : i32 to index
        %swap3A_1180 = arith.constant 16 : index
        %swap3A_1181 = tpu.vector_load %arg15[%swap3A_1179, %swap3A_1180] {strides = array<i32>} : memref<96x128xf32, #tpu.memory_space<vmem>>, vector<16xf32>,
        tpu.vector_store %arg15[%swap3A_1179, %swap3A_1180], %mul3A_1178 {strides = array<i32>} : memref<96x128xf32, #tpu.memory_space<vmem>>, vector<16xf32>,
        %get3A_1182 = arith.index_cast %scan3A_1165 : i32 to index
        %get3A_1183 = arith.constant 32 : index
        %get3A_1184 = tpu.vector_load %arg15[%get3A_1182, %get3A_1183] {strides = array<i32>} : memref<96x128xf32, #tpu.memory_space<vmem>>, vector<16xf32>,
        %mul3A_1185 = arith.mulf %get3A_1184, %gather3A_1167 : vector<16xf32>
        %swap3A_1186 = arith.index_cast %scan3A_1165 : i32 to index
        %swap3A_1187 = arith.constant 32 : index
        %swap3A_1188 = tpu.vector_load %arg15[%swap3A_1186, %swap3A_1187] {strides = array<i32>} : memref<96x128xf32, #tpu.memory_space<vmem>>, vector<16xf32>,
        tpu.vector_store %arg15[%swap3A_1186, %swap3A_1187], %mul3A_1185 {strides = array<i32>} : memref<96x128xf32, #tpu.memory_space<vmem>>, vector<16xf32>,
        %get3A_1189 = arith.index_cast %scan3A_1165 : i32 to index
        %get3A_1190 = arith.constant 48 : index
        %get3A_1191 = tpu.vector_load %arg15[%get3A_1189, %get3A_1190] {strides = array<i32>} : memref<96x128xf32, #tpu.memory_space<vmem>>, vector<16xf32>,
        %mul3A_1192 = arith.mulf %get3A_1191, %gather3A_1167 : vector<16xf32>
        %swap3A_1193 = arith.index_cast %scan3A_1165 : i32 to index
        %swap3A_1194 = arith.constant 48 : index
        %swap3A_1195 = tpu.vector_load %arg15[%swap3A_1193, %swap3A_1194] {strides = array<i32>} : memref<96x128xf32, #tpu.memory_space<vmem>>, vector<16xf32>,
        tpu.vector_store %arg15[%swap3A_1193, %swap3A_1194], %mul3A_1192 {strides = array<i32>} : memref<96x128xf32, #tpu.memory_space<vmem>>, vector<16xf32>,
        %get3A_1196 = arith.index_cast %scan3A_1165 : i32 to index
        %get3A_1197 = arith.constant 64 : index
        %get3A_1198 = tpu.vector_load %arg15[%get3A_1196, %get3A_1197] {strides = array<i32>} : memref<96x128xf32, #tpu.memory_space<vmem>>, vector<16xf32>,
        %mul3A_1199 = arith.mulf %get3A_1198, %gather3A_1167 : vector<16xf32>
        %swap3A_1200 = arith.index_cast %scan3A_1165 : i32 to index
        %swap3A_1201 = arith.constant 64 : index
        %swap3A_1202 = tpu.vector_load %arg15[%swap3A_1200, %swap3A_1201] {strides = array<i32>} : memref<96x128xf32, #tpu.memory_space<vmem>>, vector<16xf32>,
        tpu.vector_store %arg15[%swap3A_1200, %swap3A_1201], %mul3A_1199 {strides = array<i32>} : memref<96x128xf32, #tpu.memory_space<vmem>>, vector<16xf32>,
        %get3A_1203 = arith.index_cast %scan3A_1165 : i32 to index
        %get3A_1204 = arith.constant 80 : index
        %get3A_1205 = tpu.vector_load %arg15[%get3A_1203, %get3A_1204] {strides = array<i32>} : memref<96x128xf32, #tpu.memory_space<vmem>>, vector<16xf32>,
        %mul3A_1206 = arith.mulf %get3A_1205, %gather3A_1167 : vector<16xf32>
        %swap3A_1207 = arith.index_cast %scan3A_1165 : i32 to index
        %swap3A_1208 = arith.constant 80 : index
        %swap3A_1209 = tpu.vector_load %arg15[%swap3A_1207, %swap3A_1208] {strides = array<i32>} : memref<96x128xf32, #tpu.memory_space<vmem>>, vector<16xf32>,
        tpu.vector_store %arg15[%swap3A_1207, %swap3A_1208], %mul3A_1206 {strides = array<i32>} : memref<96x128xf32, #tpu.memory_space<vmem>>, vector<16xf32>,
        %get3A_1210 = arith.index_cast %scan3A_1165 : i32 to index
        %get3A_1211 = arith.constant 96 : index
        %get3A_1212 = tpu.vector_load %arg15[%get3A_1210, %get3A_1211] {strides = array<i32>} : memref<96x128xf32, #tpu.memory_space<vmem>>, vector<16xf32>,
        %mul3A_1213 = arith.mulf %get3A_1212, %gather3A_1167 : vector<16xf32>
        %swap3A_1214 = arith.index_cast %scan3A_1165 : i32 to index
        %swap3A_1215 = arith.constant 96 : index
        %swap3A_1216 = tpu.vector_load %arg15[%swap3A_1214, %swap3A_1215] {strides = array<i32>} : memref<96x128xf32, #tpu.memory_space<vmem>>, vector<16xf32>,
        tpu.vector_store %arg15[%swap3A_1214, %swap3A_1215], %mul3A_1213 {strides = array<i32>} : memref<96x128xf32, #tpu.memory_space<vmem>>, vector<16xf32>,
        %get3A_1217 = arith.index_cast %scan3A_1165 : i32 to index
        %get3A_1218 = arith.constant 112 : index
        %get3A_1219 = tpu.vector_load %arg15[%get3A_1217, %get3A_1218] {strides = array<i32>} : memref<96x128xf32, #tpu.memory_space<vmem>>, vector<16xf32>,
        %mul3A_1220 = arith.mulf %get3A_1219, %gather3A_1167 : vector<16xf32>
        %swap3A_1221 = arith.index_cast %scan3A_1165 : i32 to index
        %swap3A_1222 = arith.constant 112 : index
        %swap3A_1223 = tpu.vector_load %arg15[%swap3A_1221, %swap3A_1222] {strides = array<i32>} : memref<96x128xf32, #tpu.memory_space<vmem>>, vector<16xf32>,
        tpu.vector_store %arg15[%swap3A_1221, %swap3A_1222], %mul3A_1220 {strides = array<i32>} : memref<96x128xf32, #tpu.memory_space<vmem>>, vector<16xf32>,
        %scan3A_1224 = arith.constant 0 : i32
        %scan3A_1225 = arith.constant 2 : i32
        %scan3A_1226 = arith.addi %scan3A_1105, %scan3A_1225 : i32
        %broadcast_in_dim3A_1227 = vector.broadcast %scan3A_1226 : i32 to vector<16xi32>
        %gather3A_1228 = tpu.vector_load_idx %arg21[%broadcast_in_dim3A_1227, %rem3A_41] : memref<96x16xf32, #tpu.memory_space<vmem>>[vector<16xi32>, vector<16xi32>], vector<16xf32>,
        %get3A_1229 = arith.index_cast %scan3A_1226 : i32 to index
        %get3A_1230 = arith.constant 0 : index
        %get3A_1231 = tpu.vector_load %arg15[%get3A_1229, %get3A_1230] {strides = array<i32>} : memref<96x128xf32, #tpu.memory_space<vmem>>, vector<16xf32>,
        %mul3A_1232 = arith.mulf %get3A_1231, %gather3A_1228 : vector<16xf32>
        %swap3A_1233 = arith.index_cast %scan3A_1226 : i32 to index
        %swap3A_1234 = arith.constant 0 : index
        %swap3A_1235 = tpu.vector_load %arg15[%swap3A_1233, %swap3A_1234] {strides = array<i32>} : memref<96x128xf32, #tpu.memory_space<vmem>>, vector<16xf32>,
        tpu.vector_store %arg15[%swap3A_1233, %swap3A_1234], %mul3A_1232 {strides = array<i32>} : memref<96x128xf32, #tpu.memory_space<vmem>>, vector<16xf32>,
        %get3A_1236 = arith.index_cast %scan3A_1226 : i32 to index
        %get3A_1237 = arith.constant 16 : index
        %get3A_1238 = tpu.vector_load %arg15[%get3A_1236, %get3A_1237] {strides = array<i32>} : memref<96x128xf32, #tpu.memory_space<vmem>>, vector<16xf32>,
        %mul3A_1239 = arith.mulf %get3A_1238, %gather3A_1228 : vector<16xf32>
        %swap3A_1240 = arith.index_cast %scan3A_1226 : i32 to index
        %swap3A_1241 = arith.constant 16 : index
        %swap3A_1242 = tpu.vector_load %arg15[%swap3A_1240, %swap3A_1241] {strides = array<i32>} : memref<96x128xf32, #tpu.memory_space<vmem>>, vector<16xf32>,
        tpu.vector_store %arg15[%swap3A_1240, %swap3A_1241], %mul3A_1239 {strides = array<i32>} : memref<96x128xf32, #tpu.memory_space<vmem>>, vector<16xf32>,
        %get3A_1243 = arith.index_cast %scan3A_1226 : i32 to index
        %get3A_1244 = arith.constant 32 : index
        %get3A_1245 = tpu.vector_load %arg15[%get3A_1243, %get3A_1244] {strides = array<i32>} : memref<96x128xf32, #tpu.memory_space<vmem>>, vector<16xf32>,
        %mul3A_1246 = arith.mulf %get3A_1245, %gather3A_1228 : vector<16xf32>
        %swap3A_1247 = arith.index_cast %scan3A_1226 : i32 to index
        %swap3A_1248 = arith.constant 32 : index
        %swap3A_1249 = tpu.vector_load %arg15[%swap3A_1247, %swap3A_1248] {strides = array<i32>} : memref<96x128xf32, #tpu.memory_space<vmem>>, vector<16xf32>,
        tpu.vector_store %arg15[%swap3A_1247, %swap3A_1248], %mul3A_1246 {strides = array<i32>} : memref<96x128xf32, #tpu.memory_space<vmem>>, vector<16xf32>,
        %get3A_1250 = arith.index_cast %scan3A_1226 : i32 to index
        %get3A_1251 = arith.constant 48 : index
        %get3A_1252 = tpu.vector_load %arg15[%get3A_1250, %get3A_1251] {strides = array<i32>} : memref<96x128xf32, #tpu.memory_space<vmem>>, vector<16xf32>,
        %mul3A_1253 = arith.mulf %get3A_1252, %gather3A_1228 : vector<16xf32>
        %swap3A_1254 = arith.index_cast %scan3A_1226 : i32 to index
        %swap3A_1255 = arith.constant 48 : index
        %swap3A_1256 = tpu.vector_load %arg15[%swap3A_1254, %swap3A_1255] {strides = array<i32>} : memref<96x128xf32, #tpu.memory_space<vmem>>, vector<16xf32>,
        tpu.vector_store %arg15[%swap3A_1254, %swap3A_1255], %mul3A_1253 {strides = array<i32>} : memref<96x128xf32, #tpu.memory_space<vmem>>, vector<16xf32>,
        %get3A_1257 = arith.index_cast %scan3A_1226 : i32 to index
        %get3A_1258 = arith.constant 64 : index
        %get3A_1259 = tpu.vector_load %arg15[%get3A_1257, %get3A_1258] {strides = array<i32>} : memref<96x128xf32, #tpu.memory_space<vmem>>, vector<16xf32>,
        %mul3A_1260 = arith.mulf %get3A_1259, %gather3A_1228 : vector<16xf32>
        %swap3A_1261 = arith.index_cast %scan3A_1226 : i32 to index
        %swap3A_1262 = arith.constant 64 : index
        %swap3A_1263 = tpu.vector_load %arg15[%swap3A_1261, %swap3A_1262] {strides = array<i32>} : memref<96x128xf32, #tpu.memory_space<vmem>>, vector<16xf32>,
        tpu.vector_store %arg15[%swap3A_1261, %swap3A_1262], %mul3A_1260 {strides = array<i32>} : memref<96x128xf32, #tpu.memory_space<vmem>>, vector<16xf32>,
        %get3A_1264 = arith.index_cast %scan3A_1226 : i32 to index
        %get3A_1265 = arith.constant 80 : index
        %get3A_1266 = tpu.vector_load %arg15[%get3A_1264, %get3A_1265] {strides = array<i32>} : memref<96x128xf32, #tpu.memory_space<vmem>>, vector<16xf32>,
        %mul3A_1267 = arith.mulf %get3A_1266, %gather3A_1228 : vector<16xf32>
        %swap3A_1268 = arith.index_cast %scan3A_1226 : i32 to index
        %swap3A_1269 = arith.constant 80 : index
        %swap3A_1270 = tpu.vector_load %arg15[%swap3A_1268, %swap3A_1269] {strides = array<i32>} : memref<96x128xf32, #tpu.memory_space<vmem>>, vector<16xf32>,
        tpu.vector_store %arg15[%swap3A_1268, %swap3A_1269], %mul3A_1267 {strides = array<i32>} : memref<96x128xf32, #tpu.memory_space<vmem>>, vector<16xf32>,
        %get3A_1271 = arith.index_cast %scan3A_1226 : i32 to index
        %get3A_1272 = arith.constant 96 : index
        %get3A_1273 = tpu.vector_load %arg15[%get3A_1271, %get3A_1272] {strides = array<i32>} : memref<96x128xf32, #tpu.memory_space<vmem>>, vector<16xf32>,
        %mul3A_1274 = arith.mulf %get3A_1273, %gather3A_1228 : vector<16xf32>
        %swap3A_1275 = arith.index_cast %scan3A_1226 : i32 to index
        %swap3A_1276 = arith.constant 96 : index
        %swap3A_1277 = tpu.vector_load %arg15[%swap3A_1275, %swap3A_1276] {strides = array<i32>} : memref<96x128xf32, #tpu.memory_space<vmem>>, vector<16xf32>,
        tpu.vector_store %arg15[%swap3A_1275, %swap3A_1276], %mul3A_1274 {strides = array<i32>} : memref<96x128xf32, #tpu.memory_space<vmem>>, vector<16xf32>,
        %get3A_1278 = arith.index_cast %scan3A_1226 : i32 to index
        %get3A_1279 = arith.constant 112 : index
        %get3A_1280 = tpu.vector_load %arg15[%get3A_1278, %get3A_1279] {strides = array<i32>} : memref<96x128xf32, #tpu.memory_space<vmem>>, vector<16xf32>,
        %mul3A_1281 = arith.mulf %get3A_1280, %gather3A_1228 : vector<16xf32>
        %swap3A_1282 = arith.index_cast %scan3A_1226 : i32 to index
        %swap3A_1283 = arith.constant 112 : index
        %swap3A_1284 = tpu.vector_load %arg15[%swap3A_1282, %swap3A_1283] {strides = array<i32>} : memref<96x128xf32, #tpu.memory_space<vmem>>, vector<16xf32>,
        tpu.vector_store %arg15[%swap3A_1282, %swap3A_1283], %mul3A_1281 {strides = array<i32>} : memref<96x128xf32, #tpu.memory_space<vmem>>, vector<16xf32>,
        %scan3A_1285 = arith.constant 0 : i32
        %scan3A_1286 = arith.constant 3 : i32
        %scan3A_1287 = arith.addi %scan3A_1105, %scan3A_1286 : i32
        %broadcast_in_dim3A_1288 = vector.broadcast %scan3A_1287 : i32 to vector<16xi32>
        %gather3A_1289 = tpu.vector_load_idx %arg21[%broadcast_in_dim3A_1288, %rem3A_41] : memref<96x16xf32, #tpu.memory_space<vmem>>[vector<16xi32>, vector<16xi32>], vector<16xf32>,
        %get3A_1290 = arith.index_cast %scan3A_1287 : i32 to index
        %get3A_1291 = arith.constant 0 : index
        %get3A_1292 = tpu.vector_load %arg15[%get3A_1290, %get3A_1291] {strides = array<i32>} : memref<96x128xf32, #tpu.memory_space<vmem>>, vector<16xf32>,
        %mul3A_1293 = arith.mulf %get3A_1292, %gather3A_1289 : vector<16xf32>
        %swap3A_1294 = arith.index_cast %scan3A_1287 : i32 to index
        %swap3A_1295 = arith.constant 0 : index
        %swap3A_1296 = tpu.vector_load %arg15[%swap3A_1294, %swap3A_1295] {strides = array<i32>} : memref<96x128xf32, #tpu.memory_space<vmem>>, vector<16xf32>,
        tpu.vector_store %arg15[%swap3A_1294, %swap3A_1295], %mul3A_1293 {strides = array<i32>} : memref<96x128xf32, #tpu.memory_space<vmem>>, vector<16xf32>,
        %get3A_1297 = arith.index_cast %scan3A_1287 : i32 to index
        %get3A_1298 = arith.constant 16 : index
        %get3A_1299 = tpu.vector_load %arg15[%get3A_1297, %get3A_1298] {strides = array<i32>} : memref<96x128xf32, #tpu.memory_space<vmem>>, vector<16xf32>,
        %mul3A_1300 = arith.mulf %get3A_1299, %gather3A_1289 : vector<16xf32>
        %swap3A_1301 = arith.index_cast %scan3A_1287 : i32 to index
        %swap3A_1302 = arith.constant 16 : index
        %swap3A_1303 = tpu.vector_load %arg15[%swap3A_1301, %swap3A_1302] {strides = array<i32>} : memref<96x128xf32, #tpu.memory_space<vmem>>, vector<16xf32>,
        tpu.vector_store %arg15[%swap3A_1301, %swap3A_1302], %mul3A_1300 {strides = array<i32>} : memref<96x128xf32, #tpu.memory_space<vmem>>, vector<16xf32>,
        %get3A_1304 = arith.index_cast %scan3A_1287 : i32 to index
        %get3A_1305 = arith.constant 32 : index
        %get3A_1306 = tpu.vector_load %arg15[%get3A_1304, %get3A_1305] {strides = array<i32>} : memref<96x128xf32, #tpu.memory_space<vmem>>, vector<16xf32>,
        %mul3A_1307 = arith.mulf %get3A_1306, %gather3A_1289 : vector<16xf32>
        %swap3A_1308 = arith.index_cast %scan3A_1287 : i32 to index
        %swap3A_1309 = arith.constant 32 : index
        %swap3A_1310 = tpu.vector_load %arg15[%swap3A_1308, %swap3A_1309] {strides = array<i32>} : memref<96x128xf32, #tpu.memory_space<vmem>>, vector<16xf32>,
        tpu.vector_store %arg15[%swap3A_1308, %swap3A_1309], %mul3A_1307 {strides = array<i32>} : memref<96x128xf32, #tpu.memory_space<vmem>>, vector<16xf32>,
        %get3A_1311 = arith.index_cast %scan3A_1287 : i32 to index
        %get3A_1312 = arith.constant 48 : index
        %get3A_1313 = tpu.vector_load %arg15[%get3A_1311, %get3A_1312] {strides = array<i32>} : memref<96x128xf32, #tpu.memory_space<vmem>>, vector<16xf32>,
        %mul3A_1314 = arith.mulf %get3A_1313, %gather3A_1289 : vector<16xf32>
        %swap3A_1315 = arith.index_cast %scan3A_1287 : i32 to index
        %swap3A_1316 = arith.constant 48 : index
        %swap3A_1317 = tpu.vector_load %arg15[%swap3A_1315, %swap3A_1316] {strides = array<i32>} : memref<96x128xf32, #tpu.memory_space<vmem>>, vector<16xf32>,
        tpu.vector_store %arg15[%swap3A_1315, %swap3A_1316], %mul3A_1314 {strides = array<i32>} : memref<96x128xf32, #tpu.memory_space<vmem>>, vector<16xf32>,
        %get3A_1318 = arith.index_cast %scan3A_1287 : i32 to index
        %get3A_1319 = arith.constant 64 : index
        %get3A_1320 = tpu.vector_load %arg15[%get3A_1318, %get3A_1319] {strides = array<i32>} : memref<96x128xf32, #tpu.memory_space<vmem>>, vector<16xf32>,
        %mul3A_1321 = arith.mulf %get3A_1320, %gather3A_1289 : vector<16xf32>
        %swap3A_1322 = arith.index_cast %scan3A_1287 : i32 to index
        %swap3A_1323 = arith.constant 64 : index
        %swap3A_1324 = tpu.vector_load %arg15[%swap3A_1322, %swap3A_1323] {strides = array<i32>} : memref<96x128xf32, #tpu.memory_space<vmem>>, vector<16xf32>,
        tpu.vector_store %arg15[%swap3A_1322, %swap3A_1323], %mul3A_1321 {strides = array<i32>} : memref<96x128xf32, #tpu.memory_space<vmem>>, vector<16xf32>,
        %get3A_1325 = arith.index_cast %scan3A_1287 : i32 to index
        %get3A_1326 = arith.constant 80 : index
        %get3A_1327 = tpu.vector_load %arg15[%get3A_1325, %get3A_1326] {strides = array<i32>} : memref<96x128xf32, #tpu.memory_space<vmem>>, vector<16xf32>,
        %mul3A_1328 = arith.mulf %get3A_1327, %gather3A_1289 : vector<16xf32>
        %swap3A_1329 = arith.index_cast %scan3A_1287 : i32 to index
        %swap3A_1330 = arith.constant 80 : index
        %swap3A_1331 = tpu.vector_load %arg15[%swap3A_1329, %swap3A_1330] {strides = array<i32>} : memref<96x128xf32, #tpu.memory_space<vmem>>, vector<16xf32>,
        tpu.vector_store %arg15[%swap3A_1329, %swap3A_1330], %mul3A_1328 {strides = array<i32>} : memref<96x128xf32, #tpu.memory_space<vmem>>, vector<16xf32>,
        %get3A_1332 = arith.index_cast %scan3A_1287 : i32 to index
        %get3A_1333 = arith.constant 96 : index
        %get3A_1334 = tpu.vector_load %arg15[%get3A_1332, %get3A_1333] {strides = array<i32>} : memref<96x128xf32, #tpu.memory_space<vmem>>, vector<16xf32>,
        %mul3A_1335 = arith.mulf %get3A_1334, %gather3A_1289 : vector<16xf32>
        %swap3A_1336 = arith.index_cast %scan3A_1287 : i32 to index
        %swap3A_1337 = arith.constant 96 : index
        %swap3A_1338 = tpu.vector_load %arg15[%swap3A_1336, %swap3A_1337] {strides = array<i32>} : memref<96x128xf32, #tpu.memory_space<vmem>>, vector<16xf32>,
        tpu.vector_store %arg15[%swap3A_1336, %swap3A_1337], %mul3A_1335 {strides = array<i32>} : memref<96x128xf32, #tpu.memory_space<vmem>>, vector<16xf32>,
        %get3A_1339 = arith.index_cast %scan3A_1287 : i32 to index
        %get3A_1340 = arith.constant 112 : index
        %get3A_1341 = tpu.vector_load %arg15[%get3A_1339, %get3A_1340] {strides = array<i32>} : memref<96x128xf32, #tpu.memory_space<vmem>>, vector<16xf32>,
        %mul3A_1342 = arith.mulf %get3A_1341, %gather3A_1289 : vector<16xf32>
        %swap3A_1343 = arith.index_cast %scan3A_1287 : i32 to index
        %swap3A_1344 = arith.constant 112 : index
        %swap3A_1345 = tpu.vector_load %arg15[%swap3A_1343, %swap3A_1344] {strides = array<i32>} : memref<96x128xf32, #tpu.memory_space<vmem>>, vector<16xf32>,
        tpu.vector_store %arg15[%swap3A_1343, %swap3A_1344], %mul3A_1342 {strides = array<i32>} : memref<96x128xf32, #tpu.memory_space<vmem>>, vector<16xf32>,
        %scan3A_1346 = arith.constant 0 : i32
        scf.yield %scan3A_1346 : i32
      }
      %scan3A_1097 = arith.constant 96 : i32
      %dma_start3A_1098 = arith.constant 0 : i32
      %dma_start3A_1099 = arith.constant 0 : i32
      %dma_start3A_1100 = tpu.memref_slice %arg22[%dma_start3A_1098, %dma_start3A_1099] : memref<10240x128xf32, #tpu.memory_space<vmem_shared>> -> memref<10240x128xf32, #tpu.memory_space<vmem_shared>>
      tpu.enqueue_indirect_dma source(%arg15 : memref<96x128xf32, #tpu.memory_space<vmem>>) target(%dma_start3A_1100 : memref<10240x128xf32, #tpu.memory_space<vmem_shared>>) offsets(%arg11 : memref<96xi32, #tpu.memory_space<vmem>>) semaphore(%arg27 : memref<!tpu.dma_semaphore, #tpu.memory_space<semaphore_mem>>) {add = true}
      %dma_start3A_1101 = arith.constant 0 : i32
      %dma_start3A_1102 = arith.constant 0 : i32
      %dma_start3A_1103 = tpu.memref_slice %arg23[%dma_start3A_1101, %dma_start3A_1102] : memref<10240x16xf32, #tpu.memory_space<vmem_shared>> -> memref<10240x16xf32, #tpu.memory_space<vmem_shared>>
      tpu.enqueue_indirect_dma source(%arg21 : memref<96x16xf32, #tpu.memory_space<vmem>>) target(%dma_start3A_1103 : memref<10240x16xf32, #tpu.memory_space<vmem_shared>>) offsets(%arg11 : memref<96xi32, #tpu.memory_space<vmem>>) semaphore(%arg27 : memref<!tpu.dma_semaphore, #tpu.memory_space<semaphore_mem>>) {add = true}
      %scan3A_1104 = arith.constant 0 : i32
      scf.yield %scan3A_1104 : i32
    }
    %scan3A_58 = arith.constant 52 : i32
    %dma_wait3A = arith.constant 0 : i32
    %dma_wait3A_59 = arith.constant 0 : i32
    %dma_wait3A_60 = tpu.memref_slice %arg22[%dma_wait3A, %dma_wait3A_59] : memref<10240x128xf32, #tpu.memory_space<vmem_shared>> -> memref<10240x128xf32, #tpu.memory_space<vmem_shared>>
    tpu.wait_indirect_dma semaphore(%arg27 : memref<!tpu.dma_semaphore, #tpu.memory_space<semaphore_mem>>) src(%arg15 : memref<96x128xf32, #tpu.memory_space<vmem>>) dst(%dma_wait3A_60 : memref<10240x128xf32, #tpu.memory_space<vmem_shared>>)
    %dma_wait3A_61 = arith.constant 0 : i32
    %dma_wait3A_62 = arith.constant 0 : i32
    %dma_wait3A_63 = tpu.memref_slice %arg23[%dma_wait3A_61, %dma_wait3A_62] : memref<10240x16xf32, #tpu.memory_space<vmem_shared>> -> memref<10240x16xf32, #tpu.memory_space<vmem_shared>>
    tpu.wait_indirect_dma semaphore(%arg27 : memref<!tpu.dma_semaphore, #tpu.memory_space<semaphore_mem>>) src(%arg21 : memref<96x16xf32, #tpu.memory_space<vmem>>) dst(%dma_wait3A_63 : memref<10240x16xf32, #tpu.memory_space<vmem_shared>>)
    %add3A_64 = arith.constant 9984 : i32
    %add3A_65 = arith.addi %mul3A_2, %add3A_64 : i32
    "tpu.region"() ({
      %run_scoped3A = tpu.sem_alloc : memref<!tpu.dma_semaphore, #tpu.memory_space<semaphore_mem>>
      %dma_start3A_177 = tpu.memref_slice %arg4[%add3A_65] : memref<320000xi32, #tpu.memory_space<hbm>> -> memref<16xi32, #tpu.memory_space<hbm>>
      %dma_start3A_178 = tpu.memref_slice %arg4[%add3A_65] : memref<320000xi32, #tpu.memory_space<hbm>> -> memref<16xi32, #tpu.memory_space<hbm>>
      tpu.enqueue_dma source(%dma_start3A_178 : memref<16xi32, #tpu.memory_space<hbm>>) target(%arg12 : memref<16xi32, #tpu.memory_space<vmem>>) target_semaphore(%run_scoped3A : memref<!tpu.dma_semaphore, #tpu.memory_space<semaphore_mem>>)
      %dma_wait3A_179 = tpu.memref_slice %arg4[%add3A_65] : memref<320000xi32, #tpu.memory_space<hbm>> -> memref<16xi32, #tpu.memory_space<hbm>>
      %dma_wait3A_180 = tpu.memref_slice %arg4[%add3A_65] : memref<320000xi32, #tpu.memory_space<hbm>> -> memref<16xi32, #tpu.memory_space<hbm>>
      tpu.wait_dma2 semaphore(%run_scoped3A : memref<!tpu.dma_semaphore, #tpu.memory_space<semaphore_mem>>) src(%dma_wait3A_180 : memref<16xi32, #tpu.memory_space<hbm>>) dst(%arg12 : memref<16xi32, #tpu.memory_space<vmem>>)
      tpu.yield
    }) : () -> ()
    "tpu.region"() ({
      %run_scoped3A = tpu.sem_alloc : memref<!tpu.dma_semaphore, #tpu.memory_space<semaphore_mem>>
      %dma_start3A_177 = tpu.memref_slice %arg5[%add3A_65] : memref<320000xi32, #tpu.memory_space<hbm>> -> memref<16xi32, #tpu.memory_space<hbm>>
      %dma_start3A_178 = tpu.memref_slice %arg5[%add3A_65] : memref<320000xi32, #tpu.memory_space<hbm>> -> memref<16xi32, #tpu.memory_space<hbm>>
      tpu.enqueue_dma source(%dma_start3A_178 : memref<16xi32, #tpu.memory_space<hbm>>) target(%arg13 : memref<16xi32, #tpu.memory_space<vmem>>) target_semaphore(%run_scoped3A : memref<!tpu.dma_semaphore, #tpu.memory_space<semaphore_mem>>)
      %dma_wait3A_179 = tpu.memref_slice %arg5[%add3A_65] : memref<320000xi32, #tpu.memory_space<hbm>> -> memref<16xi32, #tpu.memory_space<hbm>>
      %dma_wait3A_180 = tpu.memref_slice %arg5[%add3A_65] : memref<320000xi32, #tpu.memory_space<hbm>> -> memref<16xi32, #tpu.memory_space<hbm>>
      tpu.wait_dma2 semaphore(%run_scoped3A : memref<!tpu.dma_semaphore, #tpu.memory_space<semaphore_mem>>) src(%dma_wait3A_180 : memref<16xi32, #tpu.memory_space<hbm>>) dst(%arg13 : memref<16xi32, #tpu.memory_space<vmem>>)
      tpu.yield
    }) : () -> ()
    %dma_start3A_66 = arith.constant 0 : i32
    %dma_start3A_67 = arith.constant 0 : i32
    %dma_start3A_68 = tpu.memref_slice %arg16[%dma_start3A_66, %dma_start3A_67] : memref<96x8xf32, #tpu.memory_space<vmem>> -> memref<16x8xf32, #tpu.memory_space<vmem>>
    %dma_start3A_69 = arith.constant 0 : i32
    %dma_start3A_70 = arith.constant 0 : i32
    %dma_start3A_71 = tpu.memref_slice %arg3[%dma_start3A_69, %dma_start3A_70] : memref<10000x8xf32, #tpu.memory_space<hbm>> -> memref<10000x8xf32, #tpu.memory_space<hbm>>
    tpu.enqueue_indirect_dma source(%dma_start3A_71 : memref<10000x8xf32, #tpu.memory_space<hbm>>) target(%dma_start3A_68 : memref<16x8xf32, #tpu.memory_space<vmem>>) offsets(%arg12 : memref<16xi32, #tpu.memory_space<vmem>>) semaphore(%arg24 : memref<!tpu.dma_semaphore, #tpu.memory_space<semaphore_mem>>)
    %dma_wait3A_72 = arith.constant 0 : i32
    %dma_wait3A_73 = arith.constant 0 : i32
    %dma_wait3A_74 = tpu.memref_slice %arg16[%dma_wait3A_72, %dma_wait3A_73] : memref<96x8xf32, #tpu.memory_space<vmem>> -> memref<16x8xf32, #tpu.memory_space<vmem>>
    %dma_wait3A_75 = arith.constant 0 : i32
    %dma_wait3A_76 = arith.constant 0 : i32
    %dma_wait3A_77 = tpu.memref_slice %arg3[%dma_wait3A_75, %dma_wait3A_76] : memref<10000x8xf32, #tpu.memory_space<hbm>> -> memref<10000x8xf32, #tpu.memory_space<hbm>>
    tpu.wait_indirect_dma semaphore(%arg24 : memref<!tpu.dma_semaphore, #tpu.memory_space<semaphore_mem>>) src(%dma_wait3A_77 : memref<10000x8xf32, #tpu.memory_space<hbm>>) dst(%dma_wait3A_74 : memref<16x8xf32, #tpu.memory_space<vmem>>)
    %dma_start3A_78 = arith.constant 0 : i32
    %dma_start3A_79 = arith.constant 0 : i32
    %dma_start3A_80 = tpu.memref_slice %arg18[%dma_start3A_78, %dma_start3A_79] : memref<96x8xf32, #tpu.memory_space<vmem>> -> memref<16x8xf32, #tpu.memory_space<vmem>>
    %dma_start3A_81 = arith.constant 0 : i32
    %dma_start3A_82 = arith.constant 0 : i32
    %dma_start3A_83 = tpu.memref_slice %arg3[%dma_start3A_81, %dma_start3A_82] : memref<10000x8xf32, #tpu.memory_space<hbm>> -> memref<10000x8xf32, #tpu.memory_space<hbm>>
    tpu.enqueue_indirect_dma source(%dma_start3A_83 : memref<10000x8xf32, #tpu.memory_space<hbm>>) target(%dma_start3A_80 : memref<16x8xf32, #tpu.memory_space<vmem>>) offsets(%arg13 : memref<16xi32, #tpu.memory_space<vmem>>) semaphore(%arg24 : memref<!tpu.dma_semaphore, #tpu.memory_space<semaphore_mem>>)
    %dma_wait3A_84 = arith.constant 0 : i32
    %dma_wait3A_85 = arith.constant 0 : i32
    %dma_wait3A_86 = tpu.memref_slice %arg18[%dma_wait3A_84, %dma_wait3A_85] : memref<96x8xf32, #tpu.memory_space<vmem>> -> memref<16x8xf32, #tpu.memory_space<vmem>>
    %dma_wait3A_87 = arith.constant 0 : i32
    %dma_wait3A_88 = arith.constant 0 : i32
    %dma_wait3A_89 = tpu.memref_slice %arg3[%dma_wait3A_87, %dma_wait3A_88] : memref<10000x8xf32, #tpu.memory_space<hbm>> -> memref<10000x8xf32, #tpu.memory_space<hbm>>
    tpu.wait_indirect_dma semaphore(%arg24 : memref<!tpu.dma_semaphore, #tpu.memory_space<semaphore_mem>>) src(%dma_wait3A_89 : memref<10000x8xf32, #tpu.memory_space<hbm>>) dst(%dma_wait3A_86 : memref<16x8xf32, #tpu.memory_space<vmem>>)
    %dma_start3A_90 = arith.constant 0 : i32
    %dma_start3A_91 = arith.constant 0 : i32
    %dma_start3A_92 = tpu.memref_slice %arg14[%dma_start3A_90, %dma_start3A_91] : memref<96x128xf32, #tpu.memory_space<vmem>> -> memref<16x128xf32, #tpu.memory_space<vmem>>
    %dma_start3A_93 = arith.constant 0 : i32
    %dma_start3A_94 = arith.constant 0 : i32
    %dma_start3A_95 = tpu.memref_slice %arg2[%dma_start3A_93, %dma_start3A_94] : memref<10000x128xf32, #tpu.memory_space<hbm>> -> memref<10000x128xf32, #tpu.memory_space<hbm>>
    tpu.enqueue_indirect_dma source(%dma_start3A_95 : memref<10000x128xf32, #tpu.memory_space<hbm>>) target(%dma_start3A_92 : memref<16x128xf32, #tpu.memory_space<vmem>>) offsets(%arg12 : memref<16xi32, #tpu.memory_space<vmem>>) semaphore(%arg24 : memref<!tpu.dma_semaphore, #tpu.memory_space<semaphore_mem>>)
    %dma_wait3A_96 = arith.constant 0 : i32
    %dma_wait3A_97 = arith.constant 0 : i32
    %dma_wait3A_98 = tpu.memref_slice %arg14[%dma_wait3A_96, %dma_wait3A_97] : memref<96x128xf32, #tpu.memory_space<vmem>> -> memref<16x128xf32, #tpu.memory_space<vmem>>
    %dma_wait3A_99 = arith.constant 0 : i32
    %dma_wait3A_100 = arith.constant 0 : i32
    %dma_wait3A_101 = tpu.memref_slice %arg2[%dma_wait3A_99, %dma_wait3A_100] : memref<10000x128xf32, #tpu.memory_space<hbm>> -> memref<10000x128xf32, #tpu.memory_space<hbm>>
    tpu.wait_indirect_dma semaphore(%arg24 : memref<!tpu.dma_semaphore, #tpu.memory_space<semaphore_mem>>) src(%dma_wait3A_101 : memref<10000x128xf32, #tpu.memory_space<hbm>>) dst(%dma_wait3A_98 : memref<16x128xf32, #tpu.memory_space<vmem>>)
    %add3A_102 = arith.constant 0 : i32
    %add3A_103 = vector.broadcast %add3A_102 : i32 to vector<16xi32>
    %add3A_104 = arith.addi %iota3A, %add3A_103 : vector<16xi32>
    %broadcast_in_dim3A_105 = arith.constant 0 : i32
    %broadcast_in_dim3A_106 = vector.broadcast %broadcast_in_dim3A_105 : i32 to vector<16xi32>
    %gather3A = tpu.vector_load_idx %arg16[%add3A_104, %broadcast_in_dim3A_106] : memref<96x8xf32, #tpu.memory_space<vmem>>[vector<16xi32>, vector<16xi32>], vector<16xf32>,
    %broadcast_in_dim3A_107 = arith.constant 4 : i32
    %broadcast_in_dim3A_108 = vector.broadcast %broadcast_in_dim3A_107 : i32 to vector<16xi32>
    %gather3A_109 = tpu.vector_load_idx %arg18[%add3A_104, %broadcast_in_dim3A_108] : memref<96x8xf32, #tpu.memory_space<vmem>>[vector<16xi32>, vector<16xi32>], vector<16xf32>,
    %add3A_110 = arith.addf %gather3A, %gather3A_109 : vector<16xf32>
    %ge3A = arith.constant 0.000000e+00 : f32
    %ge3A_111 = vector.broadcast %ge3A : f32 to vector<16xf32>
    %ge3A_112 = arith.cmpf oge, %add3A_110, %ge3A_111 : vector<16xf32>
    %mul3A_113 = arith.constant 2.000000e-01 : f32
    %mul3A_114 = vector.broadcast %mul3A_113 : f32 to vector<16xf32>
    %mul3A_115 = arith.mulf %add3A_110, %mul3A_114 : vector<16xf32>
    %select_n3A = arith.select %ge3A_112, %add3A_110, %mul3A_115 : vector<16xi1>, vector<16xf32>
    %exp3A = math.exp %select_n3A : vector<16xf32>
    %broadcast_in_dim3A_116 = arith.constant 0 : i32
    %broadcast_in_dim3A_117 = vector.broadcast %broadcast_in_dim3A_116 : i32 to vector<16xi32>
    tpu.vector_store_idx %arg20[%add3A_104, %broadcast_in_dim3A_117], %exp3A : memref<96x16xf32, #tpu.memory_space<vmem>>[vector<16xi32>, vector<16xi32>], vector<16xf32>,
    %broadcast_in_dim3A_118 = arith.constant 1 : i32
    %broadcast_in_dim3A_119 = vector.broadcast %broadcast_in_dim3A_118 : i32 to vector<16xi32>
    %gather3A_120 = tpu.vector_load_idx %arg16[%add3A_104, %broadcast_in_dim3A_119] : memref<96x8xf32, #tpu.memory_space<vmem>>[vector<16xi32>, vector<16xi32>], vector<16xf32>,
    %broadcast_in_dim3A_121 = arith.constant 5 : i32
    %broadcast_in_dim3A_122 = vector.broadcast %broadcast_in_dim3A_121 : i32 to vector<16xi32>
    %gather3A_123 = tpu.vector_load_idx %arg18[%add3A_104, %broadcast_in_dim3A_122] : memref<96x8xf32, #tpu.memory_space<vmem>>[vector<16xi32>, vector<16xi32>], vector<16xf32>,
    %add3A_124 = arith.addf %gather3A_120, %gather3A_123 : vector<16xf32>
    %ge3A_125 = arith.constant 0.000000e+00 : f32
    %ge3A_126 = vector.broadcast %ge3A_125 : f32 to vector<16xf32>
    %ge3A_127 = arith.cmpf oge, %add3A_124, %ge3A_126 : vector<16xf32>
    %mul3A_128 = arith.constant 2.000000e-01 : f32
    %mul3A_129 = vector.broadcast %mul3A_128 : f32 to vector<16xf32>
    %mul3A_130 = arith.mulf %add3A_124, %mul3A_129 : vector<16xf32>
    %select_n3A_131 = arith.select %ge3A_127, %add3A_124, %mul3A_130 : vector<16xi1>, vector<16xf32>
    %exp3A_132 = math.exp %select_n3A_131 : vector<16xf32>
    %broadcast_in_dim3A_133 = arith.constant 1 : i32
    %broadcast_in_dim3A_134 = vector.broadcast %broadcast_in_dim3A_133 : i32 to vector<16xi32>
    tpu.vector_store_idx %arg20[%add3A_104, %broadcast_in_dim3A_134], %exp3A_132 : memref<96x16xf32, #tpu.memory_space<vmem>>[vector<16xi32>, vector<16xi32>], vector<16xf32>,
    %broadcast_in_dim3A_135 = arith.constant 2 : i32
    %broadcast_in_dim3A_136 = vector.broadcast %broadcast_in_dim3A_135 : i32 to vector<16xi32>
    %gather3A_137 = tpu.vector_load_idx %arg16[%add3A_104, %broadcast_in_dim3A_136] : memref<96x8xf32, #tpu.memory_space<vmem>>[vector<16xi32>, vector<16xi32>], vector<16xf32>,
    %broadcast_in_dim3A_138 = arith.constant 6 : i32
    %broadcast_in_dim3A_139 = vector.broadcast %broadcast_in_dim3A_138 : i32 to vector<16xi32>
    %gather3A_140 = tpu.vector_load_idx %arg18[%add3A_104, %broadcast_in_dim3A_139] : memref<96x8xf32, #tpu.memory_space<vmem>>[vector<16xi32>, vector<16xi32>], vector<16xf32>,
    %add3A_141 = arith.addf %gather3A_137, %gather3A_140 : vector<16xf32>
    %ge3A_142 = arith.constant 0.000000e+00 : f32
    %ge3A_143 = vector.broadcast %ge3A_142 : f32 to vector<16xf32>
    %ge3A_144 = arith.cmpf oge, %add3A_141, %ge3A_143 : vector<16xf32>
    %mul3A_145 = arith.constant 2.000000e-01 : f32
    %mul3A_146 = vector.broadcast %mul3A_145 : f32 to vector<16xf32>
    %mul3A_147 = arith.mulf %add3A_141, %mul3A_146 : vector<16xf32>
    %select_n3A_148 = arith.select %ge3A_144, %add3A_141, %mul3A_147 : vector<16xi1>, vector<16xf32>
    %exp3A_149 = math.exp %select_n3A_148 : vector<16xf32>
    %broadcast_in_dim3A_150 = arith.constant 2 : i32
    %broadcast_in_dim3A_151 = vector.broadcast %broadcast_in_dim3A_150 : i32 to vector<16xi32>
    tpu.vector_store_idx %arg20[%add3A_104, %broadcast_in_dim3A_151], %exp3A_149 : memref<96x16xf32, #tpu.memory_space<vmem>>[vector<16xi32>, vector<16xi32>], vector<16xf32>,
    %broadcast_in_dim3A_152 = arith.constant 3 : i32
    %broadcast_in_dim3A_153 = vector.broadcast %broadcast_in_dim3A_152 : i32 to vector<16xi32>
    %gather3A_154 = tpu.vector_load_idx %arg16[%add3A_104, %broadcast_in_dim3A_153] : memref<96x8xf32, #tpu.memory_space<vmem>>[vector<16xi32>, vector<16xi32>], vector<16xf32>,
    %broadcast_in_dim3A_155 = arith.constant 7 : i32
    %broadcast_in_dim3A_156 = vector.broadcast %broadcast_in_dim3A_155 : i32 to vector<16xi32>
    %gather3A_157 = tpu.vector_load_idx %arg18[%add3A_104, %broadcast_in_dim3A_156] : memref<96x8xf32, #tpu.memory_space<vmem>>[vector<16xi32>, vector<16xi32>], vector<16xf32>,
    %add3A_158 = arith.addf %gather3A_154, %gather3A_157 : vector<16xf32>
    %ge3A_159 = arith.constant 0.000000e+00 : f32
    %ge3A_160 = vector.broadcast %ge3A_159 : f32 to vector<16xf32>
    %ge3A_161 = arith.cmpf oge, %add3A_158, %ge3A_160 : vector<16xf32>
    %mul3A_162 = arith.constant 2.000000e-01 : f32
    %mul3A_163 = vector.broadcast %mul3A_162 : f32 to vector<16xf32>
    %mul3A_164 = arith.mulf %add3A_158, %mul3A_163 : vector<16xf32>
    %select_n3A_165 = arith.select %ge3A_161, %add3A_158, %mul3A_164 : vector<16xi1>, vector<16xf32>
    %exp3A_166 = math.exp %select_n3A_165 : vector<16xf32>
    %broadcast_in_dim3A_167 = arith.constant 3 : i32
    %broadcast_in_dim3A_168 = vector.broadcast %broadcast_in_dim3A_167 : i32 to vector<16xi32>
    tpu.vector_store_idx %arg20[%add3A_104, %broadcast_in_dim3A_168], %exp3A_166 : memref<96x16xf32, #tpu.memory_space<vmem>>[vector<16xi32>, vector<16xi32>], vector<16xf32>,
    %scan3A_169 = arith.constant 0 : i32
    %scan3A_170 = arith.constant 0 : i32
    %scan3A_171 = arith.constant 16 : i32
    %scan3A_172 = arith.addi %scan3A_170, %scan3A_171 : i32
    %scan3A_173 = arith.constant 4 : i32
    %scan3A_174 = scf.for %scan3A_177 = %scan3A_170 to %scan3A_172 step %scan3A_173 iter_args(%scan3A_178 = %scan3A_169) -> (i32)  : i32 {
      %broadcast_in_dim3A_179 = vector.broadcast %scan3A_177 : i32 to vector<16xi32>
      %gather3A_180 = tpu.vector_load_idx %arg20[%broadcast_in_dim3A_179, %rem3A_41] : memref<96x16xf32, #tpu.memory_space<vmem>>[vector<16xi32>, vector<16xi32>], vector<16xf32>,
      %get3A = arith.index_cast %scan3A_177 : i32 to index
      %get3A_181 = arith.constant 0 : index
      %get3A_182 = tpu.vector_load %arg14[%get3A, %get3A_181] {strides = array<i32>} : memref<96x128xf32, #tpu.memory_space<vmem>>, vector<16xf32>,
      %mul3A_183 = arith.mulf %get3A_182, %gather3A_180 : vector<16xf32>
      %swap3A = arith.index_cast %scan3A_177 : i32 to index
      %swap3A_184 = arith.constant 0 : index
      %swap3A_185 = tpu.vector_load %arg14[%swap3A, %swap3A_184] {strides = array<i32>} : memref<96x128xf32, #tpu.memory_space<vmem>>, vector<16xf32>,
      tpu.vector_store %arg14[%swap3A, %swap3A_184], %mul3A_183 {strides = array<i32>} : memref<96x128xf32, #tpu.memory_space<vmem>>, vector<16xf32>,
      %get3A_186 = arith.index_cast %scan3A_177 : i32 to index
      %get3A_187 = arith.constant 16 : index
      %get3A_188 = tpu.vector_load %arg14[%get3A_186, %get3A_187] {strides = array<i32>} : memref<96x128xf32, #tpu.memory_space<vmem>>, vector<16xf32>,
      %mul3A_189 = arith.mulf %get3A_188, %gather3A_180 : vector<16xf32>
      %swap3A_190 = arith.index_cast %scan3A_177 : i32 to index
      %swap3A_191 = arith.constant 16 : index
      %swap3A_192 = tpu.vector_load %arg14[%swap3A_190, %swap3A_191] {strides = array<i32>} : memref<96x128xf32, #tpu.memory_space<vmem>>, vector<16xf32>,
      tpu.vector_store %arg14[%swap3A_190, %swap3A_191], %mul3A_189 {strides = array<i32>} : memref<96x128xf32, #tpu.memory_space<vmem>>, vector<16xf32>,
      %get3A_193 = arith.index_cast %scan3A_177 : i32 to index
      %get3A_194 = arith.constant 32 : index
      %get3A_195 = tpu.vector_load %arg14[%get3A_193, %get3A_194] {strides = array<i32>} : memref<96x128xf32, #tpu.memory_space<vmem>>, vector<16xf32>,
      %mul3A_196 = arith.mulf %get3A_195, %gather3A_180 : vector<16xf32>
      %swap3A_197 = arith.index_cast %scan3A_177 : i32 to index
      %swap3A_198 = arith.constant 32 : index
      %swap3A_199 = tpu.vector_load %arg14[%swap3A_197, %swap3A_198] {strides = array<i32>} : memref<96x128xf32, #tpu.memory_space<vmem>>, vector<16xf32>,
      tpu.vector_store %arg14[%swap3A_197, %swap3A_198], %mul3A_196 {strides = array<i32>} : memref<96x128xf32, #tpu.memory_space<vmem>>, vector<16xf32>,
      %get3A_200 = arith.index_cast %scan3A_177 : i32 to index
      %get3A_201 = arith.constant 48 : index
      %get3A_202 = tpu.vector_load %arg14[%get3A_200, %get3A_201] {strides = array<i32>} : memref<96x128xf32, #tpu.memory_space<vmem>>, vector<16xf32>,
      %mul3A_203 = arith.mulf %get3A_202, %gather3A_180 : vector<16xf32>
      %swap3A_204 = arith.index_cast %scan3A_177 : i32 to index
      %swap3A_205 = arith.constant 48 : index
      %swap3A_206 = tpu.vector_load %arg14[%swap3A_204, %swap3A_205] {strides = array<i32>} : memref<96x128xf32, #tpu.memory_space<vmem>>, vector<16xf32>,
      tpu.vector_store %arg14[%swap3A_204, %swap3A_205], %mul3A_203 {strides = array<i32>} : memref<96x128xf32, #tpu.memory_space<vmem>>, vector<16xf32>,
      %get3A_207 = arith.index_cast %scan3A_177 : i32 to index
      %get3A_208 = arith.constant 64 : index
      %get3A_209 = tpu.vector_load %arg14[%get3A_207, %get3A_208] {strides = array<i32>} : memref<96x128xf32, #tpu.memory_space<vmem>>, vector<16xf32>,
      %mul3A_210 = arith.mulf %get3A_209, %gather3A_180 : vector<16xf32>
      %swap3A_211 = arith.index_cast %scan3A_177 : i32 to index
      %swap3A_212 = arith.constant 64 : index
      %swap3A_213 = tpu.vector_load %arg14[%swap3A_211, %swap3A_212] {strides = array<i32>} : memref<96x128xf32, #tpu.memory_space<vmem>>, vector<16xf32>,
      tpu.vector_store %arg14[%swap3A_211, %swap3A_212], %mul3A_210 {strides = array<i32>} : memref<96x128xf32, #tpu.memory_space<vmem>>, vector<16xf32>,
      %get3A_214 = arith.index_cast %scan3A_177 : i32 to index
      %get3A_215 = arith.constant 80 : index
      %get3A_216 = tpu.vector_load %arg14[%get3A_214, %get3A_215] {strides = array<i32>} : memref<96x128xf32, #tpu.memory_space<vmem>>, vector<16xf32>,
      %mul3A_217 = arith.mulf %get3A_216, %gather3A_180 : vector<16xf32>
      %swap3A_218 = arith.index_cast %scan3A_177 : i32 to index
      %swap3A_219 = arith.constant 80 : index
      %swap3A_220 = tpu.vector_load %arg14[%swap3A_218, %swap3A_219] {strides = array<i32>} : memref<96x128xf32, #tpu.memory_space<vmem>>, vector<16xf32>,
      tpu.vector_store %arg14[%swap3A_218, %swap3A_219], %mul3A_217 {strides = array<i32>} : memref<96x128xf32, #tpu.memory_space<vmem>>, vector<16xf32>,
      %get3A_221 = arith.index_cast %scan3A_177 : i32 to index
      %get3A_222 = arith.constant 96 : index
      %get3A_223 = tpu.vector_load %arg14[%get3A_221, %get3A_222] {strides = array<i32>} : memref<96x128xf32, #tpu.memory_space<vmem>>, vector<16xf32>,
      %mul3A_224 = arith.mulf %get3A_223, %gather3A_180 : vector<16xf32>
      %swap3A_225 = arith.index_cast %scan3A_177 : i32 to index
      %swap3A_226 = arith.constant 96 : index
      %swap3A_227 = tpu.vector_load %arg14[%swap3A_225, %swap3A_226] {strides = array<i32>} : memref<96x128xf32, #tpu.memory_space<vmem>>, vector<16xf32>,
      tpu.vector_store %arg14[%swap3A_225, %swap3A_226], %mul3A_224 {strides = array<i32>} : memref<96x128xf32, #tpu.memory_space<vmem>>, vector<16xf32>,
      %get3A_228 = arith.index_cast %scan3A_177 : i32 to index
      %get3A_229 = arith.constant 112 : index
      %get3A_230 = tpu.vector_load %arg14[%get3A_228, %get3A_229] {strides = array<i32>} : memref<96x128xf32, #tpu.memory_space<vmem>>, vector<16xf32>,
      %mul3A_231 = arith.mulf %get3A_230, %gather3A_180 : vector<16xf32>
      %swap3A_232 = arith.index_cast %scan3A_177 : i32 to index
      %swap3A_233 = arith.constant 112 : index
      %swap3A_234 = tpu.vector_load %arg14[%swap3A_232, %swap3A_233] {strides = array<i32>} : memref<96x128xf32, #tpu.memory_space<vmem>>, vector<16xf32>,
      tpu.vector_store %arg14[%swap3A_232, %swap3A_233], %mul3A_231 {strides = array<i32>} : memref<96x128xf32, #tpu.memory_space<vmem>>, vector<16xf32>,
      %scan3A_235 = arith.constant 0 : i32
      %scan3A_236 = arith.constant 1 : i32
      %scan3A_237 = arith.addi %scan3A_177, %scan3A_236 : i32
      %broadcast_in_dim3A_238 = vector.broadcast %scan3A_237 : i32 to vector<16xi32>
      %gather3A_239 = tpu.vector_load_idx %arg20[%broadcast_in_dim3A_238, %rem3A_41] : memref<96x16xf32, #tpu.memory_space<vmem>>[vector<16xi32>, vector<16xi32>], vector<16xf32>,
      %get3A_240 = arith.index_cast %scan3A_237 : i32 to index
      %get3A_241 = arith.constant 0 : index
      %get3A_242 = tpu.vector_load %arg14[%get3A_240, %get3A_241] {strides = array<i32>} : memref<96x128xf32, #tpu.memory_space<vmem>>, vector<16xf32>,
      %mul3A_243 = arith.mulf %get3A_242, %gather3A_239 : vector<16xf32>
      %swap3A_244 = arith.index_cast %scan3A_237 : i32 to index
      %swap3A_245 = arith.constant 0 : index
      %swap3A_246 = tpu.vector_load %arg14[%swap3A_244, %swap3A_245] {strides = array<i32>} : memref<96x128xf32, #tpu.memory_space<vmem>>, vector<16xf32>,
      tpu.vector_store %arg14[%swap3A_244, %swap3A_245], %mul3A_243 {strides = array<i32>} : memref<96x128xf32, #tpu.memory_space<vmem>>, vector<16xf32>,
      %get3A_247 = arith.index_cast %scan3A_237 : i32 to index
      %get3A_248 = arith.constant 16 : index
      %get3A_249 = tpu.vector_load %arg14[%get3A_247, %get3A_248] {strides = array<i32>} : memref<96x128xf32, #tpu.memory_space<vmem>>, vector<16xf32>,
      %mul3A_250 = arith.mulf %get3A_249, %gather3A_239 : vector<16xf32>
      %swap3A_251 = arith.index_cast %scan3A_237 : i32 to index
      %swap3A_252 = arith.constant 16 : index
      %swap3A_253 = tpu.vector_load %arg14[%swap3A_251, %swap3A_252] {strides = array<i32>} : memref<96x128xf32, #tpu.memory_space<vmem>>, vector<16xf32>,
      tpu.vector_store %arg14[%swap3A_251, %swap3A_252], %mul3A_250 {strides = array<i32>} : memref<96x128xf32, #tpu.memory_space<vmem>>, vector<16xf32>,
      %get3A_254 = arith.index_cast %scan3A_237 : i32 to index
      %get3A_255 = arith.constant 32 : index
      %get3A_256 = tpu.vector_load %arg14[%get3A_254, %get3A_255] {strides = array<i32>} : memref<96x128xf32, #tpu.memory_space<vmem>>, vector<16xf32>,
      %mul3A_257 = arith.mulf %get3A_256, %gather3A_239 : vector<16xf32>
      %swap3A_258 = arith.index_cast %scan3A_237 : i32 to index
      %swap3A_259 = arith.constant 32 : index
      %swap3A_260 = tpu.vector_load %arg14[%swap3A_258, %swap3A_259] {strides = array<i32>} : memref<96x128xf32, #tpu.memory_space<vmem>>, vector<16xf32>,
      tpu.vector_store %arg14[%swap3A_258, %swap3A_259], %mul3A_257 {strides = array<i32>} : memref<96x128xf32, #tpu.memory_space<vmem>>, vector<16xf32>,
      %get3A_261 = arith.index_cast %scan3A_237 : i32 to index
      %get3A_262 = arith.constant 48 : index
      %get3A_263 = tpu.vector_load %arg14[%get3A_261, %get3A_262] {strides = array<i32>} : memref<96x128xf32, #tpu.memory_space<vmem>>, vector<16xf32>,
      %mul3A_264 = arith.mulf %get3A_263, %gather3A_239 : vector<16xf32>
      %swap3A_265 = arith.index_cast %scan3A_237 : i32 to index
      %swap3A_266 = arith.constant 48 : index
      %swap3A_267 = tpu.vector_load %arg14[%swap3A_265, %swap3A_266] {strides = array<i32>} : memref<96x128xf32, #tpu.memory_space<vmem>>, vector<16xf32>,
      tpu.vector_store %arg14[%swap3A_265, %swap3A_266], %mul3A_264 {strides = array<i32>} : memref<96x128xf32, #tpu.memory_space<vmem>>, vector<16xf32>,
      %get3A_268 = arith.index_cast %scan3A_237 : i32 to index
      %get3A_269 = arith.constant 64 : index
      %get3A_270 = tpu.vector_load %arg14[%get3A_268, %get3A_269] {strides = array<i32>} : memref<96x128xf32, #tpu.memory_space<vmem>>, vector<16xf32>,
      %mul3A_271 = arith.mulf %get3A_270, %gather3A_239 : vector<16xf32>
      %swap3A_272 = arith.index_cast %scan3A_237 : i32 to index
      %swap3A_273 = arith.constant 64 : index
      %swap3A_274 = tpu.vector_load %arg14[%swap3A_272, %swap3A_273] {strides = array<i32>} : memref<96x128xf32, #tpu.memory_space<vmem>>, vector<16xf32>,
      tpu.vector_store %arg14[%swap3A_272, %swap3A_273], %mul3A_271 {strides = array<i32>} : memref<96x128xf32, #tpu.memory_space<vmem>>, vector<16xf32>,
      %get3A_275 = arith.index_cast %scan3A_237 : i32 to index
      %get3A_276 = arith.constant 80 : index
      %get3A_277 = tpu.vector_load %arg14[%get3A_275, %get3A_276] {strides = array<i32>} : memref<96x128xf32, #tpu.memory_space<vmem>>, vector<16xf32>,
      %mul3A_278 = arith.mulf %get3A_277, %gather3A_239 : vector<16xf32>
      %swap3A_279 = arith.index_cast %scan3A_237 : i32 to index
      %swap3A_280 = arith.constant 80 : index
      %swap3A_281 = tpu.vector_load %arg14[%swap3A_279, %swap3A_280] {strides = array<i32>} : memref<96x128xf32, #tpu.memory_space<vmem>>, vector<16xf32>,
      tpu.vector_store %arg14[%swap3A_279, %swap3A_280], %mul3A_278 {strides = array<i32>} : memref<96x128xf32, #tpu.memory_space<vmem>>, vector<16xf32>,
      %get3A_282 = arith.index_cast %scan3A_237 : i32 to index
      %get3A_283 = arith.constant 96 : index
      %get3A_284 = tpu.vector_load %arg14[%get3A_282, %get3A_283] {strides = array<i32>} : memref<96x128xf32, #tpu.memory_space<vmem>>, vector<16xf32>,
      %mul3A_285 = arith.mulf %get3A_284, %gather3A_239 : vector<16xf32>
      %swap3A_286 = arith.index_cast %scan3A_237 : i32 to index
      %swap3A_287 = arith.constant 96 : index
      %swap3A_288 = tpu.vector_load %arg14[%swap3A_286, %swap3A_287] {strides = array<i32>} : memref<96x128xf32, #tpu.memory_space<vmem>>, vector<16xf32>,
      tpu.vector_store %arg14[%swap3A_286, %swap3A_287], %mul3A_285 {strides = array<i32>} : memref<96x128xf32, #tpu.memory_space<vmem>>, vector<16xf32>,
      %get3A_289 = arith.index_cast %scan3A_237 : i32 to index
      %get3A_290 = arith.constant 112 : index
      %get3A_291 = tpu.vector_load %arg14[%get3A_289, %get3A_290] {strides = array<i32>} : memref<96x128xf32, #tpu.memory_space<vmem>>, vector<16xf32>,
      %mul3A_292 = arith.mulf %get3A_291, %gather3A_239 : vector<16xf32>
      %swap3A_293 = arith.index_cast %scan3A_237 : i32 to index
      %swap3A_294 = arith.constant 112 : index
      %swap3A_295 = tpu.vector_load %arg14[%swap3A_293, %swap3A_294] {strides = array<i32>} : memref<96x128xf32, #tpu.memory_space<vmem>>, vector<16xf32>,
      tpu.vector_store %arg14[%swap3A_293, %swap3A_294], %mul3A_292 {strides = array<i32>} : memref<96x128xf32, #tpu.memory_space<vmem>>, vector<16xf32>,
      %scan3A_296 = arith.constant 0 : i32
      %scan3A_297 = arith.constant 2 : i32
      %scan3A_298 = arith.addi %scan3A_177, %scan3A_297 : i32
      %broadcast_in_dim3A_299 = vector.broadcast %scan3A_298 : i32 to vector<16xi32>
      %gather3A_300 = tpu.vector_load_idx %arg20[%broadcast_in_dim3A_299, %rem3A_41] : memref<96x16xf32, #tpu.memory_space<vmem>>[vector<16xi32>, vector<16xi32>], vector<16xf32>,
      %get3A_301 = arith.index_cast %scan3A_298 : i32 to index
      %get3A_302 = arith.constant 0 : index
      %get3A_303 = tpu.vector_load %arg14[%get3A_301, %get3A_302] {strides = array<i32>} : memref<96x128xf32, #tpu.memory_space<vmem>>, vector<16xf32>,
      %mul3A_304 = arith.mulf %get3A_303, %gather3A_300 : vector<16xf32>
      %swap3A_305 = arith.index_cast %scan3A_298 : i32 to index
      %swap3A_306 = arith.constant 0 : index
      %swap3A_307 = tpu.vector_load %arg14[%swap3A_305, %swap3A_306] {strides = array<i32>} : memref<96x128xf32, #tpu.memory_space<vmem>>, vector<16xf32>,
      tpu.vector_store %arg14[%swap3A_305, %swap3A_306], %mul3A_304 {strides = array<i32>} : memref<96x128xf32, #tpu.memory_space<vmem>>, vector<16xf32>,
      %get3A_308 = arith.index_cast %scan3A_298 : i32 to index
      %get3A_309 = arith.constant 16 : index
      %get3A_310 = tpu.vector_load %arg14[%get3A_308, %get3A_309] {strides = array<i32>} : memref<96x128xf32, #tpu.memory_space<vmem>>, vector<16xf32>,
      %mul3A_311 = arith.mulf %get3A_310, %gather3A_300 : vector<16xf32>
      %swap3A_312 = arith.index_cast %scan3A_298 : i32 to index
      %swap3A_313 = arith.constant 16 : index
      %swap3A_314 = tpu.vector_load %arg14[%swap3A_312, %swap3A_313] {strides = array<i32>} : memref<96x128xf32, #tpu.memory_space<vmem>>, vector<16xf32>,
      tpu.vector_store %arg14[%swap3A_312, %swap3A_313], %mul3A_311 {strides = array<i32>} : memref<96x128xf32, #tpu.memory_space<vmem>>, vector<16xf32>,
      %get3A_315 = arith.index_cast %scan3A_298 : i32 to index
      %get3A_316 = arith.constant 32 : index
      %get3A_317 = tpu.vector_load %arg14[%get3A_315, %get3A_316] {strides = array<i32>} : memref<96x128xf32, #tpu.memory_space<vmem>>, vector<16xf32>,
      %mul3A_318 = arith.mulf %get3A_317, %gather3A_300 : vector<16xf32>
      %swap3A_319 = arith.index_cast %scan3A_298 : i32 to index
      %swap3A_320 = arith.constant 32 : index
      %swap3A_321 = tpu.vector_load %arg14[%swap3A_319, %swap3A_320] {strides = array<i32>} : memref<96x128xf32, #tpu.memory_space<vmem>>, vector<16xf32>,
      tpu.vector_store %arg14[%swap3A_319, %swap3A_320], %mul3A_318 {strides = array<i32>} : memref<96x128xf32, #tpu.memory_space<vmem>>, vector<16xf32>,
      %get3A_322 = arith.index_cast %scan3A_298 : i32 to index
      %get3A_323 = arith.constant 48 : index
      %get3A_324 = tpu.vector_load %arg14[%get3A_322, %get3A_323] {strides = array<i32>} : memref<96x128xf32, #tpu.memory_space<vmem>>, vector<16xf32>,
      %mul3A_325 = arith.mulf %get3A_324, %gather3A_300 : vector<16xf32>
      %swap3A_326 = arith.index_cast %scan3A_298 : i32 to index
      %swap3A_327 = arith.constant 48 : index
      %swap3A_328 = tpu.vector_load %arg14[%swap3A_326, %swap3A_327] {strides = array<i32>} : memref<96x128xf32, #tpu.memory_space<vmem>>, vector<16xf32>,
      tpu.vector_store %arg14[%swap3A_326, %swap3A_327], %mul3A_325 {strides = array<i32>} : memref<96x128xf32, #tpu.memory_space<vmem>>, vector<16xf32>,
      %get3A_329 = arith.index_cast %scan3A_298 : i32 to index
      %get3A_330 = arith.constant 64 : index
      %get3A_331 = tpu.vector_load %arg14[%get3A_329, %get3A_330] {strides = array<i32>} : memref<96x128xf32, #tpu.memory_space<vmem>>, vector<16xf32>,
      %mul3A_332 = arith.mulf %get3A_331, %gather3A_300 : vector<16xf32>
      %swap3A_333 = arith.index_cast %scan3A_298 : i32 to index
      %swap3A_334 = arith.constant 64 : index
      %swap3A_335 = tpu.vector_load %arg14[%swap3A_333, %swap3A_334] {strides = array<i32>} : memref<96x128xf32, #tpu.memory_space<vmem>>, vector<16xf32>,
      tpu.vector_store %arg14[%swap3A_333, %swap3A_334], %mul3A_332 {strides = array<i32>} : memref<96x128xf32, #tpu.memory_space<vmem>>, vector<16xf32>,
      %get3A_336 = arith.index_cast %scan3A_298 : i32 to index
      %get3A_337 = arith.constant 80 : index
      %get3A_338 = tpu.vector_load %arg14[%get3A_336, %get3A_337] {strides = array<i32>} : memref<96x128xf32, #tpu.memory_space<vmem>>, vector<16xf32>,
      %mul3A_339 = arith.mulf %get3A_338, %gather3A_300 : vector<16xf32>
      %swap3A_340 = arith.index_cast %scan3A_298 : i32 to index
      %swap3A_341 = arith.constant 80 : index
      %swap3A_342 = tpu.vector_load %arg14[%swap3A_340, %swap3A_341] {strides = array<i32>} : memref<96x128xf32, #tpu.memory_space<vmem>>, vector<16xf32>,
      tpu.vector_store %arg14[%swap3A_340, %swap3A_341], %mul3A_339 {strides = array<i32>} : memref<96x128xf32, #tpu.memory_space<vmem>>, vector<16xf32>,
      %get3A_343 = arith.index_cast %scan3A_298 : i32 to index
      %get3A_344 = arith.constant 96 : index
      %get3A_345 = tpu.vector_load %arg14[%get3A_343, %get3A_344] {strides = array<i32>} : memref<96x128xf32, #tpu.memory_space<vmem>>, vector<16xf32>,
      %mul3A_346 = arith.mulf %get3A_345, %gather3A_300 : vector<16xf32>
      %swap3A_347 = arith.index_cast %scan3A_298 : i32 to index
      %swap3A_348 = arith.constant 96 : index
      %swap3A_349 = tpu.vector_load %arg14[%swap3A_347, %swap3A_348] {strides = array<i32>} : memref<96x128xf32, #tpu.memory_space<vmem>>, vector<16xf32>,
      tpu.vector_store %arg14[%swap3A_347, %swap3A_348], %mul3A_346 {strides = array<i32>} : memref<96x128xf32, #tpu.memory_space<vmem>>, vector<16xf32>,
      %get3A_350 = arith.index_cast %scan3A_298 : i32 to index
      %get3A_351 = arith.constant 112 : index
      %get3A_352 = tpu.vector_load %arg14[%get3A_350, %get3A_351] {strides = array<i32>} : memref<96x128xf32, #tpu.memory_space<vmem>>, vector<16xf32>,
      %mul3A_353 = arith.mulf %get3A_352, %gather3A_300 : vector<16xf32>
      %swap3A_354 = arith.index_cast %scan3A_298 : i32 to index
      %swap3A_355 = arith.constant 112 : index
      %swap3A_356 = tpu.vector_load %arg14[%swap3A_354, %swap3A_355] {strides = array<i32>} : memref<96x128xf32, #tpu.memory_space<vmem>>, vector<16xf32>,
      tpu.vector_store %arg14[%swap3A_354, %swap3A_355], %mul3A_353 {strides = array<i32>} : memref<96x128xf32, #tpu.memory_space<vmem>>, vector<16xf32>,
      %scan3A_357 = arith.constant 0 : i32
      %scan3A_358 = arith.constant 3 : i32
      %scan3A_359 = arith.addi %scan3A_177, %scan3A_358 : i32
      %broadcast_in_dim3A_360 = vector.broadcast %scan3A_359 : i32 to vector<16xi32>
      %gather3A_361 = tpu.vector_load_idx %arg20[%broadcast_in_dim3A_360, %rem3A_41] : memref<96x16xf32, #tpu.memory_space<vmem>>[vector<16xi32>, vector<16xi32>], vector<16xf32>,
      %get3A_362 = arith.index_cast %scan3A_359 : i32 to index
      %get3A_363 = arith.constant 0 : index
      %get3A_364 = tpu.vector_load %arg14[%get3A_362, %get3A_363] {strides = array<i32>} : memref<96x128xf32, #tpu.memory_space<vmem>>, vector<16xf32>,
      %mul3A_365 = arith.mulf %get3A_364, %gather3A_361 : vector<16xf32>
      %swap3A_366 = arith.index_cast %scan3A_359 : i32 to index
      %swap3A_367 = arith.constant 0 : index
      %swap3A_368 = tpu.vector_load %arg14[%swap3A_366, %swap3A_367] {strides = array<i32>} : memref<96x128xf32, #tpu.memory_space<vmem>>, vector<16xf32>,
      tpu.vector_store %arg14[%swap3A_366, %swap3A_367], %mul3A_365 {strides = array<i32>} : memref<96x128xf32, #tpu.memory_space<vmem>>, vector<16xf32>,
      %get3A_369 = arith.index_cast %scan3A_359 : i32 to index
      %get3A_370 = arith.constant 16 : index
      %get3A_371 = tpu.vector_load %arg14[%get3A_369, %get3A_370] {strides = array<i32>} : memref<96x128xf32, #tpu.memory_space<vmem>>, vector<16xf32>,
      %mul3A_372 = arith.mulf %get3A_371, %gather3A_361 : vector<16xf32>
      %swap3A_373 = arith.index_cast %scan3A_359 : i32 to index
      %swap3A_374 = arith.constant 16 : index
      %swap3A_375 = tpu.vector_load %arg14[%swap3A_373, %swap3A_374] {strides = array<i32>} : memref<96x128xf32, #tpu.memory_space<vmem>>, vector<16xf32>,
      tpu.vector_store %arg14[%swap3A_373, %swap3A_374], %mul3A_372 {strides = array<i32>} : memref<96x128xf32, #tpu.memory_space<vmem>>, vector<16xf32>,
      %get3A_376 = arith.index_cast %scan3A_359 : i32 to index
      %get3A_377 = arith.constant 32 : index
      %get3A_378 = tpu.vector_load %arg14[%get3A_376, %get3A_377] {strides = array<i32>} : memref<96x128xf32, #tpu.memory_space<vmem>>, vector<16xf32>,
      %mul3A_379 = arith.mulf %get3A_378, %gather3A_361 : vector<16xf32>
      %swap3A_380 = arith.index_cast %scan3A_359 : i32 to index
      %swap3A_381 = arith.constant 32 : index
      %swap3A_382 = tpu.vector_load %arg14[%swap3A_380, %swap3A_381] {strides = array<i32>} : memref<96x128xf32, #tpu.memory_space<vmem>>, vector<16xf32>,
      tpu.vector_store %arg14[%swap3A_380, %swap3A_381], %mul3A_379 {strides = array<i32>} : memref<96x128xf32, #tpu.memory_space<vmem>>, vector<16xf32>,
      %get3A_383 = arith.index_cast %scan3A_359 : i32 to index
      %get3A_384 = arith.constant 48 : index
      %get3A_385 = tpu.vector_load %arg14[%get3A_383, %get3A_384] {strides = array<i32>} : memref<96x128xf32, #tpu.memory_space<vmem>>, vector<16xf32>,
      %mul3A_386 = arith.mulf %get3A_385, %gather3A_361 : vector<16xf32>
      %swap3A_387 = arith.index_cast %scan3A_359 : i32 to index
      %swap3A_388 = arith.constant 48 : index
      %swap3A_389 = tpu.vector_load %arg14[%swap3A_387, %swap3A_388] {strides = array<i32>} : memref<96x128xf32, #tpu.memory_space<vmem>>, vector<16xf32>,
      tpu.vector_store %arg14[%swap3A_387, %swap3A_388], %mul3A_386 {strides = array<i32>} : memref<96x128xf32, #tpu.memory_space<vmem>>, vector<16xf32>,
      %get3A_390 = arith.index_cast %scan3A_359 : i32 to index
      %get3A_391 = arith.constant 64 : index
      %get3A_392 = tpu.vector_load %arg14[%get3A_390, %get3A_391] {strides = array<i32>} : memref<96x128xf32, #tpu.memory_space<vmem>>, vector<16xf32>,
      %mul3A_393 = arith.mulf %get3A_392, %gather3A_361 : vector<16xf32>
      %swap3A_394 = arith.index_cast %scan3A_359 : i32 to index
      %swap3A_395 = arith.constant 64 : index
      %swap3A_396 = tpu.vector_load %arg14[%swap3A_394, %swap3A_395] {strides = array<i32>} : memref<96x128xf32, #tpu.memory_space<vmem>>, vector<16xf32>,
      tpu.vector_store %arg14[%swap3A_394, %swap3A_395], %mul3A_393 {strides = array<i32>} : memref<96x128xf32, #tpu.memory_space<vmem>>, vector<16xf32>,
      %get3A_397 = arith.index_cast %scan3A_359 : i32 to index
      %get3A_398 = arith.constant 80 : index
      %get3A_399 = tpu.vector_load %arg14[%get3A_397, %get3A_398] {strides = array<i32>} : memref<96x128xf32, #tpu.memory_space<vmem>>, vector<16xf32>,
      %mul3A_400 = arith.mulf %get3A_399, %gather3A_361 : vector<16xf32>
      %swap3A_401 = arith.index_cast %scan3A_359 : i32 to index
      %swap3A_402 = arith.constant 80 : index
      %swap3A_403 = tpu.vector_load %arg14[%swap3A_401, %swap3A_402] {strides = array<i32>} : memref<96x128xf32, #tpu.memory_space<vmem>>, vector<16xf32>,
      tpu.vector_store %arg14[%swap3A_401, %swap3A_402], %mul3A_400 {strides = array<i32>} : memref<96x128xf32, #tpu.memory_space<vmem>>, vector<16xf32>,
      %get3A_404 = arith.index_cast %scan3A_359 : i32 to index
      %get3A_405 = arith.constant 96 : index
      %get3A_406 = tpu.vector_load %arg14[%get3A_404, %get3A_405] {strides = array<i32>} : memref<96x128xf32, #tpu.memory_space<vmem>>, vector<16xf32>,
      %mul3A_407 = arith.mulf %get3A_406, %gather3A_361 : vector<16xf32>
      %swap3A_408 = arith.index_cast %scan3A_359 : i32 to index
      %swap3A_409 = arith.constant 96 : index
      %swap3A_410 = tpu.vector_load %arg14[%swap3A_408, %swap3A_409] {strides = array<i32>} : memref<96x128xf32, #tpu.memory_space<vmem>>, vector<16xf32>,
      tpu.vector_store %arg14[%swap3A_408, %swap3A_409], %mul3A_407 {strides = array<i32>} : memref<96x128xf32, #tpu.memory_space<vmem>>, vector<16xf32>,
      %get3A_411 = arith.index_cast %scan3A_359 : i32 to index
      %get3A_412 = arith.constant 112 : index
      %get3A_413 = tpu.vector_load %arg14[%get3A_411, %get3A_412] {strides = array<i32>} : memref<96x128xf32, #tpu.memory_space<vmem>>, vector<16xf32>,
      %mul3A_414 = arith.mulf %get3A_413, %gather3A_361 : vector<16xf32>
      %swap3A_415 = arith.index_cast %scan3A_359 : i32 to index
      %swap3A_416 = arith.constant 112 : index
      %swap3A_417 = tpu.vector_load %arg14[%swap3A_415, %swap3A_416] {strides = array<i32>} : memref<96x128xf32, #tpu.memory_space<vmem>>, vector<16xf32>,
      tpu.vector_store %arg14[%swap3A_415, %swap3A_416], %mul3A_414 {strides = array<i32>} : memref<96x128xf32, #tpu.memory_space<vmem>>, vector<16xf32>,
      %scan3A_418 = arith.constant 0 : i32
      scf.yield %scan3A_418 : i32
    }
    %scan3A_175 = arith.constant 16 : i32
    "tpu.region"() ({
      %run_scoped3A = tpu.sem_alloc : memref<!tpu.dma_semaphore, #tpu.memory_space<semaphore_mem>>
      %dma_start3A_177 = arith.constant 0 : i32
      %dma_start3A_178 = arith.constant 0 : i32
      %dma_start3A_179 = tpu.memref_slice %arg14[%dma_start3A_177, %dma_start3A_178] : memref<96x128xf32, #tpu.memory_space<vmem>> -> memref<16x128xf32, #tpu.memory_space<vmem>>
      %dma_start3A_180 = arith.constant 0 : i32
      %dma_start3A_181 = arith.constant 0 : i32
      %dma_start3A_182 = tpu.memref_slice %arg22[%dma_start3A_180, %dma_start3A_181] : memref<10240x128xf32, #tpu.memory_space<vmem_shared>> -> memref<10240x128xf32, #tpu.memory_space<vmem_shared>>
      tpu.enqueue_indirect_dma source(%dma_start3A_179 : memref<16x128xf32, #tpu.memory_space<vmem>>) target(%dma_start3A_182 : memref<10240x128xf32, #tpu.memory_space<vmem_shared>>) offsets(%arg13 : memref<16xi32, #tpu.memory_space<vmem>>) semaphore(%run_scoped3A : memref<!tpu.dma_semaphore, #tpu.memory_space<semaphore_mem>>) {add = true}
      %dma_wait3A_183 = arith.constant 0 : i32
      %dma_wait3A_184 = arith.constant 0 : i32
      %dma_wait3A_185 = tpu.memref_slice %arg14[%dma_wait3A_183, %dma_wait3A_184] : memref<96x128xf32, #tpu.memory_space<vmem>> -> memref<16x128xf32, #tpu.memory_space<vmem>>
      %dma_wait3A_186 = arith.constant 0 : i32
      %dma_wait3A_187 = arith.constant 0 : i32
      %dma_wait3A_188 = tpu.memref_slice %arg22[%dma_wait3A_186, %dma_wait3A_187] : memref<10240x128xf32, #tpu.memory_space<vmem_shared>> -> memref<10240x128xf32, #tpu.memory_space<vmem_shared>>
      tpu.wait_indirect_dma semaphore(%run_scoped3A : memref<!tpu.dma_semaphore, #tpu.memory_space<semaphore_mem>>) src(%dma_wait3A_185 : memref<16x128xf32, #tpu.memory_space<vmem>>) dst(%dma_wait3A_188 : memref<10240x128xf32, #tpu.memory_space<vmem_shared>>)
      tpu.yield
    }) : () -> ()
    "tpu.region"() ({
      %run_scoped3A = tpu.sem_alloc : memref<!tpu.dma_semaphore, #tpu.memory_space<semaphore_mem>>
      %dma_start3A_177 = arith.constant 0 : i32
      %dma_start3A_178 = arith.constant 0 : i32
      %dma_start3A_179 = tpu.memref_slice %arg20[%dma_start3A_177, %dma_start3A_178] : memref<96x16xf32, #tpu.memory_space<vmem>> -> memref<16x16xf32, #tpu.memory_space<vmem>>
      %dma_start3A_180 = arith.constant 0 : i32
      %dma_start3A_181 = arith.constant 0 : i32
      %dma_start3A_182 = tpu.memref_slice %arg23[%dma_start3A_180, %dma_start3A_181] : memref<10240x16xf32, #tpu.memory_space<vmem_shared>> -> memref<10240x16xf32, #tpu.memory_space<vmem_shared>>
      tpu.enqueue_indirect_dma source(%dma_start3A_179 : memref<16x16xf32, #tpu.memory_space<vmem>>) target(%dma_start3A_182 : memref<10240x16xf32, #tpu.memory_space<vmem_shared>>) offsets(%arg13 : memref<16xi32, #tpu.memory_space<vmem>>) semaphore(%run_scoped3A : memref<!tpu.dma_semaphore, #tpu.memory_space<semaphore_mem>>) {add = true}
      %dma_wait3A_183 = arith.constant 0 : i32
      %dma_wait3A_184 = arith.constant 0 : i32
      %dma_wait3A_185 = tpu.memref_slice %arg20[%dma_wait3A_183, %dma_wait3A_184] : memref<96x16xf32, #tpu.memory_space<vmem>> -> memref<16x16xf32, #tpu.memory_space<vmem>>
      %dma_wait3A_186 = arith.constant 0 : i32
      %dma_wait3A_187 = arith.constant 0 : i32
      %dma_wait3A_188 = tpu.memref_slice %arg23[%dma_wait3A_186, %dma_wait3A_187] : memref<10240x16xf32, #tpu.memory_space<vmem_shared>> -> memref<10240x16xf32, #tpu.memory_space<vmem_shared>>
      tpu.wait_indirect_dma semaphore(%run_scoped3A : memref<!tpu.dma_semaphore, #tpu.memory_space<semaphore_mem>>) src(%dma_wait3A_185 : memref<16x16xf32, #tpu.memory_space<vmem>>) dst(%dma_wait3A_188 : memref<10240x16xf32, #tpu.memory_space<vmem_shared>>)
      tpu.yield
    }) : () -> ()
    %barrier3A_176 = arith.constant 0 : index
    tpu.barrier barrier_id(%barrier3A_176)
    "tpu.region"() ({
      %run_scoped3A = tpu.sem_alloc : memref<!tpu.dma_semaphore, #tpu.memory_space<semaphore_mem>>
      %dma_start3A_177 = arith.constant 0 : i32
      %dma_start3A_178 = tpu.memref_slice %arg6[%arg0, %mul3A_11, %dma_start3A_177] : memref<2x10240x128xf32, #tpu.memory_space<hbm>> -> memref<1x640x128xf32, #tpu.memory_space<hbm>>
      %dma_start3A_179 = tpu.memref_squeeze %dma_start3A_178 : memref<1x640x128xf32, #tpu.memory_space<hbm>> -> memref<640x128xf32, #tpu.memory_space<hbm>>
      %dma_start3A_180 = arith.constant 0 : i32
      %dma_start3A_181 = tpu.memref_slice %arg22[%mul3A_11, %dma_start3A_180] : memref<10240x128xf32, #tpu.memory_space<vmem_shared>> -> memref<640x128xf32, #tpu.memory_space<vmem_shared>>
      tpu.enqueue_dma source(%dma_start3A_181 : memref<640x128xf32, #tpu.memory_space<vmem_shared>>) target(%dma_start3A_179 : memref<640x128xf32, #tpu.memory_space<hbm>>) target_semaphore(%run_scoped3A : memref<!tpu.dma_semaphore, #tpu.memory_space<semaphore_mem>>)
      %dma_wait3A_182 = arith.constant 0 : i32
      %dma_wait3A_183 = tpu.memref_slice %arg6[%arg0, %mul3A_11, %dma_wait3A_182] : memref<2x10240x128xf32, #tpu.memory_space<hbm>> -> memref<1x640x128xf32, #tpu.memory_space<hbm>>
      %dma_wait3A_184 = tpu.memref_squeeze %dma_wait3A_183 : memref<1x640x128xf32, #tpu.memory_space<hbm>> -> memref<640x128xf32, #tpu.memory_space<hbm>>
      %dma_wait3A_185 = arith.constant 0 : i32
      %dma_wait3A_186 = tpu.memref_slice %arg22[%mul3A_11, %dma_wait3A_185] : memref<10240x128xf32, #tpu.memory_space<vmem_shared>> -> memref<640x128xf32, #tpu.memory_space<vmem_shared>>
      tpu.wait_dma2 semaphore(%run_scoped3A : memref<!tpu.dma_semaphore, #tpu.memory_space<semaphore_mem>>) src(%dma_wait3A_186 : memref<640x128xf32, #tpu.memory_space<vmem_shared>>) dst(%dma_wait3A_184 : memref<640x128xf32, #tpu.memory_space<hbm>>)
      tpu.yield
    }) : () -> ()
    "tpu.region"() ({
      %run_scoped3A = tpu.sem_alloc : memref<!tpu.dma_semaphore, #tpu.memory_space<semaphore_mem>>
      %dma_start3A_177 = arith.constant 0 : i32
      %dma_start3A_178 = tpu.memref_slice %arg7[%arg0, %mul3A_11, %dma_start3A_177] : memref<2x10240x16xf32, #tpu.memory_space<hbm>> -> memref<1x640x16xf32, #tpu.memory_space<hbm>>
      %dma_start3A_179 = tpu.memref_squeeze %dma_start3A_178 : memref<1x640x16xf32, #tpu.memory_space<hbm>> -> memref<640x16xf32, #tpu.memory_space<hbm>>
      %dma_start3A_180 = arith.constant 0 : i32
      %dma_start3A_181 = tpu.memref_slice %arg23[%mul3A_11, %dma_start3A_180] : memref<10240x16xf32, #tpu.memory_space<vmem_shared>> -> memref<640x16xf32, #tpu.memory_space<vmem_shared>>
      tpu.enqueue_dma source(%dma_start3A_181 : memref<640x16xf32, #tpu.memory_space<vmem_shared>>) target(%dma_start3A_179 : memref<640x16xf32, #tpu.memory_space<hbm>>) target_semaphore(%run_scoped3A : memref<!tpu.dma_semaphore, #tpu.memory_space<semaphore_mem>>)
      %dma_wait3A_182 = arith.constant 0 : i32
      %dma_wait3A_183 = tpu.memref_slice %arg7[%arg0, %mul3A_11, %dma_wait3A_182] : memref<2x10240x16xf32, #tpu.memory_space<hbm>> -> memref<1x640x16xf32, #tpu.memory_space<hbm>>
      %dma_wait3A_184 = tpu.memref_squeeze %dma_wait3A_183 : memref<1x640x16xf32, #tpu.memory_space<hbm>> -> memref<640x16xf32, #tpu.memory_space<hbm>>
      %dma_wait3A_185 = arith.constant 0 : i32
      %dma_wait3A_186 = tpu.memref_slice %arg23[%mul3A_11, %dma_wait3A_185] : memref<10240x16xf32, #tpu.memory_space<vmem_shared>> -> memref<640x16xf32, #tpu.memory_space<vmem_shared>>
      tpu.wait_dma2 semaphore(%run_scoped3A : memref<!tpu.dma_semaphore, #tpu.memory_space<semaphore_mem>>) src(%dma_wait3A_186 : memref<640x16xf32, #tpu.memory_space<vmem_shared>>) dst(%dma_wait3A_184 : memref<640x16xf32, #tpu.memory_space<hbm>>)
      tpu.yield
    }) : () -> ()
    return
  }
}

module attributes {stable_mosaic.version = 14 : i64} {
  func.func @body(%arg0: i32, %arg1: memref<1000x128xf32, #tpu.memory_space<vmem>>, %arg2: memref<128x128xf32, #tpu.memory_space<vmem>>, %arg3: memref<128x8xf32, #tpu.memory_space<vmem>>, %arg4: memref<1000x128xf32, #tpu.memory_space<vmem>>, %arg5: memref<1000x8xf32, #tpu.memory_space<vmem>>) attributes {dimension_semantics = [#tpu.dimension_semantics<arbitrary>], iteration_bounds = array<i64: 10>, scalar_prefetch = 0 : i64, scratch_operands = 0 : i64, tpu.core_type = #tpu.core_type<tc>, window_params = [{transform_indices = @transform_0, window_bounds = array<i64: 1000, 128>}, {pipeline_mode = #tpu.pipeline_mode<synchronous>, transform_indices = @transform_1, window_bounds = array<i64: 128, 128>}, {pipeline_mode = #tpu.pipeline_mode<synchronous>, transform_indices = @transform_2, window_bounds = array<i64: 128, 8>}, {transform_indices = @transform_3, window_bounds = array<i64: 1000, 128>}, {transform_indices = @transform_4, window_bounds = array<i64: 1000, 8>}]} {
    %get3A = arith.constant 0 : index
    %get3A_0 = arith.constant 0 : index
    %get3A_1 = vector.load %arg1[%get3A, %get3A_0] : memref<1000x128xf32, #tpu.memory_space<vmem>>, vector<1000x128xf32>
    %get3A_2 = arith.constant 0 : index
    %get3A_3 = arith.constant 0 : index
    %get3A_4 = vector.load %arg2[%get3A_2, %get3A_3] : memref<128x128xf32, #tpu.memory_space<vmem>>, vector<128x128xf32>
    %dot_general3A = arith.constant dense<0.000000e+00> : vector<1000x128xf32>
    %dot_general3A_5 = tpu.matmul %get3A_1, %get3A_4, %dot_general3A {dimension_numbers = #tpu.dot_dimension_numbers<[1], [0], [0], [1], [0, 0, 1, 1], [], []>, transpose_lhs_hint = false} : vector<1000x128xf32>, vector<128x128xf32>, vector<1000x128xf32> -> vector<1000x128xf32>
    %swap3A = arith.constant 0 : index
    %swap3A_6 = arith.constant 0 : index
    %swap3A_7 = vector.load %arg4[%swap3A, %swap3A_6] : memref<1000x128xf32, #tpu.memory_space<vmem>>, vector<1000x128xf32>
    tpu.vector_store %arg4[%swap3A, %swap3A_6], %dot_general3A_5 {strides = array<i32>} : memref<1000x128xf32, #tpu.memory_space<vmem>>, vector<1000x128xf32>,
    %get3A_8 = arith.constant 0 : index
    %get3A_9 = arith.constant 0 : index
    %get3A_10 = vector.load %arg3[%get3A_8, %get3A_9] : memref<128x8xf32, #tpu.memory_space<vmem>>, vector<128x8xf32>
    %dot_general3A_11 = arith.constant dense<0.000000e+00> : vector<1000x8xf32>
    %dot_general3A_12 = tpu.matmul %dot_general3A_5, %get3A_10, %dot_general3A_11 {dimension_numbers = #tpu.dot_dimension_numbers<[1], [0], [0], [1], [0, 0, 1, 1], [], []>, transpose_lhs_hint = false} : vector<1000x128xf32>, vector<128x8xf32>, vector<1000x8xf32> -> vector<1000x8xf32>
    %swap3A_13 = arith.constant 0 : index
    %swap3A_14 = arith.constant 0 : index
    %swap3A_15 = vector.load %arg5[%swap3A_13, %swap3A_14] : memref<1000x8xf32, #tpu.memory_space<vmem>>, vector<1000x8xf32>
    tpu.vector_store %arg5[%swap3A_13, %swap3A_14], %dot_general3A_12 {strides = array<i32>} : memref<1000x8xf32, #tpu.memory_space<vmem>>, vector<1000x8xf32>,
    return
  }
  func.func @transform_0(%arg0: i32) -> (i32, i32) {
    %c0_i32 = arith.constant 0 : i32
    %c0_i32_0 = arith.constant 0 : i32
    return %arg0, %c0_i32 : i32, i32
  }
  func.func @transform_1(%arg0: i32) -> (i32, i32) {
    %c0_i32 = arith.constant 0 : i32
    %c0_i32_0 = arith.constant 0 : i32
    %c0_i32_1 = arith.constant 0 : i32
    return %c0_i32, %c0_i32_0 : i32, i32
  }
  func.func @transform_2(%arg0: i32) -> (i32, i32) {
    %c0_i32 = arith.constant 0 : i32
    %c0_i32_0 = arith.constant 0 : i32
    %c0_i32_1 = arith.constant 0 : i32
    return %c0_i32, %c0_i32_0 : i32, i32
  }
  func.func @transform_3(%arg0: i32) -> (i32, i32) {
    %c0_i32 = arith.constant 0 : i32
    %c0_i32_0 = arith.constant 0 : i32
    return %arg0, %c0_i32 : i32, i32
  }
  func.func @transform_4(%arg0: i32) -> (i32, i32) {
    %c0_i32 = arith.constant 0 : i32
    %c0_i32_0 = arith.constant 0 : i32
    return %arg0, %c0_i32 : i32, i32
  }
}

module attributes {stable_mosaic.version = 14 : i64} {
  func.func @body(%arg0: i32, %arg1: memref<1x1000x128xf32, #tpu.memory_space<vmem>>, %arg2: memref<1x1000x128xf32, #tpu.memory_space<vmem>>, %arg3: memref<1x1000x16xf32, #tpu.memory_space<vmem>>, %arg4: memref<1x1000x16xf32, #tpu.memory_space<vmem>>, %arg5: memref<1x1x1000xi32, #tpu.memory_space<vmem>>, %arg6: memref<128x10xf32, #tpu.memory_space<vmem>>, %arg7: memref<1x10xf32, #tpu.memory_space<vmem>>, %arg8: memref<64x10xf32, #tpu.memory_space<vmem>>, %arg9: memref<64x128xf32, #tpu.memory_space<vmem>>, %arg10: memref<64x128xf32, #tpu.memory_space<vmem>>) attributes {dimension_semantics = [#tpu.dimension_semantics<arbitrary>], iteration_bounds = array<i64: 10>, scalar_prefetch = 0 : i64, scratch_operands = 2 : i64, tpu.core_type = #tpu.core_type<tc>, window_params = [{transform_indices = @transform_0, window_bounds = array<i64: 1, 1000, 128>}, {transform_indices = @transform_1, window_bounds = array<i64: 1, 1000, 128>}, {transform_indices = @transform_2, window_bounds = array<i64: 1, 1000, 16>}, {transform_indices = @transform_3, window_bounds = array<i64: 1, 1000, 16>}, {transform_indices = @transform_4, window_bounds = array<i64: 1, 1, 1000>}, {pipeline_mode = #tpu.pipeline_mode<synchronous>, transform_indices = @transform_5, window_bounds = array<i64: 128, 10>}, {pipeline_mode = #tpu.pipeline_mode<synchronous>, transform_indices = @transform_6, window_bounds = array<i64: 1, 10>}, {pipeline_mode = #tpu.pipeline_mode<synchronous>, transform_indices = @transform_7, window_bounds = array<i64: 64, 10>}]} {
    %eq3A = arith.constant 0 : i32
    %eq3A_0 = arith.cmpi eq, %arg0, %eq3A : i32
    %convert_element_type3A = arith.extui %eq3A_0 : i1 to i32
    %cond3A = arith.constant 0 : i32
    %cond3A_1 = arith.cmpi ne, %convert_element_type3A, %cond3A : i32
    scf.if %cond3A_1 {
      %broadcast_in_dim3A_73 = arith.constant 0.000000e+00 : f32
      %broadcast_in_dim3A_74 = vector.broadcast %broadcast_in_dim3A_73 : f32 to vector<64x128xf32>
      %swap3A_75 = arith.constant 0 : index
      %swap3A_76 = arith.constant 0 : index
      %swap3A_77 = vector.load %arg9[%swap3A_75, %swap3A_76] : memref<64x128xf32, #tpu.memory_space<vmem>>, vector<64x128xf32>
      tpu.vector_store %arg9[%swap3A_75, %swap3A_76], %broadcast_in_dim3A_74 {strides = array<i32>} : memref<64x128xf32, #tpu.memory_space<vmem>>, vector<64x128xf32>,
      %broadcast_in_dim3A_78 = arith.constant 0.000000e+00 : f32
      %broadcast_in_dim3A_79 = vector.broadcast %broadcast_in_dim3A_78 : f32 to vector<64x128xf32>
      %swap3A_80 = arith.constant 0 : index
      %swap3A_81 = arith.constant 0 : index
      %swap3A_82 = vector.load %arg10[%swap3A_80, %swap3A_81] : memref<64x128xf32, #tpu.memory_space<vmem>>, vector<64x128xf32>
      tpu.vector_store %arg10[%swap3A_80, %swap3A_81], %broadcast_in_dim3A_79 {strides = array<i32>} : memref<64x128xf32, #tpu.memory_space<vmem>>, vector<64x128xf32>,
    } else {
    }
    %get3A = arith.constant 0 : index
    %get3A_2 = arith.constant 0 : index
    %get3A_3 = arith.constant 0 : index
    %get3A_4 = vector.load %arg1[%get3A, %get3A_2, %get3A_3] : memref<1x1000x128xf32, #tpu.memory_space<vmem>>, vector<1x1000x128xf32>
    %get3A_5 = vector.shape_cast %get3A_4 : vector<1x1000x128xf32> to vector<1000x128xf32>
    %get3A_6 = arith.constant 0 : index
    %get3A_7 = arith.constant 0 : index
    %get3A_8 = arith.constant 0 : index
    %get3A_9 = vector.load %arg2[%get3A_6, %get3A_7, %get3A_8] : memref<1x1000x128xf32, #tpu.memory_space<vmem>>, vector<1x1000x128xf32>
    %get3A_10 = vector.shape_cast %get3A_9 : vector<1x1000x128xf32> to vector<1000x128xf32>
    %add3A = arith.addf %get3A_5, %get3A_10 : vector<1000x128xf32>
    %get3A_11 = arith.constant 0 : index
    %get3A_12 = arith.constant 0 : index
    %get3A_13 = arith.constant 0 : index
    %get3A_14 = vector.load %arg3[%get3A_11, %get3A_12, %get3A_13] : memref<1x1000x16xf32, #tpu.memory_space<vmem>>, vector<1x1000x16xf32>
    %get3A_15 = vector.shape_cast %get3A_14 : vector<1x1000x16xf32> to vector<1000x16xf32>
    %get3A_16 = arith.constant 0 : index
    %get3A_17 = arith.constant 0 : index
    %get3A_18 = arith.constant 0 : index
    %get3A_19 = vector.load %arg4[%get3A_16, %get3A_17, %get3A_18] : memref<1x1000x16xf32, #tpu.memory_space<vmem>>, vector<1x1000x16xf32>
    %get3A_20 = vector.shape_cast %get3A_19 : vector<1x1000x16xf32> to vector<1000x16xf32>
    %add3A_21 = arith.addf %get3A_15, %get3A_20 : vector<1000x16xf32>
    %slice3A = vector.extract_strided_slice %add3A_21 {offsets = [0, 0], sizes = [1000, 4], strides = [1, 1]} : vector<1000x16xf32> to vector<1000x4xf32>
    %add3A_22 = arith.constant 1.000000e-16 : f32
    %add3A_23 = vector.broadcast %add3A_22 : f32 to vector<1000x4xf32>
    %add3A_24 = arith.addf %slice3A, %add3A_23 : vector<1000x4xf32>
    %iota3A = tpu.iota {dimensions = array<i32: 1>} : vector<4x128xi32>
    %rem3A = arith.constant 4 : i32
    %rem3A_25 = vector.broadcast %rem3A : i32 to vector<4x128xi32>
    %rem3A_26 = arith.remsi %iota3A, %rem3A_25 : vector<4x128xi32>
    %iota3A_27 = tpu.iota {dimensions = array<i32: 0>} : vector<4x128xi32>
    %eq3A_28 = arith.cmpi eq, %rem3A_26, %iota3A_27 : vector<4x128xi32>
    %convert_element_type3A_29 = arith.extui %eq3A_28 : vector<4x128xi1> to vector<4x128xi32>
    %convert_element_type3A_30 = arith.sitofp %convert_element_type3A_29 : vector<4x128xi32> to vector<4x128xf32>
    %div3A = arith.constant 1.000000e+00 : f32
    %div3A_31 = vector.broadcast %div3A : f32 to vector<1000x4xf32>
    %div3A_32 = arith.divf %div3A_31, %add3A_24 : vector<1000x4xf32>
    %dot_general3A = arith.constant dense<0.000000e+00> : vector<1000x128xf32>
    %dot_general3A_33 = tpu.matmul %div3A_32, %convert_element_type3A_30, %dot_general3A {dimension_numbers = #tpu.dot_dimension_numbers<[1], [0], [0], [1], [0, 0, 1, 1], [], []>, transpose_lhs_hint = false} : vector<1000x4xf32>, vector<4x128xf32>, vector<1000x128xf32> -> vector<1000x128xf32>
    %mul3A = arith.mulf %add3A, %dot_general3A_33 : vector<1000x128xf32>
    %gt3A = arith.constant 0.000000e+00 : f32
    %gt3A_34 = vector.broadcast %gt3A : f32 to vector<1000x128xf32>
    %gt3A_35 = arith.cmpf ogt, %mul3A, %gt3A_34 : vector<1000x128xf32>
    %min3A = arith.constant 0.000000e+00 : f32
    %min3A_36 = vector.broadcast %min3A : f32 to vector<1000x128xf32>
    %min3A_37 = arith.minimumf %mul3A, %min3A_36 : vector<1000x128xf32>
    %exp3A = math.exp %min3A_37 : vector<1000x128xf32>
    %sub3A = arith.constant 1.000000e+00 : f32
    %sub3A_38 = vector.broadcast %sub3A : f32 to vector<1000x128xf32>
    %sub3A_39 = arith.subf %exp3A, %sub3A_38 : vector<1000x128xf32>
    %select_n3A = arith.select %gt3A_35, %mul3A, %sub3A_39 : vector<1000x128xi1>, vector<1000x128xf32>
    %get3A_40 = arith.constant 0 : index
    %get3A_41 = arith.constant 0 : index
    %get3A_42 = arith.constant 0 : index
    %get3A_43 = vector.load %arg5[%get3A_40, %get3A_41, %get3A_42] : memref<1x1x1000xi32, #tpu.memory_space<vmem>>, vector<1x1x1000xi32>
    %get3A_44 = vector.shape_cast %get3A_43 : vector<1x1x1000xi32> to vector<1x1000xi32>
    %iota3A_45 = tpu.iota {dimensions = array<i32: 0>} : vector<64x1000xi32>
    %eq3A_46 = vector.broadcast %get3A_44 : vector<1x1000xi32> to vector<64x1000xi32>
    %eq3A_47 = arith.cmpi eq, %eq3A_46, %iota3A_45 : vector<64x1000xi32>
    %convert_element_type3A_48 = arith.extui %eq3A_47 : vector<64x1000xi1> to vector<64x1000xi32>
    %convert_element_type3A_49 = arith.sitofp %convert_element_type3A_48 : vector<64x1000xi32> to vector<64x1000xf32>
    %get3A_50 = arith.constant 0 : index
    %get3A_51 = arith.constant 0 : index
    %get3A_52 = vector.load %arg9[%get3A_50, %get3A_51] : memref<64x128xf32, #tpu.memory_space<vmem>>, vector<64x128xf32>
    %dot_general3A_53 = arith.constant dense<0.000000e+00> : vector<64x128xf32>
    %dot_general3A_54 = tpu.matmul %convert_element_type3A_49, %select_n3A, %dot_general3A_53 {dimension_numbers = #tpu.dot_dimension_numbers<[1], [0], [0], [1], [0, 0, 1, 1], [], []>, transpose_lhs_hint = false} : vector<64x1000xf32>, vector<1000x128xf32>, vector<64x128xf32> -> vector<64x128xf32>
    %add3A_55 = arith.addf %get3A_52, %dot_general3A_54 : vector<64x128xf32>
    %swap3A = arith.constant 0 : index
    %swap3A_56 = arith.constant 0 : index
    %swap3A_57 = vector.load %arg9[%swap3A, %swap3A_56] : memref<64x128xf32, #tpu.memory_space<vmem>>, vector<64x128xf32>
    tpu.vector_store %arg9[%swap3A, %swap3A_56], %add3A_55 {strides = array<i32>} : memref<64x128xf32, #tpu.memory_space<vmem>>, vector<64x128xf32>,
    %get3A_58 = arith.constant 0 : index
    %get3A_59 = arith.constant 0 : index
    %get3A_60 = vector.load %arg10[%get3A_58, %get3A_59] : memref<64x128xf32, #tpu.memory_space<vmem>>, vector<64x128xf32>
    %broadcast_in_dim3A = arith.constant 1.000000e+00 : f32
    %broadcast_in_dim3A_61 = vector.broadcast %broadcast_in_dim3A : f32 to vector<1000x128xf32>
    %dot_general3A_62 = arith.constant dense<0.000000e+00> : vector<64x128xf32>
    %dot_general3A_63 = tpu.matmul %convert_element_type3A_49, %broadcast_in_dim3A_61, %dot_general3A_62 {dimension_numbers = #tpu.dot_dimension_numbers<[1], [0], [0], [1], [0, 0, 1, 1], [], []>, transpose_lhs_hint = false} : vector<64x1000xf32>, vector<1000x128xf32>, vector<64x128xf32> -> vector<64x128xf32>
    %add3A_64 = arith.addf %get3A_60, %dot_general3A_63 : vector<64x128xf32>
    %swap3A_65 = arith.constant 0 : index
    %swap3A_66 = arith.constant 0 : index
    %swap3A_67 = vector.load %arg10[%swap3A_65, %swap3A_66] : memref<64x128xf32, #tpu.memory_space<vmem>>, vector<64x128xf32>
    tpu.vector_store %arg10[%swap3A_65, %swap3A_66], %add3A_64 {strides = array<i32>} : memref<64x128xf32, #tpu.memory_space<vmem>>, vector<64x128xf32>,
    %eq3A_68 = arith.constant 9 : i32
    %eq3A_69 = arith.cmpi eq, %arg0, %eq3A_68 : i32
    %convert_element_type3A_70 = arith.extui %eq3A_69 : i1 to i32
    %cond3A_71 = arith.constant 0 : i32
    %cond3A_72 = arith.cmpi ne, %convert_element_type3A_70, %cond3A_71 : i32
    scf.if %cond3A_72 {
      %get3A_73 = arith.constant 0 : index
      %get3A_74 = arith.constant 0 : index
      %get3A_75 = vector.load %arg9[%get3A_73, %get3A_74] : memref<64x128xf32, #tpu.memory_space<vmem>>, vector<64x128xf32>
      %get3A_76 = arith.constant 0 : index
      %get3A_77 = arith.constant 0 : index
      %get3A_78 = vector.load %arg10[%get3A_76, %get3A_77] : memref<64x128xf32, #tpu.memory_space<vmem>>, vector<64x128xf32>
      %max3A = arith.constant 1.000000e+00 : f32
      %max3A_79 = vector.broadcast %max3A : f32 to vector<64x128xf32>
      %max3A_80 = arith.maximumf %get3A_78, %max3A_79 : vector<64x128xf32>
      %div3A_81 = arith.divf %get3A_75, %max3A_80 : vector<64x128xf32>
      %get3A_82 = arith.constant 0 : index
      %get3A_83 = arith.constant 0 : index
      %get3A_84 = vector.load %arg6[%get3A_82, %get3A_83] : memref<128x10xf32, #tpu.memory_space<vmem>>, vector<128x10xf32>
      %dot_general3A_85 = arith.constant dense<0.000000e+00> : vector<64x10xf32>
      %dot_general3A_86 = tpu.matmul %div3A_81, %get3A_84, %dot_general3A_85 {dimension_numbers = #tpu.dot_dimension_numbers<[1], [0], [0], [1], [0, 0, 1, 1], [], []>, transpose_lhs_hint = false} : vector<64x128xf32>, vector<128x10xf32>, vector<64x10xf32> -> vector<64x10xf32>
      %get3A_87 = arith.constant 0 : index
      %get3A_88 = arith.constant 0 : index
      %get3A_89 = vector.load %arg7[%get3A_87, %get3A_88] : memref<1x10xf32, #tpu.memory_space<vmem>>, vector<1x10xf32>
      %add3A_90 = vector.broadcast %get3A_89 : vector<1x10xf32> to vector<64x10xf32>
      %add3A_91 = arith.addf %dot_general3A_86, %add3A_90 : vector<64x10xf32>
      %swap3A_92 = arith.constant 0 : index
      %swap3A_93 = arith.constant 0 : index
      %swap3A_94 = vector.load %arg8[%swap3A_92, %swap3A_93] : memref<64x10xf32, #tpu.memory_space<vmem>>, vector<64x10xf32>
      tpu.vector_store %arg8[%swap3A_92, %swap3A_93], %add3A_91 {strides = array<i32>} : memref<64x10xf32, #tpu.memory_space<vmem>>, vector<64x10xf32>,
    } else {
    }
    return
  }
  func.func @transform_0(%arg0: i32) -> (i32, i32, i32) {
    %c0_i32 = arith.constant 0 : i32
    %c0_i32_0 = arith.constant 0 : i32
    %c0_i32_1 = arith.constant 0 : i32
    return %c0_i32, %arg0, %c0_i32_0 : i32, i32, i32
  }
  func.func @transform_1(%arg0: i32) -> (i32, i32, i32) {
    %c1_i32 = arith.constant 1 : i32
    %c0_i32 = arith.constant 0 : i32
    %c0_i32_0 = arith.constant 0 : i32
    return %c1_i32, %arg0, %c0_i32 : i32, i32, i32
  }
  func.func @transform_2(%arg0: i32) -> (i32, i32, i32) {
    %c0_i32 = arith.constant 0 : i32
    %c0_i32_0 = arith.constant 0 : i32
    %c0_i32_1 = arith.constant 0 : i32
    return %c0_i32, %arg0, %c0_i32_0 : i32, i32, i32
  }
  func.func @transform_3(%arg0: i32) -> (i32, i32, i32) {
    %c1_i32 = arith.constant 1 : i32
    %c0_i32 = arith.constant 0 : i32
    %c0_i32_0 = arith.constant 0 : i32
    return %c1_i32, %arg0, %c0_i32 : i32, i32, i32
  }
  func.func @transform_4(%arg0: i32) -> (i32, i32, i32) {
    %c0_i32 = arith.constant 0 : i32
    %c0_i32_0 = arith.constant 0 : i32
    %c0_i32_1 = arith.constant 0 : i32
    return %arg0, %c0_i32, %c0_i32_0 : i32, i32, i32
  }
  func.func @transform_5(%arg0: i32) -> (i32, i32) {
    %c0_i32 = arith.constant 0 : i32
    %c0_i32_0 = arith.constant 0 : i32
    %c0_i32_1 = arith.constant 0 : i32
    return %c0_i32, %c0_i32_0 : i32, i32
  }
  func.func @transform_6(%arg0: i32) -> (i32, i32) {
    %c0_i32 = arith.constant 0 : i32
    %c0_i32_0 = arith.constant 0 : i32
    %c0_i32_1 = arith.constant 0 : i32
    return %c0_i32, %c0_i32_0 : i32, i32
  }
  func.func @transform_7(%arg0: i32) -> (i32, i32) {
    %c0_i32 = arith.constant 0 : i32
    %c0_i32_0 = arith.constant 0 : i32
    %c0_i32_1 = arith.constant 0 : i32
    return %c0_i32, %c0_i32_0 : i32, i32
  }
}

</mosaic_0001>

<sc_bundles>
// kernel: kernel.5.cloned.1.call-start
scs
__scs_entry_jumppad:
0x0: {  	(pc) =	sbr.rel $0x88, $3  }
0x1: {  	(tag) =	ssettag $0x0;
	lr =	simm.s32 $0x1  }
0x2: {  	[smem:$0x3F99] =	sst lr;
	_ =	strace $0xD0000000  }
0x3: {  	_ = 	snop  }
0x4: {  	_ = 	snop  }
0x5: {  	_ = 	snop  }
0x6: {  	_ = 	snop  }
0x7: {  	_ = 	snop  }
__scs_overlays_trampoline_lowered:
0x8: {  	[smem:$0x3FA8] =	sst s0  }
0x9: {  	[smem:$0x3FA9] =	sst s1  }
0xa: {  	[smem:$0x3FAA] =	sst s2  }
0xb: {  	[smem:$0x3FAB] =	sst s3  }
0xc: {  	[smem:$0x3FAC] =	sst s4  }
0xd: {  	[smem:$0x3FAD] =	sst s5  }
0xe: {  	[smem:$0x3FAE] =	sst s6  }
0xf: {  	[smem:$0x3FAF] =	sst s7  }
0x10: {  	[smem:$0x3FB0] =	sst s8  }
0x11: {  	[smem:$0x3FB1] =	sst s9;
	s0 =	simm.s32 @!p0 $0x0  }
0x12: {  	s1 =	sld [smem:$0x3F97];
	s0 =	simm.s32 @p0 $0x1  }
0x13: {  	[smem:$0x3FB2] =	sst s0;
	s0 =	simm.s32 @!p1 $0x0  }
0x14: {  	s2 =	sld [smem:$0x3F96];
	s0 =	simm.s32 @p1 $0x1  }
0x15: {  	[smem:$0x3FB3] =	sst s0;
	s0 =	simm.s32 @!p2 $0x0  }
0x16: {  	s3 =	sld [smem:$0x3FDB];
	s0 =	simm.s32 @p2 $0x1  }
0x17: {  	s4 =	simm.s32 $0x1BF5;
	[smem:$0x3FB5] =	sst s0  }
0x18: {  	s0 =	sld [smem:$0x3F98];
	_ =	swait.ge [sflag:s4], $0x0  }
0x19: {  	s7 =	sld [smem:$0x3F99]  }
0x1a: {  	s8 =	sadd.s32 $0xFFFFE003, lr  }
0x1b: {  	s9 =	sadd.s32 $0xFFFFFEF7, lr;
	s5 =	simm.s32 $0xFFFFFFFF;
	p2 =	slt.u32 s8, $0xFFFFF086  }
0x1c: {  	p1 =	slt.u32 s9, $0xF7A;
	s5 =	simm.s32 @!p2 $0x0  }
0x1d: {  	s5 =	simm.s32 @p1 $0x1;
	p0 =	seq.s32 s7, s2  }
0x1e: {  	s7 =	smul.u32 @!p0 $0xF7A, s2;
	p2 =	seq.s32 @!p0 s5, $0x0  }
0x1f: {  	s9 =	smul.u32 $0xF7A, s1;
	s8 =	simm.s32 @!p0 $0x1BF5;
	p2 =	por !p2, p0  }
0x20: {  	[sflag:s8] =	ssyncset.s32 @!p0 $0xFFFFF086;
	s6 =	sadd.s32 @!p0 s3, s7;
	s7 =	simm.s32 @!p0 $0x108  }
0x21: {  	s3 =	sadd.s32 s3, s9;
	s6 =	sadd.s32 @!p0 $0x88, s6;
	s7 =	simm.s32 @p2 $0x1082  }
0x22: {  	[simem:s7], [sflag:s8] =	dma.local @!p0 [hbm:s6], $0xF7A  }
0x23: {  	s9 =	sor.u32 $0xD0000000, s2;
	s6 =	simm.s32 $0x108;
	_ =	swait.ge @!p0 [sflag:s8], $0x0  }
0x24: {  	s3 =	sadd.s32 $0x88, s3;
	s6 =	simm.s32 @!p1 $0x1082;
	[sflag:s4] =	ssyncset.s32 $0xFFFFF086  }
0x25: {  	[simem:s6], [sflag:s4] =	dma.local [hbm:s3], $0xF7A  }
0x26: {  	[smem:$0x3F99] =	sst s1;
	(tag) =	ssettag s2;
	_ =	strace s9  }
0x27: {  	s1 =	sld [smem:$0x3FA9]  }
0x28: {  	s2 =	sld [smem:$0x3FAA]  }
0x29: {  	s4 =	sld [smem:$0x3FAC]  }
0x2a: {  	p0 =	seq.s32 s5, $0x0;
	s5 =	sld [smem:$0x3FAD]  }
0x2b: {  	s6 =	sld [smem:$0x3FAE]  }
0x2c: {  	s7 =	sld [smem:$0x3FAF]  }
0x2d: {  	s3 =	simm.s32 $0x108;
	s8 =	sld [smem:$0x3FB0]  }
0x2e: {  	s3 =	simm.s32 @!p0 $0x1082;
	s9 =	sld [smem:$0x3FB1]  }
0x2f: {  	lr =	sadd.s32 s0, s3;
	s0 =	sld [smem:$0x3FA8]  }
0x30: {  	s3 =	sld [smem:$0x3FAB]  }
0x31: {  	[smem:$0x3FB4] =	sst s10  }
0x32: {  	s10 =	sld [smem:$0x3FB2];
	_ =	sdelay $0x3  }
0x33: {  	p0 =	seq.s32 s10, $0x1;
	s10 =	sld [smem:$0x3FB4];
	_ =	sdelay $0x3  }
0x34: {  	[smem:$0x3FB4] =	sst s10  }
0x35: {  	s10 =	sld [smem:$0x3FB3];
	_ =	sdelay $0x3  }
0x36: {  	p1 =	seq.s32 s10, $0x1;
	s10 =	sld [smem:$0x3FB4];
	_ =	sdelay $0x3  }
0x37: {  	[smem:$0x3FB4] =	sst s10  }
0x38: {  	s10 =	sld [smem:$0x3FB5]  }
0x39: {  	_ = 	snop;
	(pc) =	sbr.ind lr, $3  }
0x3a: {  	_ = 	snop  }
0x3b: {  	_ = 	snop  }
0x3c: {  	p2 =	seq.s32 s10, $0x1;
	s10 =	sld [smem:$0x3FB4]  }
0x3d: {  	_ =	shalt  }
0x3e: {  	_ =	shalt  }
0x3f: {  	_ =	shalt  }
0x40: {  	_ =	shalt  }
0x41: {  	_ =	shalt  }
0x42: {  	_ =	shalt  }
0x43: {  	_ =	shalt  }
0x44: {  	_ =	shalt  }
0x45: {  	_ =	shalt  }
0x46: {  	_ =	shalt  }
0x47: {  	_ =	shalt  }
0x48: {  	_ =	shalt  }
0x49: {  	_ =	shalt  }
0x4a: {  	_ =	shalt  }
0x4b: {  	_ =	shalt  }
0x4c: {  	_ =	shalt  }
0x4d: {  	_ =	shalt  }
0x4e: {  	_ =	shalt  }
0x4f: {  	_ =	shalt  }
0x50: {  	_ =	shalt  }
0x51: {  	_ =	shalt  }
0x52: {  	_ =	shalt  }
0x53: {  	_ =	shalt  }
0x54: {  	_ =	shalt  }
0x55: {  	_ =	shalt  }
0x56: {  	_ =	shalt  }
0x57: {  	_ =	shalt  }
0x58: {  	_ =	shalt  }
0x59: {  	_ =	shalt  }
0x5a: {  	_ =	shalt  }
0x5b: {  	_ =	shalt  }
0x5c: {  	_ =	shalt  }
0x5d: {  	_ =	shalt  }
0x5e: {  	_ =	shalt  }
0x5f: {  	_ =	shalt  }
0x60: {  	_ =	shalt  }
0x61: {  	_ =	shalt  }
0x62: {  	_ =	shalt  }
0x63: {  	_ =	shalt  }
0x64: {  	_ =	shalt  }
0x65: {  	_ =	shalt  }
0x66: {  	_ =	shalt  }
0x67: {  	_ =	shalt  }
0x68: {  	_ =	shalt  }
0x69: {  	_ =	shalt  }
0x6a: {  	_ =	shalt  }
0x6b: {  	_ =	shalt  }
0x6c: {  	_ =	shalt  }
0x6d: {  	_ =	shalt  }
0x6e: {  	_ =	shalt  }
0x6f: {  	_ =	shalt  }
0x70: {  	_ =	shalt  }
0x71: {  	_ =	shalt  }
0x72: {  	_ =	shalt  }
0x73: {  	_ =	shalt  }
0x74: {  	_ =	shalt  }
0x75: {  	_ =	shalt  }
0x76: {  	_ =	shalt  }
0x77: {  	_ =	shalt  }
0x78: {  	_ =	shalt  }
0x79: {  	_ =	shalt  }
0x7a: {  	_ =	shalt  }
0x7b: {  	_ =	shalt  }
0x7c: {  	_ =	shalt  }
0x7d: {  	_ =	shalt  }
0x7e: {  	_ =	shalt  }
0x7f: {  	_ =	shalt  }
0x80: {  	_ =	shalt  }
0x81: {  	_ =	shalt  }
0x82: {  	_ =	shalt  }
0x83: {  	_ =	shalt  }
0x84: {  	_ =	shalt  }
0x85: {  	_ =	shalt  }
0x86: {  	_ =	shalt  }
0x87: {  	_ =	shalt  }
.Lfunc_end0:
.L_simem_size_0:
called_computation_lowered:
.L_overlay_start_0:
0x88: {  	s2 =	sld [smem:$0x3FD9]  }
0x89: {  	s3 =	sld [smem:$0x3FFE];
	_ =	sdelay $0x1  }
0x8a: {  	s1 =	srdreg.scid  }
0x8b: {  	s0 =	sand.u32 $0x1, s1  }
0x8c: {  	s16 =	sshll.u32 s0, $0xA;
	s2 =	sadd.s32 s3, s2  }
0x8d: {  	s2 =	sadd.s32 s2, s16  }
0x8e: {  	[smem:$0x3FC0] =	sst s2  }
0x8f: {  	_ = 	snop  }
0x90: {  	(tm) =	ssettm $0x1  }
0x91: {  	s17 =	sld [smem:$0x3FFB];
	_ =	sdelay $0x3  }
0x92: {  	_ =	strace s17  }
0x93: {  	s2 =	sld [smem:$0x3FFC];
	_ =	sdelay $0x3  }
0x94: {  	_ =	strace s2  }
0x95: {  	s2 =	sld [smem:$0x3FFD];
	_ =	sdelay $0x3  }
0x96: {  	_ =	strace s2  }
0x97: {  	_ =	strace $0x8FFFFFFF  }
0x98: {  	s18 =	sld [smem:$0x3FDB];
	_ =	sdelay $0x1  }
0x99: {  	s19 =	simm.s32 $_scs_section_size  }
0x9a: {  	s4 =	simm.s32 $_size__tile_overlayer_lowered;
	s5 =	simm.s32 $_tile_overlayer_lowered  }
0x9b: {  	s22 =	simm.s32 $0x1BFF;
	s21 =	sshll.u32 s5, $0x1;
	s2 =	sadd.s32 s19, s18  }
0x9c: {  	s6 =	simm.s32 $0x0;
	s20 =	sshll.u32 s4, $0x1;
	s4 =	sadd.s32 s21, s2  }
0x9d: {  	[timem:s6], [sflag:s22] =	dma.local [hbm:s4], s20  }
0x9e: {  	_ =	swait.ge [sflag:s22], s20  }
0x9f: {  	s3 =	ssub.s32 $0x0, s20;
	[sflag:s22] =	ssyncset.done $0x0  }
0xa0: {  	[sflag:s22] =	ssyncadd.s32 s3;
	_ =	sdelay $0x1  }
0xa1: {  	s23 =	simm.s32 $0x1B8B  }
0xa2: {  	_ =	swait.ge [sflag:s23], $0x1  }
0xa3: {  	[sflag:s23] =	ssyncset.done $0x0  }
0xa4: {  	s25 =	simm.s32 $0x1B8E;
	s24 =	sld [smem:$0x3FFE];
	[sflag:s23] =	ssyncadd.s32 $0xFFFFFFFF  }
0xa5: {  	s26 =	simm.s32 $execute0_lowered;
	[smem:$0x3FD2] =	sst s25  }
0xa6: {  	s4 =	sshll.u32 s26, $0x1;
	_ =	strace $0x80000046;
	[dreg:$0x1] =	wrdreg $0xFFFFFFFF  }
0xa7: {  	s28 =	simm.s32 $_size_execute0_lowered;
	s2 =	sadd.s32 s2, s4;
	[dreg:$0x0] =	wrdreg $0x0  }
0xa8: {  	s4 =	sshll.u32 s28, $0x1;
	[dreg:$0x2] =	wrdreg s2  }
0xa9: {  	[dreg:$0x3] =	wrdreg s4  }
0xaa: {  	[dreg:$0x4] =	wrdreg $0xC0  }
0xab: {  	_ =	task [dreg:s6], $0x5FFFF  }
0xac: {  	[dreg:$0x1] =	wrdreg $0xFFFFFFFF  }
0xad: {  	[dreg:$0x0] =	wrdreg $0x60  }
0xae: {  	[dreg:$0x2] =	wrdreg s24  }
0xaf: {  	[dreg:$0x3] =	wrdreg $0x79A00  }
0xb0: {  	[dreg:$0x4] =	wrdreg $0x1B9A00  }
0xb1: {  	[dreg:$0x5] =	wrdreg $0x9  }
0xb2: {  	_ =	task.clear_ibuf [dreg:s6], $0x6FFFF;
	_ =	strace $0x90000046  }
0xb3: {  	s29 =	simm.s32 $0x9;
	_ =	strace $0x80000048  }
0xb4: {  	_ =	swait.ge [sflag:s29], $0x1  }
0xb5: {  	[sflag:s29] =	ssyncadd.s32 $0xFFFFFFFF  }
0xb6: {  	_ =	strace $0x90000048  }
0xb7: {  	_ =	sfence  }
0xb8: {  	s30 =	sld [smem:$0x0];
	_ =	sdelay $0x2  }
0xb9: {  	s31 =	sshll.u32 s1, $0xD;
	s1 =	sshrl.u32 s1, $0x2  }
0xba: {  	s3 =	sand.u32 $0x4000, s31;
	s1 =	sadd.s32 s1, s30  }
0xbb: {  	s0 =	sor.u32 s3, s0;
	s1 =	sshll.u32 s1, $0x11  }
0xbc: {  	s0 =	sor.u32 s1, s0  }
0xbd: {  	s0 =	sadd.s32 $0x8F2B, s0  }
0xbe: {  	[sflag:s0] =	ssyncadd.remote.s32 $0x1  }
0xbf: {  	_ =	sfence.sel $0xFFFF  }
0xc0: {  	[dreg:$0x0] =	wrdreg $0xFFFFFFFF;
	(pc) =	sbr.abs _section_cstart, $3  }
0xc1: {  	[dreg:$0x1] =	wrdreg $0xFFFFFFFF  }
0xc2: {  	_ =	task.clear_ibuf [dreg:s6], $0x2FFFF;
	_ =	strace $0x9FFFFFFF  }
0xc3: {  	(tm) =	ssettm $0x7FFFFFFF  }
tec
execute0_lowered:
.L_overlay_start_1:
0x0: {  	(tag) =	ssettag $0x1  }
0x1: {  	s1 =	rddreg [dreg:$0x0]  }
0x2: {  	s2 =	rddreg [dreg:$0x1];
	s0 =	srdreg.scid  }
0x3: {  	s4 =	stileid.u32;
	s3 =	rddreg [dreg:$0x2];
	s28 =	simm.s32 $0x0  }
0x4: {  	s9 =	sand.u32 $0x1, s0;
	s11 =	smul.u32 $0x14000, s4;
	[smem:$0x7FF] =	sst s28  }
0x5: {  	s12 =	smul.u32 $0x2800, s4;
	s5 =	sadd.s32 $0x1000, s1;
	s6 =	sadd.s32 $0x28200, s1  }
0x6: {  	s7 =	sadd.s32 $0x34800, s1;
	s8 =	sadd.s32 $0x2AA00, s1;
	s16 =	smul.u32 $0x280, s4  }
0x7: {  	s0 =	smul.u32 $0x140000, s9;
	_ =	strace $0x80000047;
	s13 =	ssub.s32 $0x2, s9  }
0x8: {  	s10 =	smul.u32 $0x28000, s9;
	s15 =	sshll.u32 s9, $0x4;
	s14 =	sshrl.u32 s13, $0x1  }
0x9: {  	s18 =	sor.u32 s4, s15;
	s4 =	sadd.s32 s11, s2;
	s19 =	sor.u32 $0x60, s16  }
0xa: {  	s29 =	sadd.s32 s12, s3;
	s21 =	sadd.s32 $0xC0, s16;
	s23 =	sadd.s32 $0x120, s16  }
0xb: {  	s26 =	sadd.s32 $0x180, s16;
	s31 =	sadd.s32 $0x1E0, s16;
	s17 =	sadd.s32 $0x240, s16  }
0xc: {  	v0 =	vlaneseq.u32;
	s16 =	simm.s32 $0x67A0;
	s0 =	sadd.s32 s11, s0;
	s10 =	sadd.s32 s12, s10  }
0xd: {  	v3 =	vmul.u32 $0x10, v0;
	s9 =	ssub.s32 s13, s14;
	s20 =	sshll.u32 s19, $0x7;
	s11 =	sshll.u32 s19, $0x4  }
0xe: {  	v1 =	vmul.u32 $0x8, v0;
	s22 =	sshll.u32 s21, $0x7;
	s24 =	sshll.u32 s23, $0x7;
	s25 =	sshll.u32 s23, $0x4  }
0xf: {  	v0 =	vor.u32 $0x2, v3;
	s30 =	sshll.u32 s26, $0x7;
	s14 =	sshll.u32 s31, $0x7;
	[dreg:$0x5] =	wrdreg s4  }
0x10: {  	[tilespmem:$0x1FEA0] =	vst v0;
	v0 =	vor.u32 $0x3, v1;
	s19 =	sshll.u32 s17, $0x7;
	s13 =	simm.s32 $0xC0;
	[dreg:$0x6] =	wrdreg s29  }
0x11: {  	s0 =	sshrl.u32 s0, $0x3;
	s10 =	sshrl.u32 s10, $0x3;
	s12 =	sadd.s32 s20, s2;
	[tilespmem:$0x1FEB0] =	vst v0;
	v0 =	vor.u32 $0x7, v1  }
0x12: {  	s11 =	sadd.s32 s11, s3;
	s15 =	sadd.s32 s14, s2;
	s20 =	sadd.s32 s19, s2;
	[tilespmem:$0x1FEC0] =	vst v0;
	v0 =	vor.u32 $0x3, v3  }
0x13: {  	v2 =	vimm.f32 $0.0e+00;
	v21 =	vor.u32 $0x4, v1;
	s14 =	simm.s32 $0x60;
	s19 =	simm.s32 $0x64A0;
	[dreg:$0x7] =	wrdreg s12;
	[tilespmem:$0x1FED0] =	vst v0;
	v0 =	vor.u32 $0x80, v1  }
0x14: {  	v22 =	vor.u32 $0x1, v1;
	v23 =	vor.u32 $0x5, v1;
	s0 =	sadd.s32 s0, s1;
	s1 =	sadd.s32 s10, s1;
	[dreg:$0x8] =	wrdreg s11;
	[tilespmem:$0x1FEE0] =	vst v0;
	v0 =	vor.u32 $0x84, v1  }
0x15: {  	v24 =	vor.u32 $0x1, v3;
	v25 =	vor.u32 $0x2, v1;
	s10 =	smul.u32 $0x2710, s18;
	s11 =	sshll.u32 s21, $0x4;
	[dreg:$0xf] =	wrdreg s15;
	[tilespmem:$0x1FEF0] =	vst v0;
	v0 =	vor.u32 $0x100, v3  }
0x16: {  	v26 =	vor.u32 $0x6, v1;
	v32 =	vor.u32 $0x102, v1;
	s12 =	sadd.s32 s22, s2;
	s18 =	sshll.u32 s31, $0x4;
	[dreg:$0x11] =	wrdreg s20;
	[tilespmem:$0x1FF00] =	vst v0;
	v0 =	vor.u32 $0x81, v1  }
0x17: {  	v33 =	vor.u32 $0x106, v1;
	v34 =	vor.u32 $0x202, v3;
	s31 =	smax.u32 s9, $0x1;
	s15 =	simm.s32 $0x61A0;
	[dreg:$0x9] =	wrdreg s12;
	[tilespmem:$0x1FF10] =	vst v0;
	v0 =	vor.u32 $0x85, v1  }
0x18: {  	v35 =	vor.u32 $0x103, v1;
	v36 =	vor.u32 $0x107, v1;
	s20 =	simm.s32 $0x6AA0;
	s11 =	sadd.s32 s11, s3;
	[dreg:$0x19] =	wrdreg s31;
	[tilespmem:$0x1FF20] =	vst v0;
	v0 =	vor.u32 $0x101, v3  }
0x19: {  	v37 =	vor.u32 $0x203, v3;
	v38 =	vor.u32 $0x180, v1;
	s12 =	sshll.u32 s26, $0x4;
	s0 =	sadd.s32 $0x48600, s0;
	[dreg:$0xa] =	wrdreg s11;
	[tilespmem:$0x1FF30] =	vst v0;
	v0 =	vor.u32 $0x82, v1  }
0x1a: {  	v39 =	vor.u32 $0x184, v1;
	v40 =	vor.u32 $0x300, v3;
	s11 =	sadd.s32 s24, s2;
	s21 =	sshrl.u32 s10, $0x3;
	[dreg:$0x17] =	wrdreg s0;
	[tilespmem:$0x1FF40] =	vst v0;
	v0 =	vor.u32 $0x86, v1  }
0x1b: {  	v41 =	vor.u32 $0x181, v1;
	v42 =	vor.u32 $0x185, v1;
	s23 =	sadd.s32 $0x60, s10;
	[dreg:$0xb] =	wrdreg s11;
	s11 =	sadd.s32 s25, s3;
	[tilespmem:$0x1FF50] =	vst v0;
	v0 =	vor.u32 $0x102, v3  }
0x1c: {  	v43 =	vor.u32 $0x301, v3;
	v44 =	vor.u32 $0x182, v1;
	s24 =	sadd.s32 $0xC0, s10;
	s22 =	sadd.s32 s7, s21;
	[dreg:$0xc] =	wrdreg s11;
	[tilespmem:$0x1FF60] =	vst v0;
	v0 =	vor.u32 $0x83, v1  }
0x1d: {  	v45 =	vor.u32 $0x186, v1;
	v46 =	vor.u32 $0x302, v3;
	s25 =	sadd.s32 s8, s21;
	s26 =	sadd.s32 $0x4E0, s21;
	[dreg:$0x13] =	wrdreg s22;
	[tilespmem:$0x1FF70] =	vst v0;
	v0 =	vor.u32 $0x87, v1  }
0x1e: {  	v47 =	vor.u32 $0x183, v1;
	v48 =	vor.u32 $0x187, v1;
	s21 =	simm.s32 $0x1;
	s11 =	sadd.s32 s30, s2;
	[dreg:$0x14] =	wrdreg s25;
	[tilespmem:$0x1FF80] =	vst v0;
	v0 =	vor.u32 $0x103, v3  }
0x1f: {  	v49 =	vor.u32 $0x303, v3;
	v50 =	vor.u32 $0x200, v1;
	s10 =	sadd.s32 s8, s26;
	s30 =	sadd.s32 $0x3E600, s1;
	[dreg:$0xd] =	wrdreg s11;
	[tilespmem:$0x1FF90] =	vst v0;
	v0 =	vor.u32 $0x100, v1  }
0x20: {  	v51 =	vor.u32 $0x204, v1;
	v52 =	vor.u32 $0x400, v3;
	s22 =	simm.s32 $0x3;
	s25 =	simm.s32 $0x2;
	[dreg:$0x16] =	wrdreg s10;
	[tilespmem:$0x1FFA0] =	vst v0;
	v0 =	vor.u32 $0x104, v1  }
0x21: {  	v53 =	vor.u32 $0x201, v1;
	v54 =	vor.u32 $0x205, v1;
	s11 =	sadd.s32 s12, s3;
	s12 =	sadd.s32 s18, s3;
	[dreg:$0x18] =	wrdreg s30;
	[tilespmem:$0x1FFB0] =	vst v0;
	v0 =	vor.u32 $0x200, v3  }
0x22: {  	v55 =	vor.u32 $0x401, v3;
	v56 =	vor.u32 $0x202, v1;
	s18 =	simm.s32 $0x31A0;
	[dreg:$0xe] =	wrdreg s11;
	s11 =	sshll.u32 s17, $0x4;
	[tilespmem:$0x1FFC0] =	vst v0;
	v0 =	vor.u32 $0x101, v1  }
0x23: {  	v57 =	vor.u32 $0x206, v1;
	v58 =	vor.u32 $0x402, v3;
	[dreg:$0x10] =	wrdreg s12;
	s12 =	simm.s32 $0x6DA0;
	s11 =	sadd.s32 s11, s3;
	[tilespmem:$0x1FFD0] =	vst v0;
	v0 =	vor.u32 $0x105, v1  }
0x24: {  	v59 =	vor.u32 $0x203, v1;
	v60 =	vor.u32 $0x207, v1;
	s17 =	simm.s32 $0x120;
	[dreg:$0x12] =	wrdreg s11;
	s11 =	sadd.s32 s7, s26;
	[tilespmem:$0x1FFE0] =	vst v0;
	v0 =	vor.u32 $0x201, v3  }
0x25: {  	v61 =	vor.u32 $0x403, v3;
	v62 =	vor.u32 $0x280, v1;
	v63 =	vor.u32 $0x284, v1;
	s26 =	simm.s32 $0x73A0;
	[dreg:$0x15] =	wrdreg s11;
	s11 =	simm.s32 $0x5;
	[tilespmem:$0x1FFF0] =	vst v0  }
.LBB2_1:
0x26: {  	s1 =	simm.s32 $0x1E0  }
0x27: {  	[tilespmem:s1+$0x20] =	vst v2  }
0x28: {  	[tilespmem:s1+$0x10] =	vst v2  }
0x29: {  	[tilespmem:s1+$0x0] =	vst v2  }
0x2a: {  	[tilespmem:s1+$0xFFFFFFF0] =	vst v2  }
0x2b: {  	[tilespmem:s1+$0xFFFFFFE0] =	vst v2  }
0x2c: {  	[tilespmem:s1+$0xFFFFFFD0] =	vst v2  }
0x2d: {  	[tilespmem:s1+$0xFFFFFFC0] =	vst v2  }
0x2e: {  	[dreg:$0x4] =	wrdreg s28;
	s10 =	simm.s32 $0x0;
	s9 =	simm.s32 $0x40;
	[tilespmem:s1+$0x30] =	vst v2  }
.LBB2_2:
0x2f: {  	p0 =	sne.s32 s9, $0x17C0;
	[tilespmem:s10+$0x73A0] =	vst v2  }
0x30: {  	s1 =	sadd.s32 $0x80, s1;
	[tilespmem:s10+$0x6DA0] =	vst v2  }
0x31: {  	[tilespmem:s1+$0x20] =	vst v2  }
0x32: {  	[tilespmem:s1+$0x10] =	vst v2  }
0x33: {  	[tilespmem:s1+$0x0] =	vst v2  }
.Ltmp0:
0x34: {  	[tilespmem:s1+$0xFFFFFFF0] =	vst v2;
	(pc) =	sbr.rel @p0 .LBB2_2-.Ltmp0, $4  }
0x35: {  	[tilespmem:s1+$0xFFFFFFE0] =	vst v2  }
0x36: {  	[tilespmem:s1+$0xFFFFFFD0] =	vst v2  }
0x37: {  	[tilespmem:s1+$0xFFFFFFC0] =	vst v2  }
0x38: {  	s10 =	sshra.s32 s9, $0x2;
	s9 =	sadd.s32 $0x40, s9;
	[tilespmem:s1+$0x30] =	vst v2  }
0x39: {  	[tilespmem:s10+$0x73A0] =	vst v2  }
0x3a: {  	[tilespmem:s10+$0x6DA0] =	vst v2;
	s9 =	simm.s32 $0x1A0  }
0x3b: {  	[spmem:s4] =	stream.linear.scatter [tilespmem:s9], [sflag:$0x5], $0x3000, $0x38;
	[tilespmem:$0x1E1A0] =	vst v63  }
0x3c: {  	_ =	swait.ge [sflag:s11], $0x3000  }
0x3d: {  	[sflag:s11] =	ssyncset.done $0x0  }
0x3e: {  	[sflag:s11] =	ssyncadd.s32 $0xFFFFD000  }
0x3f: {  	[spmem:s29] =	stream.linear.scatter [tilespmem:s12], [sflag:$0x5], $0x600, $0x38;
	[tilespmem:$0x1E1A0] =	vst v63  }
0x40: {  	_ =	swait.ge [sflag:s11], $0x600  }
0x41: {  	[sflag:s11] =	ssyncset.done $0x0  }
0x42: {  	s0 =	rddreg [dreg:$0x7];
	[sflag:s11] =	ssyncadd.s32 $0xFFFFFA00  }
0x43: {  	[spmem:s0] =	stream.linear.scatter [tilespmem:s9], [sflag:$0x5], $0x3000, $0x38;
	[tilespmem:$0x1E1A0] =	vst v63  }
0x44: {  	_ =	swait.ge [sflag:s11], $0x3000  }
0x45: {  	[sflag:s11] =	ssyncset.done $0x0  }
0x46: {  	s31 =	rddreg [dreg:$0x8];
	[sflag:s11] =	ssyncadd.s32 $0xFFFFD000  }
0x47: {  	[spmem:s31] =	stream.linear.scatter [tilespmem:s12], [sflag:$0x5], $0x600, $0x38;
	[tilespmem:$0x1E1A0] =	vst v63  }
0x48: {  	_ =	swait.ge [sflag:s11], $0x600  }
0x49: {  	[sflag:s11] =	ssyncset.done $0x0  }
0x4a: {  	s1 =	rddreg [dreg:$0x9];
	[sflag:s11] =	ssyncadd.s32 $0xFFFFFA00  }
0x4b: {  	[spmem:s1] =	stream.linear.scatter [tilespmem:s9], [sflag:$0x5], $0x3000, $0x38;
	[tilespmem:$0x1E1A0] =	vst v63  }
0x4c: {  	_ =	swait.ge [sflag:s11], $0x3000  }
0x4d: {  	[sflag:s11] =	ssyncset.done $0x0  }
0x4e: {  	s4 =	rddreg [dreg:$0xa];
	[sflag:s11] =	ssyncadd.s32 $0xFFFFD000  }
0x4f: {  	[spmem:s4] =	stream.linear.scatter [tilespmem:s12], [sflag:$0x5], $0x600, $0x38;
	[tilespmem:$0x1E1A0] =	vst v63  }
0x50: {  	_ =	swait.ge [sflag:s11], $0x600  }
0x51: {  	[sflag:s11] =	ssyncset.done $0x0  }
0x52: {  	s10 =	rddreg [dreg:$0xb];
	[sflag:s11] =	ssyncadd.s32 $0xFFFFFA00  }
0x53: {  	[spmem:s10] =	stream.linear.scatter [tilespmem:s9], [sflag:$0x5], $0x3000, $0x38;
	[tilespmem:$0x1E1A0] =	vst v63  }
0x54: {  	_ =	swait.ge [sflag:s11], $0x3000  }
0x55: {  	[sflag:s11] =	ssyncset.done $0x0  }
0x56: {  	s28 =	rddreg [dreg:$0xc];
	[sflag:s11] =	ssyncadd.s32 $0xFFFFD000  }
0x57: {  	[spmem:s28] =	stream.linear.scatter [tilespmem:s12], [sflag:$0x5], $0x600, $0x38;
	[tilespmem:$0x1E1A0] =	vst v63  }
0x58: {  	_ =	swait.ge [sflag:s11], $0x600  }
0x59: {  	[sflag:s11] =	ssyncset.done $0x0  }
0x5a: {  	s30 =	rddreg [dreg:$0xd];
	[sflag:s11] =	ssyncadd.s32 $0xFFFFFA00  }
0x5b: {  	[spmem:s30] =	stream.linear.scatter [tilespmem:s9], [sflag:$0x5], $0x3000, $0x38;
	[tilespmem:$0x1E1A0] =	vst v63  }
0x5c: {  	_ =	swait.ge [sflag:s11], $0x3000  }
0x5d: {  	[sflag:s11] =	ssyncset.done $0x0  }
0x5e: {  	s31 =	rddreg [dreg:$0xe];
	[sflag:s11] =	ssyncadd.s32 $0xFFFFD000  }
0x5f: {  	[spmem:s31] =	stream.linear.scatter [tilespmem:s12], [sflag:$0x5], $0x600, $0x38;
	[tilespmem:$0x1E1A0] =	vst v63  }
0x60: {  	_ =	swait.ge [sflag:s11], $0x600  }
0x61: {  	[sflag:s11] =	ssyncset.done $0x0  }
0x62: {  	s1 =	rddreg [dreg:$0xf];
	[sflag:s11] =	ssyncadd.s32 $0xFFFFFA00  }
0x63: {  	[spmem:s1] =	stream.linear.scatter [tilespmem:s9], [sflag:$0x5], $0x3000, $0x38;
	[tilespmem:$0x1E1A0] =	vst v63  }
0x64: {  	_ =	swait.ge [sflag:s11], $0x3000  }
0x65: {  	[sflag:s11] =	ssyncset.done $0x0  }
0x66: {  	s4 =	rddreg [dreg:$0x10];
	[sflag:s11] =	ssyncadd.s32 $0xFFFFD000  }
0x67: {  	[spmem:s4] =	stream.linear.scatter [tilespmem:s12], [sflag:$0x5], $0x600, $0x38;
	[tilespmem:$0x1E1A0] =	vst v63  }
0x68: {  	_ =	swait.ge [sflag:s11], $0x600  }
0x69: {  	[sflag:s11] =	ssyncset.done $0x0  }
0x6a: {  	s10 =	rddreg [dreg:$0x11];
	[sflag:s11] =	ssyncadd.s32 $0xFFFFFA00  }
0x6b: {  	[spmem:s10] =	stream.linear.scatter [tilespmem:s9], [sflag:$0x5], $0x2000, $0x38;
	[tilespmem:$0x1E1A0] =	vst v63  }
0x6c: {  	_ =	swait.ge [sflag:s11], $0x2000  }
0x6d: {  	[sflag:s11] =	ssyncset.done $0x0  }
0x6e: {  	s28 =	rddreg [dreg:$0x12];
	[sflag:s11] =	ssyncadd.s32 $0xFFFFE000  }
0x6f: {  	[spmem:s28] =	stream.linear.scatter [tilespmem:s12], [sflag:$0x5], $0x400, $0x38;
	[tilespmem:$0x1E1A0] =	vst v63  }
0x70: {  	_ =	swait.ge [sflag:s11], $0x400  }
0x71: {  	[sflag:s11] =	ssyncset.done $0x0  }
0x72: {  	[sflag:s11] =	ssyncadd.s32 $0xFFFFFC00  }
0x73: {  	[bflag:$0x0] =	sbarrier.arrive $0xFFFF  }
0x74: {  	s1 =	simm.s32 $0x0;
	s30 =	rddreg [dreg:$0x13]  }
0x75: {  	[tilespmem:s1], [sflag:$0x5] =	stream.linear.gather [hbm4b:s30+s1], $0x60, $0x38;
	[tilespmem:$0x1E1A0] =	vst v63  }
0x76: {  	_ =	swait.ge [sflag:s11], $0x60  }
0x77: {  	[sflag:s11] =	ssyncset.done $0x0  }
0x78: {  	s31 =	rddreg [dreg:$0x14];
	[sflag:s11] =	ssyncadd.s32 $0xFFFFFFA0  }
0x79: {  	[tilespmem:s13], [sflag:$0x5] =	stream.linear.gather [hbm4b:s31+s1], $0x60, $0x38;
	[tilespmem:$0x1E1A0] =	vst v63  }
0x7a: {  	_ =	swait.ge [sflag:s11], $0x60  }
0x7b: {  	[sflag:s11] =	ssyncset.done $0x0  }
0x7c: {  	[sflag:s11] =	ssyncadd.s32 $0xFFFFFFA0  }
0x7d: {  	[tilespmem:s9], [sflag:$0x1] =	stream.indirect.gather [hbm4b:s5+s14], $0x80, s1, s14, $0xb8;
	[tilespmem:$0x1E1A0] =	vst v63  }
0x7e: {  	_ = 	snop  }
0x7f: {  	[tilespmem:s15], [sflag:$0x1] =	stream.indirect.gather [hbm4b:s6+s14], $0x8, s1, s14, $0xb8;
	[tilespmem:$0x1E1A0] =	vst v63  }
0x80: {  	s29 =	simm.s32 $0x0  }
0x81: {  	[tilespmem:s16], [sflag:$0x1] =	stream.indirect.gather [hbm4b:s6+s14], $0x8, s13, s14, $0xb8;
	[tilespmem:$0x1E1A0] =	vst v63  }
.LBB2_4:
0x82: {  	p0 =	seq.s32 s29, $0x0  }
0x83: {  	s10 =	simm.s32 @!p0 $0x4  }
0x84: {  	_ =	swait.ge @!p0 [sflag:s10], $0x3000  }
0x85: {  	s9 =	smul.u32 $0xC0, s29;
	[sflag:s10] =	ssyncset.done @!p0 $0x0  }
0x86: {  	[sflag:s10] =	ssyncadd.s32 @!p0 $0xFFFFD000  }
0x87: {  	s28 =	sadd.s32 s9, s23;
	_ =	swait.ge @!p0 [sflag:s10], $0x600  }
0x88: {  	s28 =	sshrl.u32 s28, $0x3;
	[sflag:s10] =	ssyncset.done @!p0 $0x0  }
0x89: {  	s4 =	sadd.s32 s7, s28;
	[sflag:s10] =	ssyncadd.s32 @!p0 $0xFFFFFA00  }
0x8a: {  	[tilespmem:s14], [sflag:$0x5] =	stream.linear.gather [hbm4b:s4+s1], $0x60, $0x38;
	[tilespmem:$0x1E1A0] =	vst v63  }
0x8b: {  	_ =	swait.ge [sflag:s11], $0x60  }
0x8c: {  	[sflag:s11] =	ssyncset.done $0x0  }
0x8d: {  	s28 =	sadd.s32 s8, s28;
	[sflag:s11] =	ssyncadd.s32 $0xFFFFFFA0  }
0x8e: {  	[tilespmem:s17], [sflag:$0x5] =	stream.linear.gather [hbm4b:s28+s1], $0x60, $0x38;
	[tilespmem:$0x1E1A0] =	vst v63  }
0x8f: {  	_ =	swait.ge [sflag:s11], $0x60  }
0x90: {  	[sflag:s11] =	ssyncset.done $0x0  }
0x91: {  	[sflag:s11] =	ssyncadd.s32 $0xFFFFFFA0  }
0x92: {  	[tilespmem:s18], [sflag:$0x2] =	stream.indirect.gather [hbm4b:s5+s14], $0x80, s14, s14, $0xb8;
	[tilespmem:$0x1E1A0] =	vst v63  }
0x93: {  	_ = 	snop  }
0x94: {  	[tilespmem:s19], [sflag:$0x2] =	stream.indirect.gather [hbm4b:s6+s14], $0x8, s14, s14, $0xb8;
	[tilespmem:$0x1E1A0] =	vst v63  }
0x95: {  	_ = 	snop  }
0x96: {  	[tilespmem:s20], [sflag:$0x2] =	stream.indirect.gather [hbm4b:s6+s14], $0x8, s17, s14, $0xb8;
	[tilespmem:$0x1E1A0] =	vst v63  }
0x97: {  	_ =	swait.ge [sflag:s21], $0x3000  }
0x98: {  	[sflag:s21] =	ssyncset.done $0x0  }
0x99: {  	[sflag:s21] =	ssyncadd.s32 $0xFFFFD000  }
0x9a: {  	_ =	swait.ge [sflag:s21], $0x300  }
0x9b: {  	[sflag:s21] =	ssyncset.done $0x0  }
0x9c: {  	[sflag:s21] =	ssyncadd.s32 $0xFFFFFD00  }
0x9d: {  	_ =	swait.ge [sflag:s21], $0x300  }
0x9e: {  	[sflag:s21] =	ssyncset.done $0x0  }
0x9f: {  	[sflag:s21] =	ssyncadd.s32 $0xFFFFFD00  }
0xa0: {  	v0 =	vld.idx.msk [tilespmem:v1+s15+$0x0], $0xffff  }
0xa1: {  	v4 =	vld.idx.msk [tilespmem:v21+s16+$0x0], $0xffff;
	_ =	sdelay $0x4  }
0xa2: {  	v0 =	vadd.f32 v4, v0;
	_ =	sdelay $0x1  }
0xa3: {  	v4 =	vmul.f32 $2.000000030e-01, v0  }
0xa4: {  	vm0 =	vge.f32 v0, $0.0e+00  }
0xa5: {  	v0 =	vsel vm0, v0, v4  }
0xa6: {  	v0 =	vmul.f32 $1.442695020e+00, v0;
	_ =	sdelay $0x1  }
0xa7: {  	(erf) = vpow2.f32 v0;
	_ =	sdelay $0x8  }
0xa8: {  	v0 =	vpop (erf)  }
0xa9: {  	[tilespmem:v3+s12+$0x0] =	vst.idx.msk $0xffff, v0  }
0xaa: {  	v0 =	vld.idx.msk [tilespmem:v22+s15+$0x0], $0xffff  }
0xab: {  	v4 =	vld.idx.msk [tilespmem:v23+s16+$0x0], $0xffff;
	_ =	sdelay $0x4  }
0xac: {  	v0 =	vadd.f32 v4, v0;
	_ =	sdelay $0x1  }
0xad: {  	v4 =	vmul.f32 $2.000000030e-01, v0  }
0xae: {  	vm5 =	vge.f32 v0, $0.0e+00  }
0xaf: {  	v0 =	vsel vm5, v0, v4  }
0xb0: {  	v0 =	vmul.f32 $1.442695020e+00, v0;
	_ =	sdelay $0x1  }
0xb1: {  	(erf) = vpow2.f32 v0;
	_ =	sdelay $0x8  }
0xb2: {  	v0 =	vpop (erf)  }
0xb3: {  	[tilespmem:v24+s12+$0x0] =	vst.idx.msk $0xffff, v0  }
0xb4: {  	v0 =	vld.idx.msk [tilespmem:v25+s15+$0x0], $0xffff  }
0xb5: {  	v4 =	vld.idx.msk [tilespmem:v26+s16+$0x0], $0xffff;
	_ =	sdelay $0x4  }
0xb6: {  	v0 =	vadd.f32 v4, v0;
	_ =	sdelay $0x1  }
0xb7: {  	v4 =	vmul.f32 $2.000000030e-01, v0  }
0xb8: {  	vm6 =	vge.f32 v0, $0.0e+00  }
0xb9: {  	v0 =	vsel vm6, v0, v4  }
0xba: {  	v0 =	vmul.f32 $1.442695020e+00, v0;
	_ =	sdelay $0x1  }
0xbb: {  	(erf) = vpow2.f32 v0;
	_ =	sdelay $0x1  }
0xbc: {  	v4 =	vld [tilespmem:$0x1FEA0];
	_ =	sdelay $0x6  }
0xbd: {  	v0 =	vpop (erf)  }
0xbe: {  	[tilespmem:v4+s12+$0x0] =	vst.idx.msk $0xffff, v0;
	v0 =	vld [tilespmem:$0x1FEB0]  }
0xbf: {  	v4 =	vld [tilespmem:$0x1FEC0];
	_ =	sdelay $0x6  }
0xc0: {  	v0 =	vld.idx.msk [tilespmem:v0+s15+$0x0], $0xffff  }
0xc1: {  	v4 =	vld.idx.msk [tilespmem:v4+s16+$0x0], $0xffff;
	_ =	sdelay $0x4  }
0xc2: {  	v0 =	vadd.f32 v4, v0;
	_ =	sdelay $0x1  }
0xc3: {  	v4 =	vmul.f32 $2.000000030e-01, v0  }
0xc4: {  	vm7 =	vge.f32 v0, $0.0e+00  }
0xc5: {  	v0 =	vsel vm7, v0, v4  }
0xc6: {  	v0 =	vmul.f32 $1.442695020e+00, v0;
	_ =	sdelay $0x1  }
0xc7: {  	(erf) = vpow2.f32 v0;
	_ =	sdelay $0x1  }
0xc8: {  	v4 =	vld [tilespmem:$0x1FED0];
	_ =	sdelay $0x6  }
0xc9: {  	v0 =	vpop (erf)  }
0xca: {  	[tilespmem:v4+s12+$0x0] =	vst.idx.msk $0xffff, v0;
	v0 =	vld [tilespmem:$0x1FEE0]  }
0xcb: {  	v4 =	vld [tilespmem:$0x1FEF0];
	_ =	sdelay $0x6  }
0xcc: {  	v0 =	vld.idx.msk [tilespmem:v0+s15+$0x0], $0xffff  }
0xcd: {  	v4 =	vld.idx.msk [tilespmem:v4+s16+$0x0], $0xffff;
	_ =	sdelay $0x4  }
0xce: {  	v0 =	vadd.f32 v4, v0;
	_ =	sdelay $0x1  }
0xcf: {  	v4 =	vmul.f32 $2.000000030e-01, v0  }
0xd0: {  	vm8 =	vge.f32 v0, $0.0e+00  }
0xd1: {  	v0 =	vsel vm8, v0, v4  }
0xd2: {  	v0 =	vmul.f32 $1.442695020e+00, v0;
	_ =	sdelay $0x1  }
0xd3: {  	(erf) = vpow2.f32 v0;
	_ =	sdelay $0x1  }
0xd4: {  	v4 =	vld [tilespmem:$0x1FF00];
	_ =	sdelay $0x6  }
0xd5: {  	v0 =	vpop (erf)  }
0xd6: {  	[tilespmem:v4+s12+$0x0] =	vst.idx.msk $0xffff, v0;
	v0 =	vld [tilespmem:$0x1FF10]  }
0xd7: {  	v4 =	vld [tilespmem:$0x1FF20];
	_ =	sdelay $0x6  }
0xd8: {  	v0 =	vld.idx.msk [tilespmem:v0+s15+$0x0], $0xffff  }
0xd9: {  	v4 =	vld.idx.msk [tilespmem:v4+s16+$0x0], $0xffff;
	_ =	sdelay $0x4  }
0xda: {  	v0 =	vadd.f32 v4, v0;
	_ =	sdelay $0x1  }
0xdb: {  	v4 =	vmul.f32 $2.000000030e-01, v0  }
0xdc: {  	vm9 =	vge.f32 v0, $0.0e+00  }
0xdd: {  	v0 =	vsel vm9, v0, v4  }
0xde: {  	v0 =	vmul.f32 $1.442695020e+00, v0;
	_ =	sdelay $0x1  }
0xdf: {  	(erf) = vpow2.f32 v0;
	_ =	sdelay $0x1  }
0xe0: {  	v4 =	vld [tilespmem:$0x1FF30];
	_ =	sdelay $0x6  }
0xe1: {  	v0 =	vpop (erf)  }
0xe2: {  	[tilespmem:v4+s12+$0x0] =	vst.idx.msk $0xffff, v0;
	v0 =	vld [tilespmem:$0x1FF40]  }
0xe3: {  	v4 =	vld [tilespmem:$0x1FF50];
	_ =	sdelay $0x6  }
0xe4: {  	v0 =	vld.idx.msk [tilespmem:v0+s15+$0x0], $0xffff  }
0xe5: {  	v4 =	vld.idx.msk [tilespmem:v4+s16+$0x0], $0xffff;
	_ =	sdelay $0x4  }
0xe6: {  	v0 =	vadd.f32 v4, v0;
	_ =	sdelay $0x1  }
0xe7: {  	v4 =	vmul.f32 $2.000000030e-01, v0  }
0xe8: {  	vm10 =	vge.f32 v0, $0.0e+00  }
0xe9: {  	v0 =	vsel vm10, v0, v4  }
0xea: {  	v0 =	vmul.f32 $1.442695020e+00, v0;
	_ =	sdelay $0x1  }
0xeb: {  	(erf) = vpow2.f32 v0;
	_ =	sdelay $0x1  }
0xec: {  	v4 =	vld [tilespmem:$0x1FF60];
	_ =	sdelay $0x6  }
0xed: {  	v0 =	vpop (erf)  }
0xee: {  	[tilespmem:v4+s12+$0x0] =	vst.idx.msk $0xffff, v0;
	v0 =	vld [tilespmem:$0x1FF70]  }
0xef: {  	v4 =	vld [tilespmem:$0x1FF80];
	_ =	sdelay $0x6  }
0xf0: {  	v0 =	vld.idx.msk [tilespmem:v0+s15+$0x0], $0xffff  }
0xf1: {  	v4 =	vld.idx.msk [tilespmem:v4+s16+$0x0], $0xffff;
	_ =	sdelay $0x4  }
0xf2: {  	v0 =	vadd.f32 v4, v0;
	_ =	sdelay $0x1  }
0xf3: {  	v4 =	vmul.f32 $2.000000030e-01, v0  }
0xf4: {  	vm11 =	vge.f32 v0, $0.0e+00  }
0xf5: {  	v0 =	vsel vm11, v0, v4  }
0xf6: {  	v0 =	vmul.f32 $1.442695020e+00, v0;
	_ =	sdelay $0x1  }
0xf7: {  	(erf) = vpow2.f32 v0;
	_ =	sdelay $0x1  }
0xf8: {  	v4 =	vld [tilespmem:$0x1FF90];
	_ =	sdelay $0x6  }
0xf9: {  	v0 =	vpop (erf)  }
0xfa: {  	[tilespmem:v4+s12+$0x0] =	vst.idx.msk $0xffff, v0;
	v0 =	vld [tilespmem:$0x1FFA0]  }
0xfb: {  	v4 =	vld [tilespmem:$0x1FFB0];
	_ =	sdelay $0x6  }
0xfc: {  	v0 =	vld.idx.msk [tilespmem:v0+s15+$0x0], $0xffff  }
0xfd: {  	v4 =	vld.idx.msk [tilespmem:v4+s16+$0x0], $0xffff;
	_ =	sdelay $0x4  }
0xfe: {  	v0 =	vadd.f32 v4, v0;
	_ =	sdelay $0x1  }
0xff: {  	v4 =	vmul.f32 $2.000000030e-01, v0  }
0x100: {  	vm12 =	vge.f32 v0, $0.0e+00  }
0x101: {  	v0 =	vsel vm12, v0, v4  }
0x102: {  	v0 =	vmul.f32 $1.442695020e+00, v0;
	_ =	sdelay $0x1  }
0x103: {  	(erf) = vpow2.f32 v0;
	_ =	sdelay $0x1  }
0x104: {  	v4 =	vld [tilespmem:$0x1FFC0];
	_ =	sdelay $0x6  }
0x105: {  	v0 =	vpop (erf)  }
0x106: {  	[tilespmem:v4+s12+$0x0] =	vst.idx.msk $0xffff, v0;
	v0 =	vld [tilespmem:$0x1FFD0]  }
0x107: {  	v4 =	vld [tilespmem:$0x1FFE0];
	_ =	sdelay $0x6  }
0x108: {  	v0 =	vld.idx.msk [tilespmem:v0+s15+$0x0], $0xffff  }
0x109: {  	v4 =	vld.idx.msk [tilespmem:v4+s16+$0x0], $0xffff;
	_ =	sdelay $0x4  }
0x10a: {  	v0 =	vadd.f32 v4, v0;
	_ =	sdelay $0x1  }
0x10b: {  	v4 =	vmul.f32 $2.000000030e-01, v0  }
0x10c: {  	vm13 =	vge.f32 v0, $0.0e+00  }
0x10d: {  	v0 =	vsel vm13, v0, v4  }
0x10e: {  	v0 =	vmul.f32 $1.442695020e+00, v0;
	_ =	sdelay $0x1  }
0x10f: {  	(erf) = vpow2.f32 v0;
	_ =	sdelay $0x1  }
0x110: {  	v4 =	vld [tilespmem:$0x1FFF0];
	_ =	sdelay $0x6  }
0x111: {  	v0 =	vpop (erf)  }
0x112: {  	[tilespmem:v4+s12+$0x0] =	vst.idx.msk $0xffff, v0  }
0x113: {  	v0 =	vld.idx.msk [tilespmem:v32+s15+$0x0], $0xffff  }
0x114: {  	v4 =	vld.idx.msk [tilespmem:v33+s16+$0x0], $0xffff;
	_ =	sdelay $0x4  }
0x115: {  	v0 =	vadd.f32 v4, v0;
	_ =	sdelay $0x1  }
0x116: {  	v4 =	vmul.f32 $2.000000030e-01, v0  }
0x117: {  	vm14 =	vge.f32 v0, $0.0e+00  }
0x118: {  	v0 =	vsel vm14, v0, v4  }
0x119: {  	v0 =	vmul.f32 $1.442695020e+00, v0;
	_ =	sdelay $0x1  }
0x11a: {  	(erf) = vpow2.f32 v0;
	_ =	sdelay $0x8  }
0x11b: {  	v0 =	vpop (erf)  }
0x11c: {  	[tilespmem:v34+s12+$0x0] =	vst.idx.msk $0xffff, v0  }
0x11d: {  	v0 =	vld.idx.msk [tilespmem:v35+s15+$0x0], $0xffff  }
0x11e: {  	v4 =	vld.idx.msk [tilespmem:v36+s16+$0x0], $0xffff;
	_ =	sdelay $0x4  }
0x11f: {  	v0 =	vadd.f32 v4, v0;
	_ =	sdelay $0x1  }
0x120: {  	v4 =	vmul.f32 $2.000000030e-01, v0  }
0x121: {  	vm15 =	vge.f32 v0, $0.0e+00  }
0x122: {  	v0 =	vsel vm15, v0, v4  }
0x123: {  	v0 =	vmul.f32 $1.442695020e+00, v0;
	_ =	sdelay $0x1  }
0x124: {  	(erf) = vpow2.f32 v0;
	_ =	sdelay $0x8  }
0x125: {  	v0 =	vpop (erf)  }
0x126: {  	[tilespmem:v37+s12+$0x0] =	vst.idx.msk $0xffff, v0  }
0x127: {  	v0 =	vld.idx.msk [tilespmem:v38+s15+$0x0], $0xffff  }
0x128: {  	v4 =	vld.idx.msk [tilespmem:v39+s16+$0x0], $0xffff;
	_ =	sdelay $0x4  }
0x129: {  	v0 =	vadd.f32 v4, v0;
	_ =	sdelay $0x1  }
0x12a: {  	v4 =	vmul.f32 $2.000000030e-01, v0  }
0x12b: {  	vm4 =	vge.f32 v0, $0.0e+00  }
0x12c: {  	v0 =	vsel vm4, v0, v4  }
0x12d: {  	v0 =	vmul.f32 $1.442695020e+00, v0;
	_ =	sdelay $0x1  }
0x12e: {  	(erf) = vpow2.f32 v0;
	_ =	sdelay $0x8  }
0x12f: {  	v0 =	vpop (erf)  }
0x130: {  	[tilespmem:v40+s12+$0x0] =	vst.idx.msk $0xffff, v0  }
0x131: {  	v0 =	vld.idx.msk [tilespmem:v41+s15+$0x0], $0xffff  }
0x132: {  	v4 =	vld.idx.msk [tilespmem:v42+s16+$0x0], $0xffff;
	_ =	sdelay $0x4  }
0x133: {  	v0 =	vadd.f32 v4, v0;
	_ =	sdelay $0x1  }
0x134: {  	v4 =	vmul.f32 $2.000000030e-01, v0  }
0x135: {  	vm5 =	vge.f32 v0, $0.0e+00  }
0x136: {  	v0 =	vsel vm5, v0, v4  }
0x137: {  	v0 =	vmul.f32 $1.442695020e+00, v0;
	_ =	sdelay $0x1  }
0x138: {  	(erf) = vpow2.f32 v0;
	_ =	sdelay $0x8  }
0x139: {  	v0 =	vpop (erf)  }
0x13a: {  	[tilespmem:v43+s12+$0x0] =	vst.idx.msk $0xffff, v0  }
0x13b: {  	v0 =	vld.idx.msk [tilespmem:v44+s15+$0x0], $0xffff  }
0x13c: {  	v4 =	vld.idx.msk [tilespmem:v45+s16+$0x0], $0xffff;
	_ =	sdelay $0x4  }
0x13d: {  	v0 =	vadd.f32 v4, v0;
	_ =	sdelay $0x1  }
0x13e: {  	v4 =	vmul.f32 $2.000000030e-01, v0  }
0x13f: {  	vm6 =	vge.f32 v0, $0.0e+00  }
0x140: {  	v0 =	vsel vm6, v0, v4  }
0x141: {  	v0 =	vmul.f32 $1.442695020e+00, v0;
	_ =	sdelay $0x1  }
0x142: {  	(erf) = vpow2.f32 v0;
	_ =	sdelay $0x8  }
0x143: {  	v0 =	vpop (erf)  }
0x144: {  	[tilespmem:v46+s12+$0x0] =	vst.idx.msk $0xffff, v0  }
0x145: {  	v0 =	vld.idx.msk [tilespmem:v47+s15+$0x0], $0xffff  }
0x146: {  	v4 =	vld.idx.msk [tilespmem:v48+s16+$0x0], $0xffff;
	_ =	sdelay $0x4  }
0x147: {  	v0 =	vadd.f32 v4, v0;
	_ =	sdelay $0x1  }
0x148: {  	v4 =	vmul.f32 $2.000000030e-01, v0  }
0x149: {  	vm7 =	vge.f32 v0, $0.0e+00  }
0x14a: {  	v0 =	vsel vm7, v0, v4  }
0x14b: {  	v0 =	vmul.f32 $1.442695020e+00, v0;
	_ =	sdelay $0x1  }
0x14c: {  	(erf) = vpow2.f32 v0;
	_ =	sdelay $0x8  }
0x14d: {  	v0 =	vpop (erf)  }
0x14e: {  	[tilespmem:v49+s12+$0x0] =	vst.idx.msk $0xffff, v0  }
0x14f: {  	v0 =	vld.idx.msk [tilespmem:v50+s15+$0x0], $0xffff  }
0x150: {  	v4 =	vld.idx.msk [tilespmem:v51+s16+$0x0], $0xffff;
	_ =	sdelay $0x4  }
0x151: {  	v0 =	vadd.f32 v4, v0;
	_ =	sdelay $0x1  }
0x152: {  	v4 =	vmul.f32 $2.000000030e-01, v0  }
0x153: {  	vm8 =	vge.f32 v0, $0.0e+00  }
0x154: {  	v0 =	vsel vm8, v0, v4  }
0x155: {  	v0 =	vmul.f32 $1.442695020e+00, v0;
	_ =	sdelay $0x1  }
0x156: {  	(erf) = vpow2.f32 v0;
	_ =	sdelay $0x8  }
0x157: {  	v0 =	vpop (erf)  }
0x158: {  	[tilespmem:v52+s12+$0x0] =	vst.idx.msk $0xffff, v0  }
0x159: {  	v0 =	vld.idx.msk [tilespmem:v53+s15+$0x0], $0xffff  }
0x15a: {  	v4 =	vld.idx.msk [tilespmem:v54+s16+$0x0], $0xffff;
	_ =	sdelay $0x4  }
0x15b: {  	v0 =	vadd.f32 v4, v0;
	_ =	sdelay $0x1  }
0x15c: {  	v4 =	vmul.f32 $2.000000030e-01, v0  }
0x15d: {  	vm9 =	vge.f32 v0, $0.0e+00  }
0x15e: {  	v0 =	vsel vm9, v0, v4  }
0x15f: {  	v0 =	vmul.f32 $1.442695020e+00, v0;
	_ =	sdelay $0x1  }
0x160: {  	(erf) = vpow2.f32 v0;
	_ =	sdelay $0x8  }
0x161: {  	v0 =	vpop (erf)  }
0x162: {  	[tilespmem:v55+s12+$0x0] =	vst.idx.msk $0xffff, v0  }
0x163: {  	v0 =	vld.idx.msk [tilespmem:v56+s15+$0x0], $0xffff  }
0x164: {  	v4 =	vld.idx.msk [tilespmem:v57+s16+$0x0], $0xffff;
	_ =	sdelay $0x4  }
0x165: {  	v0 =	vadd.f32 v4, v0;
	_ =	sdelay $0x1  }
0x166: {  	v4 =	vmul.f32 $2.000000030e-01, v0  }
0x167: {  	vm10 =	vge.f32 v0, $0.0e+00  }
0x168: {  	v0 =	vsel vm10, v0, v4  }
0x169: {  	v0 =	vmul.f32 $1.442695020e+00, v0;
	_ =	sdelay $0x1  }
0x16a: {  	(erf) = vpow2.f32 v0;
	_ =	sdelay $0x8  }
0x16b: {  	v0 =	vpop (erf)  }
0x16c: {  	[tilespmem:v58+s12+$0x0] =	vst.idx.msk $0xffff, v0  }
0x16d: {  	v0 =	vld.idx.msk [tilespmem:v59+s15+$0x0], $0xffff  }
0x16e: {  	v4 =	vld.idx.msk [tilespmem:v60+s16+$0x0], $0xffff;
	_ =	sdelay $0x4  }
0x16f: {  	v0 =	vadd.f32 v4, v0;
	_ =	sdelay $0x1  }
0x170: {  	v4 =	vmul.f32 $2.000000030e-01, v0  }
0x171: {  	vm11 =	vge.f32 v0, $0.0e+00  }
0x172: {  	v0 =	vsel vm11, v0, v4  }
0x173: {  	v0 =	vmul.f32 $1.442695020e+00, v0;
	_ =	sdelay $0x1  }
0x174: {  	(erf) = vpow2.f32 v0;
	_ =	sdelay $0x8  }
0x175: {  	v0 =	vpop (erf)  }
0x176: {  	[tilespmem:v61+s12+$0x0] =	vst.idx.msk $0xffff, v0  }
0x177: {  	v0 =	vld.idx.msk [tilespmem:v62+s15+$0x0], $0xffff  }
0x178: {  	v4 =	vld.idx.msk [tilespmem:v63+s16+$0x0], $0xffff;
	_ =	sdelay $0x4  }
0x179: {  	v0 =	vadd.f32 v4, v0;
	_ =	sdelay $0x1  }
0x17a: {  	v4 =	vmul.f32 $2.000000030e-01, v0  }
0x17b: {  	vm12 =	vge.f32 v0, $0.0e+00  }
0x17c: {  	v0 =	vsel vm12, v0, v4  }
0x17d: {  	v0 =	vmul.f32 $1.442695020e+00, v0;
	_ =	sdelay $0x1  }
0x17e: {  	(erf) = vpow2.f32 v0;
	_ =	sdelay $0x4  }
0x17f: {  	v14 =	vor.u32 $0x500, v3  }
0x180: {  	v15 =	vor.u32 $0x281, v1  }
0x181: {  	v16 =	vor.u32 $0x285, v1;
	_ =	sdelay $0x1  }
0x182: {  	v0 =	vpop (erf)  }
0x183: {  	[tilespmem:v14+s12+$0x0] =	vst.idx.msk $0xffff, v0  }
0x184: {  	v0 =	vld.idx.msk [tilespmem:v15+s15+$0x0], $0xffff  }
0x185: {  	v4 =	vld.idx.msk [tilespmem:v16+s16+$0x0], $0xffff;
	_ =	sdelay $0x4  }
0x186: {  	v0 =	vadd.f32 v4, v0;
	_ =	sdelay $0x1  }
0x187: {  	v4 =	vmul.f32 $2.000000030e-01, v0  }
0x188: {  	vm13 =	vge.f32 v0, $0.0e+00  }
0x189: {  	v0 =	vsel vm13, v0, v4  }
0x18a: {  	v0 =	vmul.f32 $1.442695020e+00, v0;
	_ =	sdelay $0x1  }
0x18b: {  	(erf) = vpow2.f32 v0;
	_ =	sdelay $0x4  }
0x18c: {  	v17 =	vor.u32 $0x501, v3  }
0x18d: {  	v18 =	vor.u32 $0x282, v1  }
0x18e: {  	v4 =	vor.u32 $0x286, v1;
	_ =	sdelay $0x1  }
0x18f: {  	v0 =	vpop (erf)  }
0x190: {  	[tilespmem:v17+s12+$0x0] =	vst.idx.msk $0xffff, v0  }
0x191: {  	v0 =	vld.idx.msk [tilespmem:v18+s15+$0x0], $0xffff  }
0x192: {  	v5 =	vld.idx.msk [tilespmem:v4+s16+$0x0], $0xffff;
	_ =	sdelay $0x4  }
0x193: {  	v0 =	vadd.f32 v5, v0;
	_ =	sdelay $0x1  }
0x194: {  	v5 =	vmul.f32 $2.000000030e-01, v0  }
0x195: {  	vm14 =	vge.f32 v0, $0.0e+00  }
0x196: {  	v0 =	vsel vm14, v0, v5  }
0x197: {  	v0 =	vmul.f32 $1.442695020e+00, v0;
	_ =	sdelay $0x1  }
0x198: {  	(erf) = vpow2.f32 v0;
	_ =	sdelay $0x4  }
0x199: {  	v5 =	vor.u32 $0x502, v3  }
0x19a: {  	v6 =	vor.u32 $0x283, v1  }
0x19b: {  	v19 =	vor.u32 $0x287, v1;
	_ =	sdelay $0x1  }
0x19c: {  	v0 =	vpop (erf)  }
0x19d: {  	[tilespmem:v5+s12+$0x0] =	vst.idx.msk $0xffff, v0  }
0x19e: {  	v0 =	vld.idx.msk [tilespmem:v6+s15+$0x0], $0xffff  }
0x19f: {  	v7 =	vld.idx.msk [tilespmem:v19+s16+$0x0], $0xffff;
	_ =	sdelay $0x4  }
0x1a0: {  	v0 =	vadd.f32 v7, v0;
	_ =	sdelay $0x1  }
0x1a1: {  	v7 =	vmul.f32 $2.000000030e-01, v0  }
0x1a2: {  	vm15 =	vge.f32 v0, $0.0e+00  }
0x1a3: {  	v0 =	vsel vm15, v0, v7  }
0x1a4: {  	v0 =	vmul.f32 $1.442695020e+00, v0;
	_ =	sdelay $0x1  }
0x1a5: {  	(erf) = vpow2.f32 v0;
	_ =	sdelay $0x3  }
0x1a6: {  	v0 =	vlaneseq.u32  }
0x1a7: {  	v20 =	vor.u32 $0x503, v3;
	s0 =	simm.s32 $0x0;
	v0 =	vand.u32 $0x3, v0  }
0x1a8: {  	v7 =	vor.u32 s0, v0;
	_ =	sdelay $0x2  }
0x1a9: {  	v8 =	vpop (erf)  }
0x1aa: {  	[tilespmem:v20+s12+$0x0] =	vst.idx.msk $0xffff, v8  }
0x1ab: {  	s10 =	simm.s32 $0x2A0;
	v7 =	vld.idx.msk [tilespmem:v7+s12+$0x0], $0xffff  }
0x1ac: {  	v8 =	vld [tilespmem:s10+$0xFFFFFF00]  }
0x1ad: {  	v9 =	vld [tilespmem:s10+$0xFFFFFF70]  }
0x1ae: {  	v10 =	vld [tilespmem:s10+$0xFFFFFF10]  }
0x1af: {  	v27 =	vmov v21;
	v21 =	vld [tilespmem:s10+$0xFFFFFF30]  }
0x1b0: {  	v13 =	vmov v22;
	v22 =	vld [tilespmem:s10+$0xFFFFFF60]  }
0x1b1: {  	v28 =	vmov v23;
	v23 =	vld [tilespmem:s10+$0xFFFFFF20];
	v8 =	vmul.f32 v8, v7  }
0x1b2: {  	v29 =	vmov v24;
	v24 =	vld [tilespmem:s10+$0xFFFFFF50];
	v9 =	vmul.f32 v9, v7  }
0x1b3: {  	v10 =	vmul.f32 v10, v7;
	[tilespmem:s10+$0xFFFFFF00] =	vst v8;
	v8 =	vld [tilespmem:s10+$0xFFFFFF40]  }
0x1b4: {  	v21 =	vmul.f32 v21, v7;
	[tilespmem:s10+$0xFFFFFF70] =	vst v9  }
0x1b5: {  	s4 =	simm.s32 $0x10;
	v9 =	vmul.f32 v22, v7;
	[tilespmem:s10+$0xFFFFFF10] =	vst v10  }
0x1b6: {  	v10 =	vmul.f32 v23, v7;
	[tilespmem:s10+$0xFFFFFF30] =	vst v21;
	v21 =	vor.u32 s4, v0  }
0x1b7: {  	v22 =	vmul.f32 v24, v7;
	[tilespmem:s10+$0xFFFFFF60] =	vst v9  }
0x1b8: {  	[tilespmem:s10+$0xFFFFFF20] =	vst v10;
	v7 =	vmul.f32 v8, v7  }
0x1b9: {  	[tilespmem:s10+$0xFFFFFF50] =	vst v22  }
0x1ba: {  	[tilespmem:s10+$0xFFFFFF40] =	vst v7;
	v7 =	vld [tilespmem:s10+$0xFFFFFF80]  }
0x1bb: {  	v8 =	vld.idx.msk [tilespmem:v21+s12+$0x0], $0xffff  }
0x1bc: {  	v9 =	vld [tilespmem:s10+$0xFFFFFF90]  }
0x1bd: {  	v10 =	vld [tilespmem:s10+$0xFFFFFFB0]  }
0x1be: {  	v21 =	vld [tilespmem:s10+$0xFFFFFFA0]  }
0x1bf: {  	v22 =	vld [tilespmem:s10+$0xFFFFFFF0]  }
0x1c0: {  	v23 =	vld [tilespmem:s10+$0xFFFFFFD0];
	v7 =	vmul.f32 v7, v8  }
0x1c1: {  	v24 =	vld [tilespmem:s10+$0xFFFFFFE0];
	v9 =	vmul.f32 v9, v8  }
0x1c2: {  	v11 =	vld [tilespmem:s10+$0xFFFFFFC0];
	[tilespmem:s10+$0xFFFFFF80] =	vst v7;
	v7 =	vmul.f32 v10, v8  }
0x1c3: {  	v10 =	vmul.f32 v21, v8;
	[tilespmem:s10+$0xFFFFFF90] =	vst v9  }
0x1c4: {  	s0 =	simm.s32 $0x20;
	v9 =	vmul.f32 v22, v8;
	[tilespmem:s10+$0xFFFFFFB0] =	vst v7  }
0x1c5: {  	v21 =	vld [tilespmem:s10+$0x20];
	v22 =	vmul.f32 v23, v8;
	v23 =	vor.u32 s0, v0;
	[tilespmem:s10+$0xFFFFFFA0] =	vst v10  }
0x1c6: {  	v10 =	vmul.f32 v24, v8;
	[tilespmem:s10+$0xFFFFFFF0] =	vst v9;
	v7 =	vld [tilespmem:s10+$0x30]  }
0x1c7: {  	v8 =	vmul.f32 v11, v8;
	[tilespmem:s10+$0xFFFFFFD0] =	vst v22;
	v22 =	vld [tilespmem:s10+$0x60]  }
0x1c8: {  	v24 =	vld [tilespmem:s10+$0x0];
	[tilespmem:s10+$0xFFFFFFE0] =	vst v10  }
0x1c9: {  	[tilespmem:s10+$0xFFFFFFC0] =	vst v8;
	v10 =	vld [tilespmem:s10+$0x50]  }
0x1ca: {  	s4 =	simm.s32 $0x30;
	v9 =	vld.idx.msk [tilespmem:v23+s12+$0x0], $0xffff  }
0x1cb: {  	v30 =	vmov v25;
	v31 =	vmov v26;
	s30 =	simm.s32 $0x4;
	s31 =	simm.s32 $0x2A0;
	v8 =	vor.u32 s4, v0;
	v23 =	vld [tilespmem:s10+$0x10]  }
.LBB2_5:
0x1cc: {  	p0 =	slt.u32 s30, $0x5C  }
0x1cd: {  	v11 =	vld [tilespmem:s10+$0x70];
	s31 =	sadd.s32 $0x200, s31;
	s28 =	smov.u32 s30;
	s30 =	sadd.s32 $0x4, s30  }
0x1ce: {  	v12 =	vld [tilespmem:s10+$0x40];
	_ =	sdelay $0x1  }
0x1cf: {  	v10 =	vmul.f32 v10, v9;
	v24 =	vmul.f32 v24, v9  }
0x1d0: {  	v22 =	vmul.f32 v22, v9;
	v23 =	vmul.f32 v23, v9  }
0x1d1: {  	v21 =	vmul.f32 v21, v9;
	v7 =	vmul.f32 v7, v9;
	[tilespmem:s10+$0x50] =	vst v10  }
0x1d2: {  	v10 =	vmul.f32 v12, v9;
	[tilespmem:s10+$0x60] =	vst v22;
	v9 =	vmul.f32 v11, v9  }
0x1d3: {  	[tilespmem:s10+$0x20] =	vst v21;
	v11 =	vld [tilespmem:s10+$0xA0]  }
0x1d4: {  	[tilespmem:s10+$0x70] =	vst v9;
	v9 =	vld [tilespmem:s10+$0x80]  }
0x1d5: {  	[tilespmem:s10+$0x40] =	vst v10;
	v10 =	vld [tilespmem:s10+$0xB0]  }
0x1d6: {  	v21 =	vld [tilespmem:s31+$0x20];
	[tilespmem:s10+$0x0] =	vst v24  }
0x1d7: {  	[tilespmem:s10+$0x30] =	vst v7;
	v12 =	vld [tilespmem:s10+$0xF0]  }
0x1d8: {  	v7 =	vld [tilespmem:s31+$0x30];
	[tilespmem:s10+$0x10] =	vst v23  }
0x1d9: {  	v8 =	vld.idx.msk [tilespmem:v8+s12+$0x0], $0xffff  }
0x1da: {  	v22 =	vld [tilespmem:s10+$0x90]  }
0x1db: {  	v23 =	vld [tilespmem:s10+$0xD0]  }
0x1dc: {  	v24 =	vld [tilespmem:s10+$0xC0]  }
0x1dd: {  	v25 =	vld [tilespmem:s10+$0xE0];
	_ =	sdelay $0x1  }
0x1de: {  	v9 =	vmul.f32 v9, v8;
	v22 =	vmul.f32 v22, v8  }
0x1df: {  	v11 =	vmul.f32 v11, v8;
	v10 =	vmul.f32 v10, v8  }
0x1e0: {  	v23 =	vmul.f32 v23, v8;
	[tilespmem:s10+$0x80] =	vst v9;
	v9 =	vmul.f32 v24, v8  }
0x1e1: {  	v12 =	vmul.f32 v12, v8;
	[tilespmem:s10+$0xA0] =	vst v11;
	v11 =	vmul.f32 v25, v8  }
0x1e2: {  	s28 =	sshll.u32 s28, $0x4;
	[tilespmem:s10+$0xB0] =	vst v10  }
0x1e3: {  	s4 =	sadd.s32 $0x30, s28;
	v10 =	vor.u32 s28, v0;
	[tilespmem:s10+$0xD0] =	vst v23  }
0x1e4: {  	v8 =	vor.u32 s4, v0;
	v23 =	vld [tilespmem:s31+$0xFFFFFF60];
	[tilespmem:s10+$0x90] =	vst v22  }
0x1e5: {  	v22 =	vld [tilespmem:s31+$0xFFFFFF30];
	[tilespmem:s10+$0xF0] =	vst v12  }
0x1e6: {  	v12 =	vld [tilespmem:s31+$0xFFFFFF50];
	[tilespmem:s10+$0xC0] =	vst v9  }
0x1e7: {  	v9 =	vld [tilespmem:s31+$0xFFFFFF70];
	[tilespmem:s10+$0xE0] =	vst v11;
	s10 =	smov.u32 s31  }
0x1e8: {  	v10 =	vld.idx.msk [tilespmem:v10+s12+$0x0], $0xffff  }
0x1e9: {  	v11 =	vld [tilespmem:s31+$0xFFFFFF00]  }
0x1ea: {  	v24 =	vld [tilespmem:s31+$0xFFFFFF10]  }
0x1eb: {  	v25 =	vld [tilespmem:s31+$0xFFFFFF20]  }
0x1ec: {  	v26 =	vld [tilespmem:s31+$0xFFFFFF40];
	_ =	sdelay $0x1  }
0x1ed: {  	v9 =	vmul.f32 v9, v10;
	v11 =	vmul.f32 v11, v10  }
0x1ee: {  	v12 =	vmul.f32 v12, v10;
	v24 =	vmul.f32 v24, v10  }
0x1ef: {  	v22 =	vmul.f32 v22, v10;
	[tilespmem:s31+$0xFFFFFF00] =	vst v11;
	v11 =	vmul.f32 v25, v10  }
0x1f0: {  	v25 =	vmul.f32 v26, v10;
	v10 =	vmul.f32 v23, v10;
	[tilespmem:s31+$0xFFFFFF70] =	vst v9  }
0x1f1: {  	s4 =	sadd.s32 $0x10, s28;
	[tilespmem:s31+$0xFFFFFF10] =	vst v24  }
0x1f2: {  	v9 =	vor.u32 s4, v0;
	[tilespmem:s31+$0xFFFFFF30] =	vst v22  }
0x1f3: {  	[tilespmem:s31+$0xFFFFFF60] =	vst v10;
	v10 =	vld [tilespmem:s31+$0xFFFFFFF0]  }
0x1f4: {  	[tilespmem:s31+$0xFFFFFF20] =	vst v11;
	v11 =	vld [tilespmem:s31+$0xFFFFFFE0]  }
0x1f5: {  	[tilespmem:s31+$0xFFFFFF50] =	vst v12;
	v12 =	vld [tilespmem:s31+$0xFFFFFFA0]  }
0x1f6: {  	[tilespmem:s31+$0xFFFFFF40] =	vst v25;
	v22 =	vld [tilespmem:s31+$0xFFFFFFB0]  }
0x1f7: {  	v9 =	vld.idx.msk [tilespmem:v9+s12+$0x0], $0xffff  }
0x1f8: {  	v23 =	vld [tilespmem:s31+$0xFFFFFF80]  }
0x1f9: {  	v24 =	vld [tilespmem:s31+$0xFFFFFF90]  }
0x1fa: {  	v25 =	vld [tilespmem:s31+$0xFFFFFFD0]  }
0x1fb: {  	v26 =	vld [tilespmem:s31+$0xFFFFFFC0];
	_ =	sdelay $0x1  }
0x1fc: {  	v22 =	vmul.f32 v22, v9;
	v23 =	vmul.f32 v23, v9  }
0x1fd: {  	v12 =	vmul.f32 v12, v9;
	v24 =	vmul.f32 v24, v9  }
0x1fe: {  	v11 =	vmul.f32 v11, v9;
	[tilespmem:s31+$0xFFFFFF80] =	vst v23;
	v23 =	vmul.f32 v25, v9  }
0x1ff: {  	[tilespmem:s31+$0xFFFFFF90] =	vst v24;
	v24 =	vmul.f32 v26, v9;
	v9 =	vmul.f32 v10, v9  }
0x200: {  	s4 =	sadd.s32 $0x20, s28;
	[tilespmem:s31+$0xFFFFFFB0] =	vst v22  }
0x201: {  	[tilespmem:s31+$0xFFFFFFA0] =	vst v12;
	v12 =	vor.u32 s4, v0  }
0x202: {  	[tilespmem:s31+$0xFFFFFFF0] =	vst v9  }
0x203: {  	[tilespmem:s31+$0xFFFFFFD0] =	vst v23  }
.Ltmp1:
0x204: {  	[tilespmem:s31+$0xFFFFFFE0] =	vst v11;
	v22 =	vld [tilespmem:s31+$0x60];
	(pc) =	sbr.rel @p0 .LBB2_5-.Ltmp1, $4  }
0x205: {  	[tilespmem:s31+$0xFFFFFFC0] =	vst v24;
	v10 =	vld [tilespmem:s31+$0x50]  }
0x206: {  	v9 =	vld.idx.msk [tilespmem:v12+s12+$0x0], $0xffff  }
0x207: {  	v24 =	vld [tilespmem:s31+$0x0]  }
0x208: {  	v23 =	vld [tilespmem:s31+$0x10]  }
0x209: {  	_ =	sdelay $0x1  }
0x20a: {  	v11 =	vld [tilespmem:s10+$0x70];
	v10 =	vmul.f32 v10, v9  }
0x20b: {  	v12 =	vld [tilespmem:s10+$0x40];
	v22 =	vmul.f32 v22, v9  }
0x20c: {  	v7 =	vmul.f32 v7, v9;
	[tilespmem:s10+$0x50] =	vst v10  }
0x20d: {  	v10 =	vmul.f32 v21, v9;
	[tilespmem:s10+$0x60] =	vst v22  }
0x20e: {  	v21 =	vmul.f32 v24, v9;
	[tilespmem:s10+$0x30] =	vst v7  }
0x20f: {  	v11 =	vmul.f32 v11, v9;
	[tilespmem:s10+$0x20] =	vst v10  }
0x210: {  	v12 =	vmul.f32 v12, v9;
	[tilespmem:s10+$0x0] =	vst v21  }
0x211: {  	v9 =	vmul.f32 v23, v9;
	[tilespmem:s10+$0x70] =	vst v11  }
0x212: {  	[tilespmem:s10+$0x40] =	vst v12  }
0x213: {  	v7 =	vld [tilespmem:s10+$0x80];
	[tilespmem:s10+$0x10] =	vst v9  }
0x214: {  	v8 =	vld.idx.msk [tilespmem:v8+s12+$0x0], $0xffff  }
0x215: {  	v10 =	vld [tilespmem:s10+$0xA0]  }
0x216: {  	v9 =	vld [tilespmem:s10+$0xB0]  }
0x217: {  	v11 =	vld [tilespmem:s10+$0xD0]  }
0x218: {  	v12 =	vld [tilespmem:s10+$0x90]  }
0x219: {  	v21 =	vld [tilespmem:s10+$0xF0];
	v7 =	vmul.f32 v7, v8  }
0x21a: {  	v22 =	vld [tilespmem:s10+$0xC0];
	v10 =	vmul.f32 v10, v8  }
0x21b: {  	v9 =	vmul.f32 v9, v8;
	[tilespmem:s10+$0x80] =	vst v7;
	v7 =	vld [tilespmem:s10+$0xE0]  }
0x21c: {  	[tilespmem:s10+$0xA0] =	vst v10;
	v10 =	vmul.f32 v11, v8  }
0x21d: {  	[tilespmem:s10+$0xB0] =	vst v9;
	v9 =	vmul.f32 v12, v8  }
0x21e: {  	[tilespmem:s10+$0xD0] =	vst v10;
	v10 =	vmul.f32 v21, v8  }
0x21f: {  	[tilespmem:s10+$0x90] =	vst v9;
	v9 =	vmul.f32 v22, v8  }
0x220: {  	[tilespmem:s10+$0xF0] =	vst v10;
	v7 =	vmul.f32 v7, v8  }
0x221: {  	[tilespmem:s10+$0xC0] =	vst v9  }
0x222: {  	s0 =	simm.s32 $0x1A0;
	[tilespmem:s10+$0xE0] =	vst v7  }
0x223: {  	[spmem:s2] =	stream.indirect.scatter.add.f32 [tilespmem:s0], [sflag:$0x3], $0x80, s13, s14, $0xb8;
	[tilespmem:$0x1E1A0] =	vst v63  }
0x224: {  	_ = 	snop  }
0x225: {  	[spmem:s3] =	stream.indirect.scatter.add.f32 [tilespmem:s12], [sflag:$0x3], $0x10, s13, s14, $0xb8;
	[tilespmem:$0x1E1A0] =	vst v63  }
0x226: {  	_ =	swait.ge [sflag:s22], $0x3000  }
0x227: {  	[sflag:s22] =	ssyncset.done $0x0  }
0x228: {  	p0 =	seq.s32 s29, $0x33;
	[sflag:s22] =	ssyncadd.s32 $0xFFFFD000  }
0x229: {  	s4 =	sadd.s32 @!p0 s9, s24;
	_ =	swait.ge [sflag:s22], $0x600  }
0x22a: {  	s4 =	sshrl.u32 @!p0 s4, $0x3;
	[sflag:s22] =	ssyncset.done $0x0  }
0x22b: {  	s9 =	sadd.s32 @!p0 s7, s4;
	s10 =	simm.s32 @!p0 $0x0;
	[sflag:s22] =	ssyncadd.s32 $0xFFFFFA00  }
0x22c: {  	[tilespmem:s10], [sflag:$0x5] =	stream.linear.gather @!p0 [hbm4b:s9+s10], $0x60, $0x38;
	[tilespmem:$0x1E1A0] =	vst v63  }
0x22d: {  	s9 =	simm.s32 @!p0 $0x5  }
0x22e: {  	_ =	swait.ge @!p0 [sflag:s9], $0x60  }
0x22f: {  	[sflag:s9] =	ssyncset.done @!p0 $0x0  }
0x230: {  	s28 =	simm.s32 @!p0 $0xC0;
	s4 =	sadd.s32 @!p0 s8, s4;
	[sflag:s9] =	ssyncadd.s32 @!p0 $0xFFFFFFA0  }
0x231: {  	[tilespmem:s28], [sflag:$0x5] =	stream.linear.gather @!p0 [hbm4b:s4+s10], $0x60, $0x38;
	[tilespmem:$0x1E1A0] =	vst v63  }
0x232: {  	_ =	swait.ge @!p0 [sflag:s9], $0x60  }
0x233: {  	[sflag:s9] =	ssyncset.done @!p0 $0x0  }
0x234: {  	s4 =	simm.s32 @!p0 $0x60;
	[sflag:s9] =	ssyncadd.s32 @!p0 $0xFFFFFFA0;
	s9 =	simm.s32 @!p0 $0x1A0  }
0x235: {  	[tilespmem:s9], [sflag:$0x1] =	stream.indirect.gather @!p0 [hbm4b:s5+s4], $0x80, s10, s4, $0xb8;
	[tilespmem:$0x1E1A0] =	vst v63  }
0x236: {  	s9 =	simm.s32 @!p0 $0x61A0  }
0x237: {  	[tilespmem:s9], [sflag:$0x1] =	stream.indirect.gather @!p0 [hbm4b:s6+s4], $0x8, s10, s4, $0xb8;
	[tilespmem:$0x1E1A0] =	vst v63  }
0x238: {  	s9 =	simm.s32 @!p0 $0x67A0  }
0x239: {  	[tilespmem:s9], [sflag:$0x1] =	stream.indirect.gather @!p0 [hbm4b:s6+s4], $0x8, s28, s4, $0xb8;
	[tilespmem:$0x1E1A0] =	vst v63  }
0x23a: {  	_ =	swait.ge [sflag:s25], $0x3000  }
0x23b: {  	[sflag:s25] =	ssyncset.done $0x0  }
0x23c: {  	[sflag:s25] =	ssyncadd.s32 $0xFFFFD000  }
0x23d: {  	_ =	swait.ge [sflag:s25], $0x300  }
0x23e: {  	[sflag:s25] =	ssyncset.done $0x0  }
0x23f: {  	[sflag:s25] =	ssyncadd.s32 $0xFFFFFD00  }
0x240: {  	_ =	swait.ge [sflag:s25], $0x300  }
0x241: {  	[sflag:s25] =	ssyncset.done $0x0  }
0x242: {  	[sflag:s25] =	ssyncadd.s32 $0xFFFFFD00  }
0x243: {  	v7 =	vld.idx.msk [tilespmem:v1+s19+$0x0], $0xffff  }
0x244: {  	v8 =	vld.idx.msk [tilespmem:v27+s20+$0x0], $0xffff;
	_ =	sdelay $0x4  }
0x245: {  	v7 =	vadd.f32 v8, v7;
	_ =	sdelay $0x1  }
0x246: {  	v8 =	vmul.f32 $2.000000030e-01, v7  }
0x247: {  	vm0 =	vge.f32 v7, $0.0e+00  }
0x248: {  	v7 =	vsel vm0, v7, v8  }
0x249: {  	v7 =	vmul.f32 $1.442695020e+00, v7;
	_ =	sdelay $0x1  }
0x24a: {  	(erf) = vpow2.f32 v7;
	_ =	sdelay $0x8  }
0x24b: {  	v7 =	vpop (erf)  }
0x24c: {  	[tilespmem:v3+s26+$0x0] =	vst.idx.msk $0xffff, v7  }
0x24d: {  	v7 =	vld.idx.msk [tilespmem:v13+s19+$0x0], $0xffff  }
0x24e: {  	v8 =	vld.idx.msk [tilespmem:v28+s20+$0x0], $0xffff;
	_ =	sdelay $0x4  }
0x24f: {  	v7 =	vadd.f32 v8, v7;
	_ =	sdelay $0x1  }
0x250: {  	v8 =	vmul.f32 $2.000000030e-01, v7  }
0x251: {  	vm5 =	vge.f32 v7, $0.0e+00  }
0x252: {  	v7 =	vsel vm5, v7, v8  }
0x253: {  	v7 =	vmul.f32 $1.442695020e+00, v7;
	_ =	sdelay $0x1  }
0x254: {  	(erf) = vpow2.f32 v7;
	_ =	sdelay $0x8  }
0x255: {  	v7 =	vpop (erf)  }
0x256: {  	[tilespmem:v29+s26+$0x0] =	vst.idx.msk $0xffff, v7  }
0x257: {  	v7 =	vld.idx.msk [tilespmem:v30+s19+$0x0], $0xffff  }
0x258: {  	v8 =	vld.idx.msk [tilespmem:v31+s20+$0x0], $0xffff;
	_ =	sdelay $0x4  }
0x259: {  	v7 =	vadd.f32 v8, v7;
	_ =	sdelay $0x1  }
0x25a: {  	v8 =	vmul.f32 $2.000000030e-01, v7  }
0x25b: {  	vm6 =	vge.f32 v7, $0.0e+00  }
0x25c: {  	v7 =	vsel vm6, v7, v8  }
0x25d: {  	v7 =	vmul.f32 $1.442695020e+00, v7;
	_ =	sdelay $0x1  }
0x25e: {  	(erf) = vpow2.f32 v7;
	_ =	sdelay $0x1  }
0x25f: {  	v8 =	vld [tilespmem:$0x1FEA0];
	_ =	sdelay $0x6  }
0x260: {  	v7 =	vpop (erf)  }
0x261: {  	[tilespmem:v8+s26+$0x0] =	vst.idx.msk $0xffff, v7;
	v7 =	vld [tilespmem:$0x1FEB0]  }
0x262: {  	v8 =	vld [tilespmem:$0x1FEC0];
	_ =	sdelay $0x6  }
0x263: {  	v7 =	vld.idx.msk [tilespmem:v7+s19+$0x0], $0xffff  }
0x264: {  	v8 =	vld.idx.msk [tilespmem:v8+s20+$0x0], $0xffff;
	_ =	sdelay $0x4  }
0x265: {  	v7 =	vadd.f32 v8, v7;
	_ =	sdelay $0x1  }
0x266: {  	v8 =	vmul.f32 $2.000000030e-01, v7  }
0x267: {  	vm7 =	vge.f32 v7, $0.0e+00  }
0x268: {  	v7 =	vsel vm7, v7, v8  }
0x269: {  	v7 =	vmul.f32 $1.442695020e+00, v7;
	_ =	sdelay $0x1  }
0x26a: {  	(erf) = vpow2.f32 v7;
	_ =	sdelay $0x1  }
0x26b: {  	v8 =	vld [tilespmem:$0x1FED0];
	_ =	sdelay $0x6  }
0x26c: {  	v7 =	vpop (erf)  }
0x26d: {  	[tilespmem:v8+s26+$0x0] =	vst.idx.msk $0xffff, v7;
	v7 =	vld [tilespmem:$0x1FEE0]  }
0x26e: {  	v8 =	vld [tilespmem:$0x1FEF0];
	_ =	sdelay $0x6  }
0x26f: {  	v7 =	vld.idx.msk [tilespmem:v7+s19+$0x0], $0xffff  }
0x270: {  	v8 =	vld.idx.msk [tilespmem:v8+s20+$0x0], $0xffff;
	_ =	sdelay $0x4  }
0x271: {  	v7 =	vadd.f32 v8, v7;
	_ =	sdelay $0x1  }
0x272: {  	v8 =	vmul.f32 $2.000000030e-01, v7  }
0x273: {  	vm8 =	vge.f32 v7, $0.0e+00  }
0x274: {  	v7 =	vsel vm8, v7, v8  }
0x275: {  	v7 =	vmul.f32 $1.442695020e+00, v7;
	_ =	sdelay $0x1  }
0x276: {  	(erf) = vpow2.f32 v7;
	_ =	sdelay $0x1  }
0x277: {  	v8 =	vld [tilespmem:$0x1FF00];
	_ =	sdelay $0x6  }
0x278: {  	v7 =	vpop (erf)  }
0x279: {  	[tilespmem:v8+s26+$0x0] =	vst.idx.msk $0xffff, v7;
	v7 =	vld [tilespmem:$0x1FF10]  }
0x27a: {  	v8 =	vld [tilespmem:$0x1FF20];
	_ =	sdelay $0x6  }
0x27b: {  	v7 =	vld.idx.msk [tilespmem:v7+s19+$0x0], $0xffff  }
0x27c: {  	v8 =	vld.idx.msk [tilespmem:v8+s20+$0x0], $0xffff;
	_ =	sdelay $0x4  }
0x27d: {  	v7 =	vadd.f32 v8, v7;
	_ =	sdelay $0x1  }
0x27e: {  	v8 =	vmul.f32 $2.000000030e-01, v7  }
0x27f: {  	vm9 =	vge.f32 v7, $0.0e+00  }
0x280: {  	v7 =	vsel vm9, v7, v8  }
0x281: {  	v7 =	vmul.f32 $1.442695020e+00, v7;
	_ =	sdelay $0x1  }
0x282: {  	(erf) = vpow2.f32 v7;
	_ =	sdelay $0x1  }
0x283: {  	v8 =	vld [tilespmem:$0x1FF30];
	_ =	sdelay $0x6  }
0x284: {  	v7 =	vpop (erf)  }
0x285: {  	[tilespmem:v8+s26+$0x0] =	vst.idx.msk $0xffff, v7;
	v7 =	vld [tilespmem:$0x1FF40]  }
0x286: {  	v8 =	vld [tilespmem:$0x1FF50];
	_ =	sdelay $0x6  }
0x287: {  	v7 =	vld.idx.msk [tilespmem:v7+s19+$0x0], $0xffff  }
0x288: {  	v8 =	vld.idx.msk [tilespmem:v8+s20+$0x0], $0xffff;
	_ =	sdelay $0x4  }
0x289: {  	v7 =	vadd.f32 v8, v7;
	_ =	sdelay $0x1  }
0x28a: {  	v8 =	vmul.f32 $2.000000030e-01, v7  }
0x28b: {  	vm10 =	vge.f32 v7, $0.0e+00  }
0x28c: {  	v7 =	vsel vm10, v7, v8  }
0x28d: {  	v7 =	vmul.f32 $1.442695020e+00, v7;
	_ =	sdelay $0x1  }
0x28e: {  	(erf) = vpow2.f32 v7;
	_ =	sdelay $0x1  }
0x28f: {  	v8 =	vld [tilespmem:$0x1FF60];
	_ =	sdelay $0x6  }
0x290: {  	v7 =	vpop (erf)  }
0x291: {  	[tilespmem:v8+s26+$0x0] =	vst.idx.msk $0xffff, v7;
	v7 =	vld [tilespmem:$0x1FF70]  }
0x292: {  	v8 =	vld [tilespmem:$0x1FF80];
	_ =	sdelay $0x6  }
0x293: {  	v7 =	vld.idx.msk [tilespmem:v7+s19+$0x0], $0xffff  }
0x294: {  	v8 =	vld.idx.msk [tilespmem:v8+s20+$0x0], $0xffff;
	_ =	sdelay $0x4  }
0x295: {  	v7 =	vadd.f32 v8, v7;
	_ =	sdelay $0x1  }
0x296: {  	v8 =	vmul.f32 $2.000000030e-01, v7  }
0x297: {  	vm11 =	vge.f32 v7, $0.0e+00  }
0x298: {  	v7 =	vsel vm11, v7, v8  }
0x299: {  	v7 =	vmul.f32 $1.442695020e+00, v7;
	_ =	sdelay $0x1  }
0x29a: {  	(erf) = vpow2.f32 v7;
	_ =	sdelay $0x1  }
0x29b: {  	v8 =	vld [tilespmem:$0x1FF90];
	_ =	sdelay $0x6  }
0x29c: {  	v7 =	vpop (erf)  }
0x29d: {  	[tilespmem:v8+s26+$0x0] =	vst.idx.msk $0xffff, v7;
	v7 =	vld [tilespmem:$0x1FFA0]  }
0x29e: {  	v8 =	vld [tilespmem:$0x1FFB0];
	_ =	sdelay $0x6  }
0x29f: {  	v7 =	vld.idx.msk [tilespmem:v7+s19+$0x0], $0xffff  }
0x2a0: {  	v8 =	vld.idx.msk [tilespmem:v8+s20+$0x0], $0xffff;
	_ =	sdelay $0x4  }
0x2a1: {  	v7 =	vadd.f32 v8, v7;
	_ =	sdelay $0x1  }
0x2a2: {  	v8 =	vmul.f32 $2.000000030e-01, v7  }
0x2a3: {  	vm12 =	vge.f32 v7, $0.0e+00  }
0x2a4: {  	v7 =	vsel vm12, v7, v8  }
0x2a5: {  	v7 =	vmul.f32 $1.442695020e+00, v7;
	_ =	sdelay $0x1  }
0x2a6: {  	(erf) = vpow2.f32 v7;
	_ =	sdelay $0x1  }
0x2a7: {  	v8 =	vld [tilespmem:$0x1FFC0];
	_ =	sdelay $0x6  }
0x2a8: {  	v7 =	vpop (erf)  }
0x2a9: {  	[tilespmem:v8+s26+$0x0] =	vst.idx.msk $0xffff, v7;
	v7 =	vld [tilespmem:$0x1FFD0]  }
0x2aa: {  	v8 =	vld [tilespmem:$0x1FFE0];
	_ =	sdelay $0x6  }
0x2ab: {  	v7 =	vld.idx.msk [tilespmem:v7+s19+$0x0], $0xffff  }
0x2ac: {  	v8 =	vld.idx.msk [tilespmem:v8+s20+$0x0], $0xffff;
	_ =	sdelay $0x4  }
0x2ad: {  	v7 =	vadd.f32 v8, v7;
	_ =	sdelay $0x1  }
0x2ae: {  	v8 =	vmul.f32 $2.000000030e-01, v7  }
0x2af: {  	vm13 =	vge.f32 v7, $0.0e+00  }
0x2b0: {  	v7 =	vsel vm13, v7, v8  }
0x2b1: {  	v7 =	vmul.f32 $1.442695020e+00, v7;
	_ =	sdelay $0x1  }
0x2b2: {  	(erf) = vpow2.f32 v7;
	_ =	sdelay $0x1  }
0x2b3: {  	v8 =	vld [tilespmem:$0x1FFF0];
	_ =	sdelay $0x6  }
0x2b4: {  	v7 =	vpop (erf)  }
0x2b5: {  	[tilespmem:v8+s26+$0x0] =	vst.idx.msk $0xffff, v7  }
0x2b6: {  	v7 =	vld.idx.msk [tilespmem:v32+s19+$0x0], $0xffff  }
0x2b7: {  	v8 =	vld.idx.msk [tilespmem:v33+s20+$0x0], $0xffff;
	_ =	sdelay $0x4  }
0x2b8: {  	v7 =	vadd.f32 v8, v7;
	_ =	sdelay $0x1  }
0x2b9: {  	v8 =	vmul.f32 $2.000000030e-01, v7  }
0x2ba: {  	vm14 =	vge.f32 v7, $0.0e+00  }
0x2bb: {  	v7 =	vsel vm14, v7, v8  }
0x2bc: {  	v7 =	vmul.f32 $1.442695020e+00, v7;
	_ =	sdelay $0x1  }
0x2bd: {  	(erf) = vpow2.f32 v7;
	_ =	sdelay $0x8  }
0x2be: {  	v7 =	vpop (erf)  }
0x2bf: {  	[tilespmem:v34+s26+$0x0] =	vst.idx.msk $0xffff, v7  }
0x2c0: {  	v7 =	vld.idx.msk [tilespmem:v35+s19+$0x0], $0xffff  }
0x2c1: {  	v8 =	vld.idx.msk [tilespmem:v36+s20+$0x0], $0xffff;
	_ =	sdelay $0x4  }
0x2c2: {  	v7 =	vadd.f32 v8, v7;
	_ =	sdelay $0x1  }
0x2c3: {  	v8 =	vmul.f32 $2.000000030e-01, v7  }
0x2c4: {  	vm15 =	vge.f32 v7, $0.0e+00  }
0x2c5: {  	v7 =	vsel vm15, v7, v8  }
0x2c6: {  	v7 =	vmul.f32 $1.442695020e+00, v7;
	_ =	sdelay $0x1  }
0x2c7: {  	(erf) = vpow2.f32 v7;
	_ =	sdelay $0x8  }
0x2c8: {  	v7 =	vpop (erf)  }
0x2c9: {  	[tilespmem:v37+s26+$0x0] =	vst.idx.msk $0xffff, v7  }
0x2ca: {  	v7 =	vld.idx.msk [tilespmem:v38+s19+$0x0], $0xffff  }
0x2cb: {  	v8 =	vld.idx.msk [tilespmem:v39+s20+$0x0], $0xffff;
	_ =	sdelay $0x4  }
0x2cc: {  	v7 =	vadd.f32 v8, v7;
	_ =	sdelay $0x1  }
0x2cd: {  	v8 =	vmul.f32 $2.000000030e-01, v7  }
0x2ce: {  	vm4 =	vge.f32 v7, $0.0e+00  }
0x2cf: {  	v7 =	vsel vm4, v7, v8  }
0x2d0: {  	v7 =	vmul.f32 $1.442695020e+00, v7;
	_ =	sdelay $0x1  }
0x2d1: {  	(erf) = vpow2.f32 v7;
	_ =	sdelay $0x8  }
0x2d2: {  	v7 =	vpop (erf)  }
0x2d3: {  	[tilespmem:v40+s26+$0x0] =	vst.idx.msk $0xffff, v7  }
0x2d4: {  	v7 =	vld.idx.msk [tilespmem:v41+s19+$0x0], $0xffff  }
0x2d5: {  	v8 =	vld.idx.msk [tilespmem:v42+s20+$0x0], $0xffff;
	_ =	sdelay $0x4  }
0x2d6: {  	v7 =	vadd.f32 v8, v7;
	_ =	sdelay $0x1  }
0x2d7: {  	v8 =	vmul.f32 $2.000000030e-01, v7  }
0x2d8: {  	vm5 =	vge.f32 v7, $0.0e+00  }
0x2d9: {  	v7 =	vsel vm5, v7, v8  }
0x2da: {  	v7 =	vmul.f32 $1.442695020e+00, v7;
	_ =	sdelay $0x1  }
0x2db: {  	(erf) = vpow2.f32 v7;
	_ =	sdelay $0x8  }
0x2dc: {  	v7 =	vpop (erf)  }
0x2dd: {  	[tilespmem:v43+s26+$0x0] =	vst.idx.msk $0xffff, v7  }
0x2de: {  	v7 =	vld.idx.msk [tilespmem:v44+s19+$0x0], $0xffff  }
0x2df: {  	v8 =	vld.idx.msk [tilespmem:v45+s20+$0x0], $0xffff;
	_ =	sdelay $0x4  }
0x2e0: {  	v7 =	vadd.f32 v8, v7;
	_ =	sdelay $0x1  }
0x2e1: {  	v8 =	vmul.f32 $2.000000030e-01, v7  }
0x2e2: {  	vm6 =	vge.f32 v7, $0.0e+00  }
0x2e3: {  	v7 =	vsel vm6, v7, v8  }
0x2e4: {  	v7 =	vmul.f32 $1.442695020e+00, v7;
	_ =	sdelay $0x1  }
0x2e5: {  	(erf) = vpow2.f32 v7;
	_ =	sdelay $0x8  }
0x2e6: {  	v7 =	vpop (erf)  }
0x2e7: {  	[tilespmem:v46+s26+$0x0] =	vst.idx.msk $0xffff, v7  }
0x2e8: {  	v7 =	vld.idx.msk [tilespmem:v47+s19+$0x0], $0xffff  }
0x2e9: {  	v8 =	vld.idx.msk [tilespmem:v48+s20+$0x0], $0xffff;
	_ =	sdelay $0x4  }
0x2ea: {  	v7 =	vadd.f32 v8, v7;
	_ =	sdelay $0x1  }
0x2eb: {  	v8 =	vmul.f32 $2.000000030e-01, v7  }
0x2ec: {  	vm7 =	vge.f32 v7, $0.0e+00  }
0x2ed: {  	v7 =	vsel vm7, v7, v8  }
0x2ee: {  	v7 =	vmul.f32 $1.442695020e+00, v7;
	_ =	sdelay $0x1  }
0x2ef: {  	(erf) = vpow2.f32 v7;
	_ =	sdelay $0x8  }
0x2f0: {  	v7 =	vpop (erf)  }
0x2f1: {  	[tilespmem:v49+s26+$0x0] =	vst.idx.msk $0xffff, v7  }
0x2f2: {  	v7 =	vld.idx.msk [tilespmem:v50+s19+$0x0], $0xffff  }
0x2f3: {  	v8 =	vld.idx.msk [tilespmem:v51+s20+$0x0], $0xffff;
	_ =	sdelay $0x4  }
0x2f4: {  	v7 =	vadd.f32 v8, v7;
	_ =	sdelay $0x1  }
0x2f5: {  	v8 =	vmul.f32 $2.000000030e-01, v7  }
0x2f6: {  	vm8 =	vge.f32 v7, $0.0e+00  }
0x2f7: {  	v7 =	vsel vm8, v7, v8  }
0x2f8: {  	v7 =	vmul.f32 $1.442695020e+00, v7;
	_ =	sdelay $0x1  }
0x2f9: {  	(erf) = vpow2.f32 v7;
	_ =	sdelay $0x8  }
0x2fa: {  	v7 =	vpop (erf)  }
0x2fb: {  	[tilespmem:v52+s26+$0x0] =	vst.idx.msk $0xffff, v7  }
0x2fc: {  	v7 =	vld.idx.msk [tilespmem:v53+s19+$0x0], $0xffff  }
0x2fd: {  	v8 =	vld.idx.msk [tilespmem:v54+s20+$0x0], $0xffff;
	_ =	sdelay $0x4  }
0x2fe: {  	v7 =	vadd.f32 v8, v7;
	_ =	sdelay $0x1  }
0x2ff: {  	v8 =	vmul.f32 $2.000000030e-01, v7  }
0x300: {  	vm9 =	vge.f32 v7, $0.0e+00  }
0x301: {  	v7 =	vsel vm9, v7, v8  }
0x302: {  	v7 =	vmul.f32 $1.442695020e+00, v7;
	_ =	sdelay $0x1  }
0x303: {  	(erf) = vpow2.f32 v7;
	_ =	sdelay $0x8  }
0x304: {  	v7 =	vpop (erf)  }
0x305: {  	[tilespmem:v55+s26+$0x0] =	vst.idx.msk $0xffff, v7  }
0x306: {  	v7 =	vld.idx.msk [tilespmem:v56+s19+$0x0], $0xffff  }
0x307: {  	v8 =	vld.idx.msk [tilespmem:v57+s20+$0x0], $0xffff;
	_ =	sdelay $0x4  }
0x308: {  	v7 =	vadd.f32 v8, v7;
	_ =	sdelay $0x1  }
0x309: {  	v8 =	vmul.f32 $2.000000030e-01, v7  }
0x30a: {  	vm10 =	vge.f32 v7, $0.0e+00  }
0x30b: {  	v7 =	vsel vm10, v7, v8  }
0x30c: {  	v7 =	vmul.f32 $1.442695020e+00, v7;
	_ =	sdelay $0x1  }
0x30d: {  	(erf) = vpow2.f32 v7;
	_ =	sdelay $0x8  }
0x30e: {  	v7 =	vpop (erf)  }
0x30f: {  	[tilespmem:v58+s26+$0x0] =	vst.idx.msk $0xffff, v7  }
0x310: {  	v7 =	vld.idx.msk [tilespmem:v59+s19+$0x0], $0xffff  }
0x311: {  	v8 =	vld.idx.msk [tilespmem:v60+s20+$0x0], $0xffff;
	_ =	sdelay $0x4  }
0x312: {  	v7 =	vadd.f32 v8, v7;
	_ =	sdelay $0x1  }
0x313: {  	v8 =	vmul.f32 $2.000000030e-01, v7  }
0x314: {  	vm11 =	vge.f32 v7, $0.0e+00  }
0x315: {  	v7 =	vsel vm11, v7, v8  }
0x316: {  	v7 =	vmul.f32 $1.442695020e+00, v7;
	_ =	sdelay $0x1  }
0x317: {  	(erf) = vpow2.f32 v7;
	_ =	sdelay $0x8  }
0x318: {  	v7 =	vpop (erf)  }
0x319: {  	[tilespmem:v61+s26+$0x0] =	vst.idx.msk $0xffff, v7  }
0x31a: {  	v7 =	vld.idx.msk [tilespmem:v62+s19+$0x0], $0xffff  }
0x31b: {  	v8 =	vld.idx.msk [tilespmem:v63+s20+$0x0], $0xffff;
	_ =	sdelay $0x4  }
0x31c: {  	v7 =	vadd.f32 v8, v7;
	_ =	sdelay $0x1  }
0x31d: {  	v8 =	vmul.f32 $2.000000030e-01, v7  }
0x31e: {  	vm12 =	vge.f32 v7, $0.0e+00  }
0x31f: {  	v7 =	vsel vm12, v7, v8  }
0x320: {  	v7 =	vmul.f32 $1.442695020e+00, v7;
	_ =	sdelay $0x1  }
0x321: {  	(erf) = vpow2.f32 v7;
	_ =	sdelay $0x8  }
0x322: {  	v7 =	vpop (erf)  }
0x323: {  	[tilespmem:v14+s26+$0x0] =	vst.idx.msk $0xffff, v7  }
0x324: {  	v7 =	vld.idx.msk [tilespmem:v15+s19+$0x0], $0xffff  }
0x325: {  	v8 =	vld.idx.msk [tilespmem:v16+s20+$0x0], $0xffff;
	_ =	sdelay $0x4  }
0x326: {  	v7 =	vadd.f32 v8, v7;
	_ =	sdelay $0x1  }
0x327: {  	v8 =	vmul.f32 $2.000000030e-01, v7  }
0x328: {  	vm13 =	vge.f32 v7, $0.0e+00  }
0x329: {  	v7 =	vsel vm13, v7, v8  }
0x32a: {  	v7 =	vmul.f32 $1.442695020e+00, v7;
	_ =	sdelay $0x1  }
0x32b: {  	(erf) = vpow2.f32 v7;
	_ =	sdelay $0x8  }
0x32c: {  	v7 =	vpop (erf)  }
0x32d: {  	[tilespmem:v17+s26+$0x0] =	vst.idx.msk $0xffff, v7  }
0x32e: {  	v7 =	vld.idx.msk [tilespmem:v18+s19+$0x0], $0xffff  }
0x32f: {  	v4 =	vld.idx.msk [tilespmem:v4+s20+$0x0], $0xffff;
	_ =	sdelay $0x4  }
0x330: {  	v4 =	vadd.f32 v4, v7;
	_ =	sdelay $0x1  }
0x331: {  	v7 =	vmul.f32 $2.000000030e-01, v4  }
0x332: {  	vm14 =	vge.f32 v4, $0.0e+00  }
0x333: {  	v4 =	vsel vm14, v4, v7  }
0x334: {  	v4 =	vmul.f32 $1.442695020e+00, v4;
	_ =	sdelay $0x1  }
0x335: {  	(erf) = vpow2.f32 v4;
	_ =	sdelay $0x8  }
0x336: {  	v4 =	vpop (erf)  }
0x337: {  	[tilespmem:v5+s26+$0x0] =	vst.idx.msk $0xffff, v4  }
0x338: {  	v4 =	vld.idx.msk [tilespmem:v6+s19+$0x0], $0xffff  }
0x339: {  	v5 =	vld.idx.msk [tilespmem:v19+s20+$0x0], $0xffff;
	_ =	sdelay $0x4  }
0x33a: {  	v4 =	vadd.f32 v5, v4;
	_ =	sdelay $0x1  }
0x33b: {  	v5 =	vmul.f32 $2.000000030e-01, v4  }
0x33c: {  	vm15 =	vge.f32 v4, $0.0e+00  }
0x33d: {  	v4 =	vsel vm15, v4, v5  }
0x33e: {  	v4 =	vmul.f32 $1.442695020e+00, v4;
	_ =	sdelay $0x1  }
0x33f: {  	(erf) = vpow2.f32 v4;
	_ =	sdelay $0x5  }
0x340: {  	s9 =	simm.s32 $0x0  }
0x341: {  	v4 =	vor.u32 s9, v0;
	_ =	sdelay $0x1  }
0x342: {  	v5 =	vpop (erf)  }
0x343: {  	s9 =	simm.s32 $0x32A0;
	[tilespmem:v20+s26+$0x0] =	vst.idx.msk $0xffff, v5  }
0x344: {  	v6 =	vld [tilespmem:s9+$0xFFFFFF70]  }
0x345: {  	v4 =	vld.idx.msk [tilespmem:v4+s26+$0x0], $0xffff  }
0x346: {  	v7 =	vld [tilespmem:s9+$0xFFFFFF00]  }
0x347: {  	v8 =	vld [tilespmem:s9+$0xFFFFFF20]  }
0x348: {  	v9 =	vld [tilespmem:s9+$0xFFFFFF30]  }
0x349: {  	v5 =	vld [tilespmem:s9+$0xFFFFFF50]  }
0x34a: {  	v11 =	vld [tilespmem:s9+$0xFFFFFF10];
	v6 =	vmul.f32 v6, v4  }
0x34b: {  	v10 =	vld [tilespmem:s9+$0xFFFFFF60];
	v7 =	vmul.f32 v7, v4  }
0x34c: {  	v25 =	vmov v30;
	v30 =	vld [tilespmem:s9+$0xFFFFFF40];
	v8 =	vmul.f32 v8, v4;
	[tilespmem:s9+$0xFFFFFF70] =	vst v6  }
0x34d: {  	v6 =	vmul.f32 v9, v4;
	[tilespmem:s9+$0xFFFFFF00] =	vst v7  }
0x34e: {  	s10 =	simm.s32 $0x10;
	v5 =	vmul.f32 v5, v4;
	[tilespmem:s9+$0xFFFFFF20] =	vst v8  }
0x34f: {  	v7 =	vmul.f32 v11, v4;
	[tilespmem:s9+$0xFFFFFF30] =	vst v6;
	v6 =	vor.u32 s10, v0  }
0x350: {  	v8 =	vmul.f32 v10, v4;
	[tilespmem:s9+$0xFFFFFF50] =	vst v5  }
0x351: {  	v26 =	vmov v31;
	v31 =	vld [tilespmem:s9+$0xFFFFFFE0];
	v4 =	vmul.f32 v30, v4;
	[tilespmem:s9+$0xFFFFFF10] =	vst v7  }
0x352: {  	v5 =	vld [tilespmem:s9+$0xFFFFFFF0];
	[tilespmem:s9+$0xFFFFFF60] =	vst v8  }
0x353: {  	[tilespmem:s9+$0xFFFFFF40] =	vst v4;
	v4 =	vld [tilespmem:s9+$0xFFFFFFC0]  }
0x354: {  	v6 =	vld.idx.msk [tilespmem:v6+s26+$0x0], $0xffff  }
0x355: {  	v7 =	vld [tilespmem:s9+$0xFFFFFF90]  }
0x356: {  	v9 =	vld [tilespmem:s9+$0xFFFFFFD0]  }
0x357: {  	v8 =	vld [tilespmem:s9+$0xFFFFFF80]  }
0x358: {  	v11 =	vld [tilespmem:s9+$0xFFFFFFB0]  }
0x359: {  	v10 =	vld [tilespmem:s9+$0xFFFFFFA0];
	v4 =	vmul.f32 v4, v6  }
0x35a: {  	v7 =	vmul.f32 v7, v6  }
0x35b: {  	v5 =	vmul.f32 v5, v6;
	[tilespmem:s9+$0xFFFFFFC0] =	vst v4  }
0x35c: {  	v4 =	vmul.f32 v8, v6;
	[tilespmem:s9+$0xFFFFFF90] =	vst v7  }
0x35d: {  	s28 =	simm.s32 $0x20;
	v7 =	vmul.f32 v9, v6;
	v8 =	vmul.f32 v11, v6;
	[tilespmem:s9+$0xFFFFFFF0] =	vst v5;
	v5 =	vld [tilespmem:s9+$0x40]  }
0x35e: {  	v11 =	vor.u32 s28, v0;
	v9 =	vmul.f32 v31, v6;
	v6 =	vmul.f32 v10, v6;
	v10 =	vld [tilespmem:s9+$0x20];
	[tilespmem:s9+$0xFFFFFF80] =	vst v4  }
0x35f: {  	[tilespmem:s9+$0xFFFFFFD0] =	vst v7;
	v4 =	vld [tilespmem:s9+$0x50]  }
0x360: {  	[tilespmem:s9+$0xFFFFFFB0] =	vst v8;
	v7 =	vld [tilespmem:s9+$0x30]  }
0x361: {  	[tilespmem:s9+$0xFFFFFFE0] =	vst v9;
	v9 =	vld [tilespmem:s9+$0x0]  }
0x362: {  	[tilespmem:s9+$0xFFFFFFA0] =	vst v6;
	v8 =	vld [tilespmem:s9+$0x10]  }
0x363: {  	s31 =	simm.s32 $0x30;
	s30 =	simm.s32 $0x32A0;
	v24 =	vmovc v29;
	v23 =	vmov v28;
	v21 =	vmov v27;
	v22 =	vmov v13;
	s10 =	simm.s32 $0x4;
	v6 =	vld.idx.msk [tilespmem:v11+s26+$0x0], $0xffff  }
.LBB2_7:
0x364: {  	p0 =	slt.u32 s10, $0x5C  }
0x365: {  	v11 =	vld [tilespmem:s9+$0x60];
	s30 =	sadd.s32 $0x200, s30;
	s28 =	smov.u32 s10;
	s10 =	sadd.s32 $0x4, s10  }
0x366: {  	v12 =	vld [tilespmem:s9+$0x70];
	_ =	sdelay $0x1  }
0x367: {  	v9 =	vmul.f32 v9, v6;
	v8 =	vmul.f32 v8, v6  }
0x368: {  	v7 =	vmul.f32 v7, v6;
	v10 =	vmul.f32 v10, v6  }
0x369: {  	v5 =	vmul.f32 v5, v6;
	v4 =	vmul.f32 v4, v6;
	[tilespmem:s9+$0x0] =	vst v9  }
0x36a: {  	[tilespmem:s9+$0x30] =	vst v7;
	v7 =	vmul.f32 v11, v6;
	v6 =	vmul.f32 v12, v6  }
0x36b: {  	[tilespmem:s9+$0x50] =	vst v4;
	v9 =	vld [tilespmem:s9+$0xA0]  }
0x36c: {  	[tilespmem:s9+$0x60] =	vst v7;
	v7 =	vor.u32 s31, v0;
	v11 =	vld [tilespmem:s9+$0x80]  }
0x36d: {  	[tilespmem:s9+$0x20] =	vst v10;
	v10 =	vld [tilespmem:s9+$0xC0]  }
0x36e: {  	v4 =	vld [tilespmem:s30+$0x50];
	[tilespmem:s9+$0x40] =	vst v5  }
0x36f: {  	v5 =	vld [tilespmem:s30+$0x40];
	[tilespmem:s9+$0x70] =	vst v6  }
0x370: {  	[tilespmem:s9+$0x10] =	vst v8;
	v6 =	vld [tilespmem:s9+$0xB0]  }
0x371: {  	v7 =	vld.idx.msk [tilespmem:v7+s26+$0x0], $0xffff  }
0x372: {  	v8 =	vld [tilespmem:s9+$0x90]  }
0x373: {  	v12 =	vld [tilespmem:s9+$0xD0]  }
0x374: {  	v14 =	vld [tilespmem:s9+$0xE0]  }
0x375: {  	v15 =	vld [tilespmem:s9+$0xF0];
	_ =	sdelay $0x1  }
0x376: {  	v11 =	vmul.f32 v11, v7;
	v8 =	vmul.f32 v8, v7  }
0x377: {  	v9 =	vmul.f32 v9, v7;
	v6 =	vmul.f32 v6, v7  }
0x378: {  	v10 =	vmul.f32 v10, v7;
	[tilespmem:s9+$0x80] =	vst v11;
	v11 =	vmul.f32 v12, v7  }
0x379: {  	[tilespmem:s9+$0xA0] =	vst v9;
	v9 =	vmul.f32 v14, v7;
	v7 =	vmul.f32 v15, v7  }
0x37a: {  	s4 =	sshll.u32 s28, $0x4;
	[tilespmem:s9+$0xB0] =	vst v6  }
0x37b: {  	s0 =	sadd.s32 $0x10, s4;
	s28 =	sadd.s32 $0x20, s4;
	s31 =	sadd.s32 $0x30, s4;
	v6 =	vor.u32 s4, v0;
	[tilespmem:s9+$0xC0] =	vst v10  }
0x37c: {  	v10 =	vld [tilespmem:s30+$0xFFFFFF50];
	[tilespmem:s9+$0xD0] =	vst v11  }
0x37d: {  	v11 =	vld [tilespmem:s30+$0xFFFFFF30];
	[tilespmem:s9+$0x90] =	vst v8  }
0x37e: {  	v8 =	vld [tilespmem:s30+$0xFFFFFF60];
	[tilespmem:s9+$0xE0] =	vst v9  }
0x37f: {  	v9 =	vld [tilespmem:s30+$0xFFFFFF70];
	[tilespmem:s9+$0xF0] =	vst v7;
	s9 =	smov.u32 s30  }
0x380: {  	v6 =	vld.idx.msk [tilespmem:v6+s26+$0x0], $0xffff  }
0x381: {  	v7 =	vld [tilespmem:s30+$0xFFFFFF00]  }
0x382: {  	v12 =	vld [tilespmem:s30+$0xFFFFFF20]  }
0x383: {  	v14 =	vld [tilespmem:s30+$0xFFFFFF10]  }
0x384: {  	v15 =	vld [tilespmem:s30+$0xFFFFFF40];
	_ =	sdelay $0x1  }
0x385: {  	v9 =	vmul.f32 v9, v6;
	v7 =	vmul.f32 v7, v6  }
0x386: {  	v8 =	vmul.f32 v8, v6;
	v12 =	vmul.f32 v12, v6  }
0x387: {  	v11 =	vmul.f32 v11, v6;
	v14 =	vmul.f32 v14, v6;
	[tilespmem:s30+$0xFFFFFF70] =	vst v9  }
0x388: {  	[tilespmem:s30+$0xFFFFFF00] =	vst v7;
	v7 =	vmul.f32 v15, v6;
	v6 =	vmul.f32 v10, v6  }
0x389: {  	[tilespmem:s30+$0xFFFFFF20] =	vst v12  }
0x38a: {  	v9 =	vor.u32 s0, v0;
	[tilespmem:s30+$0xFFFFFF30] =	vst v11  }
0x38b: {  	[tilespmem:s30+$0xFFFFFF50] =	vst v6;
	v6 =	vld [tilespmem:s30+$0xFFFFFFF0]  }
0x38c: {  	[tilespmem:s30+$0xFFFFFF10] =	vst v14;
	v10 =	vld [tilespmem:s30+$0xFFFFFFD0]  }
0x38d: {  	[tilespmem:s30+$0xFFFFFF60] =	vst v8;
	v8 =	vld [tilespmem:s30+$0xFFFFFFA0]  }
0x38e: {  	[tilespmem:s30+$0xFFFFFF40] =	vst v7;
	v7 =	vld [tilespmem:s30+$0xFFFFFFC0]  }
0x38f: {  	v9 =	vld.idx.msk [tilespmem:v9+s26+$0x0], $0xffff  }
0x390: {  	v11 =	vld [tilespmem:s30+$0xFFFFFF80]  }
0x391: {  	v12 =	vld [tilespmem:s30+$0xFFFFFF90]  }
0x392: {  	v14 =	vld [tilespmem:s30+$0xFFFFFFB0]  }
0x393: {  	v15 =	vld [tilespmem:s30+$0xFFFFFFE0];
	_ =	sdelay $0x1  }
0x394: {  	v7 =	vmul.f32 v7, v9;
	v11 =	vmul.f32 v11, v9  }
0x395: {  	v8 =	vmul.f32 v8, v9;
	v12 =	vmul.f32 v12, v9  }
0x396: {  	v14 =	vmul.f32 v14, v9;
	[tilespmem:s30+$0xFFFFFFC0] =	vst v7;
	v7 =	vmul.f32 v10, v9  }
0x397: {  	v6 =	vmul.f32 v6, v9;
	[tilespmem:s30+$0xFFFFFF90] =	vst v12;
	v10 =	vmul.f32 v15, v9  }
0x398: {  	[tilespmem:s30+$0xFFFFFF80] =	vst v11  }
0x399: {  	v11 =	vor.u32 s28, v0;
	[tilespmem:s30+$0xFFFFFFD0] =	vst v7  }
0x39a: {  	[tilespmem:s30+$0xFFFFFFF0] =	vst v6  }
0x39b: {  	[tilespmem:s30+$0xFFFFFFB0] =	vst v14  }
.Ltmp2:
0x39c: {  	[tilespmem:s30+$0xFFFFFFA0] =	vst v8;
	v7 =	vld [tilespmem:s30+$0x30];
	(pc) =	sbr.rel @p0 .LBB2_7-.Ltmp2, $4  }
0x39d: {  	[tilespmem:s30+$0xFFFFFFE0] =	vst v10;
	v9 =	vld [tilespmem:s30+$0x0]  }
0x39e: {  	v6 =	vld.idx.msk [tilespmem:v11+s26+$0x0], $0xffff  }
0x39f: {  	v8 =	vld [tilespmem:s30+$0x10]  }
0x3a0: {  	v10 =	vld [tilespmem:s30+$0x20]  }
0x3a1: {  	_ =	sdelay $0x1  }
0x3a2: {  	v9 =	vmul.f32 v9, v6  }
0x3a3: {  	v11 =	vld [tilespmem:s9+$0x60];
	v7 =	vmul.f32 v7, v6  }
0x3a4: {  	v12 =	vld [tilespmem:s9+$0x70];
	v4 =	vmul.f32 v4, v6;
	[tilespmem:s9+$0x0] =	vst v9  }
0x3a5: {  	v16 =	vmul.f32 v8, v6;
	[tilespmem:s9+$0x30] =	vst v7  }
0x3a6: {  	v13 =	vmul.f32 v10, v6;
	[tilespmem:s9+$0x50] =	vst v4  }
0x3a7: {  	v4 =	vmul.f32 v5, v6;
	v5 =	vor.u32 s31, v0;
	[tilespmem:s9+$0x10] =	vst v16  }
0x3a8: {  	v31 =	vmul.f32 v11, v6;
	[tilespmem:s9+$0x20] =	vst v13  }
0x3a9: {  	v14 =	vmul.f32 v12, v6;
	[tilespmem:s9+$0x40] =	vst v4  }
0x3aa: {  	[tilespmem:s9+$0x60] =	vst v31  }
0x3ab: {  	v17 =	vld [tilespmem:s9+$0x80];
	[tilespmem:s9+$0x70] =	vst v14  }
0x3ac: {  	v4 =	vld.idx.msk [tilespmem:v5+s26+$0x0], $0xffff  }
0x3ad: {  	v15 =	vld [tilespmem:s9+$0xA0]  }
0x3ae: {  	v5 =	vld [tilespmem:s9+$0xB0]  }
0x3af: {  	v18 =	vld [tilespmem:s9+$0xC0]  }
0x3b0: {  	v19 =	vld [tilespmem:s9+$0xD0]  }
0x3b1: {  	v29 =	vld [tilespmem:s9+$0xE0];
	v8 =	vmul.f32 v17, v4  }
0x3b2: {  	v28 =	vld [tilespmem:s9+$0x90];
	v10 =	vmul.f32 v15, v4  }
0x3b3: {  	v30 =	vld [tilespmem:s9+$0xF0];
	v5 =	vmul.f32 v5, v4;
	[tilespmem:s9+$0x80] =	vst v8  }
0x3b4: {  	v6 =	vmul.f32 v18, v4;
	[tilespmem:s9+$0xA0] =	vst v10  }
0x3b5: {  	v7 =	vmul.f32 v19, v4;
	[tilespmem:s9+$0xB0] =	vst v5  }
0x3b6: {  	v31 =	vmul.f32 v29, v4;
	[tilespmem:s9+$0xC0] =	vst v6  }
0x3b7: {  	s29 =	sadd.s32 $0x1, s29;
	v5 =	vmul.f32 v28, v4;
	[tilespmem:s9+$0xD0] =	vst v7  }
0x3b8: {  	p0 =	sne.s32 s29, $0x34;
	v4 =	vmul.f32 v30, v4;
	[tilespmem:s9+$0xE0] =	vst v31  }
.Ltmp3:
0x3b9: {  	[tilespmem:s9+$0x90] =	vst v5;
	(pc) =	sbr.rel @p0 .LBB2_4-.Ltmp3, $4  }
0x3ba: {  	[tilespmem:s9+$0xF0] =	vst v4  }
0x3bb: {  	[spmem:s2] =	stream.indirect.scatter.add.f32 [tilespmem:s18], [sflag:$0x4], $0x80, s17, s14, $0xb8;
	[tilespmem:$0x1E1A0] =	vst v63  }
0x3bc: {  	_ = 	snop  }
0x3bd: {  	[spmem:s3] =	stream.indirect.scatter.add.f32 [tilespmem:s26], [sflag:$0x4], $0x10, s17, s14, $0xb8;
	[tilespmem:$0x1E1A0] =	vst v63  }
0x3be: {  	s0 =	simm.s32 $0x4  }
0x3bf: {  	_ =	swait.ge [sflag:s0], $0x3000  }
0x3c0: {  	[sflag:s0] =	ssyncset.done $0x0  }
0x3c1: {  	[sflag:s0] =	ssyncadd.s32 $0xFFFFD000  }
0x3c2: {  	_ =	swait.ge [sflag:s0], $0x600  }
0x3c3: {  	s10 =	simm.s32 $0x0;
	[sflag:s0] =	ssyncset.done $0x0  }
0x3c4: {  	s4 =	simm.s32 $0x180;
	s1 =	rddreg [dreg:$0x15];
	[sflag:s0] =	ssyncadd.s32 $0xFFFFFA00  }
0x3c5: {  	[tilespmem:s4], [sflag:$0x5] =	stream.linear.gather [hbm4b:s1+s10], $0x10, $0x38;
	[tilespmem:$0x1E1A0] =	vst v63  }
0x3c6: {  	_ =	swait.ge [sflag:s11], $0x10  }
0x3c7: {  	[sflag:s11] =	ssyncset.done $0x0  }
0x3c8: {  	s30 =	simm.s32 $0x190;
	s28 =	rddreg [dreg:$0x16];
	[sflag:s11] =	ssyncadd.s32 $0xFFFFFFF0  }
0x3c9: {  	[tilespmem:s30], [sflag:$0x5] =	stream.linear.gather [hbm4b:s28+s10], $0x10, $0x38;
	[tilespmem:$0x1E1A0] =	vst v63  }
0x3ca: {  	_ =	swait.ge [sflag:s11], $0x10  }
0x3cb: {  	[sflag:s11] =	ssyncset.done $0x0  }
0x3cc: {  	s31 =	simm.s32 $0x10;
	[sflag:s11] =	ssyncadd.s32 $0xFFFFFFF0  }
0x3cd: {  	[tilespmem:s15], [sflag:$0x1] =	stream.indirect.gather [hbm4b:s6+s31], $0x8, s4, s31, $0xb8;
	[tilespmem:$0x1E1A0] =	vst v63  }
0x3ce: {  	_ =	swait.ge [sflag:s21], $0x80  }
0x3cf: {  	[sflag:s21] =	ssyncset.done $0x0  }
0x3d0: {  	[sflag:s21] =	ssyncadd.s32 $0xFFFFFF80  }
0x3d1: {  	[tilespmem:s16], [sflag:$0x1] =	stream.indirect.gather [hbm4b:s6+s31], $0x8, s30, s31, $0xb8;
	[tilespmem:$0x1E1A0] =	vst v63  }
0x3d2: {  	_ =	swait.ge [sflag:s21], $0x80  }
0x3d3: {  	[sflag:s21] =	ssyncset.done $0x0  }
0x3d4: {  	s1 =	simm.s32 $0x1A0;
	[sflag:s21] =	ssyncadd.s32 $0xFFFFFF80  }
0x3d5: {  	[tilespmem:s1], [sflag:$0x1] =	stream.indirect.gather [hbm4b:s5+s31], $0x80, s4, s31, $0xb8;
	[tilespmem:$0x1E1A0] =	vst v63  }
0x3d6: {  	_ =	swait.ge [sflag:s21], $0x800  }
0x3d7: {  	[sflag:s21] =	ssyncset.done $0x0  }
0x3d8: {  	[sflag:s21] =	ssyncadd.s32 $0xFFFFF800  }
0x3d9: {  	v4 =	vld.idx.msk [tilespmem:v1+s15+$0x0], $0xffff  }
0x3da: {  	v5 =	vld.idx.msk [tilespmem:v21+s16+$0x0], $0xffff;
	_ =	sdelay $0x4  }
0x3db: {  	v4 =	vadd.f32 v5, v4;
	_ =	sdelay $0x1  }
0x3dc: {  	v5 =	vmul.f32 $2.000000030e-01, v4  }
0x3dd: {  	vm0 =	vge.f32 v4, $0.0e+00  }
0x3de: {  	v4 =	vsel vm0, v4, v5  }
0x3df: {  	v4 =	vmul.f32 $1.442695020e+00, v4;
	_ =	sdelay $0x1  }
0x3e0: {  	(erf) = vpow2.f32 v4;
	_ =	sdelay $0x8  }
0x3e1: {  	v4 =	vpop (erf)  }
0x3e2: {  	[tilespmem:v3+s12+$0x0] =	vst.idx.msk $0xffff, v4  }
0x3e3: {  	v4 =	vld.idx.msk [tilespmem:v22+s15+$0x0], $0xffff  }
0x3e4: {  	v5 =	vld.idx.msk [tilespmem:v23+s16+$0x0], $0xffff;
	_ =	sdelay $0x4  }
0x3e5: {  	v4 =	vadd.f32 v5, v4;
	_ =	sdelay $0x1  }
0x3e6: {  	v5 =	vmul.f32 $2.000000030e-01, v4  }
0x3e7: {  	vm13 =	vge.f32 v4, $0.0e+00  }
0x3e8: {  	v4 =	vsel vm13, v4, v5  }
0x3e9: {  	v4 =	vmul.f32 $1.442695020e+00, v4;
	_ =	sdelay $0x1  }
0x3ea: {  	(erf) = vpow2.f32 v4;
	_ =	sdelay $0x8  }
0x3eb: {  	v4 =	vpop (erf)  }
0x3ec: {  	[tilespmem:v24+s12+$0x0] =	vst.idx.msk $0xffff, v4  }
0x3ed: {  	v4 =	vld.idx.msk [tilespmem:v25+s15+$0x0], $0xffff  }
0x3ee: {  	v5 =	vld.idx.msk [tilespmem:v26+s16+$0x0], $0xffff;
	_ =	sdelay $0x4  }
0x3ef: {  	v4 =	vadd.f32 v5, v4;
	_ =	sdelay $0x1  }
0x3f0: {  	v5 =	vmul.f32 $2.000000030e-01, v4  }
0x3f1: {  	vm14 =	vge.f32 v4, $0.0e+00  }
0x3f2: {  	v4 =	vsel vm14, v4, v5  }
0x3f3: {  	v4 =	vmul.f32 $1.442695020e+00, v4;
	_ =	sdelay $0x1  }
0x3f4: {  	(erf) = vpow2.f32 v4;
	_ =	sdelay $0x1  }
0x3f5: {  	v5 =	vld [tilespmem:$0x1FEA0];
	_ =	sdelay $0x6  }
0x3f6: {  	v4 =	vpop (erf)  }
0x3f7: {  	[tilespmem:v5+s12+$0x0] =	vst.idx.msk $0xffff, v4;
	v4 =	vld [tilespmem:$0x1FEB0]  }
0x3f8: {  	v5 =	vld [tilespmem:$0x1FEC0];
	_ =	sdelay $0x6  }
0x3f9: {  	v4 =	vld.idx.msk [tilespmem:v4+s15+$0x0], $0xffff  }
0x3fa: {  	v5 =	vld.idx.msk [tilespmem:v5+s16+$0x0], $0xffff;
	_ =	sdelay $0x4  }
0x3fb: {  	v4 =	vadd.f32 v5, v4;
	_ =	sdelay $0x1  }
0x3fc: {  	v5 =	vmul.f32 $2.000000030e-01, v4  }
0x3fd: {  	vm15 =	vge.f32 v4, $0.0e+00  }
0x3fe: {  	v4 =	vsel vm15, v4, v5  }
0x3ff: {  	v4 =	vmul.f32 $1.442695020e+00, v4;
	_ =	sdelay $0x1  }
0x400: {  	(erf) = vpow2.f32 v4;
	_ =	sdelay $0x1  }
0x401: {  	v6 =	vld [tilespmem:$0x1FED0];
	_ =	sdelay $0x3  }
0x402: {  	s9 =	simm.s32 $0x0  }
0x403: {  	v4 =	vor.u32 s9, v0;
	_ =	sdelay $0x1  }
0x404: {  	v5 =	vpop (erf)  }
0x405: {  	s1 =	simm.s32 $0x2A0;
	[tilespmem:v6+s12+$0x0] =	vst.idx.msk $0xffff, v5  }
0x406: {  	v6 =	vld [tilespmem:s1+$0xFFFFFF70]  }
0x407: {  	v4 =	vld.idx.msk [tilespmem:v4+s12+$0x0], $0xffff  }
0x408: {  	v7 =	vld [tilespmem:s1+$0xFFFFFF00]  }
0x409: {  	v8 =	vld [tilespmem:s1+$0xFFFFFF20]  }
0x40a: {  	v9 =	vld [tilespmem:s1+$0xFFFFFF30]  }
0x40b: {  	v5 =	vld [tilespmem:s1+$0xFFFFFF50]  }
0x40c: {  	v11 =	vld [tilespmem:s1+$0xFFFFFF10];
	v6 =	vmul.f32 v6, v4  }
0x40d: {  	v10 =	vld [tilespmem:s1+$0xFFFFFF60];
	v7 =	vmul.f32 v7, v4  }
0x40e: {  	v12 =	vld [tilespmem:s1+$0xFFFFFF40];
	v8 =	vmul.f32 v8, v4;
	[tilespmem:s1+$0xFFFFFF70] =	vst v6  }
0x40f: {  	v6 =	vmul.f32 v9, v4;
	[tilespmem:s1+$0xFFFFFF00] =	vst v7  }
0x410: {  	s10 =	simm.s32 $0x10;
	v5 =	vmul.f32 v5, v4;
	[tilespmem:s1+$0xFFFFFF20] =	vst v8  }
0x411: {  	v7 =	vmul.f32 v11, v4;
	[tilespmem:s1+$0xFFFFFF30] =	vst v6;
	v6 =	vor.u32 s10, v0  }
0x412: {  	v8 =	vmul.f32 v10, v4;
	[tilespmem:s1+$0xFFFFFF50] =	vst v5  }
0x413: {  	v4 =	vmul.f32 v12, v4;
	[tilespmem:s1+$0xFFFFFF10] =	vst v7  }
0x414: {  	v31 =	vld [tilespmem:s1+$0xFFFFFFE0];
	[tilespmem:s1+$0xFFFFFF60] =	vst v8  }
0x415: {  	[tilespmem:s1+$0xFFFFFF40] =	vst v4;
	v4 =	vld [tilespmem:s1+$0xFFFFFFC0]  }
0x416: {  	v6 =	vld.idx.msk [tilespmem:v6+s12+$0x0], $0xffff  }
0x417: {  	v7 =	vld [tilespmem:s1+$0xFFFFFF90]  }
0x418: {  	v8 =	vld [tilespmem:s1+$0xFFFFFF80]  }
0x419: {  	v5 =	vld [tilespmem:s1+$0xFFFFFFF0]  }
0x41a: {  	v9 =	vld [tilespmem:s1+$0xFFFFFFD0]  }
0x41b: {  	v11 =	vld [tilespmem:s1+$0xFFFFFFB0];
	v4 =	vmul.f32 v4, v6  }
0x41c: {  	v10 =	vld [tilespmem:s1+$0xFFFFFFA0];
	v7 =	vmul.f32 v7, v6  }
0x41d: {  	v8 =	vmul.f32 v8, v6;
	[tilespmem:s1+$0xFFFFFFC0] =	vst v4  }
0x41e: {  	v5 =	vmul.f32 v5, v6;
	[tilespmem:s1+$0xFFFFFF90] =	vst v7  }
0x41f: {  	s28 =	simm.s32 $0x20;
	v4 =	vmul.f32 v9, v6;
	[tilespmem:s1+$0xFFFFFF80] =	vst v8  }
0x420: {  	v7 =	vmul.f32 v11, v6;
	v8 =	vor.u32 s28, v0;
	[tilespmem:s1+$0xFFFFFFF0] =	vst v5;
	v5 =	vld [tilespmem:s1+$0x40]  }
0x421: {  	v9 =	vmul.f32 v31, v6;
	v6 =	vmul.f32 v10, v6;
	v10 =	vld [tilespmem:s1+$0x20];
	[tilespmem:s1+$0xFFFFFFD0] =	vst v4  }
0x422: {  	v4 =	vld [tilespmem:s1+$0x50];
	[tilespmem:s1+$0xFFFFFFB0] =	vst v7  }
0x423: {  	v7 =	vld [tilespmem:s1+$0x30];
	[tilespmem:s1+$0xFFFFFFE0] =	vst v9  }
0x424: {  	[tilespmem:s1+$0xFFFFFFA0] =	vst v6;
	v9 =	vld [tilespmem:s1+$0x0]  }
0x425: {  	v6 =	vld.idx.msk [tilespmem:v8+s12+$0x0], $0xffff  }
0x426: {  	s29 =	simm.s32 $0x30;
	s9 =	simm.s32 $0x4;
	s10 =	simm.s32 $0x2A0;
	v8 =	vld [tilespmem:s1+$0x10]  }
.LBB2_10:
0x427: {  	p0 =	slt.u32 s9, $0xC  }
0x428: {  	v11 =	vld [tilespmem:s1+$0x60];
	s10 =	sadd.s32 $0x200, s10;
	s28 =	smov.u32 s9;
	s9 =	sadd.s32 $0x4, s9  }
0x429: {  	v12 =	vld [tilespmem:s1+$0x70];
	_ =	sdelay $0x1  }
0x42a: {  	v9 =	vmul.f32 v9, v6;
	v8 =	vmul.f32 v8, v6  }
0x42b: {  	v7 =	vmul.f32 v7, v6;
	v10 =	vmul.f32 v10, v6  }
0x42c: {  	v5 =	vmul.f32 v5, v6;
	v4 =	vmul.f32 v4, v6;
	[tilespmem:s1+$0x0] =	vst v9  }
0x42d: {  	[tilespmem:s1+$0x30] =	vst v7;
	v7 =	vmul.f32 v11, v6;
	v6 =	vmul.f32 v12, v6  }
0x42e: {  	[tilespmem:s1+$0x50] =	vst v4;
	v9 =	vld [tilespmem:s1+$0xA0]  }
0x42f: {  	[tilespmem:s1+$0x60] =	vst v7;
	v7 =	vor.u32 s29, v0;
	v11 =	vld [tilespmem:s1+$0x80]  }
0x430: {  	[tilespmem:s1+$0x20] =	vst v10;
	v10 =	vld [tilespmem:s1+$0xC0]  }
0x431: {  	v4 =	vld [tilespmem:s10+$0x50];
	[tilespmem:s1+$0x40] =	vst v5  }
0x432: {  	v5 =	vld [tilespmem:s10+$0x40];
	[tilespmem:s1+$0x70] =	vst v6  }
0x433: {  	[tilespmem:s1+$0x10] =	vst v8;
	v6 =	vld [tilespmem:s1+$0xB0]  }
0x434: {  	v7 =	vld.idx.msk [tilespmem:v7+s12+$0x0], $0xffff  }
0x435: {  	v8 =	vld [tilespmem:s1+$0x90]  }
0x436: {  	v12 =	vld [tilespmem:s1+$0xD0]  }
0x437: {  	v14 =	vld [tilespmem:s1+$0xE0]  }
0x438: {  	v15 =	vld [tilespmem:s1+$0xF0];
	_ =	sdelay $0x1  }
0x439: {  	v11 =	vmul.f32 v11, v7;
	v8 =	vmul.f32 v8, v7  }
0x43a: {  	v9 =	vmul.f32 v9, v7;
	v6 =	vmul.f32 v6, v7  }
0x43b: {  	v10 =	vmul.f32 v10, v7;
	[tilespmem:s1+$0x80] =	vst v11;
	v11 =	vmul.f32 v12, v7  }
0x43c: {  	[tilespmem:s1+$0xA0] =	vst v9;
	v9 =	vmul.f32 v14, v7;
	v7 =	vmul.f32 v15, v7  }
0x43d: {  	s0 =	sshll.u32 s28, $0x4;
	[tilespmem:s1+$0xB0] =	vst v6  }
0x43e: {  	s4 =	sadd.s32 $0x10, s0;
	s28 =	sadd.s32 $0x20, s0;
	s29 =	sadd.s32 $0x30, s0;
	v6 =	vor.u32 s0, v0;
	[tilespmem:s1+$0xC0] =	vst v10  }
0x43f: {  	v10 =	vld [tilespmem:s10+$0xFFFFFF50];
	[tilespmem:s1+$0xD0] =	vst v11  }
0x440: {  	v11 =	vld [tilespmem:s10+$0xFFFFFF30];
	[tilespmem:s1+$0x90] =	vst v8  }
0x441: {  	v8 =	vld [tilespmem:s10+$0xFFFFFF60];
	[tilespmem:s1+$0xE0] =	vst v9  }
0x442: {  	v9 =	vld [tilespmem:s10+$0xFFFFFF70];
	[tilespmem:s1+$0xF0] =	vst v7;
	s1 =	smov.u32 s10  }
0x443: {  	v6 =	vld.idx.msk [tilespmem:v6+s12+$0x0], $0xffff  }
0x444: {  	v7 =	vld [tilespmem:s10+$0xFFFFFF00]  }
0x445: {  	v12 =	vld [tilespmem:s10+$0xFFFFFF20]  }
0x446: {  	v14 =	vld [tilespmem:s10+$0xFFFFFF10]  }
0x447: {  	v15 =	vld [tilespmem:s10+$0xFFFFFF40];
	_ =	sdelay $0x1  }
0x448: {  	v9 =	vmul.f32 v9, v6;
	v7 =	vmul.f32 v7, v6  }
0x449: {  	v8 =	vmul.f32 v8, v6;
	v12 =	vmul.f32 v12, v6  }
0x44a: {  	v11 =	vmul.f32 v11, v6;
	v14 =	vmul.f32 v14, v6;
	[tilespmem:s10+$0xFFFFFF70] =	vst v9  }
0x44b: {  	[tilespmem:s10+$0xFFFFFF00] =	vst v7;
	v7 =	vmul.f32 v15, v6;
	v6 =	vmul.f32 v10, v6  }
0x44c: {  	[tilespmem:s10+$0xFFFFFF20] =	vst v12  }
0x44d: {  	v9 =	vor.u32 s4, v0;
	[tilespmem:s10+$0xFFFFFF30] =	vst v11  }
0x44e: {  	[tilespmem:s10+$0xFFFFFF50] =	vst v6;
	v6 =	vld [tilespmem:s10+$0xFFFFFFF0]  }
0x44f: {  	[tilespmem:s10+$0xFFFFFF10] =	vst v14;
	v10 =	vld [tilespmem:s10+$0xFFFFFFD0]  }
0x450: {  	[tilespmem:s10+$0xFFFFFF60] =	vst v8;
	v8 =	vld [tilespmem:s10+$0xFFFFFFA0]  }
0x451: {  	[tilespmem:s10+$0xFFFFFF40] =	vst v7;
	v7 =	vld [tilespmem:s10+$0xFFFFFFC0]  }
0x452: {  	v9 =	vld.idx.msk [tilespmem:v9+s12+$0x0], $0xffff  }
0x453: {  	v11 =	vld [tilespmem:s10+$0xFFFFFF80]  }
0x454: {  	v12 =	vld [tilespmem:s10+$0xFFFFFF90]  }
0x455: {  	v14 =	vld [tilespmem:s10+$0xFFFFFFB0]  }
0x456: {  	v15 =	vld [tilespmem:s10+$0xFFFFFFE0];
	_ =	sdelay $0x1  }
0x457: {  	v7 =	vmul.f32 v7, v9;
	v11 =	vmul.f32 v11, v9  }
0x458: {  	v8 =	vmul.f32 v8, v9;
	v12 =	vmul.f32 v12, v9  }
0x459: {  	v14 =	vmul.f32 v14, v9;
	[tilespmem:s10+$0xFFFFFFC0] =	vst v7;
	v7 =	vmul.f32 v10, v9  }
0x45a: {  	v6 =	vmul.f32 v6, v9;
	[tilespmem:s10+$0xFFFFFF90] =	vst v12;
	v10 =	vmul.f32 v15, v9  }
0x45b: {  	[tilespmem:s10+$0xFFFFFF80] =	vst v11  }
0x45c: {  	v11 =	vor.u32 s28, v0;
	[tilespmem:s10+$0xFFFFFFD0] =	vst v7  }
0x45d: {  	[tilespmem:s10+$0xFFFFFFF0] =	vst v6  }
0x45e: {  	[tilespmem:s10+$0xFFFFFFB0] =	vst v14  }
.Ltmp4:
0x45f: {  	[tilespmem:s10+$0xFFFFFFA0] =	vst v8;
	v7 =	vld [tilespmem:s10+$0x30];
	(pc) =	sbr.rel @p0 .LBB2_10-.Ltmp4, $4  }
0x460: {  	[tilespmem:s10+$0xFFFFFFE0] =	vst v10;
	v9 =	vld [tilespmem:s10+$0x0]  }
0x461: {  	v6 =	vld.idx.msk [tilespmem:v11+s12+$0x0], $0xffff  }
0x462: {  	v8 =	vld [tilespmem:s10+$0x10]  }
0x463: {  	v10 =	vld [tilespmem:s10+$0x20]  }
0x464: {  	_ =	sdelay $0x1  }
0x465: {  	v9 =	vmul.f32 v9, v6  }
0x466: {  	v11 =	vld [tilespmem:s1+$0x60];
	v7 =	vmul.f32 v7, v6  }
0x467: {  	v12 =	vld [tilespmem:s1+$0x70];
	v4 =	vmul.f32 v4, v6;
	[tilespmem:s1+$0x0] =	vst v9  }
0x468: {  	v18 =	vmul.f32 v8, v6;
	[tilespmem:s1+$0x30] =	vst v7  }
0x469: {  	v16 =	vmul.f32 v10, v6;
	[tilespmem:s1+$0x50] =	vst v4  }
0x46a: {  	v0 =	vor.u32 s29, v0;
	v4 =	vmul.f32 v5, v6;
	[tilespmem:s1+$0x10] =	vst v18  }
0x46b: {  	v15 =	vmul.f32 v11, v6;
	[tilespmem:s1+$0x20] =	vst v16  }
0x46c: {  	v5 =	vmul.f32 v12, v6;
	[tilespmem:s1+$0x40] =	vst v4  }
0x46d: {  	[tilespmem:s1+$0x60] =	vst v15  }
0x46e: {  	v19 =	vld [tilespmem:s1+$0x80];
	[tilespmem:s1+$0x70] =	vst v5  }
0x46f: {  	v0 =	vld.idx.msk [tilespmem:v0+s12+$0x0], $0xffff  }
0x470: {  	v17 =	vld [tilespmem:s1+$0xA0]  }
0x471: {  	v4 =	vld [tilespmem:s1+$0xB0]  }
0x472: {  	v5 =	vld [tilespmem:s1+$0xC0]  }
0x473: {  	v28 =	vld [tilespmem:s1+$0xD0]  }
0x474: {  	v29 =	vld [tilespmem:s1+$0x90];
	v8 =	vmul.f32 v19, v0  }
0x475: {  	v30 =	vld [tilespmem:s1+$0xE0];
	v7 =	vmul.f32 v17, v0  }
0x476: {  	v31 =	vld [tilespmem:s1+$0xF0];
	v4 =	vmul.f32 v4, v0;
	[tilespmem:s1+$0x80] =	vst v8  }
0x477: {  	v5 =	vmul.f32 v5, v0;
	[tilespmem:s1+$0xA0] =	vst v7  }
0x478: {  	v6 =	vmul.f32 v28, v0;
	[tilespmem:s1+$0xB0] =	vst v4  }
0x479: {  	v4 =	vmul.f32 v29, v0;
	[tilespmem:s1+$0xC0] =	vst v5  }
0x47a: {  	v5 =	vmul.f32 v30, v0;
	[tilespmem:s1+$0xD0] =	vst v6  }
0x47b: {  	v0 =	vmul.f32 v31, v0;
	[tilespmem:s1+$0x90] =	vst v4  }
0x47c: {  	[tilespmem:s1+$0xE0] =	vst v5  }
0x47d: {  	s0 =	simm.s32 $0x1A0;
	[tilespmem:s1+$0xF0] =	vst v0  }
0x47e: {  	[spmem:s2] =	stream.indirect.scatter.add.f32 [tilespmem:s0], [sflag:$0x5], $0x80, s30, s31, $0xb8;
	[tilespmem:$0x1E1A0] =	vst v63  }
0x47f: {  	_ =	swait.ge [sflag:s11], $0x800  }
0x480: {  	[sflag:s11] =	ssyncset.done $0x0  }
0x481: {  	[sflag:s11] =	ssyncadd.s32 $0xFFFFF800  }
0x482: {  	[spmem:s3] =	stream.indirect.scatter.add.f32 [tilespmem:s12], [sflag:$0x5], $0x10, s30, s31, $0xb8;
	[tilespmem:$0x1E1A0] =	vst v63  }
0x483: {  	_ =	swait.ge [sflag:s11], $0x100  }
0x484: {  	[sflag:s11] =	ssyncset.done $0x0  }
0x485: {  	[sflag:s11] =	ssyncadd.s32 $0xFFFFFF00  }
0x486: {  	s30 =	stileid.u32;
	[bflag:$0x0] =	sbarrier.arrive $0xFFFF  }
0x487: {  	s0 =	sshll.u32 s30, $0x6;
	s4 =	rddreg [dreg:$0x5]  }
0x488: {  	s0 =	sor.u32 $0x1C05, s0;
	s9 =	rddreg [dreg:$0x17];
	s31 =	sshrl.u32 s4, $0x3  }
0x489: {  	[hbm:s9], [sflag:s0] =	dma.local [spmem:s31], $0x2800  }
0x48a: {  	_ =	swait.ge [sflag:s11], $0x2800  }
0x48b: {  	[sflag:s11] =	ssyncset.done $0x0;
	s29 =	rddreg [dreg:$0x6]  }
0x48c: {  	s30 =	rddreg [dreg:$0x18];
	[sflag:s11] =	ssyncadd.s32 $0xFFFFD800;
	s10 =	sshrl.u32 s29, $0x3  }
0x48d: {  	[hbm:s30], [sflag:s0] =	dma.local [spmem:s10], $0x500  }
0x48e: {  	_ =	swait.ge [sflag:s11], $0x500  }
0x48f: {  	s28 =	rddreg [dreg:$0x4]  }
0x490: {  	s31 =	rddreg [dreg:$0x19];
	s28 =	sadd.s32 $0x1, s28  }
0x491: {  	p0 =	sne.s32 s28, s31  }
.Ltmp5:
0x492: {  	_ = 	snop;
	(pc) =	sbr.rel @p0 .LBB2_1-.Ltmp5, $3  }
0x493: {  	_ =	sdelay $0x1  }
0x494: {  	[sflag:s11] =	ssyncset.done $0x0  }
0x495: {  	[sflag:s11] =	ssyncadd.s32 $0xFFFFFB00  }
0x496: {  	_ =	sfence.sel $0x180000  }
0x497: {  	[bflag:$0x0] =	sbarrier.arrive $0xFFFF  }
0x498: {  	_ =	strace $0x90000047  }
0x499: {  	s0 =	stileid.u32;
	[bflag:$0x2] =	sbarrier.arrive $0xFFFF  }
0x49a: {  	p0 =	sne.s32 s0, $0x0;
	s0 =	rddreg [dreg:$0x3]  }
0x49b: {  	s0 =	sadd.s32 @!p0 $0x100000, s0  }
0x49c: {  	[sflag:s0] =	ssyncadd.tile.s32 @!p0 $0x1;
	_ =	shalt  }
.Lfunc_end2:
_tile_overlayer_lowered:
.L_overlay_start_2:
0x49d: {  	(tag) =	ssettag $0x2  }
0x49e: {  	s0 =	rddreg [dreg:$0x0];
	s2 =	stileid.u32  }
0x49f: {  	s1 =	rddreg [dreg:$0x1];
	p0 =	sne.s32 s2, $0x0  }
0x4a0: {  	s3 =	rddreg [dreg:$0x2];
	[bflag:$0x3] =	sbarrier.arrive $0xFFFF;
	s2 =	simm.s32 @!p0 $0x1C05  }
0x4a1: {  	[timem:s3], [sflag:s2] =	dma.local @!p0 [hbm:s0], s1  }
0x4a2: {  	s0 =	simm.s32 @!p0 $0x5  }
0x4a3: {  	_ =	swait.ge @!p0 [sflag:s0], s1  }
0x4a4: {  	s1 =	ssub.s32 @!p0 $0x0, s1;
	[sflag:s0] =	ssyncset.done @!p0 $0x0  }
0x4a5: {  	[sflag:s0] =	ssyncadd.s32 @!p0 s1  }
0x4a6: {  	[bflag:$0x3] =	sbarrier.arrive $0xFFFF  }
0x4a7: {  	_ =	shalt  }

</sc_bundles>
